<compile_context>
chip_gen: v7x
topology: tpu7x:2x2x1
jax: 0.10.2.dev20260603
libtpu: 0.0.44.dev20260713+nightly
codegen_flags: <defaults>
</compile_context>

<pallas_src>
import functools
import jax
import jax.numpy as jnp
from jax import lax
from jax.experimental import pallas as pl
from jax.experimental.pallas import tpu as pltpu
from jax.experimental.pallas import tpu_sc as plsc

_N, _K, _D = 10000, 16, 128
_Q, _NF = 20, 8
_E = _N * _K
_QQ = _Q * _Q
_SCALE = 0.1
_T = 16
_EB = _T * _K
_C0 = 0.5 * _SCALE / (_NF ** 0.5)

_NC, _NS = 2, 16
_NW = _NC * _NS
_CHUNK = 128
_E_PAD = 163840
_E_W = _E_PAD // _NW
_NCHUNK = _E_W // _CHUNK


def _sc_body(idx_flat, idx_packed, eh, ehrev_out, has_out,
             jv, gv, nbrs, rv, hv, rows,
             semn0, semn1, seme0, seme1):
    wid = lax.axis_index("s") * _NC + lax.axis_index("c")
    base = wid * _E_W
    iota16 = lax.iota(jnp.int32, 16)
    semn = (semn0, semn1)
    seme = (seme0, seme1)

    def chunk_pair(cc, _):
        cb = (base + cc * 2 * _CHUNK, base + (cc * 2 + 1) * _CHUNK)

        hn = []
        for b in range(2):
            pltpu.sync_copy(idx_flat.at[pl.ds(cb[b], _CHUNK)], jv.at[b])

            def rowid_body(g, _, b=b):
                e_loc = g * 16 + iota16
                j16 = plsc.load_gather(jv.at[b], [e_loc])
                plsc.store_scatter(gv.at[b], [e_loc],
                                   lax.shift_right_logical(j16, 3))
                return 0

            lax.fori_loop(0, _CHUNK // 16, rowid_body, 0)
            hn.append(pltpu.async_copy(idx_packed.at[gv.at[b]],
                                       nbrs.at[b], semn[b]))

        nmatch = []
        for b in range(2):
            hn[b].wait()

            def group_body(g, cnt, b=b):
                e_loc = g * 16 + iota16
                j16 = plsc.load_gather(jv.at[b], [e_loc])
                off = (j16 & 7) * _K
                i16 = lax.shift_right_logical(cb[b] + e_loc, 4)
                kmin = jnp.full((16,), 16, jnp.int32)
                for s in range(_K):
                    col = plsc.load_gather(nbrs.at[b], [e_loc, off + s])
                    kmin = jnp.minimum(kmin, jnp.where(col == i16, s, 16))
                hasv = kmin < 16
                plsc.store_scatter(rv.at[b], [e_loc],
                                   j16 * _K + jnp.where(hasv, kmin, 0))
                plsc.store_scatter(hv.at[b], [e_loc],
                                   jnp.where(hasv, 1.0, 0.0).astype(jnp.float32))
                return cnt + jnp.sum(jnp.where(hasv, 1, 0))

            nmatch.append(lax.fori_loop(0, _CHUNK // 16, group_body, 0))

        for b in range(2):
            @pl.when(nmatch[b] > 0)
            def _(b=b):
                pltpu.async_copy(eh.at[rv.at[b]], rows.at[b], seme[b]).wait()
                pltpu.sync_copy(rows.at[b], ehrev_out.at[pl.ds(cb[b], _CHUNK)])

            pltpu.sync_copy(hv.at[b], has_out.at[pl.ds(cb[b], _CHUNK)])
        return 0

    lax.fori_loop(0, _NCHUNK // 2, chunk_pair, 0)


def _sc_rev_gather(idx_flat, idx_packed, eh):
    mesh = plsc.VectorSubcoreMesh(core_axis_name="c", subcore_axis_name="s")
    fn = functools.partial(
        pl.kernel, mesh=mesh,
        compiler_params=pltpu.CompilerParams(needs_layout_passes=False),
        out_type=[
            jax.ShapeDtypeStruct((_E_PAD, _D), jnp.float32),
            jax.ShapeDtypeStruct((_E_PAD,), jnp.float32),
        ],
        scratch_types=[
            pltpu.VMEM((2, _CHUNK), jnp.int32),
            pltpu.VMEM((2, _CHUNK), jnp.int32),
            pltpu.VMEM((2, _CHUNK, 128), jnp.int32),
            pltpu.VMEM((2, _CHUNK), jnp.int32),
            pltpu.VMEM((2, _CHUNK), jnp.float32),
            pltpu.VMEM((2, _CHUNK, _D), jnp.float32),
            pltpu.SemaphoreType.DMA,
            pltpu.SemaphoreType.DMA,
            pltpu.SemaphoreType.DMA,
            pltpu.SemaphoreType.DMA,
        ],
    )(_sc_body)
    return fn(idx_flat, idx_packed, eh)


def _expand_q(x):
    idx = jnp.broadcast_to(
        (jax.lax.iota(jnp.int32, _QQ) // _Q)[None, :], (x.shape[0], _QQ))
    return jnp.take_along_axis(x, idx, axis=1)


def _tile_q(x):
    return jnp.concatenate([x] * _Q, axis=1)


def _tc_body(nh, eh, ehr, has, mi, mij, wh, bh, wl, bl, wr, br, h_out, j_out):
    h = _SCALE * (jnp.dot(nh[...], wh[...], preferred_element_type=jnp.float32)
                  + bh[...])
    h_out[...] = h * mi[...]

    ehv = eh[...]
    ehrv = ehr[...]
    Lp = jnp.dot(ehv, wl[...], preferred_element_type=jnp.float32) + bl[...]
    Rp = jnp.dot(ehv, wr[...], preferred_element_type=jnp.float32) + br[...]
    Lpr = jnp.dot(ehrv, wl[...], preferred_element_type=jnp.float32) + bl[...]
    Rpr = jnp.dot(ehrv, wr[...], preferred_element_type=jnp.float32) + br[...]
    hasb = has[...]
    acc = jnp.zeros((_EB, _QQ), jnp.float32)
    for f in range(_NF):
        sl = slice(f * _Q, (f + 1) * _Q)
        acc += _expand_q(Lp[:, sl]) * _tile_q(Rp[:, sl])
        acc += jnp.where(hasb > 0.0,
                         _expand_q(Rpr[:, sl]) * _tile_q(Lpr[:, sl]), 0.0)
    j_out[...] = (_C0 * mij[...]) * acc


def _tc_call(nh, ehf, ehr, has, mi, mij, wh, bh, wl, bl, wr, br):
    grid = (_N // _T,)
    return pl.pallas_call(
        _tc_body,
        grid=grid,
        in_specs=[
            pl.BlockSpec((_T, _D), lambda i: (i, 0)),
            pl.BlockSpec((_EB, _D), lambda i: (i, 0)),
            pl.BlockSpec((_EB, _D), lambda i: (i, 0)),
            pl.BlockSpec((_EB, 1), lambda i: (i, 0)),
            pl.BlockSpec((_T, 1), lambda i: (i, 0)),
            pl.BlockSpec((_EB, 1), lambda i: (i, 0)),
            pl.BlockSpec((_D, _Q), lambda i: (0, 0)),
            pl.BlockSpec((1, _Q), lambda i: (0, 0)),
            pl.BlockSpec((_D, _NF * _Q), lambda i: (0, 0)),
            pl.BlockSpec((1, _NF * _Q), lambda i: (0, 0)),
            pl.BlockSpec((_D, _NF * _Q), lambda i: (0, 0)),
            pl.BlockSpec((1, _NF * _Q), lambda i: (0, 0)),
        ],
        out_specs=[
            pl.BlockSpec((_T, _Q), lambda i: (i, 0)),
            pl.BlockSpec((_EB, _QQ), lambda i: (i, 0)),
        ],
        out_shape=[
            jax.ShapeDtypeStruct((_N, _Q), jnp.float32),
            jax.ShapeDtypeStruct((_E, _QQ), jnp.float32),
        ],
    )(nh, ehf, ehr, has, mi, mij, wh, bh, wl, bl, wr, br)


def kernel(node_h, edge_h, edge_idx, mask_i, mask_ij, W_h_w, W_h_b, W_J_w, W_J_b):
    B = node_h.shape[0]
    nh = node_h.reshape(_N, _D)
    ehf = edge_h.reshape(_E, _D)
    ei = edge_idx.reshape(_N, _K)

    q_ids = jnp.arange(_Q)[None, :]
    f_ids = jnp.arange(_NF)[:, None]
    perm_l = (q_ids * 2 * _NF + f_ids).reshape(-1)
    perm_r = (q_ids * 2 * _NF + _NF + f_ids).reshape(-1)
    wl = W_J_w[:, perm_l]
    bl = W_J_b[perm_l].reshape(1, _NF * _Q)
    wr = W_J_w[:, perm_r]
    br = W_J_b[perm_r].reshape(1, _NF * _Q)

    idx_flat = jnp.concatenate(
        [ei.reshape(-1), jnp.zeros((_E_PAD - _E,), jnp.int32)])
    ehr, hasp = _sc_rev_gather(idx_flat, ei.reshape(_E // 128, 128), ehf)
    hasf = hasp.reshape(_E_PAD, 1)

    h, J = _tc_call(
        nh, ehf, ehr, hasf,
        mask_i.reshape(_N, 1), mask_ij.reshape(_E, 1),
        W_h_w, W_h_b.reshape(1, _Q), wl, bl, wr, br,
    )
    return h.reshape(B, _N, _Q), J.reshape(B, _N, _K, _Q, _Q)

# --- scband reference (transcript-rebuilt; emitter-appended) ---
"""Pipeline reference for scband-graph-potts-40819369181402 (READ-ONLY COPY).

The authoritative reference and input builder live on the scoring server;
editing this copy changes nothing except your own understanding.
"""

import jax, jax.numpy as jnp
import numpy as np

B, N, K = 1, 10000, 16
DIM_NODES, DIM_EDGES = 128, 128
Q, NF = 20, 8
INIT_SCALE = 0.1


def setup_inputs(seed: int = 0) -> dict:
    key = jax.random.key(seed)
    ks = jax.random.split(key, 6)
    node_h = jax.random.normal(ks[0], (B, N, DIM_NODES), dtype=jnp.float32)
    edge_h = jax.random.normal(ks[1], (B, N, K, DIM_EDGES), dtype=jnp.float32)
    edge_idx = jax.random.randint(ks[2], (B, N, K), 0, N, dtype=jnp.int32)
    mask_i = jnp.ones((B, N), dtype=jnp.float32)
    mask_ij = jnp.ones((B, N, K), dtype=jnp.float32)
    W_h_w = 0.05 * jax.random.normal(ks[3], (DIM_NODES, Q), dtype=jnp.float32)
    W_h_b = jnp.zeros((Q,), dtype=jnp.float32)
    W_J_w = 0.05 * jax.random.normal(ks[4], (DIM_EDGES, 2 * NF * Q), dtype=jnp.float32)
    W_J_b = jnp.zeros((2 * NF * Q,), dtype=jnp.float32)
    return {"node_h": node_h, "edge_h": edge_h, "edge_idx": edge_idx,
            "mask_i": mask_i, "mask_ij": mask_ij,
            "W_h_w": W_h_w, "W_h_b": W_h_b, "W_J_w": W_J_w, "W_J_b": W_J_b}


def _potts_forward(node_h, edge_h, edge_idx, mask_i, mask_ij, W_h_w, W_h_b, W_J_w, W_J_b):
    # Fields h_i(s): linear head on node embeddings, masked and scaled.
    h = INIT_SCALE * (jnp.einsum("bnd,dq->bnq", node_h, W_h_w) + W_h_b)
    h = mask_i[..., None] * h
    # Couplings J_ij(s_i, s_j): low-rank 'factor' parameterization from edge embeddings.
    Jf = jnp.einsum("bnkd,df->bnkf", edge_h, W_J_w) + W_J_b
    Jf = Jf.reshape(B, N, K, Q, 2 * NF)
    J_left = Jf[..., :NF]
    J_right = Jf[..., NF:]
    J = jnp.einsum("bnkqf,bnkpf->bnkqp", J_left, J_right) / jnp.sqrt(float(NF))
    J = INIT_SCALE * J
    # Symmetrize: J_ij(a,b) <- 0.5 * (J_ij(a,b) + J_ji(b,a)) via reverse-edge gather.
    b_idx = jnp.arange(B)[:, None, None]
    nbrs_of_j = edge_idx[b_idx, edge_idx]                      # (B,N,K,K): neighbors of each neighbor j
    i_ids = jnp.arange(N)[None, :, None, None]
    match = (nbrs_of_j == i_ids)                               # reverse edge (j -> i) present in slot k'
    has_rev = jnp.any(match, axis=-1).astype(jnp.float32)      # (B,N,K)
    k_rev = jnp.argmax(match.astype(jnp.int32), axis=-1)       # (B,N,K)
    J_rev = J[b_idx, edge_idx, k_rev]                          # (B,N,K,Q,Q) gather of J_ji
    J_rev = jnp.swapaxes(J_rev, -1, -2)
    J = 0.5 * (J + has_rev[..., None, None] * J_rev)
    # Mask edges.
    J = mask_ij[..., None, None] * J
    return h, J


def reference(node_h, edge_h, edge_idx, mask_i, mask_ij, W_h_w, W_h_b, W_J_w, W_J_b):
    return _potts_forward(node_h, edge_h, edge_idx, mask_i, mask_ij, W_h_w, W_h_b, W_J_w, W_J_b)

if __name__ == "__main__":
    import jax
    _d = setup_inputs()
    print(jax.jit(kernel)(*tuple(_d.values())))

</pallas_src>

<mosaic_0001>
#map = affine_map<(d0, d1) -> (0)>
#map1 = affine_map<(d0, d1) -> (0, 0)>
module attributes {stable_mosaic.version = 14 : i64} {
  func.func @_sc_body(%arg0: i32, %arg1: i32, %arg2: memref<163840xi32, #tpu.memory_space<hbm>>, %arg3: memref<1250x128xi32, #tpu.memory_space<hbm>>, %arg4: memref<160000x128xf32, #tpu.memory_space<hbm>>, %arg5: memref<163840x128xf32, #tpu.memory_space<hbm>>, %arg6: memref<163840xf32, #tpu.memory_space<hbm>>, %arg7: memref<2x128xi32, #tpu.memory_space<vmem>>, %arg8: memref<2x128xi32, #tpu.memory_space<vmem>>, %arg9: memref<2x128x128xi32, #tpu.memory_space<vmem>>, %arg10: memref<2x128xi32, #tpu.memory_space<vmem>>, %arg11: memref<2x128xf32, #tpu.memory_space<vmem>>, %arg12: memref<2x128x128xf32, #tpu.memory_space<vmem>>, %arg13: memref<!tpu.dma_semaphore, #tpu.memory_space<semaphore_mem>>, %arg14: memref<!tpu.dma_semaphore, #tpu.memory_space<semaphore_mem>>, %arg15: memref<!tpu.dma_semaphore, #tpu.memory_space<semaphore_mem>>, %arg16: memref<!tpu.dma_semaphore, #tpu.memory_space<semaphore_mem>>) attributes {dimension_semantics = [#tpu.dimension_semantics<core_parallel>, #tpu.dimension_semantics<subcore_parallel>], iteration_bounds = array<i64: 2, 16>, scalar_prefetch = 0 : i64, scratch_operands = 10 : i64, tpu.core_type = #tpu.core_type<sc_vector_subcore>, window_params = [{transform_indices = #map}, {transform_indices = #map1}, {transform_indices = #map1}, {transform_indices = #map1}, {transform_indices = #map}]} {
    %mul3A = arith.constant 2 : i32
    %mul3A_0 = arith.muli %arg1, %mul3A : i32
    %add3A = arith.addi %mul3A_0, %arg0 : i32
    %mul3A_1 = arith.constant 5120 : i32
    %mul3A_2 = arith.muli %add3A, %mul3A_1 : i32
    %iota3A = tpu.iota {dimensions = array<i32: 0>} : vector<16xi32>
    %scan3A = arith.constant 0 : i32
    %scan3A_3 = arith.constant 0 : i32
    %scan3A_4 = arith.constant 20 : i32
    %scan3A_5 = arith.addi %scan3A_3, %scan3A_4 : i32
    %scan3A_6 = arith.constant 1 : i32
    %scan3A_7 = scf.for %scan3A_9 = %scan3A_3 to %scan3A_5 step %scan3A_6 iter_args(%scan3A_10 = %scan3A) -> (i32)  : i32 {
      %mul3A_11 = arith.constant 2 : i32
      %mul3A_12 = arith.muli %scan3A_9, %mul3A_11 : i32
      %mul3A_13 = arith.constant 128 : i32
      %mul3A_14 = arith.muli %mul3A_12, %mul3A_13 : i32
      %add3A_15 = arith.addi %mul3A_2, %mul3A_14 : i32
      %mul3A_16 = arith.constant 2 : i32
      %mul3A_17 = arith.muli %scan3A_9, %mul3A_16 : i32
      %add3A_18 = arith.constant 1 : i32
      %add3A_19 = arith.addi %mul3A_17, %add3A_18 : i32
      %mul3A_20 = arith.constant 128 : i32
      %mul3A_21 = arith.muli %add3A_19, %mul3A_20 : i32
      %add3A_22 = arith.addi %mul3A_2, %mul3A_21 : i32
      %run_scoped3A = arith.constant 0 : i32
      "tpu.region"() ({
        %run_scoped3A_108 = tpu.sem_alloc : memref<!tpu.dma_semaphore, #tpu.memory_space<semaphore_mem>>
        %dma_start3A_109 = arith.constant 0 : i32
        %dma_start3A_110 = tpu.memref_slice %arg7[%run_scoped3A, %dma_start3A_109] : memref<2x128xi32, #tpu.memory_space<vmem>> -> memref<1x128xi32, #tpu.memory_space<vmem>>
        %dma_start3A_111 = tpu.memref_squeeze %dma_start3A_110 : memref<1x128xi32, #tpu.memory_space<vmem>> -> memref<128xi32, #tpu.memory_space<vmem>>
        %dma_start3A_112 = tpu.memref_slice %arg2[%add3A_15] : memref<163840xi32, #tpu.memory_space<hbm>> -> memref<128xi32, #tpu.memory_space<hbm>>
        %dma_start3A_113 = arith.constant 0 : i32
        %dma_start3A_114 = tpu.memref_slice %arg7[%run_scoped3A, %dma_start3A_113] : memref<2x128xi32, #tpu.memory_space<vmem>> -> memref<1x128xi32, #tpu.memory_space<vmem>>
        %dma_start3A_115 = tpu.memref_squeeze %dma_start3A_114 : memref<1x128xi32, #tpu.memory_space<vmem>> -> memref<128xi32, #tpu.memory_space<vmem>>
        %dma_start3A_116 = tpu.memref_slice %arg2[%add3A_15] : memref<163840xi32, #tpu.memory_space<hbm>> -> memref<128xi32, #tpu.memory_space<hbm>>
        tpu.enqueue_dma source(%dma_start3A_116 : memref<128xi32, #tpu.memory_space<hbm>>) target(%dma_start3A_115 : memref<128xi32, #tpu.memory_space<vmem>>) target_semaphore(%run_scoped3A_108 : memref<!tpu.dma_semaphore, #tpu.memory_space<semaphore_mem>>)
        %dma_wait3A_117 = arith.constant 0 : i32
        %dma_wait3A_118 = tpu.memref_slice %arg7[%run_scoped3A, %dma_wait3A_117] : memref<2x128xi32, #tpu.memory_space<vmem>> -> memref<1x128xi32, #tpu.memory_space<vmem>>
        %dma_wait3A_119 = tpu.memref_squeeze %dma_wait3A_118 : memref<1x128xi32, #tpu.memory_space<vmem>> -> memref<128xi32, #tpu.memory_space<vmem>>
        %dma_wait3A_120 = tpu.memref_slice %arg2[%add3A_15] : memref<163840xi32, #tpu.memory_space<hbm>> -> memref<128xi32, #tpu.memory_space<hbm>>
        %dma_wait3A_121 = arith.constant 0 : i32
        %dma_wait3A_122 = tpu.memref_slice %arg7[%run_scoped3A, %dma_wait3A_121] : memref<2x128xi32, #tpu.memory_space<vmem>> -> memref<1x128xi32, #tpu.memory_space<vmem>>
        %dma_wait3A_123 = tpu.memref_squeeze %dma_wait3A_122 : memref<1x128xi32, #tpu.memory_space<vmem>> -> memref<128xi32, #tpu.memory_space<vmem>>
        %dma_wait3A_124 = tpu.memref_slice %arg2[%add3A_15] : memref<163840xi32, #tpu.memory_space<hbm>> -> memref<128xi32, #tpu.memory_space<hbm>>
        tpu.wait_dma2 semaphore(%run_scoped3A_108 : memref<!tpu.dma_semaphore, #tpu.memory_space<semaphore_mem>>) src(%dma_wait3A_124 : memref<128xi32, #tpu.memory_space<hbm>>) dst(%dma_wait3A_123 : memref<128xi32, #tpu.memory_space<vmem>>)
        tpu.yield
      }) : () -> ()
      %scan3A_23 = arith.constant 0 : i32
      %scan3A_24 = arith.constant 0 : i32
      %scan3A_25 = arith.constant 8 : i32
      %scan3A_26 = arith.addi %scan3A_24, %scan3A_25 : i32
      %scan3A_27 = arith.constant 1 : i32
      %scan3A_28 = scf.for %scan3A_108 = %scan3A_24 to %scan3A_26 step %scan3A_27 iter_args(%scan3A_109 = %scan3A_23) -> (i32)  : i32 {
        %mul3A_110 = arith.constant 16 : i32
        %mul3A_111 = arith.muli %scan3A_108, %mul3A_110 : i32
        %add3A_112 = vector.broadcast %mul3A_111 : i32 to vector<16xi32>
        %add3A_113 = arith.addi %add3A_112, %iota3A : vector<16xi32>
        %gather3A = arith.constant 0 : i32
        %gather3A_114 = arith.constant 0 : i32
        %gather3A_115 = tpu.memref_slice %arg7[%gather3A, %gather3A_114] : memref<2x128xi32, #tpu.memory_space<vmem>> -> memref<1x128xi32, #tpu.memory_space<vmem>>
        %gather3A_116 = tpu.memref_squeeze %gather3A_115 : memref<1x128xi32, #tpu.memory_space<vmem>> -> memref<128xi32, #tpu.memory_space<vmem>>
        %gather3A_117 = tpu.vector_load_idx %gather3A_116[%add3A_113] : memref<128xi32, #tpu.memory_space<vmem>>[vector<16xi32>], vector<16xi32>,
        %shift_right_logical3A = arith.constant 3 : i32
        %shift_right_logical3A_118 = vector.broadcast %shift_right_logical3A : i32 to vector<16xi32>
        %shift_right_logical3A_119 = arith.shrui %gather3A_117, %shift_right_logical3A_118 : vector<16xi32>
        %scatter3A = arith.constant 0 : i32
        %scatter3A_120 = arith.constant 0 : i32
        %scatter3A_121 = tpu.memref_slice %arg8[%scatter3A, %scatter3A_120] : memref<2x128xi32, #tpu.memory_space<vmem>> -> memref<1x128xi32, #tpu.memory_space<vmem>>
        %scatter3A_122 = tpu.memref_squeeze %scatter3A_121 : memref<1x128xi32, #tpu.memory_space<vmem>> -> memref<128xi32, #tpu.memory_space<vmem>>
        tpu.vector_store_idx %scatter3A_122[%add3A_113], %shift_right_logical3A_119 : memref<128xi32, #tpu.memory_space<vmem>>[vector<16xi32>], vector<16xi32>,
        %scan3A_123 = arith.constant 0 : i32
        scf.yield %scan3A_123 : i32
      }
      %scan3A_29 = arith.constant 8 : i32
      %dma_start3A = arith.constant 0 : i32
      %dma_start3A_30 = arith.constant 0 : i32
      %dma_start3A_31 = arith.constant 0 : i32
      %dma_start3A_32 = arith.constant 0 : i32
      %dma_start3A_33 = tpu.memref_slice %arg9[%dma_start3A_30, %dma_start3A_31, %dma_start3A_32] : memref<2x128x128xi32, #tpu.memory_space<vmem>> -> memref<1x128x128xi32, #tpu.memory_space<vmem>>
      %dma_start3A_34 = tpu.memref_squeeze %dma_start3A_33 : memref<1x128x128xi32, #tpu.memory_space<vmem>> -> memref<128x128xi32, #tpu.memory_space<vmem>>
      %dma_start3A_35 = arith.constant 0 : i32
      %dma_start3A_36 = tpu.memref_slice %arg8[%dma_start3A, %dma_start3A_35] : memref<2x128xi32, #tpu.memory_space<vmem>> -> memref<1x128xi32, #tpu.memory_space<vmem>>
      %dma_start3A_37 = tpu.memref_squeeze %dma_start3A_36 : memref<1x128xi32, #tpu.memory_space<vmem>> -> memref<128xi32, #tpu.memory_space<vmem>>
      %dma_start3A_38 = arith.constant 0 : i32
      %dma_start3A_39 = arith.constant 0 : i32
      %dma_start3A_40 = tpu.memref_slice %arg3[%dma_start3A_38, %dma_start3A_39] : memref<1250x128xi32, #tpu.memory_space<hbm>> -> memref<1250x128xi32, #tpu.memory_space<hbm>>
      tpu.enqueue_indirect_dma source(%dma_start3A_40 : memref<1250x128xi32, #tpu.memory_space<hbm>>) target(%dma_start3A_34 : memref<128x128xi32, #tpu.memory_space<vmem>>) offsets(%dma_start3A_37 : memref<128xi32, #tpu.memory_space<vmem>>) semaphore(%arg13 : memref<!tpu.dma_semaphore, #tpu.memory_space<semaphore_mem>>)
      %run_scoped3A_41 = arith.constant 1 : i32
      "tpu.region"() ({
        %run_scoped3A_108 = tpu.sem_alloc : memref<!tpu.dma_semaphore, #tpu.memory_space<semaphore_mem>>
        %dma_start3A_109 = arith.constant 0 : i32
        %dma_start3A_110 = tpu.memref_slice %arg7[%run_scoped3A_41, %dma_start3A_109] : memref<2x128xi32, #tpu.memory_space<vmem>> -> memref<1x128xi32, #tpu.memory_space<vmem>>
        %dma_start3A_111 = tpu.memref_squeeze %dma_start3A_110 : memref<1x128xi32, #tpu.memory_space<vmem>> -> memref<128xi32, #tpu.memory_space<vmem>>
        %dma_start3A_112 = tpu.memref_slice %arg2[%add3A_22] : memref<163840xi32, #tpu.memory_space<hbm>> -> memref<128xi32, #tpu.memory_space<hbm>>
        %dma_start3A_113 = arith.constant 0 : i32
        %dma_start3A_114 = tpu.memref_slice %arg7[%run_scoped3A_41, %dma_start3A_113] : memref<2x128xi32, #tpu.memory_space<vmem>> -> memref<1x128xi32, #tpu.memory_space<vmem>>
        %dma_start3A_115 = tpu.memref_squeeze %dma_start3A_114 : memref<1x128xi32, #tpu.memory_space<vmem>> -> memref<128xi32, #tpu.memory_space<vmem>>
        %dma_start3A_116 = tpu.memref_slice %arg2[%add3A_22] : memref<163840xi32, #tpu.memory_space<hbm>> -> memref<128xi32, #tpu.memory_space<hbm>>
        tpu.enqueue_dma source(%dma_start3A_116 : memref<128xi32, #tpu.memory_space<hbm>>) target(%dma_start3A_115 : memref<128xi32, #tpu.memory_space<vmem>>) target_semaphore(%run_scoped3A_108 : memref<!tpu.dma_semaphore, #tpu.memory_space<semaphore_mem>>)
        %dma_wait3A_117 = arith.constant 0 : i32
        %dma_wait3A_118 = tpu.memref_slice %arg7[%run_scoped3A_41, %dma_wait3A_117] : memref<2x128xi32, #tpu.memory_space<vmem>> -> memref<1x128xi32, #tpu.memory_space<vmem>>
        %dma_wait3A_119 = tpu.memref_squeeze %dma_wait3A_118 : memref<1x128xi32, #tpu.memory_space<vmem>> -> memref<128xi32, #tpu.memory_space<vmem>>
        %dma_wait3A_120 = tpu.memref_slice %arg2[%add3A_22] : memref<163840xi32, #tpu.memory_space<hbm>> -> memref<128xi32, #tpu.memory_space<hbm>>
        %dma_wait3A_121 = arith.constant 0 : i32
        %dma_wait3A_122 = tpu.memref_slice %arg7[%run_scoped3A_41, %dma_wait3A_121] : memref<2x128xi32, #tpu.memory_space<vmem>> -> memref<1x128xi32, #tpu.memory_space<vmem>>
        %dma_wait3A_123 = tpu.memref_squeeze %dma_wait3A_122 : memref<1x128xi32, #tpu.memory_space<vmem>> -> memref<128xi32, #tpu.memory_space<vmem>>
        %dma_wait3A_124 = tpu.memref_slice %arg2[%add3A_22] : memref<163840xi32, #tpu.memory_space<hbm>> -> memref<128xi32, #tpu.memory_space<hbm>>
        tpu.wait_dma2 semaphore(%run_scoped3A_108 : memref<!tpu.dma_semaphore, #tpu.memory_space<semaphore_mem>>) src(%dma_wait3A_124 : memref<128xi32, #tpu.memory_space<hbm>>) dst(%dma_wait3A_123 : memref<128xi32, #tpu.memory_space<vmem>>)
        tpu.yield
      }) : () -> ()
      %scan3A_42 = arith.constant 0 : i32
      %scan3A_43 = arith.constant 0 : i32
      %scan3A_44 = arith.constant 8 : i32
      %scan3A_45 = arith.addi %scan3A_43, %scan3A_44 : i32
      %scan3A_46 = arith.constant 1 : i32
      %scan3A_47 = scf.for %scan3A_108 = %scan3A_43 to %scan3A_45 step %scan3A_46 iter_args(%scan3A_109 = %scan3A_42) -> (i32)  : i32 {
        %mul3A_110 = arith.constant 16 : i32
        %mul3A_111 = arith.muli %scan3A_108, %mul3A_110 : i32
        %add3A_112 = vector.broadcast %mul3A_111 : i32 to vector<16xi32>
        %add3A_113 = arith.addi %add3A_112, %iota3A : vector<16xi32>
        %gather3A = arith.constant 1 : i32
        %gather3A_114 = arith.constant 0 : i32
        %gather3A_115 = tpu.memref_slice %arg7[%gather3A, %gather3A_114] : memref<2x128xi32, #tpu.memory_space<vmem>> -> memref<1x128xi32, #tpu.memory_space<vmem>>
        %gather3A_116 = tpu.memref_squeeze %gather3A_115 : memref<1x128xi32, #tpu.memory_space<vmem>> -> memref<128xi32, #tpu.memory_space<vmem>>
        %gather3A_117 = tpu.vector_load_idx %gather3A_116[%add3A_113] : memref<128xi32, #tpu.memory_space<vmem>>[vector<16xi32>], vector<16xi32>,
        %shift_right_logical3A = arith.constant 3 : i32
        %shift_right_logical3A_118 = vector.broadcast %shift_right_logical3A : i32 to vector<16xi32>
        %shift_right_logical3A_119 = arith.shrui %gather3A_117, %shift_right_logical3A_118 : vector<16xi32>
        %scatter3A = arith.constant 1 : i32
        %scatter3A_120 = arith.constant 0 : i32
        %scatter3A_121 = tpu.memref_slice %arg8[%scatter3A, %scatter3A_120] : memref<2x128xi32, #tpu.memory_space<vmem>> -> memref<1x128xi32, #tpu.memory_space<vmem>>
        %scatter3A_122 = tpu.memref_squeeze %scatter3A_121 : memref<1x128xi32, #tpu.memory_space<vmem>> -> memref<128xi32, #tpu.memory_space<vmem>>
        tpu.vector_store_idx %scatter3A_122[%add3A_113], %shift_right_logical3A_119 : memref<128xi32, #tpu.memory_space<vmem>>[vector<16xi32>], vector<16xi32>,
        %scan3A_123 = arith.constant 0 : i32
        scf.yield %scan3A_123 : i32
      }
      %scan3A_48 = arith.constant 8 : i32
      %dma_start3A_49 = arith.constant 1 : i32
      %dma_start3A_50 = arith.constant 1 : i32
      %dma_start3A_51 = arith.constant 0 : i32
      %dma_start3A_52 = arith.constant 0 : i32
      %dma_start3A_53 = tpu.memref_slice %arg9[%dma_start3A_50, %dma_start3A_51, %dma_start3A_52] : memref<2x128x128xi32, #tpu.memory_space<vmem>> -> memref<1x128x128xi32, #tpu.memory_space<vmem>>
      %dma_start3A_54 = tpu.memref_squeeze %dma_start3A_53 : memref<1x128x128xi32, #tpu.memory_space<vmem>> -> memref<128x128xi32, #tpu.memory_space<vmem>>
      %dma_start3A_55 = arith.constant 0 : i32
      %dma_start3A_56 = tpu.memref_slice %arg8[%dma_start3A_49, %dma_start3A_55] : memref<2x128xi32, #tpu.memory_space<vmem>> -> memref<1x128xi32, #tpu.memory_space<vmem>>
      %dma_start3A_57 = tpu.memref_squeeze %dma_start3A_56 : memref<1x128xi32, #tpu.memory_space<vmem>> -> memref<128xi32, #tpu.memory_space<vmem>>
      %dma_start3A_58 = arith.constant 0 : i32
      %dma_start3A_59 = arith.constant 0 : i32
      %dma_start3A_60 = tpu.memref_slice %arg3[%dma_start3A_58, %dma_start3A_59] : memref<1250x128xi32, #tpu.memory_space<hbm>> -> memref<1250x128xi32, #tpu.memory_space<hbm>>
      tpu.enqueue_indirect_dma source(%dma_start3A_60 : memref<1250x128xi32, #tpu.memory_space<hbm>>) target(%dma_start3A_54 : memref<128x128xi32, #tpu.memory_space<vmem>>) offsets(%dma_start3A_57 : memref<128xi32, #tpu.memory_space<vmem>>) semaphore(%arg14 : memref<!tpu.dma_semaphore, #tpu.memory_space<semaphore_mem>>)
      %dma_wait3A = arith.constant 0 : i32
      %dma_wait3A_61 = arith.constant 0 : i32
      %dma_wait3A_62 = arith.constant 0 : i32
      %dma_wait3A_63 = arith.constant 0 : i32
      %dma_wait3A_64 = tpu.memref_slice %arg9[%dma_wait3A_61, %dma_wait3A_62, %dma_wait3A_63] : memref<2x128x128xi32, #tpu.memory_space<vmem>> -> memref<1x128x128xi32, #tpu.memory_space<vmem>>
      %dma_wait3A_65 = tpu.memref_squeeze %dma_wait3A_64 : memref<1x128x128xi32, #tpu.memory_space<vmem>> -> memref<128x128xi32, #tpu.memory_space<vmem>>
      %dma_wait3A_66 = arith.constant 0 : i32
      %dma_wait3A_67 = tpu.memref_slice %arg8[%dma_wait3A, %dma_wait3A_66] : memref<2x128xi32, #tpu.memory_space<vmem>> -> memref<1x128xi32, #tpu.memory_space<vmem>>
      %dma_wait3A_68 = tpu.memref_squeeze %dma_wait3A_67 : memref<1x128xi32, #tpu.memory_space<vmem>> -> memref<128xi32, #tpu.memory_space<vmem>>
      %dma_wait3A_69 = arith.constant 0 : i32
      %dma_wait3A_70 = arith.constant 0 : i32
      %dma_wait3A_71 = tpu.memref_slice %arg3[%dma_wait3A_69, %dma_wait3A_70] : memref<1250x128xi32, #tpu.memory_space<hbm>> -> memref<1250x128xi32, #tpu.memory_space<hbm>>
      tpu.wait_indirect_dma semaphore(%arg13 : memref<!tpu.dma_semaphore, #tpu.memory_space<semaphore_mem>>) src(%dma_wait3A_71 : memref<1250x128xi32, #tpu.memory_space<hbm>>) dst(%dma_wait3A_65 : memref<128x128xi32, #tpu.memory_space<vmem>>)
      %scan3A_72 = arith.constant 0 : i32
      %scan3A_73 = arith.constant 0 : i32
      %scan3A_74 = arith.constant 8 : i32
      %scan3A_75 = arith.addi %scan3A_73, %scan3A_74 : i32
      %scan3A_76 = arith.constant 1 : i32
      %scan3A_77 = scf.for %scan3A_108 = %scan3A_73 to %scan3A_75 step %scan3A_76 iter_args(%scan3A_109 = %scan3A_72) -> (i32)  : i32 {
        %mul3A_110 = arith.constant 16 : i32
        %mul3A_111 = arith.muli %scan3A_108, %mul3A_110 : i32
        %add3A_112 = vector.broadcast %mul3A_111 : i32 to vector<16xi32>
        %add3A_113 = arith.addi %add3A_112, %iota3A : vector<16xi32>
        %gather3A = arith.constant 0 : i32
        %gather3A_114 = arith.constant 0 : i32
        %gather3A_115 = tpu.memref_slice %arg7[%gather3A, %gather3A_114] : memref<2x128xi32, #tpu.memory_space<vmem>> -> memref<1x128xi32, #tpu.memory_space<vmem>>
        %gather3A_116 = tpu.memref_squeeze %gather3A_115 : memref<1x128xi32, #tpu.memory_space<vmem>> -> memref<128xi32, #tpu.memory_space<vmem>>
        %gather3A_117 = tpu.vector_load_idx %gather3A_116[%add3A_113] : memref<128xi32, #tpu.memory_space<vmem>>[vector<16xi32>], vector<16xi32>,
        %and3A = arith.constant 7 : i32
        %and3A_118 = vector.broadcast %and3A : i32 to vector<16xi32>
        %and3A_119 = arith.andi %gather3A_117, %and3A_118 : vector<16xi32>
        %mul3A_120 = arith.constant 16 : i32
        %mul3A_121 = vector.broadcast %mul3A_120 : i32 to vector<16xi32>
        %mul3A_122 = arith.muli %and3A_119, %mul3A_121 : vector<16xi32>
        %add3A_123 = vector.broadcast %add3A_15 : i32 to vector<16xi32>
        %add3A_124 = arith.addi %add3A_123, %add3A_113 : vector<16xi32>
        %shift_right_logical3A = arith.constant 4 : i32
        %shift_right_logical3A_125 = vector.broadcast %shift_right_logical3A : i32 to vector<16xi32>
        %shift_right_logical3A_126 = arith.shrui %add3A_124, %shift_right_logical3A_125 : vector<16xi32>
        %broadcast_in_dim3A = arith.constant 16 : i32
        %broadcast_in_dim3A_127 = vector.broadcast %broadcast_in_dim3A : i32 to vector<16xi32>
        %add3A_128 = arith.constant 0 : i32
        %add3A_129 = vector.broadcast %add3A_128 : i32 to vector<16xi32>
        %add3A_130 = arith.addi %mul3A_122, %add3A_129 : vector<16xi32>
        %gather3A_131 = arith.constant 0 : i32
        %gather3A_132 = arith.constant 0 : i32
        %gather3A_133 = arith.constant 0 : i32
        %gather3A_134 = tpu.memref_slice %arg9[%gather3A_131, %gather3A_132, %gather3A_133] : memref<2x128x128xi32, #tpu.memory_space<vmem>> -> memref<1x128x128xi32, #tpu.memory_space<vmem>>
        %gather3A_135 = tpu.memref_squeeze %gather3A_134 : memref<1x128x128xi32, #tpu.memory_space<vmem>> -> memref<128x128xi32, #tpu.memory_space<vmem>>
        %gather3A_136 = tpu.vector_load_idx %gather3A_135[%add3A_113, %add3A_130] : memref<128x128xi32, #tpu.memory_space<vmem>>[vector<16xi32>, vector<16xi32>], vector<16xi32>,
        %eq3A = arith.cmpi eq, %gather3A_136, %shift_right_logical3A_126 : vector<16xi32>
        %jit3A = arith.constant 0 : i32
        %jit3A_137 = arith.constant 16 : i32
        %broadcast_in_dim3A_138 = vector.broadcast %jit3A : i32 to vector<16xi32>
        %broadcast_in_dim3A_139 = vector.broadcast %jit3A_137 : i32 to vector<16xi32>
        %select_n3A = arith.select %eq3A, %broadcast_in_dim3A_138, %broadcast_in_dim3A_139 : vector<16xi1>, vector<16xi32>
        %min3A = arith.minsi %broadcast_in_dim3A_127, %select_n3A : vector<16xi32>
        %add3A_140 = arith.constant 1 : i32
        %add3A_141 = vector.broadcast %add3A_140 : i32 to vector<16xi32>
        %add3A_142 = arith.addi %mul3A_122, %add3A_141 : vector<16xi32>
        %gather3A_143 = arith.constant 0 : i32
        %gather3A_144 = arith.constant 0 : i32
        %gather3A_145 = arith.constant 0 : i32
        %gather3A_146 = tpu.memref_slice %arg9[%gather3A_143, %gather3A_144, %gather3A_145] : memref<2x128x128xi32, #tpu.memory_space<vmem>> -> memref<1x128x128xi32, #tpu.memory_space<vmem>>
        %gather3A_147 = tpu.memref_squeeze %gather3A_146 : memref<1x128x128xi32, #tpu.memory_space<vmem>> -> memref<128x128xi32, #tpu.memory_space<vmem>>
        %gather3A_148 = tpu.vector_load_idx %gather3A_147[%add3A_113, %add3A_142] : memref<128x128xi32, #tpu.memory_space<vmem>>[vector<16xi32>, vector<16xi32>], vector<16xi32>,
        %eq3A_149 = arith.cmpi eq, %gather3A_148, %shift_right_logical3A_126 : vector<16xi32>
        %jit3A_150 = arith.constant 1 : i32
        %jit3A_151 = arith.constant 16 : i32
        %broadcast_in_dim3A_152 = vector.broadcast %jit3A_150 : i32 to vector<16xi32>
        %broadcast_in_dim3A_153 = vector.broadcast %jit3A_151 : i32 to vector<16xi32>
        %select_n3A_154 = arith.select %eq3A_149, %broadcast_in_dim3A_152, %broadcast_in_dim3A_153 : vector<16xi1>, vector<16xi32>
        %min3A_155 = arith.minsi %min3A, %select_n3A_154 : vector<16xi32>
        %add3A_156 = arith.constant 2 : i32
        %add3A_157 = vector.broadcast %add3A_156 : i32 to vector<16xi32>
        %add3A_158 = arith.addi %mul3A_122, %add3A_157 : vector<16xi32>
        %gather3A_159 = arith.constant 0 : i32
        %gather3A_160 = arith.constant 0 : i32
        %gather3A_161 = arith.constant 0 : i32
        %gather3A_162 = tpu.memref_slice %arg9[%gather3A_159, %gather3A_160, %gather3A_161] : memref<2x128x128xi32, #tpu.memory_space<vmem>> -> memref<1x128x128xi32, #tpu.memory_space<vmem>>
        %gather3A_163 = tpu.memref_squeeze %gather3A_162 : memref<1x128x128xi32, #tpu.memory_space<vmem>> -> memref<128x128xi32, #tpu.memory_space<vmem>>
        %gather3A_164 = tpu.vector_load_idx %gather3A_163[%add3A_113, %add3A_158] : memref<128x128xi32, #tpu.memory_space<vmem>>[vector<16xi32>, vector<16xi32>], vector<16xi32>,
        %eq3A_165 = arith.cmpi eq, %gather3A_164, %shift_right_logical3A_126 : vector<16xi32>
        %jit3A_166 = arith.constant 2 : i32
        %jit3A_167 = arith.constant 16 : i32
        %broadcast_in_dim3A_168 = vector.broadcast %jit3A_166 : i32 to vector<16xi32>
        %broadcast_in_dim3A_169 = vector.broadcast %jit3A_167 : i32 to vector<16xi32>
        %select_n3A_170 = arith.select %eq3A_165, %broadcast_in_dim3A_168, %broadcast_in_dim3A_169 : vector<16xi1>, vector<16xi32>
        %min3A_171 = arith.minsi %min3A_155, %select_n3A_170 : vector<16xi32>
        %add3A_172 = arith.constant 3 : i32
        %add3A_173 = vector.broadcast %add3A_172 : i32 to vector<16xi32>
        %add3A_174 = arith.addi %mul3A_122, %add3A_173 : vector<16xi32>
        %gather3A_175 = arith.constant 0 : i32
        %gather3A_176 = arith.constant 0 : i32
        %gather3A_177 = arith.constant 0 : i32
        %gather3A_178 = tpu.memref_slice %arg9[%gather3A_175, %gather3A_176, %gather3A_177] : memref<2x128x128xi32, #tpu.memory_space<vmem>> -> memref<1x128x128xi32, #tpu.memory_space<vmem>>
        %gather3A_179 = tpu.memref_squeeze %gather3A_178 : memref<1x128x128xi32, #tpu.memory_space<vmem>> -> memref<128x128xi32, #tpu.memory_space<vmem>>
        %gather3A_180 = tpu.vector_load_idx %gather3A_179[%add3A_113, %add3A_174] : memref<128x128xi32, #tpu.memory_space<vmem>>[vector<16xi32>, vector<16xi32>], vector<16xi32>,
        %eq3A_181 = arith.cmpi eq, %gather3A_180, %shift_right_logical3A_126 : vector<16xi32>
        %jit3A_182 = arith.constant 3 : i32
        %jit3A_183 = arith.constant 16 : i32
        %broadcast_in_dim3A_184 = vector.broadcast %jit3A_182 : i32 to vector<16xi32>
        %broadcast_in_dim3A_185 = vector.broadcast %jit3A_183 : i32 to vector<16xi32>
        %select_n3A_186 = arith.select %eq3A_181, %broadcast_in_dim3A_184, %broadcast_in_dim3A_185 : vector<16xi1>, vector<16xi32>
        %min3A_187 = arith.minsi %min3A_171, %select_n3A_186 : vector<16xi32>
        %add3A_188 = arith.constant 4 : i32
        %add3A_189 = vector.broadcast %add3A_188 : i32 to vector<16xi32>
        %add3A_190 = arith.addi %mul3A_122, %add3A_189 : vector<16xi32>
        %gather3A_191 = arith.constant 0 : i32
        %gather3A_192 = arith.constant 0 : i32
        %gather3A_193 = arith.constant 0 : i32
        %gather3A_194 = tpu.memref_slice %arg9[%gather3A_191, %gather3A_192, %gather3A_193] : memref<2x128x128xi32, #tpu.memory_space<vmem>> -> memref<1x128x128xi32, #tpu.memory_space<vmem>>
        %gather3A_195 = tpu.memref_squeeze %gather3A_194 : memref<1x128x128xi32, #tpu.memory_space<vmem>> -> memref<128x128xi32, #tpu.memory_space<vmem>>
        %gather3A_196 = tpu.vector_load_idx %gather3A_195[%add3A_113, %add3A_190] : memref<128x128xi32, #tpu.memory_space<vmem>>[vector<16xi32>, vector<16xi32>], vector<16xi32>,
        %eq3A_197 = arith.cmpi eq, %gather3A_196, %shift_right_logical3A_126 : vector<16xi32>
        %jit3A_198 = arith.constant 4 : i32
        %jit3A_199 = arith.constant 16 : i32
        %broadcast_in_dim3A_200 = vector.broadcast %jit3A_198 : i32 to vector<16xi32>
        %broadcast_in_dim3A_201 = vector.broadcast %jit3A_199 : i32 to vector<16xi32>
        %select_n3A_202 = arith.select %eq3A_197, %broadcast_in_dim3A_200, %broadcast_in_dim3A_201 : vector<16xi1>, vector<16xi32>
        %min3A_203 = arith.minsi %min3A_187, %select_n3A_202 : vector<16xi32>
        %add3A_204 = arith.constant 5 : i32
        %add3A_205 = vector.broadcast %add3A_204 : i32 to vector<16xi32>
        %add3A_206 = arith.addi %mul3A_122, %add3A_205 : vector<16xi32>
        %gather3A_207 = arith.constant 0 : i32
        %gather3A_208 = arith.constant 0 : i32
        %gather3A_209 = arith.constant 0 : i32
        %gather3A_210 = tpu.memref_slice %arg9[%gather3A_207, %gather3A_208, %gather3A_209] : memref<2x128x128xi32, #tpu.memory_space<vmem>> -> memref<1x128x128xi32, #tpu.memory_space<vmem>>
        %gather3A_211 = tpu.memref_squeeze %gather3A_210 : memref<1x128x128xi32, #tpu.memory_space<vmem>> -> memref<128x128xi32, #tpu.memory_space<vmem>>
        %gather3A_212 = tpu.vector_load_idx %gather3A_211[%add3A_113, %add3A_206] : memref<128x128xi32, #tpu.memory_space<vmem>>[vector<16xi32>, vector<16xi32>], vector<16xi32>,
        %eq3A_213 = arith.cmpi eq, %gather3A_212, %shift_right_logical3A_126 : vector<16xi32>
        %jit3A_214 = arith.constant 5 : i32
        %jit3A_215 = arith.constant 16 : i32
        %broadcast_in_dim3A_216 = vector.broadcast %jit3A_214 : i32 to vector<16xi32>
        %broadcast_in_dim3A_217 = vector.broadcast %jit3A_215 : i32 to vector<16xi32>
        %select_n3A_218 = arith.select %eq3A_213, %broadcast_in_dim3A_216, %broadcast_in_dim3A_217 : vector<16xi1>, vector<16xi32>
        %min3A_219 = arith.minsi %min3A_203, %select_n3A_218 : vector<16xi32>
        %add3A_220 = arith.constant 6 : i32
        %add3A_221 = vector.broadcast %add3A_220 : i32 to vector<16xi32>
        %add3A_222 = arith.addi %mul3A_122, %add3A_221 : vector<16xi32>
        %gather3A_223 = arith.constant 0 : i32
        %gather3A_224 = arith.constant 0 : i32
        %gather3A_225 = arith.constant 0 : i32
        %gather3A_226 = tpu.memref_slice %arg9[%gather3A_223, %gather3A_224, %gather3A_225] : memref<2x128x128xi32, #tpu.memory_space<vmem>> -> memref<1x128x128xi32, #tpu.memory_space<vmem>>
        %gather3A_227 = tpu.memref_squeeze %gather3A_226 : memref<1x128x128xi32, #tpu.memory_space<vmem>> -> memref<128x128xi32, #tpu.memory_space<vmem>>
        %gather3A_228 = tpu.vector_load_idx %gather3A_227[%add3A_113, %add3A_222] : memref<128x128xi32, #tpu.memory_space<vmem>>[vector<16xi32>, vector<16xi32>], vector<16xi32>,
        %eq3A_229 = arith.cmpi eq, %gather3A_228, %shift_right_logical3A_126 : vector<16xi32>
        %jit3A_230 = arith.constant 6 : i32
        %jit3A_231 = arith.constant 16 : i32
        %broadcast_in_dim3A_232 = vector.broadcast %jit3A_230 : i32 to vector<16xi32>
        %broadcast_in_dim3A_233 = vector.broadcast %jit3A_231 : i32 to vector<16xi32>
        %select_n3A_234 = arith.select %eq3A_229, %broadcast_in_dim3A_232, %broadcast_in_dim3A_233 : vector<16xi1>, vector<16xi32>
        %min3A_235 = arith.minsi %min3A_219, %select_n3A_234 : vector<16xi32>
        %add3A_236 = arith.constant 7 : i32
        %add3A_237 = vector.broadcast %add3A_236 : i32 to vector<16xi32>
        %add3A_238 = arith.addi %mul3A_122, %add3A_237 : vector<16xi32>
        %gather3A_239 = arith.constant 0 : i32
        %gather3A_240 = arith.constant 0 : i32
        %gather3A_241 = arith.constant 0 : i32
        %gather3A_242 = tpu.memref_slice %arg9[%gather3A_239, %gather3A_240, %gather3A_241] : memref<2x128x128xi32, #tpu.memory_space<vmem>> -> memref<1x128x128xi32, #tpu.memory_space<vmem>>
        %gather3A_243 = tpu.memref_squeeze %gather3A_242 : memref<1x128x128xi32, #tpu.memory_space<vmem>> -> memref<128x128xi32, #tpu.memory_space<vmem>>
        %gather3A_244 = tpu.vector_load_idx %gather3A_243[%add3A_113, %add3A_238] : memref<128x128xi32, #tpu.memory_space<vmem>>[vector<16xi32>, vector<16xi32>], vector<16xi32>,
        %eq3A_245 = arith.cmpi eq, %gather3A_244, %shift_right_logical3A_126 : vector<16xi32>
        %jit3A_246 = arith.constant 7 : i32
        %jit3A_247 = arith.constant 16 : i32
        %broadcast_in_dim3A_248 = vector.broadcast %jit3A_246 : i32 to vector<16xi32>
        %broadcast_in_dim3A_249 = vector.broadcast %jit3A_247 : i32 to vector<16xi32>
        %select_n3A_250 = arith.select %eq3A_245, %broadcast_in_dim3A_248, %broadcast_in_dim3A_249 : vector<16xi1>, vector<16xi32>
        %min3A_251 = arith.minsi %min3A_235, %select_n3A_250 : vector<16xi32>
        %add3A_252 = arith.constant 8 : i32
        %add3A_253 = vector.broadcast %add3A_252 : i32 to vector<16xi32>
        %add3A_254 = arith.addi %mul3A_122, %add3A_253 : vector<16xi32>
        %gather3A_255 = arith.constant 0 : i32
        %gather3A_256 = arith.constant 0 : i32
        %gather3A_257 = arith.constant 0 : i32
        %gather3A_258 = tpu.memref_slice %arg9[%gather3A_255, %gather3A_256, %gather3A_257] : memref<2x128x128xi32, #tpu.memory_space<vmem>> -> memref<1x128x128xi32, #tpu.memory_space<vmem>>
        %gather3A_259 = tpu.memref_squeeze %gather3A_258 : memref<1x128x128xi32, #tpu.memory_space<vmem>> -> memref<128x128xi32, #tpu.memory_space<vmem>>
        %gather3A_260 = tpu.vector_load_idx %gather3A_259[%add3A_113, %add3A_254] : memref<128x128xi32, #tpu.memory_space<vmem>>[vector<16xi32>, vector<16xi32>], vector<16xi32>,
        %eq3A_261 = arith.cmpi eq, %gather3A_260, %shift_right_logical3A_126 : vector<16xi32>
        %jit3A_262 = arith.constant 8 : i32
        %jit3A_263 = arith.constant 16 : i32
        %broadcast_in_dim3A_264 = vector.broadcast %jit3A_262 : i32 to vector<16xi32>
        %broadcast_in_dim3A_265 = vector.broadcast %jit3A_263 : i32 to vector<16xi32>
        %select_n3A_266 = arith.select %eq3A_261, %broadcast_in_dim3A_264, %broadcast_in_dim3A_265 : vector<16xi1>, vector<16xi32>
        %min3A_267 = arith.minsi %min3A_251, %select_n3A_266 : vector<16xi32>
        %add3A_268 = arith.constant 9 : i32
        %add3A_269 = vector.broadcast %add3A_268 : i32 to vector<16xi32>
        %add3A_270 = arith.addi %mul3A_122, %add3A_269 : vector<16xi32>
        %gather3A_271 = arith.constant 0 : i32
        %gather3A_272 = arith.constant 0 : i32
        %gather3A_273 = arith.constant 0 : i32
        %gather3A_274 = tpu.memref_slice %arg9[%gather3A_271, %gather3A_272, %gather3A_273] : memref<2x128x128xi32, #tpu.memory_space<vmem>> -> memref<1x128x128xi32, #tpu.memory_space<vmem>>
        %gather3A_275 = tpu.memref_squeeze %gather3A_274 : memref<1x128x128xi32, #tpu.memory_space<vmem>> -> memref<128x128xi32, #tpu.memory_space<vmem>>
        %gather3A_276 = tpu.vector_load_idx %gather3A_275[%add3A_113, %add3A_270] : memref<128x128xi32, #tpu.memory_space<vmem>>[vector<16xi32>, vector<16xi32>], vector<16xi32>,
        %eq3A_277 = arith.cmpi eq, %gather3A_276, %shift_right_logical3A_126 : vector<16xi32>
        %jit3A_278 = arith.constant 9 : i32
        %jit3A_279 = arith.constant 16 : i32
        %broadcast_in_dim3A_280 = vector.broadcast %jit3A_278 : i32 to vector<16xi32>
        %broadcast_in_dim3A_281 = vector.broadcast %jit3A_279 : i32 to vector<16xi32>
        %select_n3A_282 = arith.select %eq3A_277, %broadcast_in_dim3A_280, %broadcast_in_dim3A_281 : vector<16xi1>, vector<16xi32>
        %min3A_283 = arith.minsi %min3A_267, %select_n3A_282 : vector<16xi32>
        %add3A_284 = arith.constant 10 : i32
        %add3A_285 = vector.broadcast %add3A_284 : i32 to vector<16xi32>
        %add3A_286 = arith.addi %mul3A_122, %add3A_285 : vector<16xi32>
        %gather3A_287 = arith.constant 0 : i32
        %gather3A_288 = arith.constant 0 : i32
        %gather3A_289 = arith.constant 0 : i32
        %gather3A_290 = tpu.memref_slice %arg9[%gather3A_287, %gather3A_288, %gather3A_289] : memref<2x128x128xi32, #tpu.memory_space<vmem>> -> memref<1x128x128xi32, #tpu.memory_space<vmem>>
        %gather3A_291 = tpu.memref_squeeze %gather3A_290 : memref<1x128x128xi32, #tpu.memory_space<vmem>> -> memref<128x128xi32, #tpu.memory_space<vmem>>
        %gather3A_292 = tpu.vector_load_idx %gather3A_291[%add3A_113, %add3A_286] : memref<128x128xi32, #tpu.memory_space<vmem>>[vector<16xi32>, vector<16xi32>], vector<16xi32>,
        %eq3A_293 = arith.cmpi eq, %gather3A_292, %shift_right_logical3A_126 : vector<16xi32>
        %jit3A_294 = arith.constant 10 : i32
        %jit3A_295 = arith.constant 16 : i32
        %broadcast_in_dim3A_296 = vector.broadcast %jit3A_294 : i32 to vector<16xi32>
        %broadcast_in_dim3A_297 = vector.broadcast %jit3A_295 : i32 to vector<16xi32>
        %select_n3A_298 = arith.select %eq3A_293, %broadcast_in_dim3A_296, %broadcast_in_dim3A_297 : vector<16xi1>, vector<16xi32>
        %min3A_299 = arith.minsi %min3A_283, %select_n3A_298 : vector<16xi32>
        %add3A_300 = arith.constant 11 : i32
        %add3A_301 = vector.broadcast %add3A_300 : i32 to vector<16xi32>
        %add3A_302 = arith.addi %mul3A_122, %add3A_301 : vector<16xi32>
        %gather3A_303 = arith.constant 0 : i32
        %gather3A_304 = arith.constant 0 : i32
        %gather3A_305 = arith.constant 0 : i32
        %gather3A_306 = tpu.memref_slice %arg9[%gather3A_303, %gather3A_304, %gather3A_305] : memref<2x128x128xi32, #tpu.memory_space<vmem>> -> memref<1x128x128xi32, #tpu.memory_space<vmem>>
        %gather3A_307 = tpu.memref_squeeze %gather3A_306 : memref<1x128x128xi32, #tpu.memory_space<vmem>> -> memref<128x128xi32, #tpu.memory_space<vmem>>
        %gather3A_308 = tpu.vector_load_idx %gather3A_307[%add3A_113, %add3A_302] : memref<128x128xi32, #tpu.memory_space<vmem>>[vector<16xi32>, vector<16xi32>], vector<16xi32>,
        %eq3A_309 = arith.cmpi eq, %gather3A_308, %shift_right_logical3A_126 : vector<16xi32>
        %jit3A_310 = arith.constant 11 : i32
        %jit3A_311 = arith.constant 16 : i32
        %broadcast_in_dim3A_312 = vector.broadcast %jit3A_310 : i32 to vector<16xi32>
        %broadcast_in_dim3A_313 = vector.broadcast %jit3A_311 : i32 to vector<16xi32>
        %select_n3A_314 = arith.select %eq3A_309, %broadcast_in_dim3A_312, %broadcast_in_dim3A_313 : vector<16xi1>, vector<16xi32>
        %min3A_315 = arith.minsi %min3A_299, %select_n3A_314 : vector<16xi32>
        %add3A_316 = arith.constant 12 : i32
        %add3A_317 = vector.broadcast %add3A_316 : i32 to vector<16xi32>
        %add3A_318 = arith.addi %mul3A_122, %add3A_317 : vector<16xi32>
        %gather3A_319 = arith.constant 0 : i32
        %gather3A_320 = arith.constant 0 : i32
        %gather3A_321 = arith.constant 0 : i32
        %gather3A_322 = tpu.memref_slice %arg9[%gather3A_319, %gather3A_320, %gather3A_321] : memref<2x128x128xi32, #tpu.memory_space<vmem>> -> memref<1x128x128xi32, #tpu.memory_space<vmem>>
        %gather3A_323 = tpu.memref_squeeze %gather3A_322 : memref<1x128x128xi32, #tpu.memory_space<vmem>> -> memref<128x128xi32, #tpu.memory_space<vmem>>
        %gather3A_324 = tpu.vector_load_idx %gather3A_323[%add3A_113, %add3A_318] : memref<128x128xi32, #tpu.memory_space<vmem>>[vector<16xi32>, vector<16xi32>], vector<16xi32>,
        %eq3A_325 = arith.cmpi eq, %gather3A_324, %shift_right_logical3A_126 : vector<16xi32>
        %jit3A_326 = arith.constant 12 : i32
        %jit3A_327 = arith.constant 16 : i32
        %broadcast_in_dim3A_328 = vector.broadcast %jit3A_326 : i32 to vector<16xi32>
        %broadcast_in_dim3A_329 = vector.broadcast %jit3A_327 : i32 to vector<16xi32>
        %select_n3A_330 = arith.select %eq3A_325, %broadcast_in_dim3A_328, %broadcast_in_dim3A_329 : vector<16xi1>, vector<16xi32>
        %min3A_331 = arith.minsi %min3A_315, %select_n3A_330 : vector<16xi32>
        %add3A_332 = arith.constant 13 : i32
        %add3A_333 = vector.broadcast %add3A_332 : i32 to vector<16xi32>
        %add3A_334 = arith.addi %mul3A_122, %add3A_333 : vector<16xi32>
        %gather3A_335 = arith.constant 0 : i32
        %gather3A_336 = arith.constant 0 : i32
        %gather3A_337 = arith.constant 0 : i32
        %gather3A_338 = tpu.memref_slice %arg9[%gather3A_335, %gather3A_336, %gather3A_337] : memref<2x128x128xi32, #tpu.memory_space<vmem>> -> memref<1x128x128xi32, #tpu.memory_space<vmem>>
        %gather3A_339 = tpu.memref_squeeze %gather3A_338 : memref<1x128x128xi32, #tpu.memory_space<vmem>> -> memref<128x128xi32, #tpu.memory_space<vmem>>
        %gather3A_340 = tpu.vector_load_idx %gather3A_339[%add3A_113, %add3A_334] : memref<128x128xi32, #tpu.memory_space<vmem>>[vector<16xi32>, vector<16xi32>], vector<16xi32>,
        %eq3A_341 = arith.cmpi eq, %gather3A_340, %shift_right_logical3A_126 : vector<16xi32>
        %jit3A_342 = arith.constant 13 : i32
        %jit3A_343 = arith.constant 16 : i32
        %broadcast_in_dim3A_344 = vector.broadcast %jit3A_342 : i32 to vector<16xi32>
        %broadcast_in_dim3A_345 = vector.broadcast %jit3A_343 : i32 to vector<16xi32>
        %select_n3A_346 = arith.select %eq3A_341, %broadcast_in_dim3A_344, %broadcast_in_dim3A_345 : vector<16xi1>, vector<16xi32>
        %min3A_347 = arith.minsi %min3A_331, %select_n3A_346 : vector<16xi32>
        %add3A_348 = arith.constant 14 : i32
        %add3A_349 = vector.broadcast %add3A_348 : i32 to vector<16xi32>
        %add3A_350 = arith.addi %mul3A_122, %add3A_349 : vector<16xi32>
        %gather3A_351 = arith.constant 0 : i32
        %gather3A_352 = arith.constant 0 : i32
        %gather3A_353 = arith.constant 0 : i32
        %gather3A_354 = tpu.memref_slice %arg9[%gather3A_351, %gather3A_352, %gather3A_353] : memref<2x128x128xi32, #tpu.memory_space<vmem>> -> memref<1x128x128xi32, #tpu.memory_space<vmem>>
        %gather3A_355 = tpu.memref_squeeze %gather3A_354 : memref<1x128x128xi32, #tpu.memory_space<vmem>> -> memref<128x128xi32, #tpu.memory_space<vmem>>
        %gather3A_356 = tpu.vector_load_idx %gather3A_355[%add3A_113, %add3A_350] : memref<128x128xi32, #tpu.memory_space<vmem>>[vector<16xi32>, vector<16xi32>], vector<16xi32>,
        %eq3A_357 = arith.cmpi eq, %gather3A_356, %shift_right_logical3A_126 : vector<16xi32>
        %jit3A_358 = arith.constant 14 : i32
        %jit3A_359 = arith.constant 16 : i32
        %broadcast_in_dim3A_360 = vector.broadcast %jit3A_358 : i32 to vector<16xi32>
        %broadcast_in_dim3A_361 = vector.broadcast %jit3A_359 : i32 to vector<16xi32>
        %select_n3A_362 = arith.select %eq3A_357, %broadcast_in_dim3A_360, %broadcast_in_dim3A_361 : vector<16xi1>, vector<16xi32>
        %min3A_363 = arith.minsi %min3A_347, %select_n3A_362 : vector<16xi32>
        %add3A_364 = arith.constant 15 : i32
        %add3A_365 = vector.broadcast %add3A_364 : i32 to vector<16xi32>
        %add3A_366 = arith.addi %mul3A_122, %add3A_365 : vector<16xi32>
        %gather3A_367 = arith.constant 0 : i32
        %gather3A_368 = arith.constant 0 : i32
        %gather3A_369 = arith.constant 0 : i32
        %gather3A_370 = tpu.memref_slice %arg9[%gather3A_367, %gather3A_368, %gather3A_369] : memref<2x128x128xi32, #tpu.memory_space<vmem>> -> memref<1x128x128xi32, #tpu.memory_space<vmem>>
        %gather3A_371 = tpu.memref_squeeze %gather3A_370 : memref<1x128x128xi32, #tpu.memory_space<vmem>> -> memref<128x128xi32, #tpu.memory_space<vmem>>
        %gather3A_372 = tpu.vector_load_idx %gather3A_371[%add3A_113, %add3A_366] : memref<128x128xi32, #tpu.memory_space<vmem>>[vector<16xi32>, vector<16xi32>], vector<16xi32>,
        %eq3A_373 = arith.cmpi eq, %gather3A_372, %shift_right_logical3A_126 : vector<16xi32>
        %jit3A_374 = arith.constant 15 : i32
        %jit3A_375 = arith.constant 16 : i32
        %broadcast_in_dim3A_376 = vector.broadcast %jit3A_374 : i32 to vector<16xi32>
        %broadcast_in_dim3A_377 = vector.broadcast %jit3A_375 : i32 to vector<16xi32>
        %select_n3A_378 = arith.select %eq3A_373, %broadcast_in_dim3A_376, %broadcast_in_dim3A_377 : vector<16xi1>, vector<16xi32>
        %min3A_379 = arith.minsi %min3A_363, %select_n3A_378 : vector<16xi32>
        %lt3A = arith.constant 16 : i32
        %lt3A_380 = vector.broadcast %lt3A : i32 to vector<16xi32>
        %lt3A_381 = arith.cmpi slt, %min3A_379, %lt3A_380 : vector<16xi32>
        %mul3A_382 = arith.constant 16 : i32
        %mul3A_383 = vector.broadcast %mul3A_382 : i32 to vector<16xi32>
        %mul3A_384 = arith.muli %gather3A_117, %mul3A_383 : vector<16xi32>
        %jit3A_385 = arith.constant 0 : i32
        %broadcast_in_dim3A_386 = vector.broadcast %jit3A_385 : i32 to vector<16xi32>
        %select_n3A_387 = arith.select %lt3A_381, %min3A_379, %broadcast_in_dim3A_386 : vector<16xi1>, vector<16xi32>
        %add3A_388 = arith.addi %mul3A_384, %select_n3A_387 : vector<16xi32>
        %scatter3A = arith.constant 0 : i32
        %scatter3A_389 = arith.constant 0 : i32
        %scatter3A_390 = tpu.memref_slice %arg10[%scatter3A, %scatter3A_389] : memref<2x128xi32, #tpu.memory_space<vmem>> -> memref<1x128xi32, #tpu.memory_space<vmem>>
        %scatter3A_391 = tpu.memref_squeeze %scatter3A_390 : memref<1x128xi32, #tpu.memory_space<vmem>> -> memref<128xi32, #tpu.memory_space<vmem>>
        tpu.vector_store_idx %scatter3A_391[%add3A_113], %add3A_388 : memref<128xi32, #tpu.memory_space<vmem>>[vector<16xi32>], vector<16xi32>,
        %jit3A_392 = arith.constant 1.000000e+00 : f32
        %jit3A_393 = arith.constant 0.000000e+00 : f32
        %broadcast_in_dim3A_394 = vector.broadcast %jit3A_392 : f32 to vector<16xf32>
        %broadcast_in_dim3A_395 = vector.broadcast %jit3A_393 : f32 to vector<16xf32>
        %select_n3A_396 = arith.select %lt3A_381, %broadcast_in_dim3A_394, %broadcast_in_dim3A_395 : vector<16xi1>, vector<16xf32>
        %scatter3A_397 = arith.constant 0 : i32
        %scatter3A_398 = arith.constant 0 : i32
        %scatter3A_399 = tpu.memref_slice %arg11[%scatter3A_397, %scatter3A_398] : memref<2x128xf32, #tpu.memory_space<vmem>> -> memref<1x128xf32, #tpu.memory_space<vmem>>
        %scatter3A_400 = tpu.memref_squeeze %scatter3A_399 : memref<1x128xf32, #tpu.memory_space<vmem>> -> memref<128xf32, #tpu.memory_space<vmem>>
        tpu.vector_store_idx %scatter3A_400[%add3A_113], %select_n3A_396 : memref<128xf32, #tpu.memory_space<vmem>>[vector<16xi32>], vector<16xf32>,
        %jit3A_401 = arith.constant 1 : i32
        %jit3A_402 = arith.constant 0 : i32
        %broadcast_in_dim3A_403 = vector.broadcast %jit3A_401 : i32 to vector<16xi32>
        %broadcast_in_dim3A_404 = vector.broadcast %jit3A_402 : i32 to vector<16xi32>
        %select_n3A_405 = arith.select %lt3A_381, %broadcast_in_dim3A_403, %broadcast_in_dim3A_404 : vector<16xi1>, vector<16xi32>
        %reduce_sum3A = arith.constant true
        %reduce_sum3A_406 = vector.broadcast %reduce_sum3A : i1 to vector<16xi1>
        %reduce_sum3A_407 = tpu.scan <sum>, %select_n3A_405 masked %reduce_sum3A_406 : vector<16xi32>, vector<16xi1> -> vector<16xi32>
        %reduce_sum3A_408 = vector.extract %reduce_sum3A_407[15] : i32 from vector<16xi32>
        %add3A_409 = arith.addi %scan3A_109, %reduce_sum3A_408 : i32
        scf.yield %add3A_409 : i32
      }
      %scan3A_78 = arith.constant 8 : i32
      %dma_wait3A_79 = arith.constant 1 : i32
      %dma_wait3A_80 = arith.constant 1 : i32
      %dma_wait3A_81 = arith.constant 0 : i32
      %dma_wait3A_82 = arith.constant 0 : i32
      %dma_wait3A_83 = tpu.memref_slice %arg9[%dma_wait3A_80, %dma_wait3A_81, %dma_wait3A_82] : memref<2x128x128xi32, #tpu.memory_space<vmem>> -> memref<1x128x128xi32, #tpu.memory_space<vmem>>
      %dma_wait3A_84 = tpu.memref_squeeze %dma_wait3A_83 : memref<1x128x128xi32, #tpu.memory_space<vmem>> -> memref<128x128xi32, #tpu.memory_space<vmem>>
      %dma_wait3A_85 = arith.constant 0 : i32
      %dma_wait3A_86 = tpu.memref_slice %arg8[%dma_wait3A_79, %dma_wait3A_85] : memref<2x128xi32, #tpu.memory_space<vmem>> -> memref<1x128xi32, #tpu.memory_space<vmem>>
      %dma_wait3A_87 = tpu.memref_squeeze %dma_wait3A_86 : memref<1x128xi32, #tpu.memory_space<vmem>> -> memref<128xi32, #tpu.memory_space<vmem>>
      %dma_wait3A_88 = arith.constant 0 : i32
      %dma_wait3A_89 = arith.constant 0 : i32
      %dma_wait3A_90 = tpu.memref_slice %arg3[%dma_wait3A_88, %dma_wait3A_89] : memref<1250x128xi32, #tpu.memory_space<hbm>> -> memref<1250x128xi32, #tpu.memory_space<hbm>>
      tpu.wait_indirect_dma semaphore(%arg14 : memref<!tpu.dma_semaphore, #tpu.memory_space<semaphore_mem>>) src(%dma_wait3A_90 : memref<1250x128xi32, #tpu.memory_space<hbm>>) dst(%dma_wait3A_84 : memref<128x128xi32, #tpu.memory_space<vmem>>)
      %scan3A_91 = arith.constant 0 : i32
      %scan3A_92 = arith.constant 0 : i32
      %scan3A_93 = arith.constant 8 : i32
      %scan3A_94 = arith.addi %scan3A_92, %scan3A_93 : i32
      %scan3A_95 = arith.constant 1 : i32
      %scan3A_96 = scf.for %scan3A_108 = %scan3A_92 to %scan3A_94 step %scan3A_95 iter_args(%scan3A_109 = %scan3A_91) -> (i32)  : i32 {
        %mul3A_110 = arith.constant 16 : i32
        %mul3A_111 = arith.muli %scan3A_108, %mul3A_110 : i32
        %add3A_112 = vector.broadcast %mul3A_111 : i32 to vector<16xi32>
        %add3A_113 = arith.addi %add3A_112, %iota3A : vector<16xi32>
        %gather3A = arith.constant 1 : i32
        %gather3A_114 = arith.constant 0 : i32
        %gather3A_115 = tpu.memref_slice %arg7[%gather3A, %gather3A_114] : memref<2x128xi32, #tpu.memory_space<vmem>> -> memref<1x128xi32, #tpu.memory_space<vmem>>
        %gather3A_116 = tpu.memref_squeeze %gather3A_115 : memref<1x128xi32, #tpu.memory_space<vmem>> -> memref<128xi32, #tpu.memory_space<vmem>>
        %gather3A_117 = tpu.vector_load_idx %gather3A_116[%add3A_113] : memref<128xi32, #tpu.memory_space<vmem>>[vector<16xi32>], vector<16xi32>,
        %and3A = arith.constant 7 : i32
        %and3A_118 = vector.broadcast %and3A : i32 to vector<16xi32>
        %and3A_119 = arith.andi %gather3A_117, %and3A_118 : vector<16xi32>
        %mul3A_120 = arith.constant 16 : i32
        %mul3A_121 = vector.broadcast %mul3A_120 : i32 to vector<16xi32>
        %mul3A_122 = arith.muli %and3A_119, %mul3A_121 : vector<16xi32>
        %add3A_123 = vector.broadcast %add3A_22 : i32 to vector<16xi32>
        %add3A_124 = arith.addi %add3A_123, %add3A_113 : vector<16xi32>
        %shift_right_logical3A = arith.constant 4 : i32
        %shift_right_logical3A_125 = vector.broadcast %shift_right_logical3A : i32 to vector<16xi32>
        %shift_right_logical3A_126 = arith.shrui %add3A_124, %shift_right_logical3A_125 : vector<16xi32>
        %broadcast_in_dim3A = arith.constant 16 : i32
        %broadcast_in_dim3A_127 = vector.broadcast %broadcast_in_dim3A : i32 to vector<16xi32>
        %add3A_128 = arith.constant 0 : i32
        %add3A_129 = vector.broadcast %add3A_128 : i32 to vector<16xi32>
        %add3A_130 = arith.addi %mul3A_122, %add3A_129 : vector<16xi32>
        %gather3A_131 = arith.constant 1 : i32
        %gather3A_132 = arith.constant 0 : i32
        %gather3A_133 = arith.constant 0 : i32
        %gather3A_134 = tpu.memref_slice %arg9[%gather3A_131, %gather3A_132, %gather3A_133] : memref<2x128x128xi32, #tpu.memory_space<vmem>> -> memref<1x128x128xi32, #tpu.memory_space<vmem>>
        %gather3A_135 = tpu.memref_squeeze %gather3A_134 : memref<1x128x128xi32, #tpu.memory_space<vmem>> -> memref<128x128xi32, #tpu.memory_space<vmem>>
        %gather3A_136 = tpu.vector_load_idx %gather3A_135[%add3A_113, %add3A_130] : memref<128x128xi32, #tpu.memory_space<vmem>>[vector<16xi32>, vector<16xi32>], vector<16xi32>,
        %eq3A = arith.cmpi eq, %gather3A_136, %shift_right_logical3A_126 : vector<16xi32>
        %jit3A = arith.constant 0 : i32
        %jit3A_137 = arith.constant 16 : i32
        %broadcast_in_dim3A_138 = vector.broadcast %jit3A : i32 to vector<16xi32>
        %broadcast_in_dim3A_139 = vector.broadcast %jit3A_137 : i32 to vector<16xi32>
        %select_n3A = arith.select %eq3A, %broadcast_in_dim3A_138, %broadcast_in_dim3A_139 : vector<16xi1>, vector<16xi32>
        %min3A = arith.minsi %broadcast_in_dim3A_127, %select_n3A : vector<16xi32>
        %add3A_140 = arith.constant 1 : i32
        %add3A_141 = vector.broadcast %add3A_140 : i32 to vector<16xi32>
        %add3A_142 = arith.addi %mul3A_122, %add3A_141 : vector<16xi32>
        %gather3A_143 = arith.constant 1 : i32
        %gather3A_144 = arith.constant 0 : i32
        %gather3A_145 = arith.constant 0 : i32
        %gather3A_146 = tpu.memref_slice %arg9[%gather3A_143, %gather3A_144, %gather3A_145] : memref<2x128x128xi32, #tpu.memory_space<vmem>> -> memref<1x128x128xi32, #tpu.memory_space<vmem>>
        %gather3A_147 = tpu.memref_squeeze %gather3A_146 : memref<1x128x128xi32, #tpu.memory_space<vmem>> -> memref<128x128xi32, #tpu.memory_space<vmem>>
        %gather3A_148 = tpu.vector_load_idx %gather3A_147[%add3A_113, %add3A_142] : memref<128x128xi32, #tpu.memory_space<vmem>>[vector<16xi32>, vector<16xi32>], vector<16xi32>,
        %eq3A_149 = arith.cmpi eq, %gather3A_148, %shift_right_logical3A_126 : vector<16xi32>
        %jit3A_150 = arith.constant 1 : i32
        %jit3A_151 = arith.constant 16 : i32
        %broadcast_in_dim3A_152 = vector.broadcast %jit3A_150 : i32 to vector<16xi32>
        %broadcast_in_dim3A_153 = vector.broadcast %jit3A_151 : i32 to vector<16xi32>
        %select_n3A_154 = arith.select %eq3A_149, %broadcast_in_dim3A_152, %broadcast_in_dim3A_153 : vector<16xi1>, vector<16xi32>
        %min3A_155 = arith.minsi %min3A, %select_n3A_154 : vector<16xi32>
        %add3A_156 = arith.constant 2 : i32
        %add3A_157 = vector.broadcast %add3A_156 : i32 to vector<16xi32>
        %add3A_158 = arith.addi %mul3A_122, %add3A_157 : vector<16xi32>
        %gather3A_159 = arith.constant 1 : i32
        %gather3A_160 = arith.constant 0 : i32
        %gather3A_161 = arith.constant 0 : i32
        %gather3A_162 = tpu.memref_slice %arg9[%gather3A_159, %gather3A_160, %gather3A_161] : memref<2x128x128xi32, #tpu.memory_space<vmem>> -> memref<1x128x128xi32, #tpu.memory_space<vmem>>
        %gather3A_163 = tpu.memref_squeeze %gather3A_162 : memref<1x128x128xi32, #tpu.memory_space<vmem>> -> memref<128x128xi32, #tpu.memory_space<vmem>>
        %gather3A_164 = tpu.vector_load_idx %gather3A_163[%add3A_113, %add3A_158] : memref<128x128xi32, #tpu.memory_space<vmem>>[vector<16xi32>, vector<16xi32>], vector<16xi32>,
        %eq3A_165 = arith.cmpi eq, %gather3A_164, %shift_right_logical3A_126 : vector<16xi32>
        %jit3A_166 = arith.constant 2 : i32
        %jit3A_167 = arith.constant 16 : i32
        %broadcast_in_dim3A_168 = vector.broadcast %jit3A_166 : i32 to vector<16xi32>
        %broadcast_in_dim3A_169 = vector.broadcast %jit3A_167 : i32 to vector<16xi32>
        %select_n3A_170 = arith.select %eq3A_165, %broadcast_in_dim3A_168, %broadcast_in_dim3A_169 : vector<16xi1>, vector<16xi32>
        %min3A_171 = arith.minsi %min3A_155, %select_n3A_170 : vector<16xi32>
        %add3A_172 = arith.constant 3 : i32
        %add3A_173 = vector.broadcast %add3A_172 : i32 to vector<16xi32>
        %add3A_174 = arith.addi %mul3A_122, %add3A_173 : vector<16xi32>
        %gather3A_175 = arith.constant 1 : i32
        %gather3A_176 = arith.constant 0 : i32
        %gather3A_177 = arith.constant 0 : i32
        %gather3A_178 = tpu.memref_slice %arg9[%gather3A_175, %gather3A_176, %gather3A_177] : memref<2x128x128xi32, #tpu.memory_space<vmem>> -> memref<1x128x128xi32, #tpu.memory_space<vmem>>
        %gather3A_179 = tpu.memref_squeeze %gather3A_178 : memref<1x128x128xi32, #tpu.memory_space<vmem>> -> memref<128x128xi32, #tpu.memory_space<vmem>>
        %gather3A_180 = tpu.vector_load_idx %gather3A_179[%add3A_113, %add3A_174] : memref<128x128xi32, #tpu.memory_space<vmem>>[vector<16xi32>, vector<16xi32>], vector<16xi32>,
        %eq3A_181 = arith.cmpi eq, %gather3A_180, %shift_right_logical3A_126 : vector<16xi32>
        %jit3A_182 = arith.constant 3 : i32
        %jit3A_183 = arith.constant 16 : i32
        %broadcast_in_dim3A_184 = vector.broadcast %jit3A_182 : i32 to vector<16xi32>
        %broadcast_in_dim3A_185 = vector.broadcast %jit3A_183 : i32 to vector<16xi32>
        %select_n3A_186 = arith.select %eq3A_181, %broadcast_in_dim3A_184, %broadcast_in_dim3A_185 : vector<16xi1>, vector<16xi32>
        %min3A_187 = arith.minsi %min3A_171, %select_n3A_186 : vector<16xi32>
        %add3A_188 = arith.constant 4 : i32
        %add3A_189 = vector.broadcast %add3A_188 : i32 to vector<16xi32>
        %add3A_190 = arith.addi %mul3A_122, %add3A_189 : vector<16xi32>
        %gather3A_191 = arith.constant 1 : i32
        %gather3A_192 = arith.constant 0 : i32
        %gather3A_193 = arith.constant 0 : i32
        %gather3A_194 = tpu.memref_slice %arg9[%gather3A_191, %gather3A_192, %gather3A_193] : memref<2x128x128xi32, #tpu.memory_space<vmem>> -> memref<1x128x128xi32, #tpu.memory_space<vmem>>
        %gather3A_195 = tpu.memref_squeeze %gather3A_194 : memref<1x128x128xi32, #tpu.memory_space<vmem>> -> memref<128x128xi32, #tpu.memory_space<vmem>>
        %gather3A_196 = tpu.vector_load_idx %gather3A_195[%add3A_113, %add3A_190] : memref<128x128xi32, #tpu.memory_space<vmem>>[vector<16xi32>, vector<16xi32>], vector<16xi32>,
        %eq3A_197 = arith.cmpi eq, %gather3A_196, %shift_right_logical3A_126 : vector<16xi32>
        %jit3A_198 = arith.constant 4 : i32
        %jit3A_199 = arith.constant 16 : i32
        %broadcast_in_dim3A_200 = vector.broadcast %jit3A_198 : i32 to vector<16xi32>
        %broadcast_in_dim3A_201 = vector.broadcast %jit3A_199 : i32 to vector<16xi32>
        %select_n3A_202 = arith.select %eq3A_197, %broadcast_in_dim3A_200, %broadcast_in_dim3A_201 : vector<16xi1>, vector<16xi32>
        %min3A_203 = arith.minsi %min3A_187, %select_n3A_202 : vector<16xi32>
        %add3A_204 = arith.constant 5 : i32
        %add3A_205 = vector.broadcast %add3A_204 : i32 to vector<16xi32>
        %add3A_206 = arith.addi %mul3A_122, %add3A_205 : vector<16xi32>
        %gather3A_207 = arith.constant 1 : i32
        %gather3A_208 = arith.constant 0 : i32
        %gather3A_209 = arith.constant 0 : i32
        %gather3A_210 = tpu.memref_slice %arg9[%gather3A_207, %gather3A_208, %gather3A_209] : memref<2x128x128xi32, #tpu.memory_space<vmem>> -> memref<1x128x128xi32, #tpu.memory_space<vmem>>
        %gather3A_211 = tpu.memref_squeeze %gather3A_210 : memref<1x128x128xi32, #tpu.memory_space<vmem>> -> memref<128x128xi32, #tpu.memory_space<vmem>>
        %gather3A_212 = tpu.vector_load_idx %gather3A_211[%add3A_113, %add3A_206] : memref<128x128xi32, #tpu.memory_space<vmem>>[vector<16xi32>, vector<16xi32>], vector<16xi32>,
        %eq3A_213 = arith.cmpi eq, %gather3A_212, %shift_right_logical3A_126 : vector<16xi32>
        %jit3A_214 = arith.constant 5 : i32
        %jit3A_215 = arith.constant 16 : i32
        %broadcast_in_dim3A_216 = vector.broadcast %jit3A_214 : i32 to vector<16xi32>
        %broadcast_in_dim3A_217 = vector.broadcast %jit3A_215 : i32 to vector<16xi32>
        %select_n3A_218 = arith.select %eq3A_213, %broadcast_in_dim3A_216, %broadcast_in_dim3A_217 : vector<16xi1>, vector<16xi32>
        %min3A_219 = arith.minsi %min3A_203, %select_n3A_218 : vector<16xi32>
        %add3A_220 = arith.constant 6 : i32
        %add3A_221 = vector.broadcast %add3A_220 : i32 to vector<16xi32>
        %add3A_222 = arith.addi %mul3A_122, %add3A_221 : vector<16xi32>
        %gather3A_223 = arith.constant 1 : i32
        %gather3A_224 = arith.constant 0 : i32
        %gather3A_225 = arith.constant 0 : i32
        %gather3A_226 = tpu.memref_slice %arg9[%gather3A_223, %gather3A_224, %gather3A_225] : memref<2x128x128xi32, #tpu.memory_space<vmem>> -> memref<1x128x128xi32, #tpu.memory_space<vmem>>
        %gather3A_227 = tpu.memref_squeeze %gather3A_226 : memref<1x128x128xi32, #tpu.memory_space<vmem>> -> memref<128x128xi32, #tpu.memory_space<vmem>>
        %gather3A_228 = tpu.vector_load_idx %gather3A_227[%add3A_113, %add3A_222] : memref<128x128xi32, #tpu.memory_space<vmem>>[vector<16xi32>, vector<16xi32>], vector<16xi32>,
        %eq3A_229 = arith.cmpi eq, %gather3A_228, %shift_right_logical3A_126 : vector<16xi32>
        %jit3A_230 = arith.constant 6 : i32
        %jit3A_231 = arith.constant 16 : i32
        %broadcast_in_dim3A_232 = vector.broadcast %jit3A_230 : i32 to vector<16xi32>
        %broadcast_in_dim3A_233 = vector.broadcast %jit3A_231 : i32 to vector<16xi32>
        %select_n3A_234 = arith.select %eq3A_229, %broadcast_in_dim3A_232, %broadcast_in_dim3A_233 : vector<16xi1>, vector<16xi32>
        %min3A_235 = arith.minsi %min3A_219, %select_n3A_234 : vector<16xi32>
        %add3A_236 = arith.constant 7 : i32
        %add3A_237 = vector.broadcast %add3A_236 : i32 to vector<16xi32>
        %add3A_238 = arith.addi %mul3A_122, %add3A_237 : vector<16xi32>
        %gather3A_239 = arith.constant 1 : i32
        %gather3A_240 = arith.constant 0 : i32
        %gather3A_241 = arith.constant 0 : i32
        %gather3A_242 = tpu.memref_slice %arg9[%gather3A_239, %gather3A_240, %gather3A_241] : memref<2x128x128xi32, #tpu.memory_space<vmem>> -> memref<1x128x128xi32, #tpu.memory_space<vmem>>
        %gather3A_243 = tpu.memref_squeeze %gather3A_242 : memref<1x128x128xi32, #tpu.memory_space<vmem>> -> memref<128x128xi32, #tpu.memory_space<vmem>>
        %gather3A_244 = tpu.vector_load_idx %gather3A_243[%add3A_113, %add3A_238] : memref<128x128xi32, #tpu.memory_space<vmem>>[vector<16xi32>, vector<16xi32>], vector<16xi32>,
        %eq3A_245 = arith.cmpi eq, %gather3A_244, %shift_right_logical3A_126 : vector<16xi32>
        %jit3A_246 = arith.constant 7 : i32
        %jit3A_247 = arith.constant 16 : i32
        %broadcast_in_dim3A_248 = vector.broadcast %jit3A_246 : i32 to vector<16xi32>
        %broadcast_in_dim3A_249 = vector.broadcast %jit3A_247 : i32 to vector<16xi32>
        %select_n3A_250 = arith.select %eq3A_245, %broadcast_in_dim3A_248, %broadcast_in_dim3A_249 : vector<16xi1>, vector<16xi32>
        %min3A_251 = arith.minsi %min3A_235, %select_n3A_250 : vector<16xi32>
        %add3A_252 = arith.constant 8 : i32
        %add3A_253 = vector.broadcast %add3A_252 : i32 to vector<16xi32>
        %add3A_254 = arith.addi %mul3A_122, %add3A_253 : vector<16xi32>
        %gather3A_255 = arith.constant 1 : i32
        %gather3A_256 = arith.constant 0 : i32
        %gather3A_257 = arith.constant 0 : i32
        %gather3A_258 = tpu.memref_slice %arg9[%gather3A_255, %gather3A_256, %gather3A_257] : memref<2x128x128xi32, #tpu.memory_space<vmem>> -> memref<1x128x128xi32, #tpu.memory_space<vmem>>
        %gather3A_259 = tpu.memref_squeeze %gather3A_258 : memref<1x128x128xi32, #tpu.memory_space<vmem>> -> memref<128x128xi32, #tpu.memory_space<vmem>>
        %gather3A_260 = tpu.vector_load_idx %gather3A_259[%add3A_113, %add3A_254] : memref<128x128xi32, #tpu.memory_space<vmem>>[vector<16xi32>, vector<16xi32>], vector<16xi32>,
        %eq3A_261 = arith.cmpi eq, %gather3A_260, %shift_right_logical3A_126 : vector<16xi32>
        %jit3A_262 = arith.constant 8 : i32
        %jit3A_263 = arith.constant 16 : i32
        %broadcast_in_dim3A_264 = vector.broadcast %jit3A_262 : i32 to vector<16xi32>
        %broadcast_in_dim3A_265 = vector.broadcast %jit3A_263 : i32 to vector<16xi32>
        %select_n3A_266 = arith.select %eq3A_261, %broadcast_in_dim3A_264, %broadcast_in_dim3A_265 : vector<16xi1>, vector<16xi32>
        %min3A_267 = arith.minsi %min3A_251, %select_n3A_266 : vector<16xi32>
        %add3A_268 = arith.constant 9 : i32
        %add3A_269 = vector.broadcast %add3A_268 : i32 to vector<16xi32>
        %add3A_270 = arith.addi %mul3A_122, %add3A_269 : vector<16xi32>
        %gather3A_271 = arith.constant 1 : i32
        %gather3A_272 = arith.constant 0 : i32
        %gather3A_273 = arith.constant 0 : i32
        %gather3A_274 = tpu.memref_slice %arg9[%gather3A_271, %gather3A_272, %gather3A_273] : memref<2x128x128xi32, #tpu.memory_space<vmem>> -> memref<1x128x128xi32, #tpu.memory_space<vmem>>
        %gather3A_275 = tpu.memref_squeeze %gather3A_274 : memref<1x128x128xi32, #tpu.memory_space<vmem>> -> memref<128x128xi32, #tpu.memory_space<vmem>>
        %gather3A_276 = tpu.vector_load_idx %gather3A_275[%add3A_113, %add3A_270] : memref<128x128xi32, #tpu.memory_space<vmem>>[vector<16xi32>, vector<16xi32>], vector<16xi32>,
        %eq3A_277 = arith.cmpi eq, %gather3A_276, %shift_right_logical3A_126 : vector<16xi32>
        %jit3A_278 = arith.constant 9 : i32
        %jit3A_279 = arith.constant 16 : i32
        %broadcast_in_dim3A_280 = vector.broadcast %jit3A_278 : i32 to vector<16xi32>
        %broadcast_in_dim3A_281 = vector.broadcast %jit3A_279 : i32 to vector<16xi32>
        %select_n3A_282 = arith.select %eq3A_277, %broadcast_in_dim3A_280, %broadcast_in_dim3A_281 : vector<16xi1>, vector<16xi32>
        %min3A_283 = arith.minsi %min3A_267, %select_n3A_282 : vector<16xi32>
        %add3A_284 = arith.constant 10 : i32
        %add3A_285 = vector.broadcast %add3A_284 : i32 to vector<16xi32>
        %add3A_286 = arith.addi %mul3A_122, %add3A_285 : vector<16xi32>
        %gather3A_287 = arith.constant 1 : i32
        %gather3A_288 = arith.constant 0 : i32
        %gather3A_289 = arith.constant 0 : i32
        %gather3A_290 = tpu.memref_slice %arg9[%gather3A_287, %gather3A_288, %gather3A_289] : memref<2x128x128xi32, #tpu.memory_space<vmem>> -> memref<1x128x128xi32, #tpu.memory_space<vmem>>
        %gather3A_291 = tpu.memref_squeeze %gather3A_290 : memref<1x128x128xi32, #tpu.memory_space<vmem>> -> memref<128x128xi32, #tpu.memory_space<vmem>>
        %gather3A_292 = tpu.vector_load_idx %gather3A_291[%add3A_113, %add3A_286] : memref<128x128xi32, #tpu.memory_space<vmem>>[vector<16xi32>, vector<16xi32>], vector<16xi32>,
        %eq3A_293 = arith.cmpi eq, %gather3A_292, %shift_right_logical3A_126 : vector<16xi32>
        %jit3A_294 = arith.constant 10 : i32
        %jit3A_295 = arith.constant 16 : i32
        %broadcast_in_dim3A_296 = vector.broadcast %jit3A_294 : i32 to vector<16xi32>
        %broadcast_in_dim3A_297 = vector.broadcast %jit3A_295 : i32 to vector<16xi32>
        %select_n3A_298 = arith.select %eq3A_293, %broadcast_in_dim3A_296, %broadcast_in_dim3A_297 : vector<16xi1>, vector<16xi32>
        %min3A_299 = arith.minsi %min3A_283, %select_n3A_298 : vector<16xi32>
        %add3A_300 = arith.constant 11 : i32
        %add3A_301 = vector.broadcast %add3A_300 : i32 to vector<16xi32>
        %add3A_302 = arith.addi %mul3A_122, %add3A_301 : vector<16xi32>
        %gather3A_303 = arith.constant 1 : i32
        %gather3A_304 = arith.constant 0 : i32
        %gather3A_305 = arith.constant 0 : i32
        %gather3A_306 = tpu.memref_slice %arg9[%gather3A_303, %gather3A_304, %gather3A_305] : memref<2x128x128xi32, #tpu.memory_space<vmem>> -> memref<1x128x128xi32, #tpu.memory_space<vmem>>
        %gather3A_307 = tpu.memref_squeeze %gather3A_306 : memref<1x128x128xi32, #tpu.memory_space<vmem>> -> memref<128x128xi32, #tpu.memory_space<vmem>>
        %gather3A_308 = tpu.vector_load_idx %gather3A_307[%add3A_113, %add3A_302] : memref<128x128xi32, #tpu.memory_space<vmem>>[vector<16xi32>, vector<16xi32>], vector<16xi32>,
        %eq3A_309 = arith.cmpi eq, %gather3A_308, %shift_right_logical3A_126 : vector<16xi32>
        %jit3A_310 = arith.constant 11 : i32
        %jit3A_311 = arith.constant 16 : i32
        %broadcast_in_dim3A_312 = vector.broadcast %jit3A_310 : i32 to vector<16xi32>
        %broadcast_in_dim3A_313 = vector.broadcast %jit3A_311 : i32 to vector<16xi32>
        %select_n3A_314 = arith.select %eq3A_309, %broadcast_in_dim3A_312, %broadcast_in_dim3A_313 : vector<16xi1>, vector<16xi32>
        %min3A_315 = arith.minsi %min3A_299, %select_n3A_314 : vector<16xi32>
        %add3A_316 = arith.constant 12 : i32
        %add3A_317 = vector.broadcast %add3A_316 : i32 to vector<16xi32>
        %add3A_318 = arith.addi %mul3A_122, %add3A_317 : vector<16xi32>
        %gather3A_319 = arith.constant 1 : i32
        %gather3A_320 = arith.constant 0 : i32
        %gather3A_321 = arith.constant 0 : i32
        %gather3A_322 = tpu.memref_slice %arg9[%gather3A_319, %gather3A_320, %gather3A_321] : memref<2x128x128xi32, #tpu.memory_space<vmem>> -> memref<1x128x128xi32, #tpu.memory_space<vmem>>
        %gather3A_323 = tpu.memref_squeeze %gather3A_322 : memref<1x128x128xi32, #tpu.memory_space<vmem>> -> memref<128x128xi32, #tpu.memory_space<vmem>>
        %gather3A_324 = tpu.vector_load_idx %gather3A_323[%add3A_113, %add3A_318] : memref<128x128xi32, #tpu.memory_space<vmem>>[vector<16xi32>, vector<16xi32>], vector<16xi32>,
        %eq3A_325 = arith.cmpi eq, %gather3A_324, %shift_right_logical3A_126 : vector<16xi32>
        %jit3A_326 = arith.constant 12 : i32
        %jit3A_327 = arith.constant 16 : i32
        %broadcast_in_dim3A_328 = vector.broadcast %jit3A_326 : i32 to vector<16xi32>
        %broadcast_in_dim3A_329 = vector.broadcast %jit3A_327 : i32 to vector<16xi32>
        %select_n3A_330 = arith.select %eq3A_325, %broadcast_in_dim3A_328, %broadcast_in_dim3A_329 : vector<16xi1>, vector<16xi32>
        %min3A_331 = arith.minsi %min3A_315, %select_n3A_330 : vector<16xi32>
        %add3A_332 = arith.constant 13 : i32
        %add3A_333 = vector.broadcast %add3A_332 : i32 to vector<16xi32>
        %add3A_334 = arith.addi %mul3A_122, %add3A_333 : vector<16xi32>
        %gather3A_335 = arith.constant 1 : i32
        %gather3A_336 = arith.constant 0 : i32
        %gather3A_337 = arith.constant 0 : i32
        %gather3A_338 = tpu.memref_slice %arg9[%gather3A_335, %gather3A_336, %gather3A_337] : memref<2x128x128xi32, #tpu.memory_space<vmem>> -> memref<1x128x128xi32, #tpu.memory_space<vmem>>
        %gather3A_339 = tpu.memref_squeeze %gather3A_338 : memref<1x128x128xi32, #tpu.memory_space<vmem>> -> memref<128x128xi32, #tpu.memory_space<vmem>>
        %gather3A_340 = tpu.vector_load_idx %gather3A_339[%add3A_113, %add3A_334] : memref<128x128xi32, #tpu.memory_space<vmem>>[vector<16xi32>, vector<16xi32>], vector<16xi32>,
        %eq3A_341 = arith.cmpi eq, %gather3A_340, %shift_right_logical3A_126 : vector<16xi32>
        %jit3A_342 = arith.constant 13 : i32
        %jit3A_343 = arith.constant 16 : i32
        %broadcast_in_dim3A_344 = vector.broadcast %jit3A_342 : i32 to vector<16xi32>
        %broadcast_in_dim3A_345 = vector.broadcast %jit3A_343 : i32 to vector<16xi32>
        %select_n3A_346 = arith.select %eq3A_341, %broadcast_in_dim3A_344, %broadcast_in_dim3A_345 : vector<16xi1>, vector<16xi32>
        %min3A_347 = arith.minsi %min3A_331, %select_n3A_346 : vector<16xi32>
        %add3A_348 = arith.constant 14 : i32
        %add3A_349 = vector.broadcast %add3A_348 : i32 to vector<16xi32>
        %add3A_350 = arith.addi %mul3A_122, %add3A_349 : vector<16xi32>
        %gather3A_351 = arith.constant 1 : i32
        %gather3A_352 = arith.constant 0 : i32
        %gather3A_353 = arith.constant 0 : i32
        %gather3A_354 = tpu.memref_slice %arg9[%gather3A_351, %gather3A_352, %gather3A_353] : memref<2x128x128xi32, #tpu.memory_space<vmem>> -> memref<1x128x128xi32, #tpu.memory_space<vmem>>
        %gather3A_355 = tpu.memref_squeeze %gather3A_354 : memref<1x128x128xi32, #tpu.memory_space<vmem>> -> memref<128x128xi32, #tpu.memory_space<vmem>>
        %gather3A_356 = tpu.vector_load_idx %gather3A_355[%add3A_113, %add3A_350] : memref<128x128xi32, #tpu.memory_space<vmem>>[vector<16xi32>, vector<16xi32>], vector<16xi32>,
        %eq3A_357 = arith.cmpi eq, %gather3A_356, %shift_right_logical3A_126 : vector<16xi32>
        %jit3A_358 = arith.constant 14 : i32
        %jit3A_359 = arith.constant 16 : i32
        %broadcast_in_dim3A_360 = vector.broadcast %jit3A_358 : i32 to vector<16xi32>
        %broadcast_in_dim3A_361 = vector.broadcast %jit3A_359 : i32 to vector<16xi32>
        %select_n3A_362 = arith.select %eq3A_357, %broadcast_in_dim3A_360, %broadcast_in_dim3A_361 : vector<16xi1>, vector<16xi32>
        %min3A_363 = arith.minsi %min3A_347, %select_n3A_362 : vector<16xi32>
        %add3A_364 = arith.constant 15 : i32
        %add3A_365 = vector.broadcast %add3A_364 : i32 to vector<16xi32>
        %add3A_366 = arith.addi %mul3A_122, %add3A_365 : vector<16xi32>
        %gather3A_367 = arith.constant 1 : i32
        %gather3A_368 = arith.constant 0 : i32
        %gather3A_369 = arith.constant 0 : i32
        %gather3A_370 = tpu.memref_slice %arg9[%gather3A_367, %gather3A_368, %gather3A_369] : memref<2x128x128xi32, #tpu.memory_space<vmem>> -> memref<1x128x128xi32, #tpu.memory_space<vmem>>
        %gather3A_371 = tpu.memref_squeeze %gather3A_370 : memref<1x128x128xi32, #tpu.memory_space<vmem>> -> memref<128x128xi32, #tpu.memory_space<vmem>>
        %gather3A_372 = tpu.vector_load_idx %gather3A_371[%add3A_113, %add3A_366] : memref<128x128xi32, #tpu.memory_space<vmem>>[vector<16xi32>, vector<16xi32>], vector<16xi32>,
        %eq3A_373 = arith.cmpi eq, %gather3A_372, %shift_right_logical3A_126 : vector<16xi32>
        %jit3A_374 = arith.constant 15 : i32
        %jit3A_375 = arith.constant 16 : i32
        %broadcast_in_dim3A_376 = vector.broadcast %jit3A_374 : i32 to vector<16xi32>
        %broadcast_in_dim3A_377 = vector.broadcast %jit3A_375 : i32 to vector<16xi32>
        %select_n3A_378 = arith.select %eq3A_373, %broadcast_in_dim3A_376, %broadcast_in_dim3A_377 : vector<16xi1>, vector<16xi32>
        %min3A_379 = arith.minsi %min3A_363, %select_n3A_378 : vector<16xi32>
        %lt3A = arith.constant 16 : i32
        %lt3A_380 = vector.broadcast %lt3A : i32 to vector<16xi32>
        %lt3A_381 = arith.cmpi slt, %min3A_379, %lt3A_380 : vector<16xi32>
        %mul3A_382 = arith.constant 16 : i32
        %mul3A_383 = vector.broadcast %mul3A_382 : i32 to vector<16xi32>
        %mul3A_384 = arith.muli %gather3A_117, %mul3A_383 : vector<16xi32>
        %jit3A_385 = arith.constant 0 : i32
        %broadcast_in_dim3A_386 = vector.broadcast %jit3A_385 : i32 to vector<16xi32>
        %select_n3A_387 = arith.select %lt3A_381, %min3A_379, %broadcast_in_dim3A_386 : vector<16xi1>, vector<16xi32>
        %add3A_388 = arith.addi %mul3A_384, %select_n3A_387 : vector<16xi32>
        %scatter3A = arith.constant 1 : i32
        %scatter3A_389 = arith.constant 0 : i32
        %scatter3A_390 = tpu.memref_slice %arg10[%scatter3A, %scatter3A_389] : memref<2x128xi32, #tpu.memory_space<vmem>> -> memref<1x128xi32, #tpu.memory_space<vmem>>
        %scatter3A_391 = tpu.memref_squeeze %scatter3A_390 : memref<1x128xi32, #tpu.memory_space<vmem>> -> memref<128xi32, #tpu.memory_space<vmem>>
        tpu.vector_store_idx %scatter3A_391[%add3A_113], %add3A_388 : memref<128xi32, #tpu.memory_space<vmem>>[vector<16xi32>], vector<16xi32>,
        %jit3A_392 = arith.constant 1.000000e+00 : f32
        %jit3A_393 = arith.constant 0.000000e+00 : f32
        %broadcast_in_dim3A_394 = vector.broadcast %jit3A_392 : f32 to vector<16xf32>
        %broadcast_in_dim3A_395 = vector.broadcast %jit3A_393 : f32 to vector<16xf32>
        %select_n3A_396 = arith.select %lt3A_381, %broadcast_in_dim3A_394, %broadcast_in_dim3A_395 : vector<16xi1>, vector<16xf32>
        %scatter3A_397 = arith.constant 1 : i32
        %scatter3A_398 = arith.constant 0 : i32
        %scatter3A_399 = tpu.memref_slice %arg11[%scatter3A_397, %scatter3A_398] : memref<2x128xf32, #tpu.memory_space<vmem>> -> memref<1x128xf32, #tpu.memory_space<vmem>>
        %scatter3A_400 = tpu.memref_squeeze %scatter3A_399 : memref<1x128xf32, #tpu.memory_space<vmem>> -> memref<128xf32, #tpu.memory_space<vmem>>
        tpu.vector_store_idx %scatter3A_400[%add3A_113], %select_n3A_396 : memref<128xf32, #tpu.memory_space<vmem>>[vector<16xi32>], vector<16xf32>,
        %jit3A_401 = arith.constant 1 : i32
        %jit3A_402 = arith.constant 0 : i32
        %broadcast_in_dim3A_403 = vector.broadcast %jit3A_401 : i32 to vector<16xi32>
        %broadcast_in_dim3A_404 = vector.broadcast %jit3A_402 : i32 to vector<16xi32>
        %select_n3A_405 = arith.select %lt3A_381, %broadcast_in_dim3A_403, %broadcast_in_dim3A_404 : vector<16xi1>, vector<16xi32>
        %reduce_sum3A = arith.constant true
        %reduce_sum3A_406 = vector.broadcast %reduce_sum3A : i1 to vector<16xi1>
        %reduce_sum3A_407 = tpu.scan <sum>, %select_n3A_405 masked %reduce_sum3A_406 : vector<16xi32>, vector<16xi1> -> vector<16xi32>
        %reduce_sum3A_408 = vector.extract %reduce_sum3A_407[15] : i32 from vector<16xi32>
        %add3A_409 = arith.addi %scan3A_109, %reduce_sum3A_408 : i32
        scf.yield %add3A_409 : i32
      }
      %scan3A_97 = arith.constant 8 : i32
      %gt3A = arith.constant 0 : i32
      %gt3A_98 = arith.cmpi sgt, %scan3A_77, %gt3A : i32
      %convert_element_type3A = arith.extui %gt3A_98 : i1 to i32
      %cond3A = arith.constant 0 : i32
      %cond3A_99 = arith.cmpi ne, %convert_element_type3A, %cond3A : i32
      scf.if %cond3A_99 {
        %dma_start3A_108 = arith.constant 0 : i32
        %dma_start3A_109 = arith.constant 0 : i32
        %dma_start3A_110 = arith.constant 0 : i32
        %dma_start3A_111 = arith.constant 0 : i32
        %dma_start3A_112 = tpu.memref_slice %arg12[%dma_start3A_109, %dma_start3A_110, %dma_start3A_111] : memref<2x128x128xf32, #tpu.memory_space<vmem>> -> memref<1x128x128xf32, #tpu.memory_space<vmem>>
        %dma_start3A_113 = tpu.memref_squeeze %dma_start3A_112 : memref<1x128x128xf32, #tpu.memory_space<vmem>> -> memref<128x128xf32, #tpu.memory_space<vmem>>
        %dma_start3A_114 = arith.constant 0 : i32
        %dma_start3A_115 = tpu.memref_slice %arg10[%dma_start3A_108, %dma_start3A_114] : memref<2x128xi32, #tpu.memory_space<vmem>> -> memref<1x128xi32, #tpu.memory_space<vmem>>
        %dma_start3A_116 = tpu.memref_squeeze %dma_start3A_115 : memref<1x128xi32, #tpu.memory_space<vmem>> -> memref<128xi32, #tpu.memory_space<vmem>>
        %dma_start3A_117 = arith.constant 0 : i32
        %dma_start3A_118 = arith.constant 0 : i32
        %dma_start3A_119 = tpu.memref_slice %arg4[%dma_start3A_117, %dma_start3A_118] : memref<160000x128xf32, #tpu.memory_space<hbm>> -> memref<160000x128xf32, #tpu.memory_space<hbm>>
        tpu.enqueue_indirect_dma source(%dma_start3A_119 : memref<160000x128xf32, #tpu.memory_space<hbm>>) target(%dma_start3A_113 : memref<128x128xf32, #tpu.memory_space<vmem>>) offsets(%dma_start3A_116 : memref<128xi32, #tpu.memory_space<vmem>>) semaphore(%arg15 : memref<!tpu.dma_semaphore, #tpu.memory_space<semaphore_mem>>)
        %dma_wait3A_120 = arith.constant 0 : i32
        %dma_wait3A_121 = arith.constant 0 : i32
        %dma_wait3A_122 = arith.constant 0 : i32
        %dma_wait3A_123 = arith.constant 0 : i32
        %dma_wait3A_124 = tpu.memref_slice %arg12[%dma_wait3A_121, %dma_wait3A_122, %dma_wait3A_123] : memref<2x128x128xf32, #tpu.memory_space<vmem>> -> memref<1x128x128xf32, #tpu.memory_space<vmem>>
        %dma_wait3A_125 = tpu.memref_squeeze %dma_wait3A_124 : memref<1x128x128xf32, #tpu.memory_space<vmem>> -> memref<128x128xf32, #tpu.memory_space<vmem>>
        %dma_wait3A_126 = arith.constant 0 : i32
        %dma_wait3A_127 = tpu.memref_slice %arg10[%dma_wait3A_120, %dma_wait3A_126] : memref<2x128xi32, #tpu.memory_space<vmem>> -> memref<1x128xi32, #tpu.memory_space<vmem>>
        %dma_wait3A_128 = tpu.memref_squeeze %dma_wait3A_127 : memref<1x128xi32, #tpu.memory_space<vmem>> -> memref<128xi32, #tpu.memory_space<vmem>>
        %dma_wait3A_129 = arith.constant 0 : i32
        %dma_wait3A_130 = arith.constant 0 : i32
        %dma_wait3A_131 = tpu.memref_slice %arg4[%dma_wait3A_129, %dma_wait3A_130] : memref<160000x128xf32, #tpu.memory_space<hbm>> -> memref<160000x128xf32, #tpu.memory_space<hbm>>
        tpu.wait_indirect_dma semaphore(%arg15 : memref<!tpu.dma_semaphore, #tpu.memory_space<semaphore_mem>>) src(%dma_wait3A_131 : memref<160000x128xf32, #tpu.memory_space<hbm>>) dst(%dma_wait3A_125 : memref<128x128xf32, #tpu.memory_space<vmem>>)
        %run_scoped3A_132 = arith.constant 0 : i32
        "tpu.region"() ({
          %run_scoped3A_133 = tpu.sem_alloc : memref<!tpu.dma_semaphore, #tpu.memory_space<semaphore_mem>>
          %dma_start3A_134 = arith.constant 0 : i32
          %dma_start3A_135 = arith.constant 0 : i32
          %dma_start3A_136 = tpu.memref_slice %arg12[%run_scoped3A_132, %dma_start3A_134, %dma_start3A_135] : memref<2x128x128xf32, #tpu.memory_space<vmem>> -> memref<1x128x128xf32, #tpu.memory_space<vmem>>
          %dma_start3A_137 = tpu.memref_squeeze %dma_start3A_136 : memref<1x128x128xf32, #tpu.memory_space<vmem>> -> memref<128x128xf32, #tpu.memory_space<vmem>>
          %dma_start3A_138 = arith.constant 0 : i32
          %dma_start3A_139 = tpu.memref_slice %arg5[%add3A_15, %dma_start3A_138] : memref<163840x128xf32, #tpu.memory_space<hbm>> -> memref<128x128xf32, #tpu.memory_space<hbm>>
          %dma_start3A_140 = arith.constant 0 : i32
          %dma_start3A_141 = tpu.memref_slice %arg5[%add3A_15, %dma_start3A_140] : memref<163840x128xf32, #tpu.memory_space<hbm>> -> memref<128x128xf32, #tpu.memory_space<hbm>>
          %dma_start3A_142 = arith.constant 0 : i32
          %dma_start3A_143 = arith.constant 0 : i32
          %dma_start3A_144 = tpu.memref_slice %arg12[%run_scoped3A_132, %dma_start3A_142, %dma_start3A_143] : memref<2x128x128xf32, #tpu.memory_space<vmem>> -> memref<1x128x128xf32, #tpu.memory_space<vmem>>
          %dma_start3A_145 = tpu.memref_squeeze %dma_start3A_144 : memref<1x128x128xf32, #tpu.memory_space<vmem>> -> memref<128x128xf32, #tpu.memory_space<vmem>>
          tpu.enqueue_dma source(%dma_start3A_145 : memref<128x128xf32, #tpu.memory_space<vmem>>) target(%dma_start3A_141 : memref<128x128xf32, #tpu.memory_space<hbm>>) target_semaphore(%run_scoped3A_133 : memref<!tpu.dma_semaphore, #tpu.memory_space<semaphore_mem>>)
          %dma_wait3A_146 = arith.constant 0 : i32
          %dma_wait3A_147 = arith.constant 0 : i32
          %dma_wait3A_148 = tpu.memref_slice %arg12[%run_scoped3A_132, %dma_wait3A_146, %dma_wait3A_147] : memref<2x128x128xf32, #tpu.memory_space<vmem>> -> memref<1x128x128xf32, #tpu.memory_space<vmem>>
          %dma_wait3A_149 = tpu.memref_squeeze %dma_wait3A_148 : memref<1x128x128xf32, #tpu.memory_space<vmem>> -> memref<128x128xf32, #tpu.memory_space<vmem>>
          %dma_wait3A_150 = arith.constant 0 : i32
          %dma_wait3A_151 = tpu.memref_slice %arg5[%add3A_15, %dma_wait3A_150] : memref<163840x128xf32, #tpu.memory_space<hbm>> -> memref<128x128xf32, #tpu.memory_space<hbm>>
          %dma_wait3A_152 = arith.constant 0 : i32
          %dma_wait3A_153 = tpu.memref_slice %arg5[%add3A_15, %dma_wait3A_152] : memref<163840x128xf32, #tpu.memory_space<hbm>> -> memref<128x128xf32, #tpu.memory_space<hbm>>
          %dma_wait3A_154 = arith.constant 0 : i32
          %dma_wait3A_155 = arith.constant 0 : i32
          %dma_wait3A_156 = tpu.memref_slice %arg12[%run_scoped3A_132, %dma_wait3A_154, %dma_wait3A_155] : memref<2x128x128xf32, #tpu.memory_space<vmem>> -> memref<1x128x128xf32, #tpu.memory_space<vmem>>
          %dma_wait3A_157 = tpu.memref_squeeze %dma_wait3A_156 : memref<1x128x128xf32, #tpu.memory_space<vmem>> -> memref<128x128xf32, #tpu.memory_space<vmem>>
          tpu.wait_dma2 semaphore(%run_scoped3A_133 : memref<!tpu.dma_semaphore, #tpu.memory_space<semaphore_mem>>) src(%dma_wait3A_157 : memref<128x128xf32, #tpu.memory_space<vmem>>) dst(%dma_wait3A_153 : memref<128x128xf32, #tpu.memory_space<hbm>>)
          tpu.yield
        }) : () -> ()
      } else {
      }
      %run_scoped3A_100 = arith.constant 0 : i32
      "tpu.region"() ({
        %run_scoped3A_108 = tpu.sem_alloc : memref<!tpu.dma_semaphore, #tpu.memory_space<semaphore_mem>>
        %dma_start3A_109 = arith.constant 0 : i32
        %dma_start3A_110 = tpu.memref_slice %arg11[%run_scoped3A_100, %dma_start3A_109] : memref<2x128xf32, #tpu.memory_space<vmem>> -> memref<1x128xf32, #tpu.memory_space<vmem>>
        %dma_start3A_111 = tpu.memref_squeeze %dma_start3A_110 : memref<1x128xf32, #tpu.memory_space<vmem>> -> memref<128xf32, #tpu.memory_space<vmem>>
        %dma_start3A_112 = tpu.memref_slice %arg6[%add3A_15] : memref<163840xf32, #tpu.memory_space<hbm>> -> memref<128xf32, #tpu.memory_space<hbm>>
        %dma_start3A_113 = tpu.memref_slice %arg6[%add3A_15] : memref<163840xf32, #tpu.memory_space<hbm>> -> memref<128xf32, #tpu.memory_space<hbm>>
        %dma_start3A_114 = arith.constant 0 : i32
        %dma_start3A_115 = tpu.memref_slice %arg11[%run_scoped3A_100, %dma_start3A_114] : memref<2x128xf32, #tpu.memory_space<vmem>> -> memref<1x128xf32, #tpu.memory_space<vmem>>
        %dma_start3A_116 = tpu.memref_squeeze %dma_start3A_115 : memref<1x128xf32, #tpu.memory_space<vmem>> -> memref<128xf32, #tpu.memory_space<vmem>>
        tpu.enqueue_dma source(%dma_start3A_116 : memref<128xf32, #tpu.memory_space<vmem>>) target(%dma_start3A_113 : memref<128xf32, #tpu.memory_space<hbm>>) target_semaphore(%run_scoped3A_108 : memref<!tpu.dma_semaphore, #tpu.memory_space<semaphore_mem>>)
        %dma_wait3A_117 = arith.constant 0 : i32
        %dma_wait3A_118 = tpu.memref_slice %arg11[%run_scoped3A_100, %dma_wait3A_117] : memref<2x128xf32, #tpu.memory_space<vmem>> -> memref<1x128xf32, #tpu.memory_space<vmem>>
        %dma_wait3A_119 = tpu.memref_squeeze %dma_wait3A_118 : memref<1x128xf32, #tpu.memory_space<vmem>> -> memref<128xf32, #tpu.memory_space<vmem>>
        %dma_wait3A_120 = tpu.memref_slice %arg6[%add3A_15] : memref<163840xf32, #tpu.memory_space<hbm>> -> memref<128xf32, #tpu.memory_space<hbm>>
        %dma_wait3A_121 = tpu.memref_slice %arg6[%add3A_15] : memref<163840xf32, #tpu.memory_space<hbm>> -> memref<128xf32, #tpu.memory_space<hbm>>
        %dma_wait3A_122 = arith.constant 0 : i32
        %dma_wait3A_123 = tpu.memref_slice %arg11[%run_scoped3A_100, %dma_wait3A_122] : memref<2x128xf32, #tpu.memory_space<vmem>> -> memref<1x128xf32, #tpu.memory_space<vmem>>
        %dma_wait3A_124 = tpu.memref_squeeze %dma_wait3A_123 : memref<1x128xf32, #tpu.memory_space<vmem>> -> memref<128xf32, #tpu.memory_space<vmem>>
        tpu.wait_dma2 semaphore(%run_scoped3A_108 : memref<!tpu.dma_semaphore, #tpu.memory_space<semaphore_mem>>) src(%dma_wait3A_124 : memref<128xf32, #tpu.memory_space<vmem>>) dst(%dma_wait3A_121 : memref<128xf32, #tpu.memory_space<hbm>>)
        tpu.yield
      }) : () -> ()
      %gt3A_101 = arith.constant 0 : i32
      %gt3A_102 = arith.cmpi sgt, %scan3A_96, %gt3A_101 : i32
      %convert_element_type3A_103 = arith.extui %gt3A_102 : i1 to i32
      %cond3A_104 = arith.constant 0 : i32
      %cond3A_105 = arith.cmpi ne, %convert_element_type3A_103, %cond3A_104 : i32
      scf.if %cond3A_105 {
        %dma_start3A_108 = arith.constant 1 : i32
        %dma_start3A_109 = arith.constant 1 : i32
        %dma_start3A_110 = arith.constant 0 : i32
        %dma_start3A_111 = arith.constant 0 : i32
        %dma_start3A_112 = tpu.memref_slice %arg12[%dma_start3A_109, %dma_start3A_110, %dma_start3A_111] : memref<2x128x128xf32, #tpu.memory_space<vmem>> -> memref<1x128x128xf32, #tpu.memory_space<vmem>>
        %dma_start3A_113 = tpu.memref_squeeze %dma_start3A_112 : memref<1x128x128xf32, #tpu.memory_space<vmem>> -> memref<128x128xf32, #tpu.memory_space<vmem>>
        %dma_start3A_114 = arith.constant 0 : i32
        %dma_start3A_115 = tpu.memref_slice %arg10[%dma_start3A_108, %dma_start3A_114] : memref<2x128xi32, #tpu.memory_space<vmem>> -> memref<1x128xi32, #tpu.memory_space<vmem>>
        %dma_start3A_116 = tpu.memref_squeeze %dma_start3A_115 : memref<1x128xi32, #tpu.memory_space<vmem>> -> memref<128xi32, #tpu.memory_space<vmem>>
        %dma_start3A_117 = arith.constant 0 : i32
        %dma_start3A_118 = arith.constant 0 : i32
        %dma_start3A_119 = tpu.memref_slice %arg4[%dma_start3A_117, %dma_start3A_118] : memref<160000x128xf32, #tpu.memory_space<hbm>> -> memref<160000x128xf32, #tpu.memory_space<hbm>>
        tpu.enqueue_indirect_dma source(%dma_start3A_119 : memref<160000x128xf32, #tpu.memory_space<hbm>>) target(%dma_start3A_113 : memref<128x128xf32, #tpu.memory_space<vmem>>) offsets(%dma_start3A_116 : memref<128xi32, #tpu.memory_space<vmem>>) semaphore(%arg16 : memref<!tpu.dma_semaphore, #tpu.memory_space<semaphore_mem>>)
        %dma_wait3A_120 = arith.constant 1 : i32
        %dma_wait3A_121 = arith.constant 1 : i32
        %dma_wait3A_122 = arith.constant 0 : i32
        %dma_wait3A_123 = arith.constant 0 : i32
        %dma_wait3A_124 = tpu.memref_slice %arg12[%dma_wait3A_121, %dma_wait3A_122, %dma_wait3A_123] : memref<2x128x128xf32, #tpu.memory_space<vmem>> -> memref<1x128x128xf32, #tpu.memory_space<vmem>>
        %dma_wait3A_125 = tpu.memref_squeeze %dma_wait3A_124 : memref<1x128x128xf32, #tpu.memory_space<vmem>> -> memref<128x128xf32, #tpu.memory_space<vmem>>
        %dma_wait3A_126 = arith.constant 0 : i32
        %dma_wait3A_127 = tpu.memref_slice %arg10[%dma_wait3A_120, %dma_wait3A_126] : memref<2x128xi32, #tpu.memory_space<vmem>> -> memref<1x128xi32, #tpu.memory_space<vmem>>
        %dma_wait3A_128 = tpu.memref_squeeze %dma_wait3A_127 : memref<1x128xi32, #tpu.memory_space<vmem>> -> memref<128xi32, #tpu.memory_space<vmem>>
        %dma_wait3A_129 = arith.constant 0 : i32
        %dma_wait3A_130 = arith.constant 0 : i32
        %dma_wait3A_131 = tpu.memref_slice %arg4[%dma_wait3A_129, %dma_wait3A_130] : memref<160000x128xf32, #tpu.memory_space<hbm>> -> memref<160000x128xf32, #tpu.memory_space<hbm>>
        tpu.wait_indirect_dma semaphore(%arg16 : memref<!tpu.dma_semaphore, #tpu.memory_space<semaphore_mem>>) src(%dma_wait3A_131 : memref<160000x128xf32, #tpu.memory_space<hbm>>) dst(%dma_wait3A_125 : memref<128x128xf32, #tpu.memory_space<vmem>>)
        %run_scoped3A_132 = arith.constant 1 : i32
        "tpu.region"() ({
          %run_scoped3A_133 = tpu.sem_alloc : memref<!tpu.dma_semaphore, #tpu.memory_space<semaphore_mem>>
          %dma_start3A_134 = arith.constant 0 : i32
          %dma_start3A_135 = arith.constant 0 : i32
          %dma_start3A_136 = tpu.memref_slice %arg12[%run_scoped3A_132, %dma_start3A_134, %dma_start3A_135] : memref<2x128x128xf32, #tpu.memory_space<vmem>> -> memref<1x128x128xf32, #tpu.memory_space<vmem>>
          %dma_start3A_137 = tpu.memref_squeeze %dma_start3A_136 : memref<1x128x128xf32, #tpu.memory_space<vmem>> -> memref<128x128xf32, #tpu.memory_space<vmem>>
          %dma_start3A_138 = arith.constant 0 : i32
          %dma_start3A_139 = tpu.memref_slice %arg5[%add3A_22, %dma_start3A_138] : memref<163840x128xf32, #tpu.memory_space<hbm>> -> memref<128x128xf32, #tpu.memory_space<hbm>>
          %dma_start3A_140 = arith.constant 0 : i32
          %dma_start3A_141 = tpu.memref_slice %arg5[%add3A_22, %dma_start3A_140] : memref<163840x128xf32, #tpu.memory_space<hbm>> -> memref<128x128xf32, #tpu.memory_space<hbm>>
          %dma_start3A_142 = arith.constant 0 : i32
          %dma_start3A_143 = arith.constant 0 : i32
          %dma_start3A_144 = tpu.memref_slice %arg12[%run_scoped3A_132, %dma_start3A_142, %dma_start3A_143] : memref<2x128x128xf32, #tpu.memory_space<vmem>> -> memref<1x128x128xf32, #tpu.memory_space<vmem>>
          %dma_start3A_145 = tpu.memref_squeeze %dma_start3A_144 : memref<1x128x128xf32, #tpu.memory_space<vmem>> -> memref<128x128xf32, #tpu.memory_space<vmem>>
          tpu.enqueue_dma source(%dma_start3A_145 : memref<128x128xf32, #tpu.memory_space<vmem>>) target(%dma_start3A_141 : memref<128x128xf32, #tpu.memory_space<hbm>>) target_semaphore(%run_scoped3A_133 : memref<!tpu.dma_semaphore, #tpu.memory_space<semaphore_mem>>)
          %dma_wait3A_146 = arith.constant 0 : i32
          %dma_wait3A_147 = arith.constant 0 : i32
          %dma_wait3A_148 = tpu.memref_slice %arg12[%run_scoped3A_132, %dma_wait3A_146, %dma_wait3A_147] : memref<2x128x128xf32, #tpu.memory_space<vmem>> -> memref<1x128x128xf32, #tpu.memory_space<vmem>>
          %dma_wait3A_149 = tpu.memref_squeeze %dma_wait3A_148 : memref<1x128x128xf32, #tpu.memory_space<vmem>> -> memref<128x128xf32, #tpu.memory_space<vmem>>
          %dma_wait3A_150 = arith.constant 0 : i32
          %dma_wait3A_151 = tpu.memref_slice %arg5[%add3A_22, %dma_wait3A_150] : memref<163840x128xf32, #tpu.memory_space<hbm>> -> memref<128x128xf32, #tpu.memory_space<hbm>>
          %dma_wait3A_152 = arith.constant 0 : i32
          %dma_wait3A_153 = tpu.memref_slice %arg5[%add3A_22, %dma_wait3A_152] : memref<163840x128xf32, #tpu.memory_space<hbm>> -> memref<128x128xf32, #tpu.memory_space<hbm>>
          %dma_wait3A_154 = arith.constant 0 : i32
          %dma_wait3A_155 = arith.constant 0 : i32
          %dma_wait3A_156 = tpu.memref_slice %arg12[%run_scoped3A_132, %dma_wait3A_154, %dma_wait3A_155] : memref<2x128x128xf32, #tpu.memory_space<vmem>> -> memref<1x128x128xf32, #tpu.memory_space<vmem>>
          %dma_wait3A_157 = tpu.memref_squeeze %dma_wait3A_156 : memref<1x128x128xf32, #tpu.memory_space<vmem>> -> memref<128x128xf32, #tpu.memory_space<vmem>>
          tpu.wait_dma2 semaphore(%run_scoped3A_133 : memref<!tpu.dma_semaphore, #tpu.memory_space<semaphore_mem>>) src(%dma_wait3A_157 : memref<128x128xf32, #tpu.memory_space<vmem>>) dst(%dma_wait3A_153 : memref<128x128xf32, #tpu.memory_space<hbm>>)
          tpu.yield
        }) : () -> ()
      } else {
      }
      %run_scoped3A_106 = arith.constant 1 : i32
      "tpu.region"() ({
        %run_scoped3A_108 = tpu.sem_alloc : memref<!tpu.dma_semaphore, #tpu.memory_space<semaphore_mem>>
        %dma_start3A_109 = arith.constant 0 : i32
        %dma_start3A_110 = tpu.memref_slice %arg11[%run_scoped3A_106, %dma_start3A_109] : memref<2x128xf32, #tpu.memory_space<vmem>> -> memref<1x128xf32, #tpu.memory_space<vmem>>
        %dma_start3A_111 = tpu.memref_squeeze %dma_start3A_110 : memref<1x128xf32, #tpu.memory_space<vmem>> -> memref<128xf32, #tpu.memory_space<vmem>>
        %dma_start3A_112 = tpu.memref_slice %arg6[%add3A_22] : memref<163840xf32, #tpu.memory_space<hbm>> -> memref<128xf32, #tpu.memory_space<hbm>>
        %dma_start3A_113 = tpu.memref_slice %arg6[%add3A_22] : memref<163840xf32, #tpu.memory_space<hbm>> -> memref<128xf32, #tpu.memory_space<hbm>>
        %dma_start3A_114 = arith.constant 0 : i32
        %dma_start3A_115 = tpu.memref_slice %arg11[%run_scoped3A_106, %dma_start3A_114] : memref<2x128xf32, #tpu.memory_space<vmem>> -> memref<1x128xf32, #tpu.memory_space<vmem>>
        %dma_start3A_116 = tpu.memref_squeeze %dma_start3A_115 : memref<1x128xf32, #tpu.memory_space<vmem>> -> memref<128xf32, #tpu.memory_space<vmem>>
        tpu.enqueue_dma source(%dma_start3A_116 : memref<128xf32, #tpu.memory_space<vmem>>) target(%dma_start3A_113 : memref<128xf32, #tpu.memory_space<hbm>>) target_semaphore(%run_scoped3A_108 : memref<!tpu.dma_semaphore, #tpu.memory_space<semaphore_mem>>)
        %dma_wait3A_117 = arith.constant 0 : i32
        %dma_wait3A_118 = tpu.memref_slice %arg11[%run_scoped3A_106, %dma_wait3A_117] : memref<2x128xf32, #tpu.memory_space<vmem>> -> memref<1x128xf32, #tpu.memory_space<vmem>>
        %dma_wait3A_119 = tpu.memref_squeeze %dma_wait3A_118 : memref<1x128xf32, #tpu.memory_space<vmem>> -> memref<128xf32, #tpu.memory_space<vmem>>
        %dma_wait3A_120 = tpu.memref_slice %arg6[%add3A_22] : memref<163840xf32, #tpu.memory_space<hbm>> -> memref<128xf32, #tpu.memory_space<hbm>>
        %dma_wait3A_121 = tpu.memref_slice %arg6[%add3A_22] : memref<163840xf32, #tpu.memory_space<hbm>> -> memref<128xf32, #tpu.memory_space<hbm>>
        %dma_wait3A_122 = arith.constant 0 : i32
        %dma_wait3A_123 = tpu.memref_slice %arg11[%run_scoped3A_106, %dma_wait3A_122] : memref<2x128xf32, #tpu.memory_space<vmem>> -> memref<1x128xf32, #tpu.memory_space<vmem>>
        %dma_wait3A_124 = tpu.memref_squeeze %dma_wait3A_123 : memref<1x128xf32, #tpu.memory_space<vmem>> -> memref<128xf32, #tpu.memory_space<vmem>>
        tpu.wait_dma2 semaphore(%run_scoped3A_108 : memref<!tpu.dma_semaphore, #tpu.memory_space<semaphore_mem>>) src(%dma_wait3A_124 : memref<128xf32, #tpu.memory_space<vmem>>) dst(%dma_wait3A_121 : memref<128xf32, #tpu.memory_space<hbm>>)
        tpu.yield
      }) : () -> ()
      %scan3A_107 = arith.constant 0 : i32
      scf.yield %scan3A_107 : i32
    }
    %scan3A_8 = arith.constant 20 : i32
    return
  }
}

module attributes {stable_mosaic.version = 14 : i64} {
  func.func @_tc_body(%arg0: i32, %arg1: memref<16x128xf32, #tpu.memory_space<vmem>>, %arg2: memref<256x128xf32, #tpu.memory_space<vmem>>, %arg3: memref<256x128xf32, #tpu.memory_space<vmem>>, %arg4: memref<256x1xf32, #tpu.memory_space<vmem>>, %arg5: memref<16x1xf32, #tpu.memory_space<vmem>>, %arg6: memref<256x1xf32, #tpu.memory_space<vmem>>, %arg7: memref<128x20xf32, #tpu.memory_space<vmem>>, %arg8: memref<1x20xf32, #tpu.memory_space<vmem>>, %arg9: memref<128x160xf32, #tpu.memory_space<vmem>>, %arg10: memref<1x160xf32, #tpu.memory_space<vmem>>, %arg11: memref<128x160xf32, #tpu.memory_space<vmem>>, %arg12: memref<1x160xf32, #tpu.memory_space<vmem>>, %arg13: memref<16x20xf32, #tpu.memory_space<vmem>>, %arg14: memref<256x400xf32, #tpu.memory_space<vmem>>) attributes {dimension_semantics = [#tpu.dimension_semantics<arbitrary>], iteration_bounds = array<i64: 625>, scalar_prefetch = 0 : i64, scratch_operands = 0 : i64, tpu.core_type = #tpu.core_type<tc>, window_params = [{transform_indices = @transform_0, window_bounds = array<i64: 16, 128>}, {transform_indices = @transform_1, window_bounds = array<i64: 256, 128>}, {transform_indices = @transform_2, window_bounds = array<i64: 256, 128>}, {transform_indices = @transform_3, window_bounds = array<i64: 256, 1>}, {transform_indices = @transform_4, window_bounds = array<i64: 16, 1>}, {transform_indices = @transform_5, window_bounds = array<i64: 256, 1>}, {pipeline_mode = #tpu.pipeline_mode<synchronous>, transform_indices = @transform_6, window_bounds = array<i64: 128, 20>}, {pipeline_mode = #tpu.pipeline_mode<synchronous>, transform_indices = @transform_7, window_bounds = array<i64: 1, 20>}, {pipeline_mode = #tpu.pipeline_mode<synchronous>, transform_indices = @transform_8, window_bounds = array<i64: 128, 160>}, {pipeline_mode = #tpu.pipeline_mode<synchronous>, transform_indices = @transform_9, window_bounds = array<i64: 1, 160>}, {pipeline_mode = #tpu.pipeline_mode<synchronous>, transform_indices = @transform_10, window_bounds = array<i64: 128, 160>}, {pipeline_mode = #tpu.pipeline_mode<synchronous>, transform_indices = @transform_11, window_bounds = array<i64: 1, 160>}, {transform_indices = @transform_12, window_bounds = array<i64: 16, 20>}, {transform_indices = @transform_13, window_bounds = array<i64: 256, 400>}]} {
    %get3A = arith.constant 0 : index
    %get3A_0 = arith.constant 0 : index
    %get3A_1 = vector.load %arg1[%get3A, %get3A_0] : memref<16x128xf32, #tpu.memory_space<vmem>>, vector<16x128xf32>
    %get3A_2 = arith.constant 0 : index
    %get3A_3 = arith.constant 0 : index
    %get3A_4 = vector.load %arg7[%get3A_2, %get3A_3] : memref<128x20xf32, #tpu.memory_space<vmem>>, vector<128x20xf32>
    %dot_general3A = arith.constant dense<0.000000e+00> : vector<16x20xf32>
    %dot_general3A_5 = tpu.matmul %get3A_1, %get3A_4, %dot_general3A {dimension_numbers = #tpu.dot_dimension_numbers<[1], [0], [0], [1], [0, 0, 1, 1], [], []>, transpose_lhs_hint = false} : vector<16x128xf32>, vector<128x20xf32>, vector<16x20xf32> -> vector<16x20xf32>
    %get3A_6 = arith.constant 0 : index
    %get3A_7 = arith.constant 0 : index
    %get3A_8 = vector.load %arg8[%get3A_6, %get3A_7] : memref<1x20xf32, #tpu.memory_space<vmem>>, vector<1x20xf32>
    %add3A = vector.broadcast %get3A_8 : vector<1x20xf32> to vector<16x20xf32>
    %add3A_9 = arith.addf %dot_general3A_5, %add3A : vector<16x20xf32>
    %mul3A = arith.constant 1.000000e-01 : f32
    %mul3A_10 = vector.broadcast %mul3A : f32 to vector<16x20xf32>
    %mul3A_11 = arith.mulf %mul3A_10, %add3A_9 : vector<16x20xf32>
    %get3A_12 = arith.constant 0 : index
    %get3A_13 = arith.constant 0 : index
    %get3A_14 = vector.load %arg5[%get3A_12, %get3A_13] : memref<16x1xf32, #tpu.memory_space<vmem>>, vector<16x1xf32>
    %mul3A_15 = vector.broadcast %get3A_14 : vector<16x1xf32> to vector<16x20xf32>
    %mul3A_16 = arith.mulf %mul3A_11, %mul3A_15 : vector<16x20xf32>
    %swap3A = arith.constant 0 : index
    %swap3A_17 = arith.constant 0 : index
    %swap3A_18 = vector.load %arg13[%swap3A, %swap3A_17] : memref<16x20xf32, #tpu.memory_space<vmem>>, vector<16x20xf32>
    tpu.vector_store %arg13[%swap3A, %swap3A_17], %mul3A_16 {strides = array<i32>} : memref<16x20xf32, #tpu.memory_space<vmem>>, vector<16x20xf32>,
    %get3A_19 = arith.constant 0 : index
    %get3A_20 = arith.constant 0 : index
    %get3A_21 = vector.load %arg2[%get3A_19, %get3A_20] : memref<256x128xf32, #tpu.memory_space<vmem>>, vector<256x128xf32>
    %get3A_22 = arith.constant 0 : index
    %get3A_23 = arith.constant 0 : index
    %get3A_24 = vector.load %arg3[%get3A_22, %get3A_23] : memref<256x128xf32, #tpu.memory_space<vmem>>, vector<256x128xf32>
    %get3A_25 = arith.constant 0 : index
    %get3A_26 = arith.constant 0 : index
    %get3A_27 = vector.load %arg9[%get3A_25, %get3A_26] : memref<128x160xf32, #tpu.memory_space<vmem>>, vector<128x160xf32>
    %dot_general3A_28 = arith.constant dense<0.000000e+00> : vector<256x160xf32>
    %dot_general3A_29 = tpu.matmul %get3A_21, %get3A_27, %dot_general3A_28 {dimension_numbers = #tpu.dot_dimension_numbers<[1], [0], [0], [1], [0, 0, 1, 1], [], []>, transpose_lhs_hint = false} : vector<256x128xf32>, vector<128x160xf32>, vector<256x160xf32> -> vector<256x160xf32>
    %get3A_30 = arith.constant 0 : index
    %get3A_31 = arith.constant 0 : index
    %get3A_32 = vector.load %arg10[%get3A_30, %get3A_31] : memref<1x160xf32, #tpu.memory_space<vmem>>, vector<1x160xf32>
    %add3A_33 = vector.broadcast %get3A_32 : vector<1x160xf32> to vector<256x160xf32>
    %add3A_34 = arith.addf %dot_general3A_29, %add3A_33 : vector<256x160xf32>
    %get3A_35 = arith.constant 0 : index
    %get3A_36 = arith.constant 0 : index
    %get3A_37 = vector.load %arg11[%get3A_35, %get3A_36] : memref<128x160xf32, #tpu.memory_space<vmem>>, vector<128x160xf32>
    %dot_general3A_38 = arith.constant dense<0.000000e+00> : vector<256x160xf32>
    %dot_general3A_39 = tpu.matmul %get3A_21, %get3A_37, %dot_general3A_38 {dimension_numbers = #tpu.dot_dimension_numbers<[1], [0], [0], [1], [0, 0, 1, 1], [], []>, transpose_lhs_hint = false} : vector<256x128xf32>, vector<128x160xf32>, vector<256x160xf32> -> vector<256x160xf32>
    %get3A_40 = arith.constant 0 : index
    %get3A_41 = arith.constant 0 : index
    %get3A_42 = vector.load %arg12[%get3A_40, %get3A_41] : memref<1x160xf32, #tpu.memory_space<vmem>>, vector<1x160xf32>
    %add3A_43 = vector.broadcast %get3A_42 : vector<1x160xf32> to vector<256x160xf32>
    %add3A_44 = arith.addf %dot_general3A_39, %add3A_43 : vector<256x160xf32>
    %get3A_45 = arith.constant 0 : index
    %get3A_46 = arith.constant 0 : index
    %get3A_47 = vector.load %arg9[%get3A_45, %get3A_46] : memref<128x160xf32, #tpu.memory_space<vmem>>, vector<128x160xf32>
    %dot_general3A_48 = arith.constant dense<0.000000e+00> : vector<256x160xf32>
    %dot_general3A_49 = tpu.matmul %get3A_24, %get3A_47, %dot_general3A_48 {dimension_numbers = #tpu.dot_dimension_numbers<[1], [0], [0], [1], [0, 0, 1, 1], [], []>, transpose_lhs_hint = false} : vector<256x128xf32>, vector<128x160xf32>, vector<256x160xf32> -> vector<256x160xf32>
    %get3A_50 = arith.constant 0 : index
    %get3A_51 = arith.constant 0 : index
    %get3A_52 = vector.load %arg10[%get3A_50, %get3A_51] : memref<1x160xf32, #tpu.memory_space<vmem>>, vector<1x160xf32>
    %add3A_53 = vector.broadcast %get3A_52 : vector<1x160xf32> to vector<256x160xf32>
    %add3A_54 = arith.addf %dot_general3A_49, %add3A_53 : vector<256x160xf32>
    %get3A_55 = arith.constant 0 : index
    %get3A_56 = arith.constant 0 : index
    %get3A_57 = vector.load %arg11[%get3A_55, %get3A_56] : memref<128x160xf32, #tpu.memory_space<vmem>>, vector<128x160xf32>
    %dot_general3A_58 = arith.constant dense<0.000000e+00> : vector<256x160xf32>
    %dot_general3A_59 = tpu.matmul %get3A_24, %get3A_57, %dot_general3A_58 {dimension_numbers = #tpu.dot_dimension_numbers<[1], [0], [0], [1], [0, 0, 1, 1], [], []>, transpose_lhs_hint = false} : vector<256x128xf32>, vector<128x160xf32>, vector<256x160xf32> -> vector<256x160xf32>
    %get3A_60 = arith.constant 0 : index
    %get3A_61 = arith.constant 0 : index
    %get3A_62 = vector.load %arg12[%get3A_60, %get3A_61] : memref<1x160xf32, #tpu.memory_space<vmem>>, vector<1x160xf32>
    %add3A_63 = vector.broadcast %get3A_62 : vector<1x160xf32> to vector<256x160xf32>
    %add3A_64 = arith.addf %dot_general3A_59, %add3A_63 : vector<256x160xf32>
    %get3A_65 = arith.constant 0 : index
    %get3A_66 = arith.constant 0 : index
    %get3A_67 = vector.load %arg4[%get3A_65, %get3A_66] : memref<256x1xf32, #tpu.memory_space<vmem>>, vector<256x1xf32>
    %broadcast_in_dim3A = arith.constant 0.000000e+00 : f32
    %broadcast_in_dim3A_68 = vector.broadcast %broadcast_in_dim3A : f32 to vector<256x400xf32>
    %slice3A = vector.extract_strided_slice %add3A_34 {offsets = [0, 0], sizes = [256, 20], strides = [1, 1]} : vector<256x160xf32> to vector<256x20xf32>
    %iota3A = tpu.iota {dimensions = array<i32: 1>} : vector<1x400xi32>
    %iota3A_69 = vector.shape_cast %iota3A : vector<1x400xi32> to vector<400xi32>
    %jit3A = arith.constant 20 : i32
    %div3A = vector.broadcast %jit3A : i32 to vector<400xi32>
    %div3A_70 = arith.divsi %iota3A_69, %div3A : vector<400xi32>
    %sign3A = arith.constant 0 : i32
    %sign3A_71 = vector.broadcast %sign3A : i32 to vector<400xi32>
    %sign3A_72 = arith.cmpi sgt, %iota3A_69, %sign3A_71 : vector<400xi32>
    %sign3A_73 = arith.extui %sign3A_72 : vector<400xi1> to vector<400xi32>
    %sign3A_74 = arith.constant 0 : i32
    %sign3A_75 = vector.broadcast %sign3A_74 : i32 to vector<400xi32>
    %sign3A_76 = arith.cmpi slt, %iota3A_69, %sign3A_75 : vector<400xi32>
    %sign3A_77 = arith.extui %sign3A_76 : vector<400xi1> to vector<400xi32>
    %sign3A_78 = arith.subi %sign3A_73, %sign3A_77 : vector<400xi32>
    %sign3A_79 = arith.constant 0 : i32
    %sign3A_80 = arith.cmpi sgt, %jit3A, %sign3A_79 : i32
    %sign3A_81 = arith.extui %sign3A_80 : i1 to i32
    %sign3A_82 = arith.constant 0 : i32
    %sign3A_83 = arith.cmpi slt, %jit3A, %sign3A_82 : i32
    %sign3A_84 = arith.extui %sign3A_83 : i1 to i32
    %sign3A_85 = arith.subi %sign3A_81, %sign3A_84 : i32
    %ne3A = vector.broadcast %sign3A_85 : i32 to vector<400xi32>
    %ne3A_86 = arith.cmpi ne, %sign3A_78, %ne3A : vector<400xi32>
    %rem3A = vector.broadcast %jit3A : i32 to vector<400xi32>
    %rem3A_87 = arith.remsi %iota3A_69, %rem3A : vector<400xi32>
    %ne3A_88 = arith.constant 0 : i32
    %ne3A_89 = vector.broadcast %ne3A_88 : i32 to vector<400xi32>
    %ne3A_90 = arith.cmpi ne, %rem3A_87, %ne3A_89 : vector<400xi32>
    %and3A = arith.andi %ne3A_86, %ne3A_90 : vector<400xi1>
    %sub3A = arith.constant 1 : i32
    %sub3A_91 = vector.broadcast %sub3A : i32 to vector<400xi32>
    %sub3A_92 = arith.subi %div3A_70, %sub3A_91 : vector<400xi32>
    %select_n3A = arith.select %and3A, %sub3A_92, %div3A_70 : vector<400xi1>, vector<400xi32>
    %broadcast_in_dim3A_93 = vector.shape_cast %select_n3A : vector<400xi32> to vector<1x400xi32>
    %broadcast_in_dim3A_94 = vector.shape_cast %broadcast_in_dim3A_93 : vector<1x400xi32> to vector<1x400xi32>
    %broadcast_in_dim3A_95 = vector.broadcast %broadcast_in_dim3A_94 : vector<1x400xi32> to vector<256x400xi32>
    %lt3A = arith.constant 0 : i32
    %lt3A_96 = vector.broadcast %lt3A : i32 to vector<256x400xi32>
    %lt3A_97 = arith.cmpi slt, %broadcast_in_dim3A_95, %lt3A_96 : vector<256x400xi32>
    %add3A_98 = arith.constant 20 : i32
    %add3A_99 = vector.broadcast %add3A_98 : i32 to vector<256x400xi32>
    %add3A_100 = arith.addi %broadcast_in_dim3A_95, %add3A_99 : vector<256x400xi32>
    %select_n3A_101 = arith.select %lt3A_97, %add3A_100, %broadcast_in_dim3A_95 : vector<256x400xi1>, vector<256x400xi32>
    %reshape3A = vector.shape_cast %select_n3A_101 : vector<256x400xi32> to vector<256x400x1xi32>
    %gather3A = vector.shape_cast %reshape3A : vector<256x400x1xi32> to vector<256x400xi32>
    %gather3A_102 = tpu.dynamic_gather %slice3A[%gather3A] in [1] : vector<256x20xf32>, vector<256x400xi32> -> vector<256x400xf32>
    %slice3A_103 = vector.extract_strided_slice %add3A_44 {offsets = [0, 0], sizes = [256, 20], strides = [1, 1]} : vector<256x160xf32> to vector<256x20xf32>
    %concatenate3A = tpu.concatenate %slice3A_103, %slice3A_103, %slice3A_103, %slice3A_103, %slice3A_103, %slice3A_103, %slice3A_103, %slice3A_103, %slice3A_103, %slice3A_103, %slice3A_103, %slice3A_103, %slice3A_103, %slice3A_103, %slice3A_103, %slice3A_103, %slice3A_103, %slice3A_103, %slice3A_103, %slice3A_103 in 1 : vector<256x20xf32>, vector<256x20xf32>, vector<256x20xf32>, vector<256x20xf32>, vector<256x20xf32>, vector<256x20xf32>, vector<256x20xf32>, vector<256x20xf32>, vector<256x20xf32>, vector<256x20xf32>, vector<256x20xf32>, vector<256x20xf32>, vector<256x20xf32>, vector<256x20xf32>, vector<256x20xf32>, vector<256x20xf32>, vector<256x20xf32>, vector<256x20xf32>, vector<256x20xf32>, vector<256x20xf32> -> vector<256x400xf32>
    %mul3A_104 = arith.mulf %gather3A_102, %concatenate3A : vector<256x400xf32>
    %add3A_105 = arith.addf %broadcast_in_dim3A_68, %mul3A_104 : vector<256x400xf32>
    %gt3A = arith.constant 0.000000e+00 : f32
    %gt3A_106 = vector.broadcast %gt3A : f32 to vector<256x1xf32>
    %gt3A_107 = arith.cmpf ogt, %get3A_67, %gt3A_106 : vector<256x1xf32>
    %slice3A_108 = vector.extract_strided_slice %add3A_64 {offsets = [0, 0], sizes = [256, 20], strides = [1, 1]} : vector<256x160xf32> to vector<256x20xf32>
    %iota3A_109 = tpu.iota {dimensions = array<i32: 1>} : vector<1x400xi32>
    %iota3A_110 = vector.shape_cast %iota3A_109 : vector<1x400xi32> to vector<400xi32>
    %jit3A_111 = arith.constant 20 : i32
    %div3A_112 = vector.broadcast %jit3A_111 : i32 to vector<400xi32>
    %div3A_113 = arith.divsi %iota3A_110, %div3A_112 : vector<400xi32>
    %sign3A_114 = arith.constant 0 : i32
    %sign3A_115 = vector.broadcast %sign3A_114 : i32 to vector<400xi32>
    %sign3A_116 = arith.cmpi sgt, %iota3A_110, %sign3A_115 : vector<400xi32>
    %sign3A_117 = arith.extui %sign3A_116 : vector<400xi1> to vector<400xi32>
    %sign3A_118 = arith.constant 0 : i32
    %sign3A_119 = vector.broadcast %sign3A_118 : i32 to vector<400xi32>
    %sign3A_120 = arith.cmpi slt, %iota3A_110, %sign3A_119 : vector<400xi32>
    %sign3A_121 = arith.extui %sign3A_120 : vector<400xi1> to vector<400xi32>
    %sign3A_122 = arith.subi %sign3A_117, %sign3A_121 : vector<400xi32>
    %sign3A_123 = arith.constant 0 : i32
    %sign3A_124 = arith.cmpi sgt, %jit3A_111, %sign3A_123 : i32
    %sign3A_125 = arith.extui %sign3A_124 : i1 to i32
    %sign3A_126 = arith.constant 0 : i32
    %sign3A_127 = arith.cmpi slt, %jit3A_111, %sign3A_126 : i32
    %sign3A_128 = arith.extui %sign3A_127 : i1 to i32
    %sign3A_129 = arith.subi %sign3A_125, %sign3A_128 : i32
    %ne3A_130 = vector.broadcast %sign3A_129 : i32 to vector<400xi32>
    %ne3A_131 = arith.cmpi ne, %sign3A_122, %ne3A_130 : vector<400xi32>
    %rem3A_132 = vector.broadcast %jit3A_111 : i32 to vector<400xi32>
    %rem3A_133 = arith.remsi %iota3A_110, %rem3A_132 : vector<400xi32>
    %ne3A_134 = arith.constant 0 : i32
    %ne3A_135 = vector.broadcast %ne3A_134 : i32 to vector<400xi32>
    %ne3A_136 = arith.cmpi ne, %rem3A_133, %ne3A_135 : vector<400xi32>
    %and3A_137 = arith.andi %ne3A_131, %ne3A_136 : vector<400xi1>
    %sub3A_138 = arith.constant 1 : i32
    %sub3A_139 = vector.broadcast %sub3A_138 : i32 to vector<400xi32>
    %sub3A_140 = arith.subi %div3A_113, %sub3A_139 : vector<400xi32>
    %select_n3A_141 = arith.select %and3A_137, %sub3A_140, %div3A_113 : vector<400xi1>, vector<400xi32>
    %broadcast_in_dim3A_142 = vector.shape_cast %select_n3A_141 : vector<400xi32> to vector<1x400xi32>
    %broadcast_in_dim3A_143 = vector.shape_cast %broadcast_in_dim3A_142 : vector<1x400xi32> to vector<1x400xi32>
    %broadcast_in_dim3A_144 = vector.broadcast %broadcast_in_dim3A_143 : vector<1x400xi32> to vector<256x400xi32>
    %lt3A_145 = arith.constant 0 : i32
    %lt3A_146 = vector.broadcast %lt3A_145 : i32 to vector<256x400xi32>
    %lt3A_147 = arith.cmpi slt, %broadcast_in_dim3A_144, %lt3A_146 : vector<256x400xi32>
    %add3A_148 = arith.constant 20 : i32
    %add3A_149 = vector.broadcast %add3A_148 : i32 to vector<256x400xi32>
    %add3A_150 = arith.addi %broadcast_in_dim3A_144, %add3A_149 : vector<256x400xi32>
    %select_n3A_151 = arith.select %lt3A_147, %add3A_150, %broadcast_in_dim3A_144 : vector<256x400xi1>, vector<256x400xi32>
    %reshape3A_152 = vector.shape_cast %select_n3A_151 : vector<256x400xi32> to vector<256x400x1xi32>
    %gather3A_153 = vector.shape_cast %reshape3A_152 : vector<256x400x1xi32> to vector<256x400xi32>
    %gather3A_154 = tpu.dynamic_gather %slice3A_108[%gather3A_153] in [1] : vector<256x20xf32>, vector<256x400xi32> -> vector<256x400xf32>
    %slice3A_155 = vector.extract_strided_slice %add3A_54 {offsets = [0, 0], sizes = [256, 20], strides = [1, 1]} : vector<256x160xf32> to vector<256x20xf32>
    %concatenate3A_156 = tpu.concatenate %slice3A_155, %slice3A_155, %slice3A_155, %slice3A_155, %slice3A_155, %slice3A_155, %slice3A_155, %slice3A_155, %slice3A_155, %slice3A_155, %slice3A_155, %slice3A_155, %slice3A_155, %slice3A_155, %slice3A_155, %slice3A_155, %slice3A_155, %slice3A_155, %slice3A_155, %slice3A_155 in 1 : vector<256x20xf32>, vector<256x20xf32>, vector<256x20xf32>, vector<256x20xf32>, vector<256x20xf32>, vector<256x20xf32>, vector<256x20xf32>, vector<256x20xf32>, vector<256x20xf32>, vector<256x20xf32>, vector<256x20xf32>, vector<256x20xf32>, vector<256x20xf32>, vector<256x20xf32>, vector<256x20xf32>, vector<256x20xf32>, vector<256x20xf32>, vector<256x20xf32>, vector<256x20xf32>, vector<256x20xf32> -> vector<256x400xf32>
    %mul3A_157 = arith.mulf %gather3A_154, %concatenate3A_156 : vector<256x400xf32>
    %jit3A_158 = arith.constant 0.000000e+00 : f32
    %broadcast_in_dim3A_159 = vector.shape_cast %gt3A_107 : vector<256x1xi1> to vector<256x1xi1>
    %broadcast_in_dim3A_160 = vector.broadcast %broadcast_in_dim3A_159 : vector<256x1xi1> to vector<256x400xi1>
    %broadcast_in_dim3A_161 = vector.broadcast %jit3A_158 : f32 to vector<256x400xf32>
    %select_n3A_162 = arith.select %broadcast_in_dim3A_160, %mul3A_157, %broadcast_in_dim3A_161 : vector<256x400xi1>, vector<256x400xf32>
    %add3A_163 = arith.addf %add3A_105, %select_n3A_162 : vector<256x400xf32>
    %slice3A_164 = vector.extract_strided_slice %add3A_34 {offsets = [0, 20], sizes = [256, 20], strides = [1, 1]} : vector<256x160xf32> to vector<256x20xf32>
    %iota3A_165 = tpu.iota {dimensions = array<i32: 1>} : vector<1x400xi32>
    %iota3A_166 = vector.shape_cast %iota3A_165 : vector<1x400xi32> to vector<400xi32>
    %jit3A_167 = arith.constant 20 : i32
    %div3A_168 = vector.broadcast %jit3A_167 : i32 to vector<400xi32>
    %div3A_169 = arith.divsi %iota3A_166, %div3A_168 : vector<400xi32>
    %sign3A_170 = arith.constant 0 : i32
    %sign3A_171 = vector.broadcast %sign3A_170 : i32 to vector<400xi32>
    %sign3A_172 = arith.cmpi sgt, %iota3A_166, %sign3A_171 : vector<400xi32>
    %sign3A_173 = arith.extui %sign3A_172 : vector<400xi1> to vector<400xi32>
    %sign3A_174 = arith.constant 0 : i32
    %sign3A_175 = vector.broadcast %sign3A_174 : i32 to vector<400xi32>
    %sign3A_176 = arith.cmpi slt, %iota3A_166, %sign3A_175 : vector<400xi32>
    %sign3A_177 = arith.extui %sign3A_176 : vector<400xi1> to vector<400xi32>
    %sign3A_178 = arith.subi %sign3A_173, %sign3A_177 : vector<400xi32>
    %sign3A_179 = arith.constant 0 : i32
    %sign3A_180 = arith.cmpi sgt, %jit3A_167, %sign3A_179 : i32
    %sign3A_181 = arith.extui %sign3A_180 : i1 to i32
    %sign3A_182 = arith.constant 0 : i32
    %sign3A_183 = arith.cmpi slt, %jit3A_167, %sign3A_182 : i32
    %sign3A_184 = arith.extui %sign3A_183 : i1 to i32
    %sign3A_185 = arith.subi %sign3A_181, %sign3A_184 : i32
    %ne3A_186 = vector.broadcast %sign3A_185 : i32 to vector<400xi32>
    %ne3A_187 = arith.cmpi ne, %sign3A_178, %ne3A_186 : vector<400xi32>
    %rem3A_188 = vector.broadcast %jit3A_167 : i32 to vector<400xi32>
    %rem3A_189 = arith.remsi %iota3A_166, %rem3A_188 : vector<400xi32>
    %ne3A_190 = arith.constant 0 : i32
    %ne3A_191 = vector.broadcast %ne3A_190 : i32 to vector<400xi32>
    %ne3A_192 = arith.cmpi ne, %rem3A_189, %ne3A_191 : vector<400xi32>
    %and3A_193 = arith.andi %ne3A_187, %ne3A_192 : vector<400xi1>
    %sub3A_194 = arith.constant 1 : i32
    %sub3A_195 = vector.broadcast %sub3A_194 : i32 to vector<400xi32>
    %sub3A_196 = arith.subi %div3A_169, %sub3A_195 : vector<400xi32>
    %select_n3A_197 = arith.select %and3A_193, %sub3A_196, %div3A_169 : vector<400xi1>, vector<400xi32>
    %broadcast_in_dim3A_198 = vector.shape_cast %select_n3A_197 : vector<400xi32> to vector<1x400xi32>
    %broadcast_in_dim3A_199 = vector.shape_cast %broadcast_in_dim3A_198 : vector<1x400xi32> to vector<1x400xi32>
    %broadcast_in_dim3A_200 = vector.broadcast %broadcast_in_dim3A_199 : vector<1x400xi32> to vector<256x400xi32>
    %lt3A_201 = arith.constant 0 : i32
    %lt3A_202 = vector.broadcast %lt3A_201 : i32 to vector<256x400xi32>
    %lt3A_203 = arith.cmpi slt, %broadcast_in_dim3A_200, %lt3A_202 : vector<256x400xi32>
    %add3A_204 = arith.constant 20 : i32
    %add3A_205 = vector.broadcast %add3A_204 : i32 to vector<256x400xi32>
    %add3A_206 = arith.addi %broadcast_in_dim3A_200, %add3A_205 : vector<256x400xi32>
    %select_n3A_207 = arith.select %lt3A_203, %add3A_206, %broadcast_in_dim3A_200 : vector<256x400xi1>, vector<256x400xi32>
    %reshape3A_208 = vector.shape_cast %select_n3A_207 : vector<256x400xi32> to vector<256x400x1xi32>
    %gather3A_209 = vector.shape_cast %reshape3A_208 : vector<256x400x1xi32> to vector<256x400xi32>
    %gather3A_210 = tpu.dynamic_gather %slice3A_164[%gather3A_209] in [1] : vector<256x20xf32>, vector<256x400xi32> -> vector<256x400xf32>
    %slice3A_211 = vector.extract_strided_slice %add3A_44 {offsets = [0, 20], sizes = [256, 20], strides = [1, 1]} : vector<256x160xf32> to vector<256x20xf32>
    %concatenate3A_212 = tpu.concatenate %slice3A_211, %slice3A_211, %slice3A_211, %slice3A_211, %slice3A_211, %slice3A_211, %slice3A_211, %slice3A_211, %slice3A_211, %slice3A_211, %slice3A_211, %slice3A_211, %slice3A_211, %slice3A_211, %slice3A_211, %slice3A_211, %slice3A_211, %slice3A_211, %slice3A_211, %slice3A_211 in 1 : vector<256x20xf32>, vector<256x20xf32>, vector<256x20xf32>, vector<256x20xf32>, vector<256x20xf32>, vector<256x20xf32>, vector<256x20xf32>, vector<256x20xf32>, vector<256x20xf32>, vector<256x20xf32>, vector<256x20xf32>, vector<256x20xf32>, vector<256x20xf32>, vector<256x20xf32>, vector<256x20xf32>, vector<256x20xf32>, vector<256x20xf32>, vector<256x20xf32>, vector<256x20xf32>, vector<256x20xf32> -> vector<256x400xf32>
    %mul3A_213 = arith.mulf %gather3A_210, %concatenate3A_212 : vector<256x400xf32>
    %add3A_214 = arith.addf %add3A_163, %mul3A_213 : vector<256x400xf32>
    %gt3A_215 = arith.constant 0.000000e+00 : f32
    %gt3A_216 = vector.broadcast %gt3A_215 : f32 to vector<256x1xf32>
    %gt3A_217 = arith.cmpf ogt, %get3A_67, %gt3A_216 : vector<256x1xf32>
    %slice3A_218 = vector.extract_strided_slice %add3A_64 {offsets = [0, 20], sizes = [256, 20], strides = [1, 1]} : vector<256x160xf32> to vector<256x20xf32>
    %iota3A_219 = tpu.iota {dimensions = array<i32: 1>} : vector<1x400xi32>
    %iota3A_220 = vector.shape_cast %iota3A_219 : vector<1x400xi32> to vector<400xi32>
    %jit3A_221 = arith.constant 20 : i32
    %div3A_222 = vector.broadcast %jit3A_221 : i32 to vector<400xi32>
    %div3A_223 = arith.divsi %iota3A_220, %div3A_222 : vector<400xi32>
    %sign3A_224 = arith.constant 0 : i32
    %sign3A_225 = vector.broadcast %sign3A_224 : i32 to vector<400xi32>
    %sign3A_226 = arith.cmpi sgt, %iota3A_220, %sign3A_225 : vector<400xi32>
    %sign3A_227 = arith.extui %sign3A_226 : vector<400xi1> to vector<400xi32>
    %sign3A_228 = arith.constant 0 : i32
    %sign3A_229 = vector.broadcast %sign3A_228 : i32 to vector<400xi32>
    %sign3A_230 = arith.cmpi slt, %iota3A_220, %sign3A_229 : vector<400xi32>
    %sign3A_231 = arith.extui %sign3A_230 : vector<400xi1> to vector<400xi32>
    %sign3A_232 = arith.subi %sign3A_227, %sign3A_231 : vector<400xi32>
    %sign3A_233 = arith.constant 0 : i32
    %sign3A_234 = arith.cmpi sgt, %jit3A_221, %sign3A_233 : i32
    %sign3A_235 = arith.extui %sign3A_234 : i1 to i32
    %sign3A_236 = arith.constant 0 : i32
    %sign3A_237 = arith.cmpi slt, %jit3A_221, %sign3A_236 : i32
    %sign3A_238 = arith.extui %sign3A_237 : i1 to i32
    %sign3A_239 = arith.subi %sign3A_235, %sign3A_238 : i32
    %ne3A_240 = vector.broadcast %sign3A_239 : i32 to vector<400xi32>
    %ne3A_241 = arith.cmpi ne, %sign3A_232, %ne3A_240 : vector<400xi32>
    %rem3A_242 = vector.broadcast %jit3A_221 : i32 to vector<400xi32>
    %rem3A_243 = arith.remsi %iota3A_220, %rem3A_242 : vector<400xi32>
    %ne3A_244 = arith.constant 0 : i32
    %ne3A_245 = vector.broadcast %ne3A_244 : i32 to vector<400xi32>
    %ne3A_246 = arith.cmpi ne, %rem3A_243, %ne3A_245 : vector<400xi32>
    %and3A_247 = arith.andi %ne3A_241, %ne3A_246 : vector<400xi1>
    %sub3A_248 = arith.constant 1 : i32
    %sub3A_249 = vector.broadcast %sub3A_248 : i32 to vector<400xi32>
    %sub3A_250 = arith.subi %div3A_223, %sub3A_249 : vector<400xi32>
    %select_n3A_251 = arith.select %and3A_247, %sub3A_250, %div3A_223 : vector<400xi1>, vector<400xi32>
    %broadcast_in_dim3A_252 = vector.shape_cast %select_n3A_251 : vector<400xi32> to vector<1x400xi32>
    %broadcast_in_dim3A_253 = vector.shape_cast %broadcast_in_dim3A_252 : vector<1x400xi32> to vector<1x400xi32>
    %broadcast_in_dim3A_254 = vector.broadcast %broadcast_in_dim3A_253 : vector<1x400xi32> to vector<256x400xi32>
    %lt3A_255 = arith.constant 0 : i32
    %lt3A_256 = vector.broadcast %lt3A_255 : i32 to vector<256x400xi32>
    %lt3A_257 = arith.cmpi slt, %broadcast_in_dim3A_254, %lt3A_256 : vector<256x400xi32>
    %add3A_258 = arith.constant 20 : i32
    %add3A_259 = vector.broadcast %add3A_258 : i32 to vector<256x400xi32>
    %add3A_260 = arith.addi %broadcast_in_dim3A_254, %add3A_259 : vector<256x400xi32>
    %select_n3A_261 = arith.select %lt3A_257, %add3A_260, %broadcast_in_dim3A_254 : vector<256x400xi1>, vector<256x400xi32>
    %reshape3A_262 = vector.shape_cast %select_n3A_261 : vector<256x400xi32> to vector<256x400x1xi32>
    %gather3A_263 = vector.shape_cast %reshape3A_262 : vector<256x400x1xi32> to vector<256x400xi32>
    %gather3A_264 = tpu.dynamic_gather %slice3A_218[%gather3A_263] in [1] : vector<256x20xf32>, vector<256x400xi32> -> vector<256x400xf32>
    %slice3A_265 = vector.extract_strided_slice %add3A_54 {offsets = [0, 20], sizes = [256, 20], strides = [1, 1]} : vector<256x160xf32> to vector<256x20xf32>
    %concatenate3A_266 = tpu.concatenate %slice3A_265, %slice3A_265, %slice3A_265, %slice3A_265, %slice3A_265, %slice3A_265, %slice3A_265, %slice3A_265, %slice3A_265, %slice3A_265, %slice3A_265, %slice3A_265, %slice3A_265, %slice3A_265, %slice3A_265, %slice3A_265, %slice3A_265, %slice3A_265, %slice3A_265, %slice3A_265 in 1 : vector<256x20xf32>, vector<256x20xf32>, vector<256x20xf32>, vector<256x20xf32>, vector<256x20xf32>, vector<256x20xf32>, vector<256x20xf32>, vector<256x20xf32>, vector<256x20xf32>, vector<256x20xf32>, vector<256x20xf32>, vector<256x20xf32>, vector<256x20xf32>, vector<256x20xf32>, vector<256x20xf32>, vector<256x20xf32>, vector<256x20xf32>, vector<256x20xf32>, vector<256x20xf32>, vector<256x20xf32> -> vector<256x400xf32>
    %mul3A_267 = arith.mulf %gather3A_264, %concatenate3A_266 : vector<256x400xf32>
    %jit3A_268 = arith.constant 0.000000e+00 : f32
    %broadcast_in_dim3A_269 = vector.shape_cast %gt3A_217 : vector<256x1xi1> to vector<256x1xi1>
    %broadcast_in_dim3A_270 = vector.broadcast %broadcast_in_dim3A_269 : vector<256x1xi1> to vector<256x400xi1>
    %broadcast_in_dim3A_271 = vector.broadcast %jit3A_268 : f32 to vector<256x400xf32>
    %select_n3A_272 = arith.select %broadcast_in_dim3A_270, %mul3A_267, %broadcast_in_dim3A_271 : vector<256x400xi1>, vector<256x400xf32>
    %add3A_273 = arith.addf %add3A_214, %select_n3A_272 : vector<256x400xf32>
    %slice3A_274 = vector.extract_strided_slice %add3A_34 {offsets = [0, 40], sizes = [256, 20], strides = [1, 1]} : vector<256x160xf32> to vector<256x20xf32>
    %iota3A_275 = tpu.iota {dimensions = array<i32: 1>} : vector<1x400xi32>
    %iota3A_276 = vector.shape_cast %iota3A_275 : vector<1x400xi32> to vector<400xi32>
    %jit3A_277 = arith.constant 20 : i32
    %div3A_278 = vector.broadcast %jit3A_277 : i32 to vector<400xi32>
    %div3A_279 = arith.divsi %iota3A_276, %div3A_278 : vector<400xi32>
    %sign3A_280 = arith.constant 0 : i32
    %sign3A_281 = vector.broadcast %sign3A_280 : i32 to vector<400xi32>
    %sign3A_282 = arith.cmpi sgt, %iota3A_276, %sign3A_281 : vector<400xi32>
    %sign3A_283 = arith.extui %sign3A_282 : vector<400xi1> to vector<400xi32>
    %sign3A_284 = arith.constant 0 : i32
    %sign3A_285 = vector.broadcast %sign3A_284 : i32 to vector<400xi32>
    %sign3A_286 = arith.cmpi slt, %iota3A_276, %sign3A_285 : vector<400xi32>
    %sign3A_287 = arith.extui %sign3A_286 : vector<400xi1> to vector<400xi32>
    %sign3A_288 = arith.subi %sign3A_283, %sign3A_287 : vector<400xi32>
    %sign3A_289 = arith.constant 0 : i32
    %sign3A_290 = arith.cmpi sgt, %jit3A_277, %sign3A_289 : i32
    %sign3A_291 = arith.extui %sign3A_290 : i1 to i32
    %sign3A_292 = arith.constant 0 : i32
    %sign3A_293 = arith.cmpi slt, %jit3A_277, %sign3A_292 : i32
    %sign3A_294 = arith.extui %sign3A_293 : i1 to i32
    %sign3A_295 = arith.subi %sign3A_291, %sign3A_294 : i32
    %ne3A_296 = vector.broadcast %sign3A_295 : i32 to vector<400xi32>
    %ne3A_297 = arith.cmpi ne, %sign3A_288, %ne3A_296 : vector<400xi32>
    %rem3A_298 = vector.broadcast %jit3A_277 : i32 to vector<400xi32>
    %rem3A_299 = arith.remsi %iota3A_276, %rem3A_298 : vector<400xi32>
    %ne3A_300 = arith.constant 0 : i32
    %ne3A_301 = vector.broadcast %ne3A_300 : i32 to vector<400xi32>
    %ne3A_302 = arith.cmpi ne, %rem3A_299, %ne3A_301 : vector<400xi32>
    %and3A_303 = arith.andi %ne3A_297, %ne3A_302 : vector<400xi1>
    %sub3A_304 = arith.constant 1 : i32
    %sub3A_305 = vector.broadcast %sub3A_304 : i32 to vector<400xi32>
    %sub3A_306 = arith.subi %div3A_279, %sub3A_305 : vector<400xi32>
    %select_n3A_307 = arith.select %and3A_303, %sub3A_306, %div3A_279 : vector<400xi1>, vector<400xi32>
    %broadcast_in_dim3A_308 = vector.shape_cast %select_n3A_307 : vector<400xi32> to vector<1x400xi32>
    %broadcast_in_dim3A_309 = vector.shape_cast %broadcast_in_dim3A_308 : vector<1x400xi32> to vector<1x400xi32>
    %broadcast_in_dim3A_310 = vector.broadcast %broadcast_in_dim3A_309 : vector<1x400xi32> to vector<256x400xi32>
    %lt3A_311 = arith.constant 0 : i32
    %lt3A_312 = vector.broadcast %lt3A_311 : i32 to vector<256x400xi32>
    %lt3A_313 = arith.cmpi slt, %broadcast_in_dim3A_310, %lt3A_312 : vector<256x400xi32>
    %add3A_314 = arith.constant 20 : i32
    %add3A_315 = vector.broadcast %add3A_314 : i32 to vector<256x400xi32>
    %add3A_316 = arith.addi %broadcast_in_dim3A_310, %add3A_315 : vector<256x400xi32>
    %select_n3A_317 = arith.select %lt3A_313, %add3A_316, %broadcast_in_dim3A_310 : vector<256x400xi1>, vector<256x400xi32>
    %reshape3A_318 = vector.shape_cast %select_n3A_317 : vector<256x400xi32> to vector<256x400x1xi32>
    %gather3A_319 = vector.shape_cast %reshape3A_318 : vector<256x400x1xi32> to vector<256x400xi32>
    %gather3A_320 = tpu.dynamic_gather %slice3A_274[%gather3A_319] in [1] : vector<256x20xf32>, vector<256x400xi32> -> vector<256x400xf32>
    %slice3A_321 = vector.extract_strided_slice %add3A_44 {offsets = [0, 40], sizes = [256, 20], strides = [1, 1]} : vector<256x160xf32> to vector<256x20xf32>
    %concatenate3A_322 = tpu.concatenate %slice3A_321, %slice3A_321, %slice3A_321, %slice3A_321, %slice3A_321, %slice3A_321, %slice3A_321, %slice3A_321, %slice3A_321, %slice3A_321, %slice3A_321, %slice3A_321, %slice3A_321, %slice3A_321, %slice3A_321, %slice3A_321, %slice3A_321, %slice3A_321, %slice3A_321, %slice3A_321 in 1 : vector<256x20xf32>, vector<256x20xf32>, vector<256x20xf32>, vector<256x20xf32>, vector<256x20xf32>, vector<256x20xf32>, vector<256x20xf32>, vector<256x20xf32>, vector<256x20xf32>, vector<256x20xf32>, vector<256x20xf32>, vector<256x20xf32>, vector<256x20xf32>, vector<256x20xf32>, vector<256x20xf32>, vector<256x20xf32>, vector<256x20xf32>, vector<256x20xf32>, vector<256x20xf32>, vector<256x20xf32> -> vector<256x400xf32>
    %mul3A_323 = arith.mulf %gather3A_320, %concatenate3A_322 : vector<256x400xf32>
    %add3A_324 = arith.addf %add3A_273, %mul3A_323 : vector<256x400xf32>
    %gt3A_325 = arith.constant 0.000000e+00 : f32
    %gt3A_326 = vector.broadcast %gt3A_325 : f32 to vector<256x1xf32>
    %gt3A_327 = arith.cmpf ogt, %get3A_67, %gt3A_326 : vector<256x1xf32>
    %slice3A_328 = vector.extract_strided_slice %add3A_64 {offsets = [0, 40], sizes = [256, 20], strides = [1, 1]} : vector<256x160xf32> to vector<256x20xf32>
    %iota3A_329 = tpu.iota {dimensions = array<i32: 1>} : vector<1x400xi32>
    %iota3A_330 = vector.shape_cast %iota3A_329 : vector<1x400xi32> to vector<400xi32>
    %jit3A_331 = arith.constant 20 : i32
    %div3A_332 = vector.broadcast %jit3A_331 : i32 to vector<400xi32>
    %div3A_333 = arith.divsi %iota3A_330, %div3A_332 : vector<400xi32>
    %sign3A_334 = arith.constant 0 : i32
    %sign3A_335 = vector.broadcast %sign3A_334 : i32 to vector<400xi32>
    %sign3A_336 = arith.cmpi sgt, %iota3A_330, %sign3A_335 : vector<400xi32>
    %sign3A_337 = arith.extui %sign3A_336 : vector<400xi1> to vector<400xi32>
    %sign3A_338 = arith.constant 0 : i32
    %sign3A_339 = vector.broadcast %sign3A_338 : i32 to vector<400xi32>
    %sign3A_340 = arith.cmpi slt, %iota3A_330, %sign3A_339 : vector<400xi32>
    %sign3A_341 = arith.extui %sign3A_340 : vector<400xi1> to vector<400xi32>
    %sign3A_342 = arith.subi %sign3A_337, %sign3A_341 : vector<400xi32>
    %sign3A_343 = arith.constant 0 : i32
    %sign3A_344 = arith.cmpi sgt, %jit3A_331, %sign3A_343 : i32
    %sign3A_345 = arith.extui %sign3A_344 : i1 to i32
    %sign3A_346 = arith.constant 0 : i32
    %sign3A_347 = arith.cmpi slt, %jit3A_331, %sign3A_346 : i32
    %sign3A_348 = arith.extui %sign3A_347 : i1 to i32
    %sign3A_349 = arith.subi %sign3A_345, %sign3A_348 : i32
    %ne3A_350 = vector.broadcast %sign3A_349 : i32 to vector<400xi32>
    %ne3A_351 = arith.cmpi ne, %sign3A_342, %ne3A_350 : vector<400xi32>
    %rem3A_352 = vector.broadcast %jit3A_331 : i32 to vector<400xi32>
    %rem3A_353 = arith.remsi %iota3A_330, %rem3A_352 : vector<400xi32>
    %ne3A_354 = arith.constant 0 : i32
    %ne3A_355 = vector.broadcast %ne3A_354 : i32 to vector<400xi32>
    %ne3A_356 = arith.cmpi ne, %rem3A_353, %ne3A_355 : vector<400xi32>
    %and3A_357 = arith.andi %ne3A_351, %ne3A_356 : vector<400xi1>
    %sub3A_358 = arith.constant 1 : i32
    %sub3A_359 = vector.broadcast %sub3A_358 : i32 to vector<400xi32>
    %sub3A_360 = arith.subi %div3A_333, %sub3A_359 : vector<400xi32>
    %select_n3A_361 = arith.select %and3A_357, %sub3A_360, %div3A_333 : vector<400xi1>, vector<400xi32>
    %broadcast_in_dim3A_362 = vector.shape_cast %select_n3A_361 : vector<400xi32> to vector<1x400xi32>
    %broadcast_in_dim3A_363 = vector.shape_cast %broadcast_in_dim3A_362 : vector<1x400xi32> to vector<1x400xi32>
    %broadcast_in_dim3A_364 = vector.broadcast %broadcast_in_dim3A_363 : vector<1x400xi32> to vector<256x400xi32>
    %lt3A_365 = arith.constant 0 : i32
    %lt3A_366 = vector.broadcast %lt3A_365 : i32 to vector<256x400xi32>
    %lt3A_367 = arith.cmpi slt, %broadcast_in_dim3A_364, %lt3A_366 : vector<256x400xi32>
    %add3A_368 = arith.constant 20 : i32
    %add3A_369 = vector.broadcast %add3A_368 : i32 to vector<256x400xi32>
    %add3A_370 = arith.addi %broadcast_in_dim3A_364, %add3A_369 : vector<256x400xi32>
    %select_n3A_371 = arith.select %lt3A_367, %add3A_370, %broadcast_in_dim3A_364 : vector<256x400xi1>, vector<256x400xi32>
    %reshape3A_372 = vector.shape_cast %select_n3A_371 : vector<256x400xi32> to vector<256x400x1xi32>
    %gather3A_373 = vector.shape_cast %reshape3A_372 : vector<256x400x1xi32> to vector<256x400xi32>
    %gather3A_374 = tpu.dynamic_gather %slice3A_328[%gather3A_373] in [1] : vector<256x20xf32>, vector<256x400xi32> -> vector<256x400xf32>
    %slice3A_375 = vector.extract_strided_slice %add3A_54 {offsets = [0, 40], sizes = [256, 20], strides = [1, 1]} : vector<256x160xf32> to vector<256x20xf32>
    %concatenate3A_376 = tpu.concatenate %slice3A_375, %slice3A_375, %slice3A_375, %slice3A_375, %slice3A_375, %slice3A_375, %slice3A_375, %slice3A_375, %slice3A_375, %slice3A_375, %slice3A_375, %slice3A_375, %slice3A_375, %slice3A_375, %slice3A_375, %slice3A_375, %slice3A_375, %slice3A_375, %slice3A_375, %slice3A_375 in 1 : vector<256x20xf32>, vector<256x20xf32>, vector<256x20xf32>, vector<256x20xf32>, vector<256x20xf32>, vector<256x20xf32>, vector<256x20xf32>, vector<256x20xf32>, vector<256x20xf32>, vector<256x20xf32>, vector<256x20xf32>, vector<256x20xf32>, vector<256x20xf32>, vector<256x20xf32>, vector<256x20xf32>, vector<256x20xf32>, vector<256x20xf32>, vector<256x20xf32>, vector<256x20xf32>, vector<256x20xf32> -> vector<256x400xf32>
    %mul3A_377 = arith.mulf %gather3A_374, %concatenate3A_376 : vector<256x400xf32>
    %jit3A_378 = arith.constant 0.000000e+00 : f32
    %broadcast_in_dim3A_379 = vector.shape_cast %gt3A_327 : vector<256x1xi1> to vector<256x1xi1>
    %broadcast_in_dim3A_380 = vector.broadcast %broadcast_in_dim3A_379 : vector<256x1xi1> to vector<256x400xi1>
    %broadcast_in_dim3A_381 = vector.broadcast %jit3A_378 : f32 to vector<256x400xf32>
    %select_n3A_382 = arith.select %broadcast_in_dim3A_380, %mul3A_377, %broadcast_in_dim3A_381 : vector<256x400xi1>, vector<256x400xf32>
    %add3A_383 = arith.addf %add3A_324, %select_n3A_382 : vector<256x400xf32>
    %slice3A_384 = vector.extract_strided_slice %add3A_34 {offsets = [0, 60], sizes = [256, 20], strides = [1, 1]} : vector<256x160xf32> to vector<256x20xf32>
    %iota3A_385 = tpu.iota {dimensions = array<i32: 1>} : vector<1x400xi32>
    %iota3A_386 = vector.shape_cast %iota3A_385 : vector<1x400xi32> to vector<400xi32>
    %jit3A_387 = arith.constant 20 : i32
    %div3A_388 = vector.broadcast %jit3A_387 : i32 to vector<400xi32>
    %div3A_389 = arith.divsi %iota3A_386, %div3A_388 : vector<400xi32>
    %sign3A_390 = arith.constant 0 : i32
    %sign3A_391 = vector.broadcast %sign3A_390 : i32 to vector<400xi32>
    %sign3A_392 = arith.cmpi sgt, %iota3A_386, %sign3A_391 : vector<400xi32>
    %sign3A_393 = arith.extui %sign3A_392 : vector<400xi1> to vector<400xi32>
    %sign3A_394 = arith.constant 0 : i32
    %sign3A_395 = vector.broadcast %sign3A_394 : i32 to vector<400xi32>
    %sign3A_396 = arith.cmpi slt, %iota3A_386, %sign3A_395 : vector<400xi32>
    %sign3A_397 = arith.extui %sign3A_396 : vector<400xi1> to vector<400xi32>
    %sign3A_398 = arith.subi %sign3A_393, %sign3A_397 : vector<400xi32>
    %sign3A_399 = arith.constant 0 : i32
    %sign3A_400 = arith.cmpi sgt, %jit3A_387, %sign3A_399 : i32
    %sign3A_401 = arith.extui %sign3A_400 : i1 to i32
    %sign3A_402 = arith.constant 0 : i32
    %sign3A_403 = arith.cmpi slt, %jit3A_387, %sign3A_402 : i32
    %sign3A_404 = arith.extui %sign3A_403 : i1 to i32
    %sign3A_405 = arith.subi %sign3A_401, %sign3A_404 : i32
    %ne3A_406 = vector.broadcast %sign3A_405 : i32 to vector<400xi32>
    %ne3A_407 = arith.cmpi ne, %sign3A_398, %ne3A_406 : vector<400xi32>
    %rem3A_408 = vector.broadcast %jit3A_387 : i32 to vector<400xi32>
    %rem3A_409 = arith.remsi %iota3A_386, %rem3A_408 : vector<400xi32>
    %ne3A_410 = arith.constant 0 : i32
    %ne3A_411 = vector.broadcast %ne3A_410 : i32 to vector<400xi32>
    %ne3A_412 = arith.cmpi ne, %rem3A_409, %ne3A_411 : vector<400xi32>
    %and3A_413 = arith.andi %ne3A_407, %ne3A_412 : vector<400xi1>
    %sub3A_414 = arith.constant 1 : i32
    %sub3A_415 = vector.broadcast %sub3A_414 : i32 to vector<400xi32>
    %sub3A_416 = arith.subi %div3A_389, %sub3A_415 : vector<400xi32>
    %select_n3A_417 = arith.select %and3A_413, %sub3A_416, %div3A_389 : vector<400xi1>, vector<400xi32>
    %broadcast_in_dim3A_418 = vector.shape_cast %select_n3A_417 : vector<400xi32> to vector<1x400xi32>
    %broadcast_in_dim3A_419 = vector.shape_cast %broadcast_in_dim3A_418 : vector<1x400xi32> to vector<1x400xi32>
    %broadcast_in_dim3A_420 = vector.broadcast %broadcast_in_dim3A_419 : vector<1x400xi32> to vector<256x400xi32>
    %lt3A_421 = arith.constant 0 : i32
    %lt3A_422 = vector.broadcast %lt3A_421 : i32 to vector<256x400xi32>
    %lt3A_423 = arith.cmpi slt, %broadcast_in_dim3A_420, %lt3A_422 : vector<256x400xi32>
    %add3A_424 = arith.constant 20 : i32
    %add3A_425 = vector.broadcast %add3A_424 : i32 to vector<256x400xi32>
    %add3A_426 = arith.addi %broadcast_in_dim3A_420, %add3A_425 : vector<256x400xi32>
    %select_n3A_427 = arith.select %lt3A_423, %add3A_426, %broadcast_in_dim3A_420 : vector<256x400xi1>, vector<256x400xi32>
    %reshape3A_428 = vector.shape_cast %select_n3A_427 : vector<256x400xi32> to vector<256x400x1xi32>
    %gather3A_429 = vector.shape_cast %reshape3A_428 : vector<256x400x1xi32> to vector<256x400xi32>
    %gather3A_430 = tpu.dynamic_gather %slice3A_384[%gather3A_429] in [1] : vector<256x20xf32>, vector<256x400xi32> -> vector<256x400xf32>
    %slice3A_431 = vector.extract_strided_slice %add3A_44 {offsets = [0, 60], sizes = [256, 20], strides = [1, 1]} : vector<256x160xf32> to vector<256x20xf32>
    %concatenate3A_432 = tpu.concatenate %slice3A_431, %slice3A_431, %slice3A_431, %slice3A_431, %slice3A_431, %slice3A_431, %slice3A_431, %slice3A_431, %slice3A_431, %slice3A_431, %slice3A_431, %slice3A_431, %slice3A_431, %slice3A_431, %slice3A_431, %slice3A_431, %slice3A_431, %slice3A_431, %slice3A_431, %slice3A_431 in 1 : vector<256x20xf32>, vector<256x20xf32>, vector<256x20xf32>, vector<256x20xf32>, vector<256x20xf32>, vector<256x20xf32>, vector<256x20xf32>, vector<256x20xf32>, vector<256x20xf32>, vector<256x20xf32>, vector<256x20xf32>, vector<256x20xf32>, vector<256x20xf32>, vector<256x20xf32>, vector<256x20xf32>, vector<256x20xf32>, vector<256x20xf32>, vector<256x20xf32>, vector<256x20xf32>, vector<256x20xf32> -> vector<256x400xf32>
    %mul3A_433 = arith.mulf %gather3A_430, %concatenate3A_432 : vector<256x400xf32>
    %add3A_434 = arith.addf %add3A_383, %mul3A_433 : vector<256x400xf32>
    %gt3A_435 = arith.constant 0.000000e+00 : f32
    %gt3A_436 = vector.broadcast %gt3A_435 : f32 to vector<256x1xf32>
    %gt3A_437 = arith.cmpf ogt, %get3A_67, %gt3A_436 : vector<256x1xf32>
    %slice3A_438 = vector.extract_strided_slice %add3A_64 {offsets = [0, 60], sizes = [256, 20], strides = [1, 1]} : vector<256x160xf32> to vector<256x20xf32>
    %iota3A_439 = tpu.iota {dimensions = array<i32: 1>} : vector<1x400xi32>
    %iota3A_440 = vector.shape_cast %iota3A_439 : vector<1x400xi32> to vector<400xi32>
    %jit3A_441 = arith.constant 20 : i32
    %div3A_442 = vector.broadcast %jit3A_441 : i32 to vector<400xi32>
    %div3A_443 = arith.divsi %iota3A_440, %div3A_442 : vector<400xi32>
    %sign3A_444 = arith.constant 0 : i32
    %sign3A_445 = vector.broadcast %sign3A_444 : i32 to vector<400xi32>
    %sign3A_446 = arith.cmpi sgt, %iota3A_440, %sign3A_445 : vector<400xi32>
    %sign3A_447 = arith.extui %sign3A_446 : vector<400xi1> to vector<400xi32>
    %sign3A_448 = arith.constant 0 : i32
    %sign3A_449 = vector.broadcast %sign3A_448 : i32 to vector<400xi32>
    %sign3A_450 = arith.cmpi slt, %iota3A_440, %sign3A_449 : vector<400xi32>
    %sign3A_451 = arith.extui %sign3A_450 : vector<400xi1> to vector<400xi32>
    %sign3A_452 = arith.subi %sign3A_447, %sign3A_451 : vector<400xi32>
    %sign3A_453 = arith.constant 0 : i32
    %sign3A_454 = arith.cmpi sgt, %jit3A_441, %sign3A_453 : i32
    %sign3A_455 = arith.extui %sign3A_454 : i1 to i32
    %sign3A_456 = arith.constant 0 : i32
    %sign3A_457 = arith.cmpi slt, %jit3A_441, %sign3A_456 : i32
    %sign3A_458 = arith.extui %sign3A_457 : i1 to i32
    %sign3A_459 = arith.subi %sign3A_455, %sign3A_458 : i32
    %ne3A_460 = vector.broadcast %sign3A_459 : i32 to vector<400xi32>
    %ne3A_461 = arith.cmpi ne, %sign3A_452, %ne3A_460 : vector<400xi32>
    %rem3A_462 = vector.broadcast %jit3A_441 : i32 to vector<400xi32>
    %rem3A_463 = arith.remsi %iota3A_440, %rem3A_462 : vector<400xi32>
    %ne3A_464 = arith.constant 0 : i32
    %ne3A_465 = vector.broadcast %ne3A_464 : i32 to vector<400xi32>
    %ne3A_466 = arith.cmpi ne, %rem3A_463, %ne3A_465 : vector<400xi32>
    %and3A_467 = arith.andi %ne3A_461, %ne3A_466 : vector<400xi1>
    %sub3A_468 = arith.constant 1 : i32
    %sub3A_469 = vector.broadcast %sub3A_468 : i32 to vector<400xi32>
    %sub3A_470 = arith.subi %div3A_443, %sub3A_469 : vector<400xi32>
    %select_n3A_471 = arith.select %and3A_467, %sub3A_470, %div3A_443 : vector<400xi1>, vector<400xi32>
    %broadcast_in_dim3A_472 = vector.shape_cast %select_n3A_471 : vector<400xi32> to vector<1x400xi32>
    %broadcast_in_dim3A_473 = vector.shape_cast %broadcast_in_dim3A_472 : vector<1x400xi32> to vector<1x400xi32>
    %broadcast_in_dim3A_474 = vector.broadcast %broadcast_in_dim3A_473 : vector<1x400xi32> to vector<256x400xi32>
    %lt3A_475 = arith.constant 0 : i32
    %lt3A_476 = vector.broadcast %lt3A_475 : i32 to vector<256x400xi32>
    %lt3A_477 = arith.cmpi slt, %broadcast_in_dim3A_474, %lt3A_476 : vector<256x400xi32>
    %add3A_478 = arith.constant 20 : i32
    %add3A_479 = vector.broadcast %add3A_478 : i32 to vector<256x400xi32>
    %add3A_480 = arith.addi %broadcast_in_dim3A_474, %add3A_479 : vector<256x400xi32>
    %select_n3A_481 = arith.select %lt3A_477, %add3A_480, %broadcast_in_dim3A_474 : vector<256x400xi1>, vector<256x400xi32>
    %reshape3A_482 = vector.shape_cast %select_n3A_481 : vector<256x400xi32> to vector<256x400x1xi32>
    %gather3A_483 = vector.shape_cast %reshape3A_482 : vector<256x400x1xi32> to vector<256x400xi32>
    %gather3A_484 = tpu.dynamic_gather %slice3A_438[%gather3A_483] in [1] : vector<256x20xf32>, vector<256x400xi32> -> vector<256x400xf32>
    %slice3A_485 = vector.extract_strided_slice %add3A_54 {offsets = [0, 60], sizes = [256, 20], strides = [1, 1]} : vector<256x160xf32> to vector<256x20xf32>
    %concatenate3A_486 = tpu.concatenate %slice3A_485, %slice3A_485, %slice3A_485, %slice3A_485, %slice3A_485, %slice3A_485, %slice3A_485, %slice3A_485, %slice3A_485, %slice3A_485, %slice3A_485, %slice3A_485, %slice3A_485, %slice3A_485, %slice3A_485, %slice3A_485, %slice3A_485, %slice3A_485, %slice3A_485, %slice3A_485 in 1 : vector<256x20xf32>, vector<256x20xf32>, vector<256x20xf32>, vector<256x20xf32>, vector<256x20xf32>, vector<256x20xf32>, vector<256x20xf32>, vector<256x20xf32>, vector<256x20xf32>, vector<256x20xf32>, vector<256x20xf32>, vector<256x20xf32>, vector<256x20xf32>, vector<256x20xf32>, vector<256x20xf32>, vector<256x20xf32>, vector<256x20xf32>, vector<256x20xf32>, vector<256x20xf32>, vector<256x20xf32> -> vector<256x400xf32>
    %mul3A_487 = arith.mulf %gather3A_484, %concatenate3A_486 : vector<256x400xf32>
    %jit3A_488 = arith.constant 0.000000e+00 : f32
    %broadcast_in_dim3A_489 = vector.shape_cast %gt3A_437 : vector<256x1xi1> to vector<256x1xi1>
    %broadcast_in_dim3A_490 = vector.broadcast %broadcast_in_dim3A_489 : vector<256x1xi1> to vector<256x400xi1>
    %broadcast_in_dim3A_491 = vector.broadcast %jit3A_488 : f32 to vector<256x400xf32>
    %select_n3A_492 = arith.select %broadcast_in_dim3A_490, %mul3A_487, %broadcast_in_dim3A_491 : vector<256x400xi1>, vector<256x400xf32>
    %add3A_493 = arith.addf %add3A_434, %select_n3A_492 : vector<256x400xf32>
    %slice3A_494 = vector.extract_strided_slice %add3A_34 {offsets = [0, 80], sizes = [256, 20], strides = [1, 1]} : vector<256x160xf32> to vector<256x20xf32>
    %iota3A_495 = tpu.iota {dimensions = array<i32: 1>} : vector<1x400xi32>
    %iota3A_496 = vector.shape_cast %iota3A_495 : vector<1x400xi32> to vector<400xi32>
    %jit3A_497 = arith.constant 20 : i32
    %div3A_498 = vector.broadcast %jit3A_497 : i32 to vector<400xi32>
    %div3A_499 = arith.divsi %iota3A_496, %div3A_498 : vector<400xi32>
    %sign3A_500 = arith.constant 0 : i32
    %sign3A_501 = vector.broadcast %sign3A_500 : i32 to vector<400xi32>
    %sign3A_502 = arith.cmpi sgt, %iota3A_496, %sign3A_501 : vector<400xi32>
    %sign3A_503 = arith.extui %sign3A_502 : vector<400xi1> to vector<400xi32>
    %sign3A_504 = arith.constant 0 : i32
    %sign3A_505 = vector.broadcast %sign3A_504 : i32 to vector<400xi32>
    %sign3A_506 = arith.cmpi slt, %iota3A_496, %sign3A_505 : vector<400xi32>
    %sign3A_507 = arith.extui %sign3A_506 : vector<400xi1> to vector<400xi32>
    %sign3A_508 = arith.subi %sign3A_503, %sign3A_507 : vector<400xi32>
    %sign3A_509 = arith.constant 0 : i32
    %sign3A_510 = arith.cmpi sgt, %jit3A_497, %sign3A_509 : i32
    %sign3A_511 = arith.extui %sign3A_510 : i1 to i32
    %sign3A_512 = arith.constant 0 : i32
    %sign3A_513 = arith.cmpi slt, %jit3A_497, %sign3A_512 : i32
    %sign3A_514 = arith.extui %sign3A_513 : i1 to i32
    %sign3A_515 = arith.subi %sign3A_511, %sign3A_514 : i32
    %ne3A_516 = vector.broadcast %sign3A_515 : i32 to vector<400xi32>
    %ne3A_517 = arith.cmpi ne, %sign3A_508, %ne3A_516 : vector<400xi32>
    %rem3A_518 = vector.broadcast %jit3A_497 : i32 to vector<400xi32>
    %rem3A_519 = arith.remsi %iota3A_496, %rem3A_518 : vector<400xi32>
    %ne3A_520 = arith.constant 0 : i32
    %ne3A_521 = vector.broadcast %ne3A_520 : i32 to vector<400xi32>
    %ne3A_522 = arith.cmpi ne, %rem3A_519, %ne3A_521 : vector<400xi32>
    %and3A_523 = arith.andi %ne3A_517, %ne3A_522 : vector<400xi1>
    %sub3A_524 = arith.constant 1 : i32
    %sub3A_525 = vector.broadcast %sub3A_524 : i32 to vector<400xi32>
    %sub3A_526 = arith.subi %div3A_499, %sub3A_525 : vector<400xi32>
    %select_n3A_527 = arith.select %and3A_523, %sub3A_526, %div3A_499 : vector<400xi1>, vector<400xi32>
    %broadcast_in_dim3A_528 = vector.shape_cast %select_n3A_527 : vector<400xi32> to vector<1x400xi32>
    %broadcast_in_dim3A_529 = vector.shape_cast %broadcast_in_dim3A_528 : vector<1x400xi32> to vector<1x400xi32>
    %broadcast_in_dim3A_530 = vector.broadcast %broadcast_in_dim3A_529 : vector<1x400xi32> to vector<256x400xi32>
    %lt3A_531 = arith.constant 0 : i32
    %lt3A_532 = vector.broadcast %lt3A_531 : i32 to vector<256x400xi32>
    %lt3A_533 = arith.cmpi slt, %broadcast_in_dim3A_530, %lt3A_532 : vector<256x400xi32>
    %add3A_534 = arith.constant 20 : i32
    %add3A_535 = vector.broadcast %add3A_534 : i32 to vector<256x400xi32>
    %add3A_536 = arith.addi %broadcast_in_dim3A_530, %add3A_535 : vector<256x400xi32>
    %select_n3A_537 = arith.select %lt3A_533, %add3A_536, %broadcast_in_dim3A_530 : vector<256x400xi1>, vector<256x400xi32>
    %reshape3A_538 = vector.shape_cast %select_n3A_537 : vector<256x400xi32> to vector<256x400x1xi32>
    %gather3A_539 = vector.shape_cast %reshape3A_538 : vector<256x400x1xi32> to vector<256x400xi32>
    %gather3A_540 = tpu.dynamic_gather %slice3A_494[%gather3A_539] in [1] : vector<256x20xf32>, vector<256x400xi32> -> vector<256x400xf32>
    %slice3A_541 = vector.extract_strided_slice %add3A_44 {offsets = [0, 80], sizes = [256, 20], strides = [1, 1]} : vector<256x160xf32> to vector<256x20xf32>
    %concatenate3A_542 = tpu.concatenate %slice3A_541, %slice3A_541, %slice3A_541, %slice3A_541, %slice3A_541, %slice3A_541, %slice3A_541, %slice3A_541, %slice3A_541, %slice3A_541, %slice3A_541, %slice3A_541, %slice3A_541, %slice3A_541, %slice3A_541, %slice3A_541, %slice3A_541, %slice3A_541, %slice3A_541, %slice3A_541 in 1 : vector<256x20xf32>, vector<256x20xf32>, vector<256x20xf32>, vector<256x20xf32>, vector<256x20xf32>, vector<256x20xf32>, vector<256x20xf32>, vector<256x20xf32>, vector<256x20xf32>, vector<256x20xf32>, vector<256x20xf32>, vector<256x20xf32>, vector<256x20xf32>, vector<256x20xf32>, vector<256x20xf32>, vector<256x20xf32>, vector<256x20xf32>, vector<256x20xf32>, vector<256x20xf32>, vector<256x20xf32> -> vector<256x400xf32>
    %mul3A_543 = arith.mulf %gather3A_540, %concatenate3A_542 : vector<256x400xf32>
    %add3A_544 = arith.addf %add3A_493, %mul3A_543 : vector<256x400xf32>
    %gt3A_545 = arith.constant 0.000000e+00 : f32
    %gt3A_546 = vector.broadcast %gt3A_545 : f32 to vector<256x1xf32>
    %gt3A_547 = arith.cmpf ogt, %get3A_67, %gt3A_546 : vector<256x1xf32>
    %slice3A_548 = vector.extract_strided_slice %add3A_64 {offsets = [0, 80], sizes = [256, 20], strides = [1, 1]} : vector<256x160xf32> to vector<256x20xf32>
    %iota3A_549 = tpu.iota {dimensions = array<i32: 1>} : vector<1x400xi32>
    %iota3A_550 = vector.shape_cast %iota3A_549 : vector<1x400xi32> to vector<400xi32>
    %jit3A_551 = arith.constant 20 : i32
    %div3A_552 = vector.broadcast %jit3A_551 : i32 to vector<400xi32>
    %div3A_553 = arith.divsi %iota3A_550, %div3A_552 : vector<400xi32>
    %sign3A_554 = arith.constant 0 : i32
    %sign3A_555 = vector.broadcast %sign3A_554 : i32 to vector<400xi32>
    %sign3A_556 = arith.cmpi sgt, %iota3A_550, %sign3A_555 : vector<400xi32>
    %sign3A_557 = arith.extui %sign3A_556 : vector<400xi1> to vector<400xi32>
    %sign3A_558 = arith.constant 0 : i32
    %sign3A_559 = vector.broadcast %sign3A_558 : i32 to vector<400xi32>
    %sign3A_560 = arith.cmpi slt, %iota3A_550, %sign3A_559 : vector<400xi32>
    %sign3A_561 = arith.extui %sign3A_560 : vector<400xi1> to vector<400xi32>
    %sign3A_562 = arith.subi %sign3A_557, %sign3A_561 : vector<400xi32>
    %sign3A_563 = arith.constant 0 : i32
    %sign3A_564 = arith.cmpi sgt, %jit3A_551, %sign3A_563 : i32
    %sign3A_565 = arith.extui %sign3A_564 : i1 to i32
    %sign3A_566 = arith.constant 0 : i32
    %sign3A_567 = arith.cmpi slt, %jit3A_551, %sign3A_566 : i32
    %sign3A_568 = arith.extui %sign3A_567 : i1 to i32
    %sign3A_569 = arith.subi %sign3A_565, %sign3A_568 : i32
    %ne3A_570 = vector.broadcast %sign3A_569 : i32 to vector<400xi32>
    %ne3A_571 = arith.cmpi ne, %sign3A_562, %ne3A_570 : vector<400xi32>
    %rem3A_572 = vector.broadcast %jit3A_551 : i32 to vector<400xi32>
    %rem3A_573 = arith.remsi %iota3A_550, %rem3A_572 : vector<400xi32>
    %ne3A_574 = arith.constant 0 : i32
    %ne3A_575 = vector.broadcast %ne3A_574 : i32 to vector<400xi32>
    %ne3A_576 = arith.cmpi ne, %rem3A_573, %ne3A_575 : vector<400xi32>
    %and3A_577 = arith.andi %ne3A_571, %ne3A_576 : vector<400xi1>
    %sub3A_578 = arith.constant 1 : i32
    %sub3A_579 = vector.broadcast %sub3A_578 : i32 to vector<400xi32>
    %sub3A_580 = arith.subi %div3A_553, %sub3A_579 : vector<400xi32>
    %select_n3A_581 = arith.select %and3A_577, %sub3A_580, %div3A_553 : vector<400xi1>, vector<400xi32>
    %broadcast_in_dim3A_582 = vector.shape_cast %select_n3A_581 : vector<400xi32> to vector<1x400xi32>
    %broadcast_in_dim3A_583 = vector.shape_cast %broadcast_in_dim3A_582 : vector<1x400xi32> to vector<1x400xi32>
    %broadcast_in_dim3A_584 = vector.broadcast %broadcast_in_dim3A_583 : vector<1x400xi32> to vector<256x400xi32>
    %lt3A_585 = arith.constant 0 : i32
    %lt3A_586 = vector.broadcast %lt3A_585 : i32 to vector<256x400xi32>
    %lt3A_587 = arith.cmpi slt, %broadcast_in_dim3A_584, %lt3A_586 : vector<256x400xi32>
    %add3A_588 = arith.constant 20 : i32
    %add3A_589 = vector.broadcast %add3A_588 : i32 to vector<256x400xi32>
    %add3A_590 = arith.addi %broadcast_in_dim3A_584, %add3A_589 : vector<256x400xi32>
    %select_n3A_591 = arith.select %lt3A_587, %add3A_590, %broadcast_in_dim3A_584 : vector<256x400xi1>, vector<256x400xi32>
    %reshape3A_592 = vector.shape_cast %select_n3A_591 : vector<256x400xi32> to vector<256x400x1xi32>
    %gather3A_593 = vector.shape_cast %reshape3A_592 : vector<256x400x1xi32> to vector<256x400xi32>
    %gather3A_594 = tpu.dynamic_gather %slice3A_548[%gather3A_593] in [1] : vector<256x20xf32>, vector<256x400xi32> -> vector<256x400xf32>
    %slice3A_595 = vector.extract_strided_slice %add3A_54 {offsets = [0, 80], sizes = [256, 20], strides = [1, 1]} : vector<256x160xf32> to vector<256x20xf32>
    %concatenate3A_596 = tpu.concatenate %slice3A_595, %slice3A_595, %slice3A_595, %slice3A_595, %slice3A_595, %slice3A_595, %slice3A_595, %slice3A_595, %slice3A_595, %slice3A_595, %slice3A_595, %slice3A_595, %slice3A_595, %slice3A_595, %slice3A_595, %slice3A_595, %slice3A_595, %slice3A_595, %slice3A_595, %slice3A_595 in 1 : vector<256x20xf32>, vector<256x20xf32>, vector<256x20xf32>, vector<256x20xf32>, vector<256x20xf32>, vector<256x20xf32>, vector<256x20xf32>, vector<256x20xf32>, vector<256x20xf32>, vector<256x20xf32>, vector<256x20xf32>, vector<256x20xf32>, vector<256x20xf32>, vector<256x20xf32>, vector<256x20xf32>, vector<256x20xf32>, vector<256x20xf32>, vector<256x20xf32>, vector<256x20xf32>, vector<256x20xf32> -> vector<256x400xf32>
    %mul3A_597 = arith.mulf %gather3A_594, %concatenate3A_596 : vector<256x400xf32>
    %jit3A_598 = arith.constant 0.000000e+00 : f32
    %broadcast_in_dim3A_599 = vector.shape_cast %gt3A_547 : vector<256x1xi1> to vector<256x1xi1>
    %broadcast_in_dim3A_600 = vector.broadcast %broadcast_in_dim3A_599 : vector<256x1xi1> to vector<256x400xi1>
    %broadcast_in_dim3A_601 = vector.broadcast %jit3A_598 : f32 to vector<256x400xf32>
    %select_n3A_602 = arith.select %broadcast_in_dim3A_600, %mul3A_597, %broadcast_in_dim3A_601 : vector<256x400xi1>, vector<256x400xf32>
    %add3A_603 = arith.addf %add3A_544, %select_n3A_602 : vector<256x400xf32>
    %slice3A_604 = vector.extract_strided_slice %add3A_34 {offsets = [0, 100], sizes = [256, 20], strides = [1, 1]} : vector<256x160xf32> to vector<256x20xf32>
    %iota3A_605 = tpu.iota {dimensions = array<i32: 1>} : vector<1x400xi32>
    %iota3A_606 = vector.shape_cast %iota3A_605 : vector<1x400xi32> to vector<400xi32>
    %jit3A_607 = arith.constant 20 : i32
    %div3A_608 = vector.broadcast %jit3A_607 : i32 to vector<400xi32>
    %div3A_609 = arith.divsi %iota3A_606, %div3A_608 : vector<400xi32>
    %sign3A_610 = arith.constant 0 : i32
    %sign3A_611 = vector.broadcast %sign3A_610 : i32 to vector<400xi32>
    %sign3A_612 = arith.cmpi sgt, %iota3A_606, %sign3A_611 : vector<400xi32>
    %sign3A_613 = arith.extui %sign3A_612 : vector<400xi1> to vector<400xi32>
    %sign3A_614 = arith.constant 0 : i32
    %sign3A_615 = vector.broadcast %sign3A_614 : i32 to vector<400xi32>
    %sign3A_616 = arith.cmpi slt, %iota3A_606, %sign3A_615 : vector<400xi32>
    %sign3A_617 = arith.extui %sign3A_616 : vector<400xi1> to vector<400xi32>
    %sign3A_618 = arith.subi %sign3A_613, %sign3A_617 : vector<400xi32>
    %sign3A_619 = arith.constant 0 : i32
    %sign3A_620 = arith.cmpi sgt, %jit3A_607, %sign3A_619 : i32
    %sign3A_621 = arith.extui %sign3A_620 : i1 to i32
    %sign3A_622 = arith.constant 0 : i32
    %sign3A_623 = arith.cmpi slt, %jit3A_607, %sign3A_622 : i32
    %sign3A_624 = arith.extui %sign3A_623 : i1 to i32
    %sign3A_625 = arith.subi %sign3A_621, %sign3A_624 : i32
    %ne3A_626 = vector.broadcast %sign3A_625 : i32 to vector<400xi32>
    %ne3A_627 = arith.cmpi ne, %sign3A_618, %ne3A_626 : vector<400xi32>
    %rem3A_628 = vector.broadcast %jit3A_607 : i32 to vector<400xi32>
    %rem3A_629 = arith.remsi %iota3A_606, %rem3A_628 : vector<400xi32>
    %ne3A_630 = arith.constant 0 : i32
    %ne3A_631 = vector.broadcast %ne3A_630 : i32 to vector<400xi32>
    %ne3A_632 = arith.cmpi ne, %rem3A_629, %ne3A_631 : vector<400xi32>
    %and3A_633 = arith.andi %ne3A_627, %ne3A_632 : vector<400xi1>
    %sub3A_634 = arith.constant 1 : i32
    %sub3A_635 = vector.broadcast %sub3A_634 : i32 to vector<400xi32>
    %sub3A_636 = arith.subi %div3A_609, %sub3A_635 : vector<400xi32>
    %select_n3A_637 = arith.select %and3A_633, %sub3A_636, %div3A_609 : vector<400xi1>, vector<400xi32>
    %broadcast_in_dim3A_638 = vector.shape_cast %select_n3A_637 : vector<400xi32> to vector<1x400xi32>
    %broadcast_in_dim3A_639 = vector.shape_cast %broadcast_in_dim3A_638 : vector<1x400xi32> to vector<1x400xi32>
    %broadcast_in_dim3A_640 = vector.broadcast %broadcast_in_dim3A_639 : vector<1x400xi32> to vector<256x400xi32>
    %lt3A_641 = arith.constant 0 : i32
    %lt3A_642 = vector.broadcast %lt3A_641 : i32 to vector<256x400xi32>
    %lt3A_643 = arith.cmpi slt, %broadcast_in_dim3A_640, %lt3A_642 : vector<256x400xi32>
    %add3A_644 = arith.constant 20 : i32
    %add3A_645 = vector.broadcast %add3A_644 : i32 to vector<256x400xi32>
    %add3A_646 = arith.addi %broadcast_in_dim3A_640, %add3A_645 : vector<256x400xi32>
    %select_n3A_647 = arith.select %lt3A_643, %add3A_646, %broadcast_in_dim3A_640 : vector<256x400xi1>, vector<256x400xi32>
    %reshape3A_648 = vector.shape_cast %select_n3A_647 : vector<256x400xi32> to vector<256x400x1xi32>
    %gather3A_649 = vector.shape_cast %reshape3A_648 : vector<256x400x1xi32> to vector<256x400xi32>
    %gather3A_650 = tpu.dynamic_gather %slice3A_604[%gather3A_649] in [1] : vector<256x20xf32>, vector<256x400xi32> -> vector<256x400xf32>
    %slice3A_651 = vector.extract_strided_slice %add3A_44 {offsets = [0, 100], sizes = [256, 20], strides = [1, 1]} : vector<256x160xf32> to vector<256x20xf32>
    %concatenate3A_652 = tpu.concatenate %slice3A_651, %slice3A_651, %slice3A_651, %slice3A_651, %slice3A_651, %slice3A_651, %slice3A_651, %slice3A_651, %slice3A_651, %slice3A_651, %slice3A_651, %slice3A_651, %slice3A_651, %slice3A_651, %slice3A_651, %slice3A_651, %slice3A_651, %slice3A_651, %slice3A_651, %slice3A_651 in 1 : vector<256x20xf32>, vector<256x20xf32>, vector<256x20xf32>, vector<256x20xf32>, vector<256x20xf32>, vector<256x20xf32>, vector<256x20xf32>, vector<256x20xf32>, vector<256x20xf32>, vector<256x20xf32>, vector<256x20xf32>, vector<256x20xf32>, vector<256x20xf32>, vector<256x20xf32>, vector<256x20xf32>, vector<256x20xf32>, vector<256x20xf32>, vector<256x20xf32>, vector<256x20xf32>, vector<256x20xf32> -> vector<256x400xf32>
    %mul3A_653 = arith.mulf %gather3A_650, %concatenate3A_652 : vector<256x400xf32>
    %add3A_654 = arith.addf %add3A_603, %mul3A_653 : vector<256x400xf32>
    %gt3A_655 = arith.constant 0.000000e+00 : f32
    %gt3A_656 = vector.broadcast %gt3A_655 : f32 to vector<256x1xf32>
    %gt3A_657 = arith.cmpf ogt, %get3A_67, %gt3A_656 : vector<256x1xf32>
    %slice3A_658 = vector.extract_strided_slice %add3A_64 {offsets = [0, 100], sizes = [256, 20], strides = [1, 1]} : vector<256x160xf32> to vector<256x20xf32>
    %iota3A_659 = tpu.iota {dimensions = array<i32: 1>} : vector<1x400xi32>
    %iota3A_660 = vector.shape_cast %iota3A_659 : vector<1x400xi32> to vector<400xi32>
    %jit3A_661 = arith.constant 20 : i32
    %div3A_662 = vector.broadcast %jit3A_661 : i32 to vector<400xi32>
    %div3A_663 = arith.divsi %iota3A_660, %div3A_662 : vector<400xi32>
    %sign3A_664 = arith.constant 0 : i32
    %sign3A_665 = vector.broadcast %sign3A_664 : i32 to vector<400xi32>
    %sign3A_666 = arith.cmpi sgt, %iota3A_660, %sign3A_665 : vector<400xi32>
    %sign3A_667 = arith.extui %sign3A_666 : vector<400xi1> to vector<400xi32>
    %sign3A_668 = arith.constant 0 : i32
    %sign3A_669 = vector.broadcast %sign3A_668 : i32 to vector<400xi32>
    %sign3A_670 = arith.cmpi slt, %iota3A_660, %sign3A_669 : vector<400xi32>
    %sign3A_671 = arith.extui %sign3A_670 : vector<400xi1> to vector<400xi32>
    %sign3A_672 = arith.subi %sign3A_667, %sign3A_671 : vector<400xi32>
    %sign3A_673 = arith.constant 0 : i32
    %sign3A_674 = arith.cmpi sgt, %jit3A_661, %sign3A_673 : i32
    %sign3A_675 = arith.extui %sign3A_674 : i1 to i32
    %sign3A_676 = arith.constant 0 : i32
    %sign3A_677 = arith.cmpi slt, %jit3A_661, %sign3A_676 : i32
    %sign3A_678 = arith.extui %sign3A_677 : i1 to i32
    %sign3A_679 = arith.subi %sign3A_675, %sign3A_678 : i32
    %ne3A_680 = vector.broadcast %sign3A_679 : i32 to vector<400xi32>
    %ne3A_681 = arith.cmpi ne, %sign3A_672, %ne3A_680 : vector<400xi32>
    %rem3A_682 = vector.broadcast %jit3A_661 : i32 to vector<400xi32>
    %rem3A_683 = arith.remsi %iota3A_660, %rem3A_682 : vector<400xi32>
    %ne3A_684 = arith.constant 0 : i32
    %ne3A_685 = vector.broadcast %ne3A_684 : i32 to vector<400xi32>
    %ne3A_686 = arith.cmpi ne, %rem3A_683, %ne3A_685 : vector<400xi32>
    %and3A_687 = arith.andi %ne3A_681, %ne3A_686 : vector<400xi1>
    %sub3A_688 = arith.constant 1 : i32
    %sub3A_689 = vector.broadcast %sub3A_688 : i32 to vector<400xi32>
    %sub3A_690 = arith.subi %div3A_663, %sub3A_689 : vector<400xi32>
    %select_n3A_691 = arith.select %and3A_687, %sub3A_690, %div3A_663 : vector<400xi1>, vector<400xi32>
    %broadcast_in_dim3A_692 = vector.shape_cast %select_n3A_691 : vector<400xi32> to vector<1x400xi32>
    %broadcast_in_dim3A_693 = vector.shape_cast %broadcast_in_dim3A_692 : vector<1x400xi32> to vector<1x400xi32>
    %broadcast_in_dim3A_694 = vector.broadcast %broadcast_in_dim3A_693 : vector<1x400xi32> to vector<256x400xi32>
    %lt3A_695 = arith.constant 0 : i32
    %lt3A_696 = vector.broadcast %lt3A_695 : i32 to vector<256x400xi32>
    %lt3A_697 = arith.cmpi slt, %broadcast_in_dim3A_694, %lt3A_696 : vector<256x400xi32>
    %add3A_698 = arith.constant 20 : i32
    %add3A_699 = vector.broadcast %add3A_698 : i32 to vector<256x400xi32>
    %add3A_700 = arith.addi %broadcast_in_dim3A_694, %add3A_699 : vector<256x400xi32>
    %select_n3A_701 = arith.select %lt3A_697, %add3A_700, %broadcast_in_dim3A_694 : vector<256x400xi1>, vector<256x400xi32>
    %reshape3A_702 = vector.shape_cast %select_n3A_701 : vector<256x400xi32> to vector<256x400x1xi32>
    %gather3A_703 = vector.shape_cast %reshape3A_702 : vector<256x400x1xi32> to vector<256x400xi32>
    %gather3A_704 = tpu.dynamic_gather %slice3A_658[%gather3A_703] in [1] : vector<256x20xf32>, vector<256x400xi32> -> vector<256x400xf32>
    %slice3A_705 = vector.extract_strided_slice %add3A_54 {offsets = [0, 100], sizes = [256, 20], strides = [1, 1]} : vector<256x160xf32> to vector<256x20xf32>
    %concatenate3A_706 = tpu.concatenate %slice3A_705, %slice3A_705, %slice3A_705, %slice3A_705, %slice3A_705, %slice3A_705, %slice3A_705, %slice3A_705, %slice3A_705, %slice3A_705, %slice3A_705, %slice3A_705, %slice3A_705, %slice3A_705, %slice3A_705, %slice3A_705, %slice3A_705, %slice3A_705, %slice3A_705, %slice3A_705 in 1 : vector<256x20xf32>, vector<256x20xf32>, vector<256x20xf32>, vector<256x20xf32>, vector<256x20xf32>, vector<256x20xf32>, vector<256x20xf32>, vector<256x20xf32>, vector<256x20xf32>, vector<256x20xf32>, vector<256x20xf32>, vector<256x20xf32>, vector<256x20xf32>, vector<256x20xf32>, vector<256x20xf32>, vector<256x20xf32>, vector<256x20xf32>, vector<256x20xf32>, vector<256x20xf32>, vector<256x20xf32> -> vector<256x400xf32>
    %mul3A_707 = arith.mulf %gather3A_704, %concatenate3A_706 : vector<256x400xf32>
    %jit3A_708 = arith.constant 0.000000e+00 : f32
    %broadcast_in_dim3A_709 = vector.shape_cast %gt3A_657 : vector<256x1xi1> to vector<256x1xi1>
    %broadcast_in_dim3A_710 = vector.broadcast %broadcast_in_dim3A_709 : vector<256x1xi1> to vector<256x400xi1>
    %broadcast_in_dim3A_711 = vector.broadcast %jit3A_708 : f32 to vector<256x400xf32>
    %select_n3A_712 = arith.select %broadcast_in_dim3A_710, %mul3A_707, %broadcast_in_dim3A_711 : vector<256x400xi1>, vector<256x400xf32>
    %add3A_713 = arith.addf %add3A_654, %select_n3A_712 : vector<256x400xf32>
    %slice3A_714 = vector.extract_strided_slice %add3A_34 {offsets = [0, 120], sizes = [256, 20], strides = [1, 1]} : vector<256x160xf32> to vector<256x20xf32>
    %iota3A_715 = tpu.iota {dimensions = array<i32: 1>} : vector<1x400xi32>
    %iota3A_716 = vector.shape_cast %iota3A_715 : vector<1x400xi32> to vector<400xi32>
    %jit3A_717 = arith.constant 20 : i32
    %div3A_718 = vector.broadcast %jit3A_717 : i32 to vector<400xi32>
    %div3A_719 = arith.divsi %iota3A_716, %div3A_718 : vector<400xi32>
    %sign3A_720 = arith.constant 0 : i32
    %sign3A_721 = vector.broadcast %sign3A_720 : i32 to vector<400xi32>
    %sign3A_722 = arith.cmpi sgt, %iota3A_716, %sign3A_721 : vector<400xi32>
    %sign3A_723 = arith.extui %sign3A_722 : vector<400xi1> to vector<400xi32>
    %sign3A_724 = arith.constant 0 : i32
    %sign3A_725 = vector.broadcast %sign3A_724 : i32 to vector<400xi32>
    %sign3A_726 = arith.cmpi slt, %iota3A_716, %sign3A_725 : vector<400xi32>
    %sign3A_727 = arith.extui %sign3A_726 : vector<400xi1> to vector<400xi32>
    %sign3A_728 = arith.subi %sign3A_723, %sign3A_727 : vector<400xi32>
    %sign3A_729 = arith.constant 0 : i32
    %sign3A_730 = arith.cmpi sgt, %jit3A_717, %sign3A_729 : i32
    %sign3A_731 = arith.extui %sign3A_730 : i1 to i32
    %sign3A_732 = arith.constant 0 : i32
    %sign3A_733 = arith.cmpi slt, %jit3A_717, %sign3A_732 : i32
    %sign3A_734 = arith.extui %sign3A_733 : i1 to i32
    %sign3A_735 = arith.subi %sign3A_731, %sign3A_734 : i32
    %ne3A_736 = vector.broadcast %sign3A_735 : i32 to vector<400xi32>
    %ne3A_737 = arith.cmpi ne, %sign3A_728, %ne3A_736 : vector<400xi32>
    %rem3A_738 = vector.broadcast %jit3A_717 : i32 to vector<400xi32>
    %rem3A_739 = arith.remsi %iota3A_716, %rem3A_738 : vector<400xi32>
    %ne3A_740 = arith.constant 0 : i32
    %ne3A_741 = vector.broadcast %ne3A_740 : i32 to vector<400xi32>
    %ne3A_742 = arith.cmpi ne, %rem3A_739, %ne3A_741 : vector<400xi32>
    %and3A_743 = arith.andi %ne3A_737, %ne3A_742 : vector<400xi1>
    %sub3A_744 = arith.constant 1 : i32
    %sub3A_745 = vector.broadcast %sub3A_744 : i32 to vector<400xi32>
    %sub3A_746 = arith.subi %div3A_719, %sub3A_745 : vector<400xi32>
    %select_n3A_747 = arith.select %and3A_743, %sub3A_746, %div3A_719 : vector<400xi1>, vector<400xi32>
    %broadcast_in_dim3A_748 = vector.shape_cast %select_n3A_747 : vector<400xi32> to vector<1x400xi32>
    %broadcast_in_dim3A_749 = vector.shape_cast %broadcast_in_dim3A_748 : vector<1x400xi32> to vector<1x400xi32>
    %broadcast_in_dim3A_750 = vector.broadcast %broadcast_in_dim3A_749 : vector<1x400xi32> to vector<256x400xi32>
    %lt3A_751 = arith.constant 0 : i32
    %lt3A_752 = vector.broadcast %lt3A_751 : i32 to vector<256x400xi32>
    %lt3A_753 = arith.cmpi slt, %broadcast_in_dim3A_750, %lt3A_752 : vector<256x400xi32>
    %add3A_754 = arith.constant 20 : i32
    %add3A_755 = vector.broadcast %add3A_754 : i32 to vector<256x400xi32>
    %add3A_756 = arith.addi %broadcast_in_dim3A_750, %add3A_755 : vector<256x400xi32>
    %select_n3A_757 = arith.select %lt3A_753, %add3A_756, %broadcast_in_dim3A_750 : vector<256x400xi1>, vector<256x400xi32>
    %reshape3A_758 = vector.shape_cast %select_n3A_757 : vector<256x400xi32> to vector<256x400x1xi32>
    %gather3A_759 = vector.shape_cast %reshape3A_758 : vector<256x400x1xi32> to vector<256x400xi32>
    %gather3A_760 = tpu.dynamic_gather %slice3A_714[%gather3A_759] in [1] : vector<256x20xf32>, vector<256x400xi32> -> vector<256x400xf32>
    %slice3A_761 = vector.extract_strided_slice %add3A_44 {offsets = [0, 120], sizes = [256, 20], strides = [1, 1]} : vector<256x160xf32> to vector<256x20xf32>
    %concatenate3A_762 = tpu.concatenate %slice3A_761, %slice3A_761, %slice3A_761, %slice3A_761, %slice3A_761, %slice3A_761, %slice3A_761, %slice3A_761, %slice3A_761, %slice3A_761, %slice3A_761, %slice3A_761, %slice3A_761, %slice3A_761, %slice3A_761, %slice3A_761, %slice3A_761, %slice3A_761, %slice3A_761, %slice3A_761 in 1 : vector<256x20xf32>, vector<256x20xf32>, vector<256x20xf32>, vector<256x20xf32>, vector<256x20xf32>, vector<256x20xf32>, vector<256x20xf32>, vector<256x20xf32>, vector<256x20xf32>, vector<256x20xf32>, vector<256x20xf32>, vector<256x20xf32>, vector<256x20xf32>, vector<256x20xf32>, vector<256x20xf32>, vector<256x20xf32>, vector<256x20xf32>, vector<256x20xf32>, vector<256x20xf32>, vector<256x20xf32> -> vector<256x400xf32>
    %mul3A_763 = arith.mulf %gather3A_760, %concatenate3A_762 : vector<256x400xf32>
    %add3A_764 = arith.addf %add3A_713, %mul3A_763 : vector<256x400xf32>
    %gt3A_765 = arith.constant 0.000000e+00 : f32
    %gt3A_766 = vector.broadcast %gt3A_765 : f32 to vector<256x1xf32>
    %gt3A_767 = arith.cmpf ogt, %get3A_67, %gt3A_766 : vector<256x1xf32>
    %slice3A_768 = vector.extract_strided_slice %add3A_64 {offsets = [0, 120], sizes = [256, 20], strides = [1, 1]} : vector<256x160xf32> to vector<256x20xf32>
    %iota3A_769 = tpu.iota {dimensions = array<i32: 1>} : vector<1x400xi32>
    %iota3A_770 = vector.shape_cast %iota3A_769 : vector<1x400xi32> to vector<400xi32>
    %jit3A_771 = arith.constant 20 : i32
    %div3A_772 = vector.broadcast %jit3A_771 : i32 to vector<400xi32>
    %div3A_773 = arith.divsi %iota3A_770, %div3A_772 : vector<400xi32>
    %sign3A_774 = arith.constant 0 : i32
    %sign3A_775 = vector.broadcast %sign3A_774 : i32 to vector<400xi32>
    %sign3A_776 = arith.cmpi sgt, %iota3A_770, %sign3A_775 : vector<400xi32>
    %sign3A_777 = arith.extui %sign3A_776 : vector<400xi1> to vector<400xi32>
    %sign3A_778 = arith.constant 0 : i32
    %sign3A_779 = vector.broadcast %sign3A_778 : i32 to vector<400xi32>
    %sign3A_780 = arith.cmpi slt, %iota3A_770, %sign3A_779 : vector<400xi32>
    %sign3A_781 = arith.extui %sign3A_780 : vector<400xi1> to vector<400xi32>
    %sign3A_782 = arith.subi %sign3A_777, %sign3A_781 : vector<400xi32>
    %sign3A_783 = arith.constant 0 : i32
    %sign3A_784 = arith.cmpi sgt, %jit3A_771, %sign3A_783 : i32
    %sign3A_785 = arith.extui %sign3A_784 : i1 to i32
    %sign3A_786 = arith.constant 0 : i32
    %sign3A_787 = arith.cmpi slt, %jit3A_771, %sign3A_786 : i32
    %sign3A_788 = arith.extui %sign3A_787 : i1 to i32
    %sign3A_789 = arith.subi %sign3A_785, %sign3A_788 : i32
    %ne3A_790 = vector.broadcast %sign3A_789 : i32 to vector<400xi32>
    %ne3A_791 = arith.cmpi ne, %sign3A_782, %ne3A_790 : vector<400xi32>
    %rem3A_792 = vector.broadcast %jit3A_771 : i32 to vector<400xi32>
    %rem3A_793 = arith.remsi %iota3A_770, %rem3A_792 : vector<400xi32>
    %ne3A_794 = arith.constant 0 : i32
    %ne3A_795 = vector.broadcast %ne3A_794 : i32 to vector<400xi32>
    %ne3A_796 = arith.cmpi ne, %rem3A_793, %ne3A_795 : vector<400xi32>
    %and3A_797 = arith.andi %ne3A_791, %ne3A_796 : vector<400xi1>
    %sub3A_798 = arith.constant 1 : i32
    %sub3A_799 = vector.broadcast %sub3A_798 : i32 to vector<400xi32>
    %sub3A_800 = arith.subi %div3A_773, %sub3A_799 : vector<400xi32>
    %select_n3A_801 = arith.select %and3A_797, %sub3A_800, %div3A_773 : vector<400xi1>, vector<400xi32>
    %broadcast_in_dim3A_802 = vector.shape_cast %select_n3A_801 : vector<400xi32> to vector<1x400xi32>
    %broadcast_in_dim3A_803 = vector.shape_cast %broadcast_in_dim3A_802 : vector<1x400xi32> to vector<1x400xi32>
    %broadcast_in_dim3A_804 = vector.broadcast %broadcast_in_dim3A_803 : vector<1x400xi32> to vector<256x400xi32>
    %lt3A_805 = arith.constant 0 : i32
    %lt3A_806 = vector.broadcast %lt3A_805 : i32 to vector<256x400xi32>
    %lt3A_807 = arith.cmpi slt, %broadcast_in_dim3A_804, %lt3A_806 : vector<256x400xi32>
    %add3A_808 = arith.constant 20 : i32
    %add3A_809 = vector.broadcast %add3A_808 : i32 to vector<256x400xi32>
    %add3A_810 = arith.addi %broadcast_in_dim3A_804, %add3A_809 : vector<256x400xi32>
    %select_n3A_811 = arith.select %lt3A_807, %add3A_810, %broadcast_in_dim3A_804 : vector<256x400xi1>, vector<256x400xi32>
    %reshape3A_812 = vector.shape_cast %select_n3A_811 : vector<256x400xi32> to vector<256x400x1xi32>
    %gather3A_813 = vector.shape_cast %reshape3A_812 : vector<256x400x1xi32> to vector<256x400xi32>
    %gather3A_814 = tpu.dynamic_gather %slice3A_768[%gather3A_813] in [1] : vector<256x20xf32>, vector<256x400xi32> -> vector<256x400xf32>
    %slice3A_815 = vector.extract_strided_slice %add3A_54 {offsets = [0, 120], sizes = [256, 20], strides = [1, 1]} : vector<256x160xf32> to vector<256x20xf32>
    %concatenate3A_816 = tpu.concatenate %slice3A_815, %slice3A_815, %slice3A_815, %slice3A_815, %slice3A_815, %slice3A_815, %slice3A_815, %slice3A_815, %slice3A_815, %slice3A_815, %slice3A_815, %slice3A_815, %slice3A_815, %slice3A_815, %slice3A_815, %slice3A_815, %slice3A_815, %slice3A_815, %slice3A_815, %slice3A_815 in 1 : vector<256x20xf32>, vector<256x20xf32>, vector<256x20xf32>, vector<256x20xf32>, vector<256x20xf32>, vector<256x20xf32>, vector<256x20xf32>, vector<256x20xf32>, vector<256x20xf32>, vector<256x20xf32>, vector<256x20xf32>, vector<256x20xf32>, vector<256x20xf32>, vector<256x20xf32>, vector<256x20xf32>, vector<256x20xf32>, vector<256x20xf32>, vector<256x20xf32>, vector<256x20xf32>, vector<256x20xf32> -> vector<256x400xf32>
    %mul3A_817 = arith.mulf %gather3A_814, %concatenate3A_816 : vector<256x400xf32>
    %jit3A_818 = arith.constant 0.000000e+00 : f32
    %broadcast_in_dim3A_819 = vector.shape_cast %gt3A_767 : vector<256x1xi1> to vector<256x1xi1>
    %broadcast_in_dim3A_820 = vector.broadcast %broadcast_in_dim3A_819 : vector<256x1xi1> to vector<256x400xi1>
    %broadcast_in_dim3A_821 = vector.broadcast %jit3A_818 : f32 to vector<256x400xf32>
    %select_n3A_822 = arith.select %broadcast_in_dim3A_820, %mul3A_817, %broadcast_in_dim3A_821 : vector<256x400xi1>, vector<256x400xf32>
    %add3A_823 = arith.addf %add3A_764, %select_n3A_822 : vector<256x400xf32>
    %slice3A_824 = vector.extract_strided_slice %add3A_34 {offsets = [0, 140], sizes = [256, 20], strides = [1, 1]} : vector<256x160xf32> to vector<256x20xf32>
    %iota3A_825 = tpu.iota {dimensions = array<i32: 1>} : vector<1x400xi32>
    %iota3A_826 = vector.shape_cast %iota3A_825 : vector<1x400xi32> to vector<400xi32>
    %jit3A_827 = arith.constant 20 : i32
    %div3A_828 = vector.broadcast %jit3A_827 : i32 to vector<400xi32>
    %div3A_829 = arith.divsi %iota3A_826, %div3A_828 : vector<400xi32>
    %sign3A_830 = arith.constant 0 : i32
    %sign3A_831 = vector.broadcast %sign3A_830 : i32 to vector<400xi32>
    %sign3A_832 = arith.cmpi sgt, %iota3A_826, %sign3A_831 : vector<400xi32>
    %sign3A_833 = arith.extui %sign3A_832 : vector<400xi1> to vector<400xi32>
    %sign3A_834 = arith.constant 0 : i32
    %sign3A_835 = vector.broadcast %sign3A_834 : i32 to vector<400xi32>
    %sign3A_836 = arith.cmpi slt, %iota3A_826, %sign3A_835 : vector<400xi32>
    %sign3A_837 = arith.extui %sign3A_836 : vector<400xi1> to vector<400xi32>
    %sign3A_838 = arith.subi %sign3A_833, %sign3A_837 : vector<400xi32>
    %sign3A_839 = arith.constant 0 : i32
    %sign3A_840 = arith.cmpi sgt, %jit3A_827, %sign3A_839 : i32
    %sign3A_841 = arith.extui %sign3A_840 : i1 to i32
    %sign3A_842 = arith.constant 0 : i32
    %sign3A_843 = arith.cmpi slt, %jit3A_827, %sign3A_842 : i32
    %sign3A_844 = arith.extui %sign3A_843 : i1 to i32
    %sign3A_845 = arith.subi %sign3A_841, %sign3A_844 : i32
    %ne3A_846 = vector.broadcast %sign3A_845 : i32 to vector<400xi32>
    %ne3A_847 = arith.cmpi ne, %sign3A_838, %ne3A_846 : vector<400xi32>
    %rem3A_848 = vector.broadcast %jit3A_827 : i32 to vector<400xi32>
    %rem3A_849 = arith.remsi %iota3A_826, %rem3A_848 : vector<400xi32>
    %ne3A_850 = arith.constant 0 : i32
    %ne3A_851 = vector.broadcast %ne3A_850 : i32 to vector<400xi32>
    %ne3A_852 = arith.cmpi ne, %rem3A_849, %ne3A_851 : vector<400xi32>
    %and3A_853 = arith.andi %ne3A_847, %ne3A_852 : vector<400xi1>
    %sub3A_854 = arith.constant 1 : i32
    %sub3A_855 = vector.broadcast %sub3A_854 : i32 to vector<400xi32>
    %sub3A_856 = arith.subi %div3A_829, %sub3A_855 : vector<400xi32>
    %select_n3A_857 = arith.select %and3A_853, %sub3A_856, %div3A_829 : vector<400xi1>, vector<400xi32>
    %broadcast_in_dim3A_858 = vector.shape_cast %select_n3A_857 : vector<400xi32> to vector<1x400xi32>
    %broadcast_in_dim3A_859 = vector.shape_cast %broadcast_in_dim3A_858 : vector<1x400xi32> to vector<1x400xi32>
    %broadcast_in_dim3A_860 = vector.broadcast %broadcast_in_dim3A_859 : vector<1x400xi32> to vector<256x400xi32>
    %lt3A_861 = arith.constant 0 : i32
    %lt3A_862 = vector.broadcast %lt3A_861 : i32 to vector<256x400xi32>
    %lt3A_863 = arith.cmpi slt, %broadcast_in_dim3A_860, %lt3A_862 : vector<256x400xi32>
    %add3A_864 = arith.constant 20 : i32
    %add3A_865 = vector.broadcast %add3A_864 : i32 to vector<256x400xi32>
    %add3A_866 = arith.addi %broadcast_in_dim3A_860, %add3A_865 : vector<256x400xi32>
    %select_n3A_867 = arith.select %lt3A_863, %add3A_866, %broadcast_in_dim3A_860 : vector<256x400xi1>, vector<256x400xi32>
    %reshape3A_868 = vector.shape_cast %select_n3A_867 : vector<256x400xi32> to vector<256x400x1xi32>
    %gather3A_869 = vector.shape_cast %reshape3A_868 : vector<256x400x1xi32> to vector<256x400xi32>
    %gather3A_870 = tpu.dynamic_gather %slice3A_824[%gather3A_869] in [1] : vector<256x20xf32>, vector<256x400xi32> -> vector<256x400xf32>
    %slice3A_871 = vector.extract_strided_slice %add3A_44 {offsets = [0, 140], sizes = [256, 20], strides = [1, 1]} : vector<256x160xf32> to vector<256x20xf32>
    %concatenate3A_872 = tpu.concatenate %slice3A_871, %slice3A_871, %slice3A_871, %slice3A_871, %slice3A_871, %slice3A_871, %slice3A_871, %slice3A_871, %slice3A_871, %slice3A_871, %slice3A_871, %slice3A_871, %slice3A_871, %slice3A_871, %slice3A_871, %slice3A_871, %slice3A_871, %slice3A_871, %slice3A_871, %slice3A_871 in 1 : vector<256x20xf32>, vector<256x20xf32>, vector<256x20xf32>, vector<256x20xf32>, vector<256x20xf32>, vector<256x20xf32>, vector<256x20xf32>, vector<256x20xf32>, vector<256x20xf32>, vector<256x20xf32>, vector<256x20xf32>, vector<256x20xf32>, vector<256x20xf32>, vector<256x20xf32>, vector<256x20xf32>, vector<256x20xf32>, vector<256x20xf32>, vector<256x20xf32>, vector<256x20xf32>, vector<256x20xf32> -> vector<256x400xf32>
    %mul3A_873 = arith.mulf %gather3A_870, %concatenate3A_872 : vector<256x400xf32>
    %add3A_874 = arith.addf %add3A_823, %mul3A_873 : vector<256x400xf32>
    %gt3A_875 = arith.constant 0.000000e+00 : f32
    %gt3A_876 = vector.broadcast %gt3A_875 : f32 to vector<256x1xf32>
    %gt3A_877 = arith.cmpf ogt, %get3A_67, %gt3A_876 : vector<256x1xf32>
    %slice3A_878 = vector.extract_strided_slice %add3A_64 {offsets = [0, 140], sizes = [256, 20], strides = [1, 1]} : vector<256x160xf32> to vector<256x20xf32>
    %iota3A_879 = tpu.iota {dimensions = array<i32: 1>} : vector<1x400xi32>
    %iota3A_880 = vector.shape_cast %iota3A_879 : vector<1x400xi32> to vector<400xi32>
    %jit3A_881 = arith.constant 20 : i32
    %div3A_882 = vector.broadcast %jit3A_881 : i32 to vector<400xi32>
    %div3A_883 = arith.divsi %iota3A_880, %div3A_882 : vector<400xi32>
    %sign3A_884 = arith.constant 0 : i32
    %sign3A_885 = vector.broadcast %sign3A_884 : i32 to vector<400xi32>
    %sign3A_886 = arith.cmpi sgt, %iota3A_880, %sign3A_885 : vector<400xi32>
    %sign3A_887 = arith.extui %sign3A_886 : vector<400xi1> to vector<400xi32>
    %sign3A_888 = arith.constant 0 : i32
    %sign3A_889 = vector.broadcast %sign3A_888 : i32 to vector<400xi32>
    %sign3A_890 = arith.cmpi slt, %iota3A_880, %sign3A_889 : vector<400xi32>
    %sign3A_891 = arith.extui %sign3A_890 : vector<400xi1> to vector<400xi32>
    %sign3A_892 = arith.subi %sign3A_887, %sign3A_891 : vector<400xi32>
    %sign3A_893 = arith.constant 0 : i32
    %sign3A_894 = arith.cmpi sgt, %jit3A_881, %sign3A_893 : i32
    %sign3A_895 = arith.extui %sign3A_894 : i1 to i32
    %sign3A_896 = arith.constant 0 : i32
    %sign3A_897 = arith.cmpi slt, %jit3A_881, %sign3A_896 : i32
    %sign3A_898 = arith.extui %sign3A_897 : i1 to i32
    %sign3A_899 = arith.subi %sign3A_895, %sign3A_898 : i32
    %ne3A_900 = vector.broadcast %sign3A_899 : i32 to vector<400xi32>
    %ne3A_901 = arith.cmpi ne, %sign3A_892, %ne3A_900 : vector<400xi32>
    %rem3A_902 = vector.broadcast %jit3A_881 : i32 to vector<400xi32>
    %rem3A_903 = arith.remsi %iota3A_880, %rem3A_902 : vector<400xi32>
    %ne3A_904 = arith.constant 0 : i32
    %ne3A_905 = vector.broadcast %ne3A_904 : i32 to vector<400xi32>
    %ne3A_906 = arith.cmpi ne, %rem3A_903, %ne3A_905 : vector<400xi32>
    %and3A_907 = arith.andi %ne3A_901, %ne3A_906 : vector<400xi1>
    %sub3A_908 = arith.constant 1 : i32
    %sub3A_909 = vector.broadcast %sub3A_908 : i32 to vector<400xi32>
    %sub3A_910 = arith.subi %div3A_883, %sub3A_909 : vector<400xi32>
    %select_n3A_911 = arith.select %and3A_907, %sub3A_910, %div3A_883 : vector<400xi1>, vector<400xi32>
    %broadcast_in_dim3A_912 = vector.shape_cast %select_n3A_911 : vector<400xi32> to vector<1x400xi32>
    %broadcast_in_dim3A_913 = vector.shape_cast %broadcast_in_dim3A_912 : vector<1x400xi32> to vector<1x400xi32>
    %broadcast_in_dim3A_914 = vector.broadcast %broadcast_in_dim3A_913 : vector<1x400xi32> to vector<256x400xi32>
    %lt3A_915 = arith.constant 0 : i32
    %lt3A_916 = vector.broadcast %lt3A_915 : i32 to vector<256x400xi32>
    %lt3A_917 = arith.cmpi slt, %broadcast_in_dim3A_914, %lt3A_916 : vector<256x400xi32>
    %add3A_918 = arith.constant 20 : i32
    %add3A_919 = vector.broadcast %add3A_918 : i32 to vector<256x400xi32>
    %add3A_920 = arith.addi %broadcast_in_dim3A_914, %add3A_919 : vector<256x400xi32>
    %select_n3A_921 = arith.select %lt3A_917, %add3A_920, %broadcast_in_dim3A_914 : vector<256x400xi1>, vector<256x400xi32>
    %reshape3A_922 = vector.shape_cast %select_n3A_921 : vector<256x400xi32> to vector<256x400x1xi32>
    %gather3A_923 = vector.shape_cast %reshape3A_922 : vector<256x400x1xi32> to vector<256x400xi32>
    %gather3A_924 = tpu.dynamic_gather %slice3A_878[%gather3A_923] in [1] : vector<256x20xf32>, vector<256x400xi32> -> vector<256x400xf32>
    %slice3A_925 = vector.extract_strided_slice %add3A_54 {offsets = [0, 140], sizes = [256, 20], strides = [1, 1]} : vector<256x160xf32> to vector<256x20xf32>
    %concatenate3A_926 = tpu.concatenate %slice3A_925, %slice3A_925, %slice3A_925, %slice3A_925, %slice3A_925, %slice3A_925, %slice3A_925, %slice3A_925, %slice3A_925, %slice3A_925, %slice3A_925, %slice3A_925, %slice3A_925, %slice3A_925, %slice3A_925, %slice3A_925, %slice3A_925, %slice3A_925, %slice3A_925, %slice3A_925 in 1 : vector<256x20xf32>, vector<256x20xf32>, vector<256x20xf32>, vector<256x20xf32>, vector<256x20xf32>, vector<256x20xf32>, vector<256x20xf32>, vector<256x20xf32>, vector<256x20xf32>, vector<256x20xf32>, vector<256x20xf32>, vector<256x20xf32>, vector<256x20xf32>, vector<256x20xf32>, vector<256x20xf32>, vector<256x20xf32>, vector<256x20xf32>, vector<256x20xf32>, vector<256x20xf32>, vector<256x20xf32> -> vector<256x400xf32>
    %mul3A_927 = arith.mulf %gather3A_924, %concatenate3A_926 : vector<256x400xf32>
    %jit3A_928 = arith.constant 0.000000e+00 : f32
    %broadcast_in_dim3A_929 = vector.shape_cast %gt3A_877 : vector<256x1xi1> to vector<256x1xi1>
    %broadcast_in_dim3A_930 = vector.broadcast %broadcast_in_dim3A_929 : vector<256x1xi1> to vector<256x400xi1>
    %broadcast_in_dim3A_931 = vector.broadcast %jit3A_928 : f32 to vector<256x400xf32>
    %select_n3A_932 = arith.select %broadcast_in_dim3A_930, %mul3A_927, %broadcast_in_dim3A_931 : vector<256x400xi1>, vector<256x400xf32>
    %add3A_933 = arith.addf %add3A_874, %select_n3A_932 : vector<256x400xf32>
    %get3A_934 = arith.constant 0 : index
    %get3A_935 = arith.constant 0 : index
    %get3A_936 = vector.load %arg6[%get3A_934, %get3A_935] : memref<256x1xf32, #tpu.memory_space<vmem>>, vector<256x1xf32>
    %mul3A_937 = arith.constant 0.0176776703 : f32
    %mul3A_938 = vector.broadcast %mul3A_937 : f32 to vector<256x1xf32>
    %mul3A_939 = arith.mulf %mul3A_938, %get3A_936 : vector<256x1xf32>
    %mul3A_940 = vector.broadcast %mul3A_939 : vector<256x1xf32> to vector<256x400xf32>
    %mul3A_941 = arith.mulf %mul3A_940, %add3A_933 : vector<256x400xf32>
    %swap3A_942 = arith.constant 0 : index
    %swap3A_943 = arith.constant 0 : index
    %swap3A_944 = vector.load %arg14[%swap3A_942, %swap3A_943] : memref<256x400xf32, #tpu.memory_space<vmem>>, vector<256x400xf32>
    tpu.vector_store %arg14[%swap3A_942, %swap3A_943], %mul3A_941 {strides = array<i32>} : memref<256x400xf32, #tpu.memory_space<vmem>>, vector<256x400xf32>,
    return
  }
  func.func @transform_0(%arg0: i32) -> (i32, i32) {
    %c0_i32 = arith.constant 0 : i32
    %c0_i32_0 = arith.constant 0 : i32
    return %arg0, %c0_i32 : i32, i32
  }
  func.func @transform_1(%arg0: i32) -> (i32, i32) {
    %c0_i32 = arith.constant 0 : i32
    %c0_i32_0 = arith.constant 0 : i32
    return %arg0, %c0_i32 : i32, i32
  }
  func.func @transform_2(%arg0: i32) -> (i32, i32) {
    %c0_i32 = arith.constant 0 : i32
    %c0_i32_0 = arith.constant 0 : i32
    return %arg0, %c0_i32 : i32, i32
  }
  func.func @transform_3(%arg0: i32) -> (i32, i32) {
    %c0_i32 = arith.constant 0 : i32
    %c0_i32_0 = arith.constant 0 : i32
    return %arg0, %c0_i32 : i32, i32
  }
  func.func @transform_4(%arg0: i32) -> (i32, i32) {
    %c0_i32 = arith.constant 0 : i32
    %c0_i32_0 = arith.constant 0 : i32
    return %arg0, %c0_i32 : i32, i32
  }
  func.func @transform_5(%arg0: i32) -> (i32, i32) {
    %c0_i32 = arith.constant 0 : i32
    %c0_i32_0 = arith.constant 0 : i32
    return %arg0, %c0_i32 : i32, i32
  }
  func.func @transform_6(%arg0: i32) -> (i32, i32) {
    %c0_i32 = arith.constant 0 : i32
    %c0_i32_0 = arith.constant 0 : i32
    %c0_i32_1 = arith.constant 0 : i32
    return %c0_i32, %c0_i32_0 : i32, i32
  }
  func.func @transform_7(%arg0: i32) -> (i32, i32) {
    %c0_i32 = arith.constant 0 : i32
    %c0_i32_0 = arith.constant 0 : i32
    %c0_i32_1 = arith.constant 0 : i32
    return %c0_i32, %c0_i32_0 : i32, i32
  }
  func.func @transform_8(%arg0: i32) -> (i32, i32) {
    %c0_i32 = arith.constant 0 : i32
    %c0_i32_0 = arith.constant 0 : i32
    %c0_i32_1 = arith.constant 0 : i32
    return %c0_i32, %c0_i32_0 : i32, i32
  }
  func.func @transform_9(%arg0: i32) -> (i32, i32) {
    %c0_i32 = arith.constant 0 : i32
    %c0_i32_0 = arith.constant 0 : i32
    %c0_i32_1 = arith.constant 0 : i32
    return %c0_i32, %c0_i32_0 : i32, i32
  }
  func.func @transform_10(%arg0: i32) -> (i32, i32) {
    %c0_i32 = arith.constant 0 : i32
    %c0_i32_0 = arith.constant 0 : i32
    %c0_i32_1 = arith.constant 0 : i32
    return %c0_i32, %c0_i32_0 : i32, i32
  }
  func.func @transform_11(%arg0: i32) -> (i32, i32) {
    %c0_i32 = arith.constant 0 : i32
    %c0_i32_0 = arith.constant 0 : i32
    %c0_i32_1 = arith.constant 0 : i32
    return %c0_i32, %c0_i32_0 : i32, i32
  }
  func.func @transform_12(%arg0: i32) -> (i32, i32) {
    %c0_i32 = arith.constant 0 : i32
    %c0_i32_0 = arith.constant 0 : i32
    return %arg0, %c0_i32 : i32, i32
  }
  func.func @transform_13(%arg0: i32) -> (i32, i32) {
    %c0_i32 = arith.constant 0 : i32
    %c0_i32_0 = arith.constant 0 : i32
    return %arg0, %c0_i32 : i32, i32
  }
}

</mosaic_0001>

<sc_bundles>
// kernel: kernel.4.cloned.1.call-start
scs
__scs_entry_jumppad:
0x0: {  	(pc) =	sbr.rel $0x88, $3  }
0x1: {  	(tag) =	ssettag $0x0;
	lr =	simm.s32 $0x1  }
0x2: {  	[smem:$0x3F98] =	sst lr;
	_ =	strace $0xD0000000  }
0x3: {  	_ = 	snop  }
0x4: {  	_ = 	snop  }
0x5: {  	_ = 	snop  }
0x6: {  	_ = 	snop  }
0x7: {  	_ = 	snop  }
__scs_overlays_trampoline_lowered:
0x8: {  	[smem:$0x3FA7] =	sst s0  }
0x9: {  	[smem:$0x3FA8] =	sst s1  }
0xa: {  	[smem:$0x3FA9] =	sst s2  }
0xb: {  	[smem:$0x3FAA] =	sst s3  }
0xc: {  	[smem:$0x3FAB] =	sst s4  }
0xd: {  	[smem:$0x3FAC] =	sst s5  }
0xe: {  	[smem:$0x3FAD] =	sst s6  }
0xf: {  	[smem:$0x3FAE] =	sst s7  }
0x10: {  	[smem:$0x3FAF] =	sst s8  }
0x11: {  	[smem:$0x3FB0] =	sst s9;
	s0 =	simm.s32 @!p0 $0x0  }
0x12: {  	s1 =	sld [smem:$0x3F96];
	s0 =	simm.s32 @p0 $0x1  }
0x13: {  	[smem:$0x3FB1] =	sst s0;
	s0 =	simm.s32 @!p1 $0x0  }
0x14: {  	s2 =	sld [smem:$0x3F95];
	s0 =	simm.s32 @p1 $0x1  }
0x15: {  	[smem:$0x3FB2] =	sst s0;
	s0 =	simm.s32 @!p2 $0x0  }
0x16: {  	s3 =	sld [smem:$0x3FDB];
	s0 =	simm.s32 @p2 $0x1  }
0x17: {  	s4 =	simm.s32 $0x1BF5;
	[smem:$0x3FB4] =	sst s0  }
0x18: {  	s0 =	sld [smem:$0x3F97];
	_ =	swait.ge [sflag:s4], $0x0  }
0x19: {  	s7 =	sld [smem:$0x3F98]  }
0x1a: {  	s8 =	sadd.s32 $0xFFFFE003, lr  }
0x1b: {  	s9 =	sadd.s32 $0xFFFFFEF7, lr;
	s5 =	simm.s32 $0xFFFFFFFF;
	p2 =	slt.u32 s8, $0xFFFFF086  }
0x1c: {  	p1 =	slt.u32 s9, $0xF7A;
	s5 =	simm.s32 @!p2 $0x0  }
0x1d: {  	s5 =	simm.s32 @p1 $0x1;
	p0 =	seq.s32 s7, s2  }
0x1e: {  	s7 =	smul.u32 @!p0 $0xF7A, s2;
	p2 =	seq.s32 @!p0 s5, $0x0  }
0x1f: {  	s9 =	smul.u32 $0xF7A, s1;
	s8 =	simm.s32 @!p0 $0x1BF5;
	p2 =	por !p2, p0  }
0x20: {  	[sflag:s8] =	ssyncset.s32 @!p0 $0xFFFFF086;
	s6 =	sadd.s32 @!p0 s3, s7;
	s7 =	simm.s32 @!p0 $0x108  }
0x21: {  	s3 =	sadd.s32 s3, s9;
	s6 =	sadd.s32 @!p0 $0x88, s6;
	s7 =	simm.s32 @p2 $0x1082  }
0x22: {  	[simem:s7], [sflag:s8] =	dma.local @!p0 [hbm:s6], $0xF7A  }
0x23: {  	s9 =	sor.u32 $0xD0000000, s2;
	s6 =	simm.s32 $0x108;
	_ =	swait.ge @!p0 [sflag:s8], $0x0  }
0x24: {  	s3 =	sadd.s32 $0x88, s3;
	s6 =	simm.s32 @!p1 $0x1082;
	[sflag:s4] =	ssyncset.s32 $0xFFFFF086  }
0x25: {  	[simem:s6], [sflag:s4] =	dma.local [hbm:s3], $0xF7A  }
0x26: {  	[smem:$0x3F98] =	sst s1;
	(tag) =	ssettag s2;
	_ =	strace s9  }
0x27: {  	s1 =	sld [smem:$0x3FA8]  }
0x28: {  	s2 =	sld [smem:$0x3FA9]  }
0x29: {  	s4 =	sld [smem:$0x3FAB]  }
0x2a: {  	p0 =	seq.s32 s5, $0x0;
	s5 =	sld [smem:$0x3FAC]  }
0x2b: {  	s6 =	sld [smem:$0x3FAD]  }
0x2c: {  	s7 =	sld [smem:$0x3FAE]  }
0x2d: {  	s3 =	simm.s32 $0x108;
	s8 =	sld [smem:$0x3FAF]  }
0x2e: {  	s3 =	simm.s32 @!p0 $0x1082;
	s9 =	sld [smem:$0x3FB0]  }
0x2f: {  	lr =	sadd.s32 s0, s3;
	s0 =	sld [smem:$0x3FA7]  }
0x30: {  	s3 =	sld [smem:$0x3FAA]  }
0x31: {  	[smem:$0x3FB3] =	sst s10  }
0x32: {  	s10 =	sld [smem:$0x3FB1];
	_ =	sdelay $0x3  }
0x33: {  	p0 =	seq.s32 s10, $0x1;
	s10 =	sld [smem:$0x3FB3];
	_ =	sdelay $0x3  }
0x34: {  	[smem:$0x3FB3] =	sst s10  }
0x35: {  	s10 =	sld [smem:$0x3FB2];
	_ =	sdelay $0x3  }
0x36: {  	p1 =	seq.s32 s10, $0x1;
	s10 =	sld [smem:$0x3FB3];
	_ =	sdelay $0x3  }
0x37: {  	[smem:$0x3FB3] =	sst s10  }
0x38: {  	s10 =	sld [smem:$0x3FB4]  }
0x39: {  	_ = 	snop;
	(pc) =	sbr.ind lr, $3  }
0x3a: {  	_ = 	snop  }
0x3b: {  	_ = 	snop  }
0x3c: {  	p2 =	seq.s32 s10, $0x1;
	s10 =	sld [smem:$0x3FB3]  }
0x3d: {  	_ =	shalt  }
0x3e: {  	_ =	shalt  }
0x3f: {  	_ =	shalt  }
0x40: {  	_ =	shalt  }
0x41: {  	_ =	shalt  }
0x42: {  	_ =	shalt  }
0x43: {  	_ =	shalt  }
0x44: {  	_ =	shalt  }
0x45: {  	_ =	shalt  }
0x46: {  	_ =	shalt  }
0x47: {  	_ =	shalt  }
0x48: {  	_ =	shalt  }
0x49: {  	_ =	shalt  }
0x4a: {  	_ =	shalt  }
0x4b: {  	_ =	shalt  }
0x4c: {  	_ =	shalt  }
0x4d: {  	_ =	shalt  }
0x4e: {  	_ =	shalt  }
0x4f: {  	_ =	shalt  }
0x50: {  	_ =	shalt  }
0x51: {  	_ =	shalt  }
0x52: {  	_ =	shalt  }
0x53: {  	_ =	shalt  }
0x54: {  	_ =	shalt  }
0x55: {  	_ =	shalt  }
0x56: {  	_ =	shalt  }
0x57: {  	_ =	shalt  }
0x58: {  	_ =	shalt  }
0x59: {  	_ =	shalt  }
0x5a: {  	_ =	shalt  }
0x5b: {  	_ =	shalt  }
0x5c: {  	_ =	shalt  }
0x5d: {  	_ =	shalt  }
0x5e: {  	_ =	shalt  }
0x5f: {  	_ =	shalt  }
0x60: {  	_ =	shalt  }
0x61: {  	_ =	shalt  }
0x62: {  	_ =	shalt  }
0x63: {  	_ =	shalt  }
0x64: {  	_ =	shalt  }
0x65: {  	_ =	shalt  }
0x66: {  	_ =	shalt  }
0x67: {  	_ =	shalt  }
0x68: {  	_ =	shalt  }
0x69: {  	_ =	shalt  }
0x6a: {  	_ =	shalt  }
0x6b: {  	_ =	shalt  }
0x6c: {  	_ =	shalt  }
0x6d: {  	_ =	shalt  }
0x6e: {  	_ =	shalt  }
0x6f: {  	_ =	shalt  }
0x70: {  	_ =	shalt  }
0x71: {  	_ =	shalt  }
0x72: {  	_ =	shalt  }
0x73: {  	_ =	shalt  }
0x74: {  	_ =	shalt  }
0x75: {  	_ =	shalt  }
0x76: {  	_ =	shalt  }
0x77: {  	_ =	shalt  }
0x78: {  	_ =	shalt  }
0x79: {  	_ =	shalt  }
0x7a: {  	_ =	shalt  }
0x7b: {  	_ =	shalt  }
0x7c: {  	_ =	shalt  }
0x7d: {  	_ =	shalt  }
0x7e: {  	_ =	shalt  }
0x7f: {  	_ =	shalt  }
0x80: {  	_ =	shalt  }
0x81: {  	_ =	shalt  }
0x82: {  	_ =	shalt  }
0x83: {  	_ =	shalt  }
0x84: {  	_ =	shalt  }
0x85: {  	_ =	shalt  }
0x86: {  	_ =	shalt  }
0x87: {  	_ =	shalt  }
.Lfunc_end0:
.L_simem_size_0:
called_computation.1_lowered:
.L_overlay_start_0:
0x88: {  	s2 =	sld [smem:$0x3FD9]  }
0x89: {  	s3 =	sld [smem:$0x3FFE];
	_ =	sdelay $0x1  }
0x8a: {  	s1 =	srdreg.scid  }
0x8b: {  	s0 =	sand.u32 $0x1, s1  }
0x8c: {  	s14 =	sshll.u32 s0, $0xA;
	s2 =	sadd.s32 s3, s2  }
0x8d: {  	s2 =	sadd.s32 s2, s14  }
0x8e: {  	[smem:$0x3FBF] =	sst s2  }
0x8f: {  	_ = 	snop  }
0x90: {  	s2 =	sld [smem:$0x3FD0];
	_ =	sdelay $0x2  }
0x91: {  	s4 =	simm.s32 $0xA;
	s5 =	simm.s32 $0x10;
	s15 =	sld [smem:$0x3FC8]  }
0x92: {  	[smem:s5], [sflag:s4] =	dma.local [hbm:s2], $0x1  }
0x93: {  	_ =	swait.eq [sflag:s4], $0x1  }
0x94: {  	[sflag:s4] =	ssyncset.done $0x0  }
0x95: {  	s16 =	sld [smem:$0x10];
	[sflag:s4] =	ssyncadd.s32 $0xFFFFFFFF  }
0x96: {  	s17 =	sld [smem:$0x11];
	(tm) =	ssettm $0x1  }
0x97: {  	s18 =	sld [smem:$0x3FFB];
	_ =	sdelay $0x3  }
0x98: {  	_ =	strace s18  }
0x99: {  	s5 =	sld [smem:$0x3FFC];
	_ =	sdelay $0x3  }
0x9a: {  	_ =	strace s5  }
0x9b: {  	s5 =	sld [smem:$0x3FFD];
	_ =	sdelay $0x3  }
0x9c: {  	_ =	strace s5  }
0x9d: {  	_ =	strace $0x8FFFFFFF  }
0x9e: {  	s19 =	sld [smem:$0x3FDB];
	_ =	sdelay $0x1  }
0x9f: {  	s6 =	simm.s32 $_scs_section_size  }
0xa0: {  	s7 =	simm.s32 $_size__tile_overlayer_lowered;
	s8 =	simm.s32 $_tile_overlayer_lowered  }
0xa1: {  	s22 =	simm.s32 $0x1BFF;
	s21 =	sshll.u32 s8, $0x1;
	s5 =	sadd.s32 s6, s19  }
0xa2: {  	s9 =	simm.s32 $0x0;
	s20 =	sshll.u32 s7, $0x1;
	s7 =	sadd.s32 s21, s5  }
0xa3: {  	[timem:s9], [sflag:s22] =	dma.local [hbm:s7], s20  }
0xa4: {  	_ =	swait.ge [sflag:s22], s20  }
0xa5: {  	s6 =	ssub.s32 $0x0, s20;
	[sflag:s22] =	ssyncset.done $0x0  }
0xa6: {  	[sflag:s22] =	ssyncadd.s32 s6;
	_ =	sdelay $0x1  }
0xa7: {  	s23 =	simm.s32 $0x1B8B  }
0xa8: {  	_ =	swait.ge [sflag:s23], $0x1  }
0xa9: {  	[sflag:s23] =	ssyncset.done $0x0  }
0xaa: {  	s25 =	simm.s32 $0x1B8E;
	s24 =	sld [smem:$0x3FFE];
	[sflag:s23] =	ssyncadd.s32 $0xFFFFFFFF  }
0xab: {  	s26 =	simm.s32 $execute0_lowered;
	[smem:$0x3FD2] =	sst s25  }
0xac: {  	s7 =	sshll.u32 s26, $0x1;
	_ =	strace $0x80000046;
	[dreg:$0x1] =	wrdreg $0xFFFFFFFF  }
0xad: {  	s28 =	simm.s32 $_size_execute0_lowered;
	s5 =	sadd.s32 s5, s7;
	[dreg:$0x0] =	wrdreg $0x0  }
0xae: {  	s7 =	sshll.u32 s28, $0x1;
	[dreg:$0x2] =	wrdreg s5  }
0xaf: {  	[dreg:$0x3] =	wrdreg s7  }
0xb0: {  	[dreg:$0x4] =	wrdreg $0xC0  }
0xb1: {  	_ =	task [dreg:s9], $0x5FFFF  }
0xb2: {  	[dreg:$0x1] =	wrdreg $0xFFFFFFFF  }
0xb3: {  	[dreg:$0x0] =	wrdreg $0x60  }
0xb4: {  	[dreg:$0x2] =	wrdreg s16  }
0xb5: {  	[dreg:$0x3] =	wrdreg s17  }
0xb6: {  	[dreg:$0x4] =	wrdreg s15  }
0xb7: {  	[dreg:$0x5] =	wrdreg s24  }
0xb8: {  	[dreg:$0x6] =	wrdreg $0x9  }
0xb9: {  	_ =	task.clear_ibuf [dreg:s9], $0x7FFFF;
	_ =	strace $0x90000046  }
0xba: {  	s29 =	simm.s32 $0x9;
	_ =	strace $0x80000048  }
0xbb: {  	_ =	swait.ge [sflag:s29], $0x1  }
0xbc: {  	[sflag:s29] =	ssyncadd.s32 $0xFFFFFFFF  }
0xbd: {  	_ =	strace $0x90000048  }
0xbe: {  	_ =	sfence  }
0xbf: {  	s30 =	sld [smem:$0x0];
	_ =	sdelay $0x2  }
0xc0: {  	s31 =	sshll.u32 s1, $0xD;
	s1 =	sshrl.u32 s1, $0x2  }
0xc1: {  	s3 =	sand.u32 $0x4000, s31;
	s1 =	sadd.s32 s1, s30  }
0xc2: {  	s0 =	sor.u32 s3, s0;
	s1 =	sshll.u32 s1, $0x11  }
0xc3: {  	s0 =	sor.u32 s1, s0  }
0xc4: {  	s0 =	sadd.s32 $0x8F2B, s0  }
0xc5: {  	[sflag:s0] =	ssyncadd.remote.s32 $0x1  }
0xc6: {  	_ =	sfence.sel $0xFFFF  }
0xc7: {  	[dreg:$0x0] =	wrdreg $0xFFFFFFFF;
	(pc) =	sbr.abs _section_cstart, $3  }
0xc8: {  	[dreg:$0x1] =	wrdreg $0xFFFFFFFF  }
0xc9: {  	_ =	task.clear_ibuf [dreg:s9], $0x2FFFF;
	_ =	strace $0x9FFFFFFF  }
0xca: {  	(tm) =	ssettm $0x7FFFFFFF  }
0xcb: {  	_ =	shalt  }
tec
execute0_lowered:
.L_overlay_start_1:
0x0: {  	(tag) =	ssettag $0x1  }
0x1: {  	s1 =	rddreg [dreg:$0x0]  }
0x2: {  	s2 =	rddreg [dreg:$0x1]  }
0x3: {  	s3 =	rddreg [dreg:$0x2]  }
0x4: {  	s0 =	rddreg [dreg:$0x3];
	s4 =	simm.s32 $0x0;
	s5 =	srdreg.scid  }
0x5: {  	s7 =	stileid.u32;
	s11 =	simm.s32 $0x100;
	s12 =	simm.s32 $0x80  }
0x6: {  	s13 =	simm.s32 $0x200;
	s14 =	simm.s32 $0x180;
	s15 =	simm.s32 $0x4200  }
0x7: {  	s16 =	simm.s32 $0x1;
	s17 =	simm.s32 $0x8200;
	s18 =	simm.s32 $0x8300  }
0x8: {  	s19 =	simm.s32 $0x2;
	s20 =	simm.s32 $0x8280;
	s5 =	sand.u32 $0x1, s5  }
0x9: {  	s21 =	simm.s32 $0x8380;
	s22 =	simm.s32 $0x0;
	s8 =	ssub.s32 $0x2, s5  }
0xa: {  	v0 =	vlaneseq.u32;
	v8 =	vimm.s32 $0x10;
	[smem:$0x7FF] =	sst s4;
	s6 =	sadd.s32 $0x7600, s0;
	s9 =	sshrl.u32 s8, $0x1  }
0xb: {  	v9 =	vimm.f32 $0.0e+00;
	v10 =	vimm.s32 $0x0;
	s10 =	sshll.u32 s7, $0x1;
	s7 =	sadd.s32 $0x2600, s0;
	v1 =	vor.u32 $0x10, v0;
	s31 =	ssub.s32 s8, s9  }
0xc: {  	v2 =	vor.u32 $0x20, v0;
	v3 =	vor.u32 $0x30, v0;
	v4 =	vor.u32 $0x40, v0;
	_ =	strace $0x80000047;
	s5 =	sor.u32 s5, s10;
	s0 =	smax.u32 s31, $0x1  }
0xd: {  	v5 =	vor.u32 $0x50, v0;
	v6 =	vor.u32 $0x60, v0;
	v7 =	vor.u32 $0x70, v0;
	s10 =	simm.s32 $0x5;
	s8 =	smul.u32 $0x1400, s5;
	[dreg:$0x5] =	wrdreg s0  }
.LBB2_1:
0xe: {  	s23 =	simm.s32 $0x0  }
.LBB2_2:
0xf: {  	s0 =	sshll.u32 s23, $0x8  }
0x10: {  	s25 =	sadd.s32 s8, s0  }
0x11: {  	s24 =	sshrl.u32 s25, $0x3  }
0x12: {  	s29 =	simm.s32 $0x0;
	s5 =	sadd.s32 s1, s24  }
0x13: {  	[tilespmem:s29], [sflag:$0x5] =	stream.linear.gather [hbm4b:s5+s29], $0x80, $0x38;
	[tilespmem:$0x10400] =	vst v63  }
0x14: {  	_ =	swait.ge [sflag:s10], $0x80  }
0x15: {  	[sflag:s10] =	ssyncset.done $0x0  }
0x16: {  	[sflag:s10] =	ssyncadd.s32 $0xFFFFFF80  }
0x17: {  	v11 =	vld.idx.msk [tilespmem:v0+s29+$0x0], $0xffff;
	_ =	sdelay $0x4  }
0x18: {  	v11 =	vshrl.u32 v11, $0x3  }
0x19: {  	[tilespmem:v0+s11+$0x0] =	vst.idx.msk $0xffff, v11  }
0x1a: {  	v11 =	vld.idx.msk [tilespmem:v1+s29+$0x0], $0xffff;
	_ =	sdelay $0x4  }
0x1b: {  	v11 =	vshrl.u32 v11, $0x3  }
0x1c: {  	[tilespmem:v1+s11+$0x0] =	vst.idx.msk $0xffff, v11  }
0x1d: {  	v11 =	vld.idx.msk [tilespmem:v2+s29+$0x0], $0xffff;
	_ =	sdelay $0x4  }
0x1e: {  	v11 =	vshrl.u32 v11, $0x3  }
0x1f: {  	[tilespmem:v2+s11+$0x0] =	vst.idx.msk $0xffff, v11  }
0x20: {  	v11 =	vld.idx.msk [tilespmem:v3+s29+$0x0], $0xffff;
	_ =	sdelay $0x4  }
0x21: {  	v11 =	vshrl.u32 v11, $0x3  }
0x22: {  	[tilespmem:v3+s11+$0x0] =	vst.idx.msk $0xffff, v11  }
0x23: {  	v11 =	vld.idx.msk [tilespmem:v4+s29+$0x0], $0xffff;
	_ =	sdelay $0x4  }
0x24: {  	v11 =	vshrl.u32 v11, $0x3  }
0x25: {  	[tilespmem:v4+s11+$0x0] =	vst.idx.msk $0xffff, v11  }
0x26: {  	v11 =	vld.idx.msk [tilespmem:v5+s29+$0x0], $0xffff;
	_ =	sdelay $0x4  }
0x27: {  	v11 =	vshrl.u32 v11, $0x3  }
0x28: {  	[tilespmem:v5+s11+$0x0] =	vst.idx.msk $0xffff, v11  }
0x29: {  	v11 =	vld.idx.msk [tilespmem:v6+s29+$0x0], $0xffff;
	_ =	sdelay $0x4  }
0x2a: {  	v11 =	vshrl.u32 v11, $0x3  }
0x2b: {  	[tilespmem:v6+s11+$0x0] =	vst.idx.msk $0xffff, v11  }
0x2c: {  	v11 =	vld.idx.msk [tilespmem:v7+s29+$0x0], $0xffff;
	_ =	sdelay $0x4  }
0x2d: {  	s28 =	sadd.s32 $0x80, s25;
	v11 =	vshrl.u32 v11, $0x3  }
0x2e: {  	s26 =	sshrl.u32 s28, $0x3;
	[tilespmem:v7+s11+$0x0] =	vst.idx.msk $0xffff, v11  }
0x2f: {  	[tilespmem:s13], [sflag:$0x1] =	stream.indirect.gather [hbm4b:s2+s12], $0x80, s11, s12, $0xb8;
	[tilespmem:$0x10400] =	vst v63  }
0x30: {  	s9 =	sadd.s32 s1, s26  }
0x31: {  	[tilespmem:s12], [sflag:$0x5] =	stream.linear.gather [hbm4b:s9+s29], $0x80, $0x38;
	[tilespmem:$0x10400] =	vst v63  }
0x32: {  	_ =	swait.ge [sflag:s10], $0x80  }
0x33: {  	[sflag:s10] =	ssyncset.done $0x0  }
0x34: {  	[sflag:s10] =	ssyncadd.s32 $0xFFFFFF80  }
0x35: {  	v11 =	vld.idx.msk [tilespmem:v0+s12+$0x0], $0xffff;
	_ =	sdelay $0x4  }
0x36: {  	v11 =	vshrl.u32 v11, $0x3  }
0x37: {  	[tilespmem:v0+s14+$0x0] =	vst.idx.msk $0xffff, v11  }
0x38: {  	v11 =	vld.idx.msk [tilespmem:v1+s12+$0x0], $0xffff;
	_ =	sdelay $0x4  }
0x39: {  	v11 =	vshrl.u32 v11, $0x3  }
0x3a: {  	[tilespmem:v1+s14+$0x0] =	vst.idx.msk $0xffff, v11  }
0x3b: {  	v11 =	vld.idx.msk [tilespmem:v2+s12+$0x0], $0xffff;
	_ =	sdelay $0x4  }
0x3c: {  	v11 =	vshrl.u32 v11, $0x3  }
0x3d: {  	[tilespmem:v2+s14+$0x0] =	vst.idx.msk $0xffff, v11  }
0x3e: {  	v11 =	vld.idx.msk [tilespmem:v3+s12+$0x0], $0xffff;
	_ =	sdelay $0x4  }
0x3f: {  	v11 =	vshrl.u32 v11, $0x3  }
0x40: {  	[tilespmem:v3+s14+$0x0] =	vst.idx.msk $0xffff, v11  }
0x41: {  	v11 =	vld.idx.msk [tilespmem:v4+s12+$0x0], $0xffff;
	_ =	sdelay $0x4  }
0x42: {  	v11 =	vshrl.u32 v11, $0x3  }
0x43: {  	[tilespmem:v4+s14+$0x0] =	vst.idx.msk $0xffff, v11  }
0x44: {  	v11 =	vld.idx.msk [tilespmem:v5+s12+$0x0], $0xffff;
	_ =	sdelay $0x4  }
0x45: {  	v11 =	vshrl.u32 v11, $0x3  }
0x46: {  	[tilespmem:v5+s14+$0x0] =	vst.idx.msk $0xffff, v11  }
0x47: {  	v11 =	vld.idx.msk [tilespmem:v6+s12+$0x0], $0xffff;
	_ =	sdelay $0x4  }
0x48: {  	v11 =	vshrl.u32 v11, $0x3  }
0x49: {  	[tilespmem:v6+s14+$0x0] =	vst.idx.msk $0xffff, v11  }
0x4a: {  	v11 =	vld.idx.msk [tilespmem:v7+s12+$0x0], $0xffff;
	_ =	sdelay $0x4  }
0x4b: {  	v11 =	vshrl.u32 v11, $0x3  }
0x4c: {  	v12 =	vor.u32 s29, v0;
	[tilespmem:v7+s14+$0x0] =	vst.idx.msk $0xffff, v11  }
0x4d: {  	[tilespmem:s15], [sflag:$0x2] =	stream.indirect.gather [hbm4b:s2+s12], $0x80, s14, s12, $0xb8;
	[tilespmem:$0x10400] =	vst v63  }
0x4e: {  	_ =	swait.ge [sflag:s16], $0x4000  }
0x4f: {  	[sflag:s16] =	ssyncset.done $0x0  }
0x50: {  	[sflag:s16] =	ssyncadd.s32 $0xFFFFC000  }
0x51: {  	v11 =	vld.idx.msk [tilespmem:v12+s4+$0x0], $0xffff;
	_ =	sdelay $0x4  }
0x52: {  	v13 =	vshll.u32 v11, $0x4  }
0x53: {  	v14 =	vshll.u32 v12, $0x7;
	v11 =	vand.u32 $0x70, v13  }
0x54: {  	v11 =	vor.u32 v14, v11  }
0x55: {  	v14 =	vor.u32 $0xF, v11  }
0x56: {  	v15 =	vor.u32 $0xE, v11  }
0x57: {  	v16 =	vor.u32 $0xD, v11  }
0x58: {  	v17 =	vor.u32 $0xC, v11  }
0x59: {  	v18 =	vor.u32 $0xB, v11  }
0x5a: {  	s5 =	sor.u32 s25, s29;
	v19 =	vor.u32 $0xA, v11;
	v14 =	vld.idx.msk [tilespmem:v14+s13+$0x0], $0xffff  }
0x5b: {  	v21 =	vmov s5;
	v20 =	vor.u32 $0x9, v11;
	v15 =	vld.idx.msk [tilespmem:v15+s13+$0x0], $0xffff  }
0x5c: {  	v21 =	vshrl.u32 v21, $0x4;
	v22 =	vor.u32 $0x8, v11;
	v16 =	vld.idx.msk [tilespmem:v16+s13+$0x0], $0xffff  }
0x5d: {  	v21 =	vbroadcast v21, $0x0;
	v23 =	vor.u32 $0x7, v11;
	v17 =	vld.idx.msk [tilespmem:v17+s13+$0x0], $0xffff  }
0x5e: {  	v24 =	vor.u32 $0x6, v11;
	v18 =	vld.idx.msk [tilespmem:v18+s13+$0x0], $0xffff  }
0x5f: {  	v25 =	vor.u32 $0x5, v11;
	v19 =	vld.idx.msk [tilespmem:v19+s13+$0x0], $0xffff;
	vm0 =	veq.s32 v14, v21  }
0x60: {  	v20 =	vld.idx.msk [tilespmem:v20+s13+$0x0], $0xffff;
	v14 =	vor.u32 $0x4, v11;
	vm1 =	veq.s32 v15, v21;
	v15 =	vsel vm0, $0xF, v8  }
0x61: {  	v26 =	vor.u32 $0x3, v11;
	v22 =	vld.idx.msk [tilespmem:v22+s13+$0x0], $0xffff;
	vm13 =	veq.s32 v16, v21;
	v15 =	vsel vm1, $0xE, v15  }
0x62: {  	v23 =	vld.idx.msk [tilespmem:v23+s13+$0x0], $0xffff;
	v16 =	vor.u32 $0x2, v11;
	vm14 =	veq.s32 v17, v21;
	v15 =	vsel vm13, $0xD, v15  }
0x63: {  	v24 =	vld.idx.msk [tilespmem:v24+s13+$0x0], $0xffff;
	v17 =	vor.u32 $0x1, v11;
	vm15 =	veq.s32 v18, v21;
	v15 =	vsel vm14, $0xC, v15  }
0x64: {  	v18 =	vld.idx.msk [tilespmem:v25+s13+$0x0], $0xffff;
	vm4 =	veq.s32 v19, v21;
	v15 =	vsel vm15, $0xB, v15  }
0x65: {  	vm5 =	veq.s32 v20, v21;
	v14 =	vld.idx.msk [tilespmem:v14+s13+$0x0], $0xffff;
	v15 =	vsel vm4, $0xA, v15  }
0x66: {  	v19 =	vld.idx.msk [tilespmem:v26+s13+$0x0], $0xffff;
	vm6 =	veq.s32 v22, v21;
	v15 =	vsel vm5, $0x9, v15  }
0x67: {  	vm7 =	veq.s32 v23, v21;
	v16 =	vld.idx.msk [tilespmem:v16+s13+$0x0], $0xffff;
	v15 =	vsel vm6, $0x8, v15  }
0x68: {  	vm8 =	veq.s32 v24, v21;
	v17 =	vld.idx.msk [tilespmem:v17+s13+$0x0], $0xffff;
	v15 =	vsel vm7, $0x7, v15  }
0x69: {  	v11 =	vld.idx.msk [tilespmem:v11+s13+$0x0], $0xffff;
	vm9 =	veq.s32 v18, v21;
	v15 =	vsel vm8, $0x6, v15  }
0x6a: {  	vm10 =	veq.s32 v14, v21;
	v14 =	vsel vm9, $0x5, v15  }
0x6b: {  	vm11 =	veq.s32 v19, v21;
	v14 =	vsel vm10, $0x4, v14  }
0x6c: {  	vm12 =	veq.s32 v16, v21;
	v14 =	vsel vm11, $0x3, v14  }
0x6d: {  	vm13 =	veq.s32 v17, v21;
	v14 =	vsel vm12, $0x2, v14  }
0x6e: {  	vm14 =	veq.s32 v11, v21;
	v11 =	vsel vm13, $0x1, v14  }
0x6f: {  	v14 =	vsel vm14, $0x0, v11  }
0x70: {  	vm15 =	vlt.u32 v14, $0x10  }
0x71: {  	v14 =	vnsel vm15, $0x0, v14  }
0x72: {  	s9 =	simm.s32 $0x10;
	v13 =	vadd.s32 v13, v14  }
0x73: {  	v11 =	vor.u32 s9, v0;
	[tilespmem:v12+s17+$0x0] =	vst.idx.msk $0xffff, v13;
	v13 =	vsel vm15, $0x1, v10  }
0x74: {  	(xrf0) =	vadd.scan.msk.s32 $0xffff, v13;
	_ =	sdelay $0x1  }
0x75: {  	v14 =	vsel vm15, $0x3F800000, v9  }
0x76: {  	[tilespmem:v12+s18+$0x0] =	vst.idx.msk $0xffff, v14  }
0x77: {  	v12 =	vld.idx.msk [tilespmem:v11+s4+$0x0], $0xffff;
	_ =	sdelay $0x1  }
0x78: {  	v17, _, _ =	vpop (xrf0)  }
0x79: {  	(v2sf) =	vpush v17, $0xF;
	_ =	sdelay $0x1  }
0x7a: {  	v12 =	vshll.u32 v12, $0x4  }
0x7b: {  	v14 =	vshll.u32 v11, $0x7;
	v13 =	vand.u32 $0x70, v12  }
0x7c: {  	v13 =	vor.u32 v14, v13  }
0x7d: {  	v14 =	vor.u32 $0xF, v13  }
0x7e: {  	v15 =	vor.u32 $0xE, v13  }
0x7f: {  	v16 =	vor.u32 $0xD, v13  }
0x80: {  	v21 =	vor.u32 $0xC, v13  }
0x81: {  	v20 =	vor.u32 $0xB, v13  }
0x82: {  	v17 =	vor.u32 $0xA, v13;
	v14 =	vld.idx.msk [tilespmem:v14+s13+$0x0], $0xffff  }
0x83: {  	s0 =	sor.u32 s25, s9;
	v18 =	vor.u32 $0x9, v13;
	v15 =	vld.idx.msk [tilespmem:v15+s13+$0x0], $0xffff  }
0x84: {  	s30 =	simm.s32 $0x20;
	s31 =	simm.s32 $0x30;
	v22 =	vmov s0;
	v19 =	vor.u32 $0x8, v13;
	v16 =	vld.idx.msk [tilespmem:v16+s13+$0x0], $0xffff  }
.LBB2_3:
0x85: {  	p0 =	sne.s32 s31, $0x70;
	v22 =	vshrl.u32 v22, $0x4;
	v23 =	vor.u32 $0x7, v13;
	v21 =	vld.idx.msk [tilespmem:v21+s13+$0x0], $0xffff  }
0x86: {  	v24 =	vor.u32 $0x6, v13;
	v22 =	vbroadcast v22, $0x0;
	v20 =	vld.idx.msk [tilespmem:v20+s13+$0x0], $0xffff  }
0x87: {  	v25 =	vor.u32 $0x5, v13;
	v17 =	vld.idx.msk [tilespmem:v17+s13+$0x0], $0xffff;
	s0 =	spop (v2sf)  }
0x88: {  	v26 =	vor.u32 $0x4, v13;
	v18 =	vld.idx.msk [tilespmem:v18+s13+$0x0], $0xffff;
	vm0 =	veq.s32 v14, v22;
	s29 =	sadd.s32 s29, s0  }
0x89: {  	v14 =	vor.u32 $0x3, v13;
	vm1 =	veq.s32 v15, v22;
	v19 =	vld.idx.msk [tilespmem:v19+s13+$0x0], $0xffff;
	v15 =	vsel vm0, $0xF, v8  }
0x8a: {  	v27 =	vor.u32 $0x2, v13;
	vm0 =	veq.s32 v16, v22;
	v23 =	vld.idx.msk [tilespmem:v23+s13+$0x0], $0xffff;
	v15 =	vsel vm1, $0xE, v15  }
0x8b: {  	v16 =	vor.u32 $0x1, v13;
	vm1 =	veq.s32 v21, v22;
	v24 =	vld.idx.msk [tilespmem:v24+s13+$0x0], $0xffff;
	v15 =	vsel vm0, $0xD, v15  }
0x8c: {  	vm0 =	veq.s32 v20, v22;
	v21 =	vld.idx.msk [tilespmem:v25+s13+$0x0], $0xffff;
	v15 =	vsel vm1, $0xC, v15  }
0x8d: {  	vm1 =	veq.s32 v17, v22;
	v20 =	vld.idx.msk [tilespmem:v26+s13+$0x0], $0xffff;
	v15 =	vsel vm0, $0xB, v15  }
0x8e: {  	vm0 =	veq.s32 v18, v22;
	v14 =	vld.idx.msk [tilespmem:v14+s13+$0x0], $0xffff;
	v15 =	vsel vm1, $0xA, v15  }
0x8f: {  	vm1 =	veq.s32 v19, v22;
	v17 =	vld.idx.msk [tilespmem:v27+s13+$0x0], $0xffff;
	v15 =	vsel vm0, $0x9, v15  }
0x90: {  	vm0 =	veq.s32 v23, v22;
	v16 =	vld.idx.msk [tilespmem:v16+s13+$0x0], $0xffff;
	v15 =	vsel vm1, $0x8, v15  }
0x91: {  	vm1 =	veq.s32 v24, v22;
	v13 =	vld.idx.msk [tilespmem:v13+s13+$0x0], $0xffff;
	v15 =	vsel vm0, $0x7, v15  }
0x92: {  	vm0 =	veq.s32 v21, v22;
	v15 =	vsel vm1, $0x6, v15  }
0x93: {  	vm1 =	veq.s32 v20, v22;
	v15 =	vsel vm0, $0x5, v15  }
0x94: {  	vm0 =	veq.s32 v14, v22;
	v14 =	vsel vm1, $0x4, v15  }
0x95: {  	vm1 =	veq.s32 v17, v22;
	v14 =	vsel vm0, $0x3, v14  }
0x96: {  	vm0 =	veq.s32 v16, v22;
	v14 =	vsel vm1, $0x2, v14  }
0x97: {  	vm1 =	veq.s32 v13, v22;
	v13 =	vsel vm0, $0x1, v14  }
0x98: {  	v13 =	vsel vm1, $0x0, v13  }
0x99: {  	v14 =	vor.u32 s30, v0;
	vm0 =	vlt.u32 v13, $0x10  }
0x9a: {  	v13 =	vnsel vm0, $0x0, v13;
	v15 =	vsel vm0, $0x3F800000, v9;
	v16 =	vsel vm0, $0x1, v10  }
0x9b: {  	v12 =	vadd.s32 v12, v13;
	(xrf0) =	vadd.scan.msk.s32 $0xffff, v16  }
0x9c: {  	[tilespmem:v11+s17+$0x0] =	vst.idx.msk $0xffff, v12  }
0x9d: {  	[tilespmem:v11+s18+$0x0] =	vst.idx.msk $0xffff, v15;
	v11 =	vmov v14  }
0x9e: {  	v12 =	vld.idx.msk [tilespmem:v14+s4+$0x0], $0xffff;
	_ =	sdelay $0x2  }
0x9f: {  	v13, _, _ =	vpop (xrf0)  }
0xa0: {  	(v2sf) =	vpush v13, $0xF;
	_ =	sdelay $0x1  }
0xa1: {  	v12 =	vshll.u32 v12, $0x4  }
0xa2: {  	v14 =	vshll.u32 v11, $0x7;
	v13 =	vand.u32 $0x70, v12  }
0xa3: {  	v13 =	vor.u32 v14, v13  }
0xa4: {  	v14 =	vor.u32 $0xF, v13  }
0xa5: {  	v15 =	vor.u32 $0xE, v13  }
0xa6: {  	v16 =	vor.u32 $0xD, v13  }
.Ltmp0:
0xa7: {  	v21 =	vor.u32 $0xC, v13;
	(pc) =	sbr.rel @p0 .LBB2_3-.Ltmp0, $4  }
0xa8: {  	v20 =	vor.u32 $0xB, v13  }
0xa9: {  	v17 =	vor.u32 $0xA, v13;
	v14 =	vld.idx.msk [tilespmem:v14+s13+$0x0], $0xffff  }
0xaa: {  	s0 =	sor.u32 s25, s30;
	s30 =	smov.u32 s31;
	v18 =	vor.u32 $0x9, v13;
	v15 =	vld.idx.msk [tilespmem:v15+s13+$0x0], $0xffff  }
0xab: {  	v22 =	vmov s0;
	s31 =	sadd.s32 $0x10, s31;
	v19 =	vor.u32 $0x8, v13;
	v16 =	vld.idx.msk [tilespmem:v16+s13+$0x0], $0xffff  }
0xac: {  	_ =	sdelay $0x2  }
0xad: {  	v22 =	vshrl.u32 v22, $0x4  }
0xae: {  	v23 =	vor.u32 $0x7, v13;
	v21 =	vld.idx.msk [tilespmem:v21+s13+$0x0], $0xffff;
	v22 =	vbroadcast v22, $0x0  }
0xaf: {  	v24 =	vor.u32 $0x6, v13;
	v20 =	vld.idx.msk [tilespmem:v20+s13+$0x0], $0xffff  }
0xb0: {  	v25 =	vor.u32 $0x5, v13;
	v17 =	vld.idx.msk [tilespmem:v17+s13+$0x0], $0xffff;
	vm0 =	veq.s32 v14, v22  }
0xb1: {  	v18 =	vld.idx.msk [tilespmem:v18+s13+$0x0], $0xffff;
	v14 =	vor.u32 $0x4, v13;
	vm1 =	veq.s32 v15, v22;
	v15 =	vsel vm0, $0xF, v8  }
0xb2: {  	v26 =	vor.u32 $0x3, v13;
	v19 =	vld.idx.msk [tilespmem:v19+s13+$0x0], $0xffff;
	vm4 =	veq.s32 v16, v22;
	v15 =	vsel vm1, $0xE, v15  }
0xb3: {  	v16 =	vor.u32 $0x2, v13;
	v23 =	vld.idx.msk [tilespmem:v23+s13+$0x0], $0xffff;
	vm5 =	veq.s32 v21, v22;
	v15 =	vsel vm4, $0xD, v15  }
0xb4: {  	v21 =	vor.u32 $0x1, v13;
	v24 =	vld.idx.msk [tilespmem:v24+s13+$0x0], $0xffff;
	vm6 =	veq.s32 v20, v22;
	v15 =	vsel vm5, $0xC, v15  }
0xb5: {  	v20 =	vld.idx.msk [tilespmem:v25+s13+$0x0], $0xffff;
	vm7 =	veq.s32 v17, v22;
	v15 =	vsel vm6, $0xB, v15  }
0xb6: {  	vm8 =	veq.s32 v18, v22;
	v14 =	vld.idx.msk [tilespmem:v14+s13+$0x0], $0xffff;
	v15 =	vsel vm7, $0xA, v15  }
0xb7: {  	v17 =	vld.idx.msk [tilespmem:v26+s13+$0x0], $0xffff;
	vm9 =	veq.s32 v19, v22;
	v15 =	vsel vm8, $0x9, v15  }
0xb8: {  	v16 =	vld.idx.msk [tilespmem:v16+s13+$0x0], $0xffff;
	vm10 =	veq.s32 v23, v22;
	v15 =	vsel vm9, $0x8, v15  }
0xb9: {  	v18 =	vld.idx.msk [tilespmem:v21+s13+$0x0], $0xffff;
	vm11 =	veq.s32 v24, v22;
	v15 =	vsel vm10, $0x7, v15  }
0xba: {  	v13 =	vld.idx.msk [tilespmem:v13+s13+$0x0], $0xffff;
	vm12 =	veq.s32 v20, v22;
	v15 =	vsel vm11, $0x6, v15  }
0xbb: {  	vm13 =	veq.s32 v14, v22;
	v14 =	vsel vm12, $0x5, v15  }
0xbc: {  	vm14 =	veq.s32 v17, v22;
	v14 =	vsel vm13, $0x4, v14  }
0xbd: {  	vm15 =	veq.s32 v16, v22;
	v14 =	vsel vm14, $0x3, v14  }
0xbe: {  	vm4 =	veq.s32 v18, v22;
	v14 =	vsel vm15, $0x2, v14  }
0xbf: {  	vm5 =	veq.s32 v13, v22;
	v13 =	vsel vm4, $0x1, v14  }
0xc0: {  	v13 =	vsel vm5, $0x0, v13  }
0xc1: {  	v14 =	vor.u32 s30, v0;
	vm0 =	vlt.u32 v13, $0x10  }
0xc2: {  	v13 =	vnsel vm0, $0x0, v13  }
0xc3: {  	v12 =	vadd.s32 v12, v13  }
0xc4: {  	v13 =	vsel vm0, $0x3F800000, v9;
	[tilespmem:v11+s17+$0x0] =	vst.idx.msk $0xffff, v12  }
0xc5: {  	[tilespmem:v11+s18+$0x0] =	vst.idx.msk $0xffff, v13  }
0xc6: {  	v11 =	vld.idx.msk [tilespmem:v14+s4+$0x0], $0xffff;
	_ =	sdelay $0x4  }
0xc7: {  	v11 =	vshll.u32 v11, $0x4  }
0xc8: {  	v13 =	vshll.u32 v14, $0x7;
	v12 =	vand.u32 $0x70, v11  }
0xc9: {  	v12 =	vor.u32 v13, v12  }
0xca: {  	v13 =	vor.u32 $0xF, v12  }
0xcb: {  	v15 =	vor.u32 $0xE, v12  }
0xcc: {  	v16 =	vor.u32 $0xD, v12  }
0xcd: {  	v17 =	vor.u32 $0xC, v12  }
0xce: {  	v18 =	vor.u32 $0xB, v12  }
0xcf: {  	s0 =	sor.u32 s25, s30;
	v19 =	vor.u32 $0xA, v12;
	v13 =	vld.idx.msk [tilespmem:v13+s13+$0x0], $0xffff  }
0xd0: {  	v21 =	vmov s0;
	v20 =	vor.u32 $0x9, v12;
	v15 =	vld.idx.msk [tilespmem:v15+s13+$0x0], $0xffff  }
0xd1: {  	v21 =	vshrl.u32 v21, $0x4;
	v22 =	vor.u32 $0x8, v12;
	v16 =	vld.idx.msk [tilespmem:v16+s13+$0x0], $0xffff  }
0xd2: {  	v21 =	vbroadcast v21, $0x0;
	v23 =	vor.u32 $0x7, v12;
	v17 =	vld.idx.msk [tilespmem:v17+s13+$0x0], $0xffff  }
0xd3: {  	v57 =	vor.u32 $0x6, v12;
	v18 =	vld.idx.msk [tilespmem:v18+s13+$0x0], $0xffff  }
0xd4: {  	v58 =	vor.u32 $0x5, v12;
	v19 =	vld.idx.msk [tilespmem:v19+s13+$0x0], $0xffff;
	vm6 =	veq.s32 v13, v21  }
0xd5: {  	v20 =	vld.idx.msk [tilespmem:v20+s13+$0x0], $0xffff;
	v13 =	vor.u32 $0x4, v12;
	vm7 =	veq.s32 v15, v21;
	v59 =	vsel vm6, $0xF, v8  }
0xd6: {  	v22 =	vld.idx.msk [tilespmem:v22+s13+$0x0], $0xffff;
	v15 =	vor.u32 $0x3, v12;
	vm8 =	veq.s32 v16, v21;
	v26 =	vsel vm7, $0xE, v59  }
0xd7: {  	v23 =	vld.idx.msk [tilespmem:v23+s13+$0x0], $0xffff;
	v16 =	vor.u32 $0x2, v12;
	vm9 =	veq.s32 v17, v21;
	v26 =	vsel vm8, $0xD, v26  }
0xd8: {  	v24 =	vld.idx.msk [tilespmem:v57+s13+$0x0], $0xffff;
	v17 =	vor.u32 $0x1, v12;
	vm10 =	veq.s32 v18, v21;
	v26 =	vsel vm9, $0xC, v26  }
0xd9: {  	v18 =	vld.idx.msk [tilespmem:v58+s13+$0x0], $0xffff;
	vm11 =	veq.s32 v19, v21;
	v60 =	vsel vm10, $0xB, v26  }
0xda: {  	vm12 =	veq.s32 v20, v21;
	v13 =	vld.idx.msk [tilespmem:v13+s13+$0x0], $0xffff;
	v19 =	vsel vm11, $0xA, v60  }
0xdb: {  	vm13 =	veq.s32 v22, v21;
	v15 =	vld.idx.msk [tilespmem:v15+s13+$0x0], $0xffff;
	v19 =	vsel vm12, $0x9, v19  }
0xdc: {  	vm14 =	veq.s32 v23, v21;
	v16 =	vld.idx.msk [tilespmem:v16+s13+$0x0], $0xffff;
	v19 =	vsel vm13, $0x8, v19  }
0xdd: {  	vm15 =	veq.s32 v24, v21;
	v17 =	vld.idx.msk [tilespmem:v17+s13+$0x0], $0xffff;
	v19 =	vsel vm14, $0x7, v19  }
0xde: {  	v12 =	vld.idx.msk [tilespmem:v12+s13+$0x0], $0xffff;
	vm4 =	veq.s32 v18, v21;
	v19 =	vsel vm15, $0x6, v19  }
0xdf: {  	vm5 =	veq.s32 v13, v21;
	v18 =	vsel vm4, $0x5, v19  }
0xe0: {  	vm6 =	veq.s32 v15, v21;
	v13 =	vsel vm5, $0x4, v18  }
0xe1: {  	vm7 =	veq.s32 v16, v21;
	v13 =	vsel vm6, $0x3, v13  }
0xe2: {  	vm8 =	veq.s32 v17, v21;
	v13 =	vsel vm7, $0x2, v13  }
0xe3: {  	vm9 =	veq.s32 v12, v21;
	v13 =	vsel vm8, $0x1, v13  }
0xe4: {  	v12 =	vsel vm9, $0x0, v13  }
0xe5: {  	v13 =	vsel vm0, $0x1, v10;
	vm10 =	vlt.u32 v12, $0x10  }
0xe6: {  	(xrf0) =	vadd.scan.msk.s32 $0xffff, v13;
	v13 =	vsel vm10, $0x1, v10  }
0xe7: {  	(xrf0) =	vadd.scan.msk.s32 $0xffff, v13;
	_ =	sdelay $0x4  }
0xe8: {  	v13, _, _ =	vpop (xrf0)  }
0xe9: {  	(v2sf) =	vpush v13, $0xF;
	v13, _, _ =	vpop (xrf0)  }
0xea: {  	(v2sf) =	vpush v13, $0xF;
	_ =	sdelay $0xb  }
0xeb: {  	v12 =	vnsel vm10, $0x0, v12  }
0xec: {  	s5 =	spop (v2sf);
	s30 =	simm.s32 $0x0;
	v11 =	vadd.s32 v11, v12  }
0xed: {  	v12 =	vsel vm10, $0x3F800000, v9;
	[tilespmem:v14+s17+$0x0] =	vst.idx.msk $0xffff, v11;
	v13 =	vor.u32 s30, v0;
	s31 =	spop (v2sf)  }
0xee: {  	[tilespmem:v14+s18+$0x0] =	vst.idx.msk $0xffff, v12;
	s0 =	spop (v2sf)  }
0xef: {  	_ =	swait.ge [sflag:s19], $0x4000  }
0xf0: {  	[sflag:s19] =	ssyncset.done $0x0  }
0xf1: {  	[sflag:s19] =	ssyncadd.s32 $0xFFFFC000  }
0xf2: {  	v11 =	vld.idx.msk [tilespmem:v13+s12+$0x0], $0xffff;
	_ =	sdelay $0x4  }
0xf3: {  	v12 =	vshll.u32 v11, $0x4  }
0xf4: {  	v14 =	vshll.u32 v13, $0x7;
	v11 =	vand.u32 $0x70, v12  }
0xf5: {  	v11 =	vor.u32 v14, v11  }
0xf6: {  	v14 =	vor.u32 $0xF, v11  }
0xf7: {  	v15 =	vor.u32 $0xE, v11  }
0xf8: {  	v16 =	vor.u32 $0xD, v11  }
0xf9: {  	v17 =	vor.u32 $0xC, v11  }
0xfa: {  	v18 =	vor.u32 $0xB, v11  }
0xfb: {  	s9 =	sor.u32 s28, s30;
	v19 =	vor.u32 $0xA, v11;
	v14 =	vld.idx.msk [tilespmem:v14+s15+$0x0], $0xffff  }
0xfc: {  	v21 =	vmov s9;
	v20 =	vor.u32 $0x9, v11;
	v15 =	vld.idx.msk [tilespmem:v15+s15+$0x0], $0xffff  }
0xfd: {  	v21 =	vshrl.u32 v21, $0x4;
	v22 =	vor.u32 $0x8, v11;
	v16 =	vld.idx.msk [tilespmem:v16+s15+$0x0], $0xffff  }
0xfe: {  	v21 =	vbroadcast v21, $0x0;
	v23 =	vor.u32 $0x7, v11;
	v17 =	vld.idx.msk [tilespmem:v17+s15+$0x0], $0xffff  }
0xff: {  	v61 =	vor.u32 $0x6, v11;
	v18 =	vld.idx.msk [tilespmem:v18+s15+$0x0], $0xffff  }
0x100: {  	v62 =	vor.u32 $0x5, v11;
	v19 =	vld.idx.msk [tilespmem:v19+s15+$0x0], $0xffff;
	vm11 =	veq.s32 v14, v21  }
0x101: {  	v20 =	vld.idx.msk [tilespmem:v20+s15+$0x0], $0xffff;
	v14 =	vor.u32 $0x4, v11;
	vm12 =	veq.s32 v15, v21;
	v15 =	vsel vm11, $0xF, v8  }
0x102: {  	v63 =	vor.u32 $0x3, v11;
	v22 =	vld.idx.msk [tilespmem:v22+s15+$0x0], $0xffff;
	vm13 =	veq.s32 v16, v21;
	v15 =	vsel vm12, $0xE, v15  }
0x103: {  	v23 =	vld.idx.msk [tilespmem:v23+s15+$0x0], $0xffff;
	v16 =	vor.u32 $0x2, v11;
	vm14 =	veq.s32 v17, v21;
	v15 =	vsel vm13, $0xD, v15  }
0x104: {  	v24 =	vld.idx.msk [tilespmem:v61+s15+$0x0], $0xffff;
	v17 =	vor.u32 $0x1, v11;
	vm15 =	veq.s32 v18, v21;
	v15 =	vsel vm14, $0xC, v15  }
0x105: {  	v18 =	vld.idx.msk [tilespmem:v62+s15+$0x0], $0xffff;
	vm4 =	veq.s32 v19, v21;
	v15 =	vsel vm15, $0xB, v15  }
0x106: {  	vm5 =	veq.s32 v20, v21;
	v14 =	vld.idx.msk [tilespmem:v14+s15+$0x0], $0xffff;
	v15 =	vsel vm4, $0xA, v15  }
0x107: {  	v19 =	vld.idx.msk [tilespmem:v63+s15+$0x0], $0xffff;
	vm6 =	veq.s32 v22, v21;
	v15 =	vsel vm5, $0x9, v15  }
0x108: {  	vm7 =	veq.s32 v23, v21;
	v16 =	vld.idx.msk [tilespmem:v16+s15+$0x0], $0xffff;
	v15 =	vsel vm6, $0x8, v15  }
0x109: {  	vm8 =	veq.s32 v24, v21;
	v17 =	vld.idx.msk [tilespmem:v17+s15+$0x0], $0xffff;
	v15 =	vsel vm7, $0x7, v15  }
0x10a: {  	v11 =	vld.idx.msk [tilespmem:v11+s15+$0x0], $0xffff;
	vm9 =	veq.s32 v18, v21;
	v15 =	vsel vm8, $0x6, v15  }
0x10b: {  	vm10 =	veq.s32 v14, v21;
	v14 =	vsel vm9, $0x5, v15  }
0x10c: {  	vm11 =	veq.s32 v19, v21;
	v14 =	vsel vm10, $0x4, v14  }
0x10d: {  	vm12 =	veq.s32 v16, v21;
	v14 =	vsel vm11, $0x3, v14  }
0x10e: {  	vm13 =	veq.s32 v17, v21;
	v14 =	vsel vm12, $0x2, v14  }
0x10f: {  	vm14 =	veq.s32 v11, v21;
	v11 =	vsel vm13, $0x1, v14  }
0x110: {  	v14 =	vsel vm14, $0x0, v11  }
0x111: {  	vm15 =	vlt.u32 v14, $0x10  }
0x112: {  	v14 =	vnsel vm15, $0x0, v14  }
0x113: {  	v12 =	vadd.s32 v12, v14  }
0x114: {  	s9 =	simm.s32 $0x10;
	v14 =	vsel vm15, $0x3F800000, v9;
	[tilespmem:v13+s20+$0x0] =	vst.idx.msk $0xffff, v12  }
0x115: {  	v11 =	vor.u32 s9, v0;
	[tilespmem:v13+s21+$0x0] =	vst.idx.msk $0xffff, v14;
	v13 =	vsel vm15, $0x1, v10  }
0x116: {  	(xrf0) =	vadd.scan.msk.s32 $0xffff, v13;
	_ =	sdelay $0x3  }
0x117: {  	v12 =	vld.idx.msk [tilespmem:v11+s12+$0x0], $0xffff;
	_ =	sdelay $0x1  }
0x118: {  	v17, _, _ =	vpop (xrf0)  }
0x119: {  	(v2sf) =	vpush v17, $0xF;
	_ =	sdelay $0x1  }
0x11a: {  	v12 =	vshll.u32 v12, $0x4  }
0x11b: {  	v14 =	vshll.u32 v11, $0x7;
	v13 =	vand.u32 $0x70, v12  }
0x11c: {  	v13 =	vor.u32 v14, v13  }
0x11d: {  	v14 =	vor.u32 $0xF, v13  }
0x11e: {  	v15 =	vor.u32 $0xE, v13  }
0x11f: {  	v16 =	vor.u32 $0xD, v13  }
0x120: {  	v21 =	vor.u32 $0xC, v13  }
0x121: {  	v18 =	vor.u32 $0xB, v13  }
0x122: {  	s5 =	sadd.s32 s29, s5;
	v17 =	vor.u32 $0xA, v13;
	v14 =	vld.idx.msk [tilespmem:v14+s15+$0x0], $0xffff  }
0x123: {  	s5 =	sadd.s32 s5, s31;
	s9 =	sor.u32 s28, s9;
	v19 =	vor.u32 $0x9, v13;
	v15 =	vld.idx.msk [tilespmem:v15+s15+$0x0], $0xffff  }
0x124: {  	s31 =	simm.s32 $0x20;
	s29 =	sadd.s32 s5, s0;
	s0 =	simm.s32 $0x30;
	v22 =	vmov s9;
	v20 =	vor.u32 $0x8, v13;
	v16 =	vld.idx.msk [tilespmem:v16+s15+$0x0], $0xffff  }
.LBB2_5:
0x125: {  	p0 =	sne.s32 s0, $0x70;
	v22 =	vshrl.u32 v22, $0x4;
	v23 =	vor.u32 $0x7, v13;
	v21 =	vld.idx.msk [tilespmem:v21+s15+$0x0], $0xffff  }
0x126: {  	v24 =	vor.u32 $0x6, v13;
	v22 =	vbroadcast v22, $0x0;
	v18 =	vld.idx.msk [tilespmem:v18+s15+$0x0], $0xffff  }
0x127: {  	v25 =	vor.u32 $0x5, v13;
	v17 =	vld.idx.msk [tilespmem:v17+s15+$0x0], $0xffff;
	s5 =	spop (v2sf)  }
0x128: {  	v26 =	vor.u32 $0x4, v13;
	v19 =	vld.idx.msk [tilespmem:v19+s15+$0x0], $0xffff;
	vm0 =	veq.s32 v14, v22;
	s30 =	sadd.s32 s30, s5  }
0x129: {  	v14 =	vor.u32 $0x3, v13;
	vm1 =	veq.s32 v15, v22;
	v20 =	vld.idx.msk [tilespmem:v20+s15+$0x0], $0xffff;
	v15 =	vsel vm0, $0xF, v8  }
0x12a: {  	v27 =	vor.u32 $0x2, v13;
	vm0 =	veq.s32 v16, v22;
	v23 =	vld.idx.msk [tilespmem:v23+s15+$0x0], $0xffff;
	v15 =	vsel vm1, $0xE, v15  }
0x12b: {  	v16 =	vor.u32 $0x1, v13;
	vm1 =	veq.s32 v21, v22;
	v24 =	vld.idx.msk [tilespmem:v24+s15+$0x0], $0xffff;
	v15 =	vsel vm0, $0xD, v15  }
0x12c: {  	vm0 =	veq.s32 v18, v22;
	v21 =	vld.idx.msk [tilespmem:v25+s15+$0x0], $0xffff;
	v15 =	vsel vm1, $0xC, v15  }
0x12d: {  	vm1 =	veq.s32 v17, v22;
	v18 =	vld.idx.msk [tilespmem:v26+s15+$0x0], $0xffff;
	v15 =	vsel vm0, $0xB, v15  }
0x12e: {  	vm0 =	veq.s32 v19, v22;
	v14 =	vld.idx.msk [tilespmem:v14+s15+$0x0], $0xffff;
	v15 =	vsel vm1, $0xA, v15  }
0x12f: {  	vm1 =	veq.s32 v20, v22;
	v17 =	vld.idx.msk [tilespmem:v27+s15+$0x0], $0xffff;
	v15 =	vsel vm0, $0x9, v15  }
0x130: {  	vm0 =	veq.s32 v23, v22;
	v16 =	vld.idx.msk [tilespmem:v16+s15+$0x0], $0xffff;
	v15 =	vsel vm1, $0x8, v15  }
0x131: {  	vm1 =	veq.s32 v24, v22;
	v13 =	vld.idx.msk [tilespmem:v13+s15+$0x0], $0xffff;
	v15 =	vsel vm0, $0x7, v15  }
0x132: {  	vm0 =	veq.s32 v21, v22;
	v15 =	vsel vm1, $0x6, v15  }
0x133: {  	vm1 =	veq.s32 v18, v22;
	v15 =	vsel vm0, $0x5, v15  }
0x134: {  	vm0 =	veq.s32 v14, v22;
	v14 =	vsel vm1, $0x4, v15  }
0x135: {  	vm1 =	veq.s32 v17, v22;
	v14 =	vsel vm0, $0x3, v14  }
0x136: {  	vm0 =	veq.s32 v16, v22;
	v14 =	vsel vm1, $0x2, v14  }
0x137: {  	vm1 =	veq.s32 v13, v22;
	v13 =	vsel vm0, $0x1, v14  }
0x138: {  	v13 =	vsel vm1, $0x0, v13  }
0x139: {  	v14 =	vor.u32 s31, v0;
	vm0 =	vlt.u32 v13, $0x10  }
0x13a: {  	v13 =	vnsel vm0, $0x0, v13;
	v15 =	vsel vm0, $0x3F800000, v9;
	v16 =	vsel vm0, $0x1, v10  }
0x13b: {  	v12 =	vadd.s32 v12, v13;
	(xrf0) =	vadd.scan.msk.s32 $0xffff, v16  }
0x13c: {  	[tilespmem:v11+s20+$0x0] =	vst.idx.msk $0xffff, v12  }
0x13d: {  	[tilespmem:v11+s21+$0x0] =	vst.idx.msk $0xffff, v15;
	v11 =	vmov v14  }
0x13e: {  	v12 =	vld.idx.msk [tilespmem:v14+s12+$0x0], $0xffff;
	_ =	sdelay $0x2  }
0x13f: {  	v13, _, _ =	vpop (xrf0)  }
0x140: {  	(v2sf) =	vpush v13, $0xF;
	_ =	sdelay $0x1  }
0x141: {  	v12 =	vshll.u32 v12, $0x4  }
0x142: {  	v14 =	vshll.u32 v11, $0x7;
	v13 =	vand.u32 $0x70, v12  }
0x143: {  	v13 =	vor.u32 v14, v13  }
0x144: {  	v14 =	vor.u32 $0xF, v13  }
0x145: {  	v15 =	vor.u32 $0xE, v13  }
0x146: {  	v16 =	vor.u32 $0xD, v13  }
.Ltmp1:
0x147: {  	v21 =	vor.u32 $0xC, v13;
	(pc) =	sbr.rel @p0 .LBB2_5-.Ltmp1, $4  }
0x148: {  	v18 =	vor.u32 $0xB, v13  }
0x149: {  	v17 =	vor.u32 $0xA, v13;
	v14 =	vld.idx.msk [tilespmem:v14+s15+$0x0], $0xffff  }
0x14a: {  	s5 =	sor.u32 s28, s31;
	s31 =	smov.u32 s0;
	v19 =	vor.u32 $0x9, v13;
	v15 =	vld.idx.msk [tilespmem:v15+s15+$0x0], $0xffff  }
0x14b: {  	v22 =	vmov s5;
	s0 =	sadd.s32 $0x10, s0;
	v20 =	vor.u32 $0x8, v13;
	v16 =	vld.idx.msk [tilespmem:v16+s15+$0x0], $0xffff  }
0x14c: {  	_ =	sdelay $0x2  }
0x14d: {  	v22 =	vshrl.u32 v22, $0x4  }
0x14e: {  	v23 =	vor.u32 $0x7, v13;
	v21 =	vld.idx.msk [tilespmem:v21+s15+$0x0], $0xffff;
	v22 =	vbroadcast v22, $0x0  }
0x14f: {  	v24 =	vor.u32 $0x6, v13;
	v18 =	vld.idx.msk [tilespmem:v18+s15+$0x0], $0xffff  }
0x150: {  	v25 =	vor.u32 $0x5, v13;
	v17 =	vld.idx.msk [tilespmem:v17+s15+$0x0], $0xffff;
	vm0 =	veq.s32 v14, v22  }
0x151: {  	v62 =	vor.u32 $0x4, v13;
	v19 =	vld.idx.msk [tilespmem:v19+s15+$0x0], $0xffff;
	vm1 =	veq.s32 v15, v22;
	v63 =	vsel vm0, $0xF, v8  }
0x152: {  	v26 =	vor.u32 $0x3, v13;
	v20 =	vld.idx.msk [tilespmem:v20+s15+$0x0], $0xffff;
	vm10 =	veq.s32 v16, v22;
	v15 =	vsel vm1, $0xE, v63  }
0x153: {  	v28 =	vor.u32 $0x2, v13;
	v23 =	vld.idx.msk [tilespmem:v23+s15+$0x0], $0xffff;
	vm11 =	veq.s32 v21, v22;
	v15 =	vsel vm10, $0xD, v15  }
0x154: {  	v29 =	vor.u32 $0x1, v13;
	v24 =	vld.idx.msk [tilespmem:v24+s15+$0x0], $0xffff;
	vm12 =	veq.s32 v18, v22;
	v15 =	vsel vm11, $0xC, v15  }
0x155: {  	v30 =	vld.idx.msk [tilespmem:v25+s15+$0x0], $0xffff;
	vm13 =	veq.s32 v17, v22;
	v15 =	vsel vm12, $0xB, v15  }
0x156: {  	v14 =	vld.idx.msk [tilespmem:v62+s15+$0x0], $0xffff;
	vm14 =	veq.s32 v19, v22;
	v15 =	vsel vm13, $0xA, v15  }
0x157: {  	v31 =	vld.idx.msk [tilespmem:v26+s15+$0x0], $0xffff;
	vm15 =	veq.s32 v20, v22;
	v15 =	vsel vm14, $0x9, v15  }
0x158: {  	v16 =	vld.idx.msk [tilespmem:v28+s15+$0x0], $0xffff;
	vm4 =	veq.s32 v23, v22;
	v15 =	vsel vm15, $0x8, v15  }
0x159: {  	v32 =	vld.idx.msk [tilespmem:v29+s15+$0x0], $0xffff;
	vm5 =	veq.s32 v24, v22;
	v15 =	vsel vm4, $0x7, v15  }
0x15a: {  	v33 =	vld.idx.msk [tilespmem:v13+s15+$0x0], $0xffff;
	vm6 =	veq.s32 v30, v22;
	v15 =	vsel vm5, $0x6, v15  }
0x15b: {  	vm7 =	veq.s32 v14, v22;
	v34 =	vsel vm6, $0x5, v15  }
0x15c: {  	vm8 =	veq.s32 v31, v22;
	v14 =	vsel vm7, $0x4, v34  }
0x15d: {  	vm9 =	veq.s32 v16, v22;
	v14 =	vsel vm8, $0x3, v14  }
0x15e: {  	vm10 =	veq.s32 v32, v22;
	v14 =	vsel vm9, $0x2, v14  }
0x15f: {  	vm11 =	veq.s32 v33, v22;
	v35 =	vsel vm10, $0x1, v14  }
0x160: {  	v13 =	vsel vm11, $0x0, v35  }
0x161: {  	v36 =	vor.u32 s31, v0;
	vm0 =	vlt.u32 v13, $0x10  }
0x162: {  	v13 =	vnsel vm0, $0x0, v13  }
0x163: {  	v12 =	vadd.s32 v12, v13  }
0x164: {  	v37 =	vsel vm0, $0x3F800000, v9;
	[tilespmem:v11+s20+$0x0] =	vst.idx.msk $0xffff, v12  }
0x165: {  	[tilespmem:v11+s21+$0x0] =	vst.idx.msk $0xffff, v37  }
0x166: {  	v11 =	vld.idx.msk [tilespmem:v36+s12+$0x0], $0xffff;
	_ =	sdelay $0x4  }
0x167: {  	v11 =	vshll.u32 v11, $0x4  }
0x168: {  	v39 =	vshll.u32 v36, $0x7;
	v38 =	vand.u32 $0x70, v11  }
0x169: {  	v12 =	vor.u32 v39, v38  }
0x16a: {  	v13 =	vor.u32 $0xF, v12  }
0x16b: {  	v40 =	vor.u32 $0xE, v12  }
0x16c: {  	v41 =	vor.u32 $0xD, v12  }
0x16d: {  	v42 =	vor.u32 $0xC, v12  }
0x16e: {  	v43 =	vor.u32 $0xB, v12  }
0x16f: {  	s0 =	sor.u32 s28, s31;
	v44 =	vor.u32 $0xA, v12;
	v13 =	vld.idx.msk [tilespmem:v13+s15+$0x0], $0xffff  }
0x170: {  	v46 =	vmov s0;
	v45 =	vor.u32 $0x9, v12;
	v15 =	vld.idx.msk [tilespmem:v40+s15+$0x0], $0xffff  }
0x171: {  	v21 =	vshrl.u32 v46, $0x4;
	v47 =	vor.u32 $0x8, v12;
	v16 =	vld.idx.msk [tilespmem:v41+s15+$0x0], $0xffff  }
0x172: {  	v21 =	vbroadcast v21, $0x0;
	v48 =	vor.u32 $0x7, v12;
	v17 =	vld.idx.msk [tilespmem:v42+s15+$0x0], $0xffff  }
0x173: {  	v49 =	vor.u32 $0x6, v12;
	v18 =	vld.idx.msk [tilespmem:v43+s15+$0x0], $0xffff  }
0x174: {  	v50 =	vor.u32 $0x5, v12;
	v19 =	vld.idx.msk [tilespmem:v44+s15+$0x0], $0xffff;
	vm12 =	veq.s32 v13, v21  }
0x175: {  	v51 =	vor.u32 $0x4, v12;
	v20 =	vld.idx.msk [tilespmem:v45+s15+$0x0], $0xffff;
	vm13 =	veq.s32 v15, v21;
	v52 =	vsel vm12, $0xF, v8  }
0x176: {  	v53 =	vor.u32 $0x3, v12;
	v22 =	vld.idx.msk [tilespmem:v47+s15+$0x0], $0xffff;
	vm14 =	veq.s32 v16, v21;
	v26 =	vsel vm13, $0xE, v52  }
0x177: {  	v54 =	vor.u32 $0x2, v12;
	v23 =	vld.idx.msk [tilespmem:v48+s15+$0x0], $0xffff;
	vm15 =	veq.s32 v17, v21;
	v26 =	vsel vm14, $0xD, v26  }
0x178: {  	v55 =	vor.u32 $0x1, v12;
	v24 =	vld.idx.msk [tilespmem:v49+s15+$0x0], $0xffff;
	vm4 =	veq.s32 v18, v21;
	v26 =	vsel vm15, $0xC, v26  }
0x179: {  	v56 =	vld.idx.msk [tilespmem:v50+s15+$0x0], $0xffff;
	vm5 =	veq.s32 v19, v21;
	v57 =	vsel vm4, $0xB, v26  }
0x17a: {  	v13 =	vld.idx.msk [tilespmem:v51+s15+$0x0], $0xffff;
	vm6 =	veq.s32 v20, v21;
	v19 =	vsel vm5, $0xA, v57  }
0x17b: {  	v15 =	vld.idx.msk [tilespmem:v53+s15+$0x0], $0xffff;
	vm7 =	veq.s32 v22, v21;
	v19 =	vsel vm6, $0x9, v19  }
0x17c: {  	v16 =	vld.idx.msk [tilespmem:v54+s15+$0x0], $0xffff;
	vm8 =	veq.s32 v23, v21;
	v19 =	vsel vm7, $0x8, v19  }
0x17d: {  	v17 =	vld.idx.msk [tilespmem:v55+s15+$0x0], $0xffff;
	vm9 =	veq.s32 v24, v21;
	v19 =	vsel vm8, $0x7, v19  }
0x17e: {  	v12 =	vld.idx.msk [tilespmem:v12+s15+$0x0], $0xffff;
	vm10 =	veq.s32 v56, v21;
	v19 =	vsel vm9, $0x6, v19  }
0x17f: {  	vm11 =	veq.s32 v13, v21;
	v18 =	vsel vm10, $0x5, v19  }
0x180: {  	vm12 =	veq.s32 v15, v21;
	v13 =	vsel vm11, $0x4, v18  }
0x181: {  	vm13 =	veq.s32 v16, v21;
	v13 =	vsel vm12, $0x3, v13  }
0x182: {  	vm14 =	veq.s32 v17, v21;
	v13 =	vsel vm13, $0x2, v13  }
0x183: {  	vm15 =	veq.s32 v12, v21;
	v59 =	vsel vm14, $0x1, v13  }
0x184: {  	v58 =	vsel vm0, $0x1, v10;
	v12 =	vsel vm15, $0x0, v59  }
0x185: {  	(xrf0) =	vadd.scan.msk.s32 $0xffff, v58;
	vm0 =	vlt.u32 v12, $0x10  }
0x186: {  	v60 =	vsel vm0, $0x1, v10  }
0x187: {  	(xrf0) =	vadd.scan.msk.s32 $0xffff, v60;
	_ =	sdelay $0x3  }
0x188: {  	v61, _, _ =	vpop (xrf0)  }
0x189: {  	(v2sf) =	vpush v61, $0xF  }
0x18a: {  	v62, _, _ =	vpop (xrf0)  }
0x18b: {  	(v2sf) =	vpush v62, $0xF;
	_ =	sdelay $0x9  }
0x18c: {  	v12 =	vnsel vm0, $0x0, v12  }
0x18d: {  	p0 =	slt.s32 s29, $0x1;
	v11 =	vadd.s32 v11, v12  }
0x18e: {  	s9 =	simm.s32 @!p0 $0x80;
	s0 =	spop (v2sf);
	v63 =	vsel vm0, $0x3F800000, v9;
	[tilespmem:v36+s20+$0x0] =	vst.idx.msk $0xffff, v11  }
0x18f: {  	s29 =	simm.s32 @!p0 $0x8200;
	s31 =	simm.s32 @!p0 $0x8400;
	s5 =	spop (v2sf);
	[tilespmem:v36+s21+$0x0] =	vst.idx.msk $0xffff, v63  }
0x190: {  	[tilespmem:s31], [sflag:$0x3] =	stream.indirect.gather @!p0 [hbm4b:s3+s9], $0x80, s29, s9, $0xb8;
	[tilespmem:$0x10400] =	vst v63  }
0x191: {  	s29 =	simm.s32 @!p0 $0x3;
	s9 =	spop (v2sf)  }
0x192: {  	_ =	swait.ge @!p0 [sflag:s29], $0x4000  }
0x193: {  	s25 =	sshll.u32 @!p0 s25, $0x4;
	[sflag:s29] =	ssyncset.done @!p0 $0x0  }
0x194: {  	s25 =	sadd.s32 @!p0 s6, s25;
	[sflag:s29] =	ssyncadd.s32 @!p0 $0xFFFFC000;
	s29 =	simm.s32 @!p0 $0x0  }
0x195: {  	[hbm4b:s25+s29] =	stream.linear.scatter @!p0 [tilespmem:s31], [sflag:$0x5], $0x4000, $0x38;
	[tilespmem:$0x10400] =	vst v63  }
0x196: {  	s25 =	simm.s32 @!p0 $0x5  }
0x197: {  	s0 =	sadd.s32 s30, s0;
	_ =	swait.ge @!p0 [sflag:s25], $0x4000  }
0x198: {  	s0 =	sadd.s32 s0, s5;
	[sflag:s25] =	ssyncset.done @!p0 $0x0  }
0x199: {  	s24 =	sadd.s32 s7, s24;
	s0 =	sadd.s32 s0, s9;
	[sflag:s25] =	ssyncadd.s32 @!p0 $0xFFFFC000  }
0x19a: {  	[hbm4b:s24+s4] =	stream.linear.scatter [tilespmem:s18], [sflag:$0x5], $0x80, $0x38;
	[tilespmem:$0x10400] =	vst v63  }
0x19b: {  	p0 =	slt.s32 s0, $0x1;
	_ =	swait.ge [sflag:s10], $0x80  }
0x19c: {  	s0 =	simm.s32 @!p0 $0x80;
	[sflag:s10] =	ssyncset.done $0x0  }
0x19d: {  	s5 =	simm.s32 @!p0 $0x8280;
	s9 =	simm.s32 @!p0 $0xC400;
	[sflag:s10] =	ssyncadd.s32 $0xFFFFFF80  }
0x19e: {  	[tilespmem:s9], [sflag:$0x4] =	stream.indirect.gather @!p0 [hbm4b:s3+s0], $0x80, s5, s0, $0xb8;
	[tilespmem:$0x10400] =	vst v63  }
0x19f: {  	s0 =	simm.s32 @!p0 $0x4  }
0x1a0: {  	_ =	swait.ge @!p0 [sflag:s0], $0x4000  }
0x1a1: {  	s5 =	sshll.u32 @!p0 s28, $0x4;
	[sflag:s0] =	ssyncset.done @!p0 $0x0  }
0x1a2: {  	[sflag:s0] =	ssyncadd.s32 @!p0 $0xFFFFC000;
	s0 =	sadd.s32 @!p0 s6, s5;
	s5 =	simm.s32 @!p0 $0x0  }
0x1a3: {  	[hbm4b:s0+s5] =	stream.linear.scatter @!p0 [tilespmem:s9], [sflag:$0x5], $0x4000, $0x38;
	[tilespmem:$0x10400] =	vst v63  }
0x1a4: {  	s0 =	simm.s32 @!p0 $0x5  }
0x1a5: {  	_ =	swait.ge @!p0 [sflag:s0], $0x4000  }
0x1a6: {  	s23 =	sadd.s32 $0x1, s23;
	[sflag:s0] =	ssyncset.done @!p0 $0x0  }
0x1a7: {  	[sflag:s0] =	ssyncadd.s32 @!p0 $0xFFFFC000;
	p0 =	sne.s32 s23, $0x14  }
.Ltmp2:
0x1a8: {  	s31 =	sadd.s32 s7, s26;
	(pc) =	sbr.rel @p0 .LBB2_2-.Ltmp2, $4  }
0x1a9: {  	[hbm4b:s31+s4] =	stream.linear.scatter [tilespmem:s21], [sflag:$0x5], $0x80, $0x38;
	[tilespmem:$0x10400] =	vst v63  }
0x1aa: {  	_ =	swait.ge [sflag:s10], $0x80  }
0x1ab: {  	[sflag:s10] =	ssyncset.done $0x0  }
0x1ac: {  	[sflag:s10] =	ssyncadd.s32 $0xFFFFFF80  }
0x1ad: {  	s22 =	sadd.s32 $0x1, s22;
	s0 =	rddreg [dreg:$0x5]  }
0x1ae: {  	p0 =	sne.s32 s22, s0  }
.Ltmp3:
0x1af: {  	_ = 	snop;
	(pc) =	sbr.rel @p0 .LBB2_1-.Ltmp3, $1  }
0x1b0: {  	_ =	sdelay $0x3  }
0x1b1: {  	_ =	sfence.sel $0x180000  }
0x1b2: {  	[bflag:$0x0] =	sbarrier.arrive $0xFFFF  }
0x1b3: {  	_ =	strace $0x90000047  }
0x1b4: {  	s0 =	stileid.u32;
	[bflag:$0x2] =	sbarrier.arrive $0xFFFF  }
0x1b5: {  	p0 =	sne.s32 s0, $0x0;
	s0 =	rddreg [dreg:$0x4]  }
0x1b6: {  	s0 =	sadd.s32 @!p0 $0x100000, s0  }
0x1b7: {  	[sflag:s0] =	ssyncadd.tile.s32 @!p0 $0x1;
	_ =	shalt  }
.Lfunc_end2:
_tile_overlayer_lowered:
.L_overlay_start_2:
0x1b8: {  	(tag) =	ssettag $0x2  }
0x1b9: {  	s0 =	rddreg [dreg:$0x0];
	s2 =	stileid.u32  }
0x1ba: {  	s1 =	rddreg [dreg:$0x1];
	p0 =	sne.s32 s2, $0x0  }
0x1bb: {  	s3 =	rddreg [dreg:$0x2];
	[bflag:$0x3] =	sbarrier.arrive $0xFFFF;
	s2 =	simm.s32 @!p0 $0x1C05  }
0x1bc: {  	[timem:s3], [sflag:s2] =	dma.local @!p0 [hbm:s0], s1  }
0x1bd: {  	s0 =	simm.s32 @!p0 $0x5  }
0x1be: {  	_ =	swait.ge @!p0 [sflag:s0], s1  }
0x1bf: {  	s1 =	ssub.s32 @!p0 $0x0, s1;
	[sflag:s0] =	ssyncset.done @!p0 $0x0  }
0x1c0: {  	[sflag:s0] =	ssyncadd.s32 @!p0 s1  }
0x1c1: {  	[bflag:$0x3] =	sbarrier.arrive $0xFFFF  }
0x1c2: {  	_ =	shalt  }

// kernel: sparse-core-data-format-call.cloned.1.call-start
scs
called_computation_lowered:
.L_overlay_start_0:
0x0: {  	s2 =	sld [smem:$0x3FD9]  }
0x1: {  	s3 =	sld [smem:$0x3FFE];
	_ =	sdelay $0x1  }
0x2: {  	s1 =	srdreg.scid  }
0x3: {  	s0 =	sand.u32 $0x1, s1  }
0x4: {  	s15 =	sshll.u32 s0, $0xA;
	s2 =	sadd.s32 s3, s2  }
0x5: {  	s2 =	sadd.s32 s2, s15  }
0x6: {  	[smem:$0x3FBF] =	sst s2  }
0x7: {  	_ = 	snop  }
0x8: {  	s2 =	sld [smem:$0x3FD0];
	_ =	sdelay $0x2  }
0x9: {  	s16 =	simm.s32 $0xA;
	s4 =	simm.s32 $0x10  }
0xa: {  	[smem:s4], [sflag:s16] =	dma.local [hbm:s2], $0x1  }
0xb: {  	_ =	swait.eq [sflag:s16], $0x1  }
0xc: {  	[sflag:s16] =	ssyncset.done $0x0  }
0xd: {  	[sflag:s16] =	ssyncadd.s32 $0xFFFFFFFF  }
0xe: {  	s17 =	sld [smem:$0x11];
	(tm) =	ssettm $0x1  }
0xf: {  	s18 =	sld [smem:$0x3FFB];
	_ =	sdelay $0x3  }
0x10: {  	_ =	strace s18  }
0x11: {  	s3 =	sld [smem:$0x3FFC];
	_ =	sdelay $0x3  }
0x12: {  	_ =	strace s3  }
0x13: {  	s3 =	sld [smem:$0x3FFD];
	_ =	sdelay $0x3  }
0x14: {  	_ =	strace s3  }
0x15: {  	_ =	strace $0x8FFFFFFF  }
0x16: {  	s19 =	sld [smem:$0x3FDB];
	_ =	sdelay $0x1  }
0x17: {  	s20 =	simm.s32 $_scs_section_size  }
0x18: {  	s5 =	simm.s32 $_size__tile_overlayer_lowered;
	s6 =	simm.s32 $_tile_overlayer_lowered  }
0x19: {  	s23 =	simm.s32 $0x1BFF;
	s22 =	sshll.u32 s6, $0x1;
	s3 =	sadd.s32 s20, s19  }
0x1a: {  	s7 =	simm.s32 $0x0;
	s21 =	sshll.u32 s5, $0x1;
	s5 =	sadd.s32 s22, s3  }
0x1b: {  	[timem:s7], [sflag:s23] =	dma.local [hbm:s5], s21  }
0x1c: {  	_ =	swait.ge [sflag:s23], s21  }
0x1d: {  	s4 =	ssub.s32 $0x0, s21;
	[sflag:s23] =	ssyncset.done $0x0  }
0x1e: {  	[sflag:s23] =	ssyncadd.s32 s4;
	_ =	sdelay $0x1  }
0x1f: {  	s24 =	simm.s32 $0x1B8B  }
0x20: {  	_ =	swait.ge [sflag:s24], $0x1  }
0x21: {  	[sflag:s24] =	ssyncset.done $0x0  }
0x22: {  	s26 =	simm.s32 $0x1B8E;
	s25 =	sld [smem:$0x3FFE];
	[sflag:s24] =	ssyncadd.s32 $0xFFFFFFFF  }
0x23: {  	s27 =	simm.s32 $execute0_lowered;
	[smem:$0x3FD2] =	sst s26  }
0x24: {  	s5 =	sshll.u32 s27, $0x1;
	_ =	strace $0x80000049;
	[dreg:$0x1] =	wrdreg $0xFFFFFFFF  }
0x25: {  	s28 =	simm.s32 $_size_execute0_lowered;
	s3 =	sadd.s32 s3, s5;
	[dreg:$0x0] =	wrdreg $0x0  }
0x26: {  	s5 =	sshll.u32 s28, $0x1;
	[dreg:$0x2] =	wrdreg s3  }
0x27: {  	[dreg:$0x3] =	wrdreg s5  }
0x28: {  	[dreg:$0x4] =	wrdreg $0xC0  }
0x29: {  	_ =	task [dreg:s7], $0x5FFFF  }
0x2a: {  	[dreg:$0x1] =	wrdreg $0xFFFFFFFF  }
0x2b: {  	[dreg:$0x0] =	wrdreg $0x60  }
0x2c: {  	[dreg:$0x2] =	wrdreg s25  }
0x2d: {  	[dreg:$0x3] =	wrdreg s17  }
0x2e: {  	[dreg:$0x4] =	wrdreg $0x9  }
0x2f: {  	_ =	task.clear_ibuf [dreg:s7], $0x5FFFF;
	_ =	strace $0x90000049  }
0x30: {  	s29 =	simm.s32 $0x9;
	_ =	strace $0x8000004B  }
0x31: {  	_ =	swait.ge [sflag:s29], $0x1  }
0x32: {  	[sflag:s29] =	ssyncadd.s32 $0xFFFFFFFF  }
0x33: {  	_ =	strace $0x9000004B  }
0x34: {  	_ =	sfence  }
0x35: {  	s30 =	sld [smem:$0x0];
	_ =	sdelay $0x2  }
0x36: {  	s31 =	sshll.u32 s1, $0xD;
	s1 =	sshrl.u32 s1, $0x2  }
0x37: {  	s3 =	sand.u32 $0x4000, s31;
	s1 =	sadd.s32 s1, s30  }
0x38: {  	s0 =	sor.u32 s3, s0;
	s1 =	sshll.u32 s1, $0x11  }
0x39: {  	s0 =	sor.u32 s1, s0  }
0x3a: {  	s0 =	sadd.s32 $0x8F2B, s0  }
0x3b: {  	[sflag:s0] =	ssyncadd.remote.s32 $0x1  }
0x3c: {  	_ =	sfence.sel $0xFFFF  }
0x3d: {  	[dreg:$0x0] =	wrdreg $0xFFFFFFFF;
	(pc) =	sbr.abs _section_cstart, $3  }
0x3e: {  	[dreg:$0x1] =	wrdreg $0xFFFFFFFF  }
0x3f: {  	_ =	task.clear_ibuf [dreg:s7], $0x2FFFF;
	_ =	strace $0x9FFFFFFF  }
0x40: {  	(tm) =	ssettm $0x7FFFFFFF  }
0x41: {  	_ =	shalt  }
tec
execute0_lowered:
.L_overlay_start_1:
0x0: {  	(tag) =	ssettag $0x1  }
0x1: {  	s0 =	srdreg.scid  }
0x2: {  	s1 =	stileid.u32;
	s29 =	rddreg [dreg:$0x0];
	s0 =	sshll.u32 s0, $0x4  }
0x3: {  	_ =	strace $0x8000004A;
	s2 =	simm.s32 $0x1;
	s0 =	sand.u32 $0x10, s0  }
0x4: {  	s30 =	simm.s32 $0x2;
	s18 =	simm.s32 $0x0;
	s0 =	sor.u32 s1, s0  }
0x5: {  	p0 =	por $0x0, $0x0;
	s20 =	simm.s32 $0x0;
	s3 =	sshll.u32 s0, $0x7  }
0x6: {  	s17 =	simm.s32 $0x0;
	s19 =	simm.s32 $0x0;
	s0 =	ssub.s32 $0x2700, s3  }
0x7: {  	s8 =	simm.s32 $0x0;
	s9 =	simm.s32 $0x0;
	s0 =	sshrl.u32 s0, $0xC  }
0x8: {  	s10 =	simm.s32 $0x0;
	s11 =	simm.s32 $0x0;
	vm0 =	vmxor vm0, vm0;
	s0 =	smul.u32 $0x3C, s0  }
.Ltmp0:
0x9: {  	s12 =	simm.s32 $0x0;
	s1 =	sadd.s32 $0xEBC600, s29;
	(pc) =	sbr.rel .LBB1_1-.Ltmp0, $4  }
0xa: {  	s13 =	simm.s32 $0x0;
	s14 =	simm.s32 $0x0;
	[dreg:$0x4] =	wrdreg s1  }
0xb: {  	s16 =	simm.s32 $0x0;
	[dreg:$0x3] =	wrdreg s3;
	s31 =	sadd.s32 $0x3C, s0  }
0xc: {  	[sflag:s2] =	ssyncpa.u1 $0x0;
	s7 =	sadd.s32 $0x3D, s0;
	[dreg:$0x5] =	wrdreg s31  }
0xd: {  	v0 =	vlaneseq.u32;
	[sflag:s30] =	ssyncpa.u1 $0x0;
	s15 =	smov.u32 s3;
	[dreg:$0x6] =	wrdreg s7  }
.LBB1_68:
0xe: {  	s10 =	rddreg [dreg:$0x9]  }
0xf: {  	s11 =	rddreg [dreg:$0xa]  }
0x10: {  	s9 =	rddreg [dreg:$0x8]  }
0x11: {  	s5 =	rddreg [dreg:$0x15]  }
0x12: {  	s19 =	rddreg [dreg:$0x18]  }
0x13: {  	s6 =	rddreg [dreg:$0x17]  }
0x14: {  	s8 =	rddreg [dreg:$0x7]  }
0x15: {  	s22 =	rddreg [dreg:$0x14]  }
0x16: {  	s23 =	rddreg [dreg:$0x16]  }
0x17: {  	s7 =	rddreg [dreg:$0x1]  }
0x18: {  	s12 =	rddreg [dreg:$0xb]  }
0x19: {  	s13 =	rddreg [dreg:$0xc]  }
0x1a: {  	s14 =	rddreg [dreg:$0xd]  }
0x1b: {  	s15 =	rddreg [dreg:$0xe]  }
0x1c: {  	s31 =	simm.s32 $0x13C00;
	s16 =	rddreg [dreg:$0xf];
	s0 =	sshrl.u32 s10, $0x3  }
0x1d: {  	s1 =	sshll.u32 s11, $0x3;
	s2 =	sshll.u32 s10, $0x7;
	s25 =	smul.u32 $0x62C00, s9  }
0x1e: {  	s18 =	sand.u32 $0x7F, s11;
	p1 =	sgt.s32 s11, $0x2700;
	s26 =	smul.u32 $0x4F00, s8  }
0x1f: {  	p2 =	sgt.s32 s9, $0x13;
	s4 =	smov.u32 s9;
	s0 =	smul.u32 $0x13C00, s0  }
0x20: {  	s17 =	sand.u32 $0x380, s2;
	s2 =	smov.u32 s11;
	s4 =	simm.s32 @!p2 $0x13  }
0x21: {  	s1 =	sand.u32 $0xFFFFFC00, s1;
	s2 =	simm.s32 @!p1 $0x2700;
	s4 =	sadd.s32 s6, s4  }
0x22: {  	s6 =	smov.u32 s8;
	s0 =	sadd.s32 s1, s0;
	s2 =	sadd.s32 s5, s2  }
0x23: {  	s5 =	smul.u32 $0x10200, s19;
	s21 =	sadd.s32 $0xFFFFFFED, s4;
	s4 =	ssub.s32 $0x14, s4  }
0x24: {  	s19 =	rddreg [dreg:$0x12];
	s0 =	sor.u32 s17, s0;
	s20 =	sadd.s32 $0xFFFFD900, s2  }
0x25: {  	s2 =	ssub.s32 $0x2780, s2;
	p2 =	sgt.s32 s21, $0x0;
	s1 =	sor.u32 s18, s0  }
0x26: {  	s17 =	rddreg [dreg:$0x10];
	p1 =	sgt.s32 s20, $0x7F;
	s3 =	smulhi.u32 $0xCF6474A9, s1  }
0x27: {  	s5 =	sshrl.u32 s5, $0x2;
	s0 =	smulhi.u32 $0xCF6474A9, s0;
	s18 =	rddreg [dreg:$0x11]  }
0x28: {  	s4 =	simm.s32 @p2 $0x0;
	s20 =	rddreg [dreg:$0x13];
	s3 =	sshrl.u32 s3, $0xD  }
0x29: {  	s2 =	simm.s32 @p1 $0x0;
	p1 =	sgt.s32 s8, $0xC;
	s3 =	smul.u32 $0x2780, s3  }
0x2a: {  	s5 =	sor.u32 $0x8000, s5;
	s2 =	smul.u32 s22, s2;
	s6 =	simm.s32 @!p1 $0xC  }
0x2b: {  	s0 =	sshrl.u32 s0, $0xD;
	s1 =	ssub.s32 s1, s3;
	s3 =	sadd.s32 s23, s6  }
0x2c: {  	s0 =	sand.u32 $0xF, s0;
	s2 =	smul.u32 s4, s2;
	s24 =	sadd.s32 $0xFFFFFFF4, s3  }
0x2d: {  	s0 =	smul.u32 $0x4F0, s0;
	s3 =	ssub.s32 $0x14, s3;
	p1 =	sgt.s32 s24, $0x7  }
0x2e: {  	s6 =	sadd.s32 s7, s25;
	s7 =	rddreg [dreg:$0x6];
	s3 =	simm.s32 @p1 $0x0  }
0x2f: {  	s27 =	sadd.s32 s26, s6;
	s28 =	sand.u32 $0x7, s1;
	s2 =	smul.u32 s3, s2  }
0x30: {  	s1 =	sshrl.u32 s1, $0x3;
	s0 =	sadd.s32 s0, s27;
	s29 =	sshll.u32 s28, $0x12  }
0x31: {  	s0 =	sadd.s32 s1, s0;
	s30 =	sor.u32 $0x400, s29;
	s2 =	sand.u32 $0x3FFFFFFF, s2  }
0x32: {  	[hbm4b:s0+s30] =	stream.strided.scatter [tilespmem:s5], [sflag:$0x2], s2, s31, s30, $0x20;
	[tilespmem:$0x10100] =	vst v63  }
.LBB1_69:
0x33: {  	p1 =	slt.u32 s16, $0x2  }
0x34: {  	p2 =	sgt.s32 @!p1 s20, $0x13  }
0x35: {  	s0 =	smov.u32 s20;
	s1 =	sshra.s32 @!p1 s20, $0x1F;
	p2 =	por !p2, p1  }
0x36: {  	s1 =	sand.u32 @!p1 s1, s20;
	s0 =	simm.s32 @p2 $0x13  }
0x37: {  	s2 =	smov.u32 s18;
	s0 =	ssub.s32 @!p1 s0, s1  }
0x38: {  	s3 =	smov.u32 s19;
	p0 =	por !p0, !p0;
	s1 =	sadd.s32 @!p1 $0xFFFFFFED, s0  }
0x39: {  	p3 =	sgt.s32 @!p1 s19, $0x2700;
	s4 =	sshra.s32 @!p1 s19, $0x1F;
	p2 =	sgt.s32 @!p1 s1, $0x0  }
0x3a: {  	p3 =	por !p3, p1;
	s0 =	ssub.s32 @!p1 $0x14, s0;
	p2 =	por !p2, p1  }
0x3b: {  	s4 =	sand.u32 @!p1 s4, s19;
	s0 =	simm.s32 @!p2 $0x0;
	p2 =	sgt.s32 @!p1 s18, $0xC  }
0x3c: {  	s3 =	simm.s32 @p3 $0x2700;
	s1 =	sshra.s32 @!p1 s18, $0x1F;
	p2 =	por !p2, p1  }
0x3d: {  	s3 =	ssub.s32 @!p1 s3, s4;
	s1 =	sand.u32 @!p1 s1, s18;
	s2 =	simm.s32 @p2 $0xC  }
0x3e: {  	s5 =	sadd.s32 @!p1 $0xFFFFD900, s3;
	s1 =	ssub.s32 @!p1 s2, s1;
	s2 =	ssub.s32 @!p1 $0x0, s17  }
0x3f: {  	s3 =	ssub.s32 @!p1 $0x2780, s3;
	p3 =	sgt.s32 @!p1 s5, $0x7F;
	s2 =	smin.u32 @!p1 s17, s2  }
0x40: {  	s5 =	sadd.s32 $0x8, s12;
	p3 =	por !p3, p1;
	p2 =	sgt.s32 @!p1 s2, $0xF  }
0x41: {  	s3 =	simm.s32 @!p3 $0x0;
	s2 =	ssub.s32 @!p1 $0x10, s2;
	p2 =	por !p2, p1  }
0x42: {  	s4 =	sadd.s32 @!p1 $0xFFFFFFF4, s1;
	s1 =	ssub.s32 @!p1 $0x14, s1;
	s2 =	simm.s32 @!p2 $0x0  }
0x43: {  	p2 =	sgt.s32 s5, $0x13;
	s2 =	smul.u32 @!p1 s2, s3;
	s3 =	simm.s32 $0x1  }
0x44: {  	p3 =	sgt.s32 @!p1 s4, $0x7;
	s4 =	smov.u32 s14;
	s3 =	simm.s32 @!p2 $0x0  }
0x45: {  	p3 =	por !p3, p1;
	s0 =	smul.u32 @!p1 s0, s2;
	s2 =	sadd.s32 s3, s13  }
0x46: {  	s1 =	simm.s32 @!p3 $0x0;
	s3 =	sadd.s32 $0x10, s14;
	p3 =	sgt.s32 s2, $0x13  }
0x47: {  	s5 =	simm.s32 @p2 $0x0;
	s0 =	smul.u32 @!p1 s1, s0;
	s4 =	smov.u32 @p3 s3  }
0x48: {  	s1 =	sadd.s32 $0x1000, s15;
	s3 =	smov.u32 s15;
	p2 =	sgt.s32 s4, $0xF  }
0x49: {  	s0 =	sand.u32 @!p1 $0x3FFFFFFF, s0;
	s3 =	smov.u32 @p2 s1;
	s1 =	simm.s32 @!p1 $0x2  }
0x4a: {  	s20 =	smov.u32 s9;
	s19 =	smov.u32 s11;
	_ =	swait.ge @!p1 [sflag:s1], s0  }
0x4b: {  	s4 =	simm.s32 @p2 $0x0;
	p2 =	sgt.s32 s3, $0x270F;
	s6 =	rddreg [dreg:$0x3]  }
0x4c: {  	s9 =	smov.u32 s13;
	s3 =	smov.u32 @p2 s6;
	p2 =	sne.s32 s16, s7  }
.Ltmp1:
0x4d: {  	s11 =	smov.u32 s15;
	s18 =	smov.u32 s8;
	(pc) =	sbr.rel @!p2 .LBB1_70-.Ltmp1, $4  }
0x4e: {  	s8 =	smov.u32 s12;
	s17 =	smov.u32 s10;
	s2 =	simm.s32 @p3 $0x0  }
0x4f: {  	s10 =	smov.u32 s14;
	s12 =	smov.u32 s5;
	s13 =	smov.u32 s2  }
0x50: {  	s0 =	ssub.s32 @!p1 $0x0, s0;
	s14 =	smov.u32 s4;
	[sflag:s1] =	ssyncset.done @!p1 $0x0  }
0x51: {  	s16 =	sadd.s32 $0x1, s16;
	[sflag:s1] =	ssyncadd.s32 @!p1 s0;
	s15 =	smov.u32 s3  }
.LBB1_1:
0x52: {  	s0 =	rddreg [dreg:$0x5]  }
0x53: {  	p1 =	sge.u32 s16, s0  }
0x54: {  	p2 =	sgt.s32 @!p1 s15, $0x2690  }
0x55: {  	s0 =	smov.u32 s15;
	s1 =	sshra.s32 @!p1 s15, $0x1F;
	p2 =	por !p2, p1  }
0x56: {  	s3 =	sshll.u32 @!p1 s12, $0x3;
	s1 =	sand.u32 @!p1 s1, s15;
	s0 =	simm.s32 @p2 $0x2690  }
0x57: {  	s2 =	sshll.u32 @!p1 s13, $0x7;
	s3 =	sand.u32 @!p1 $0xFFFFFC00, s3;
	s0 =	ssub.s32 @!p1 s0, s1  }
0x58: {  	s1 =	sand.u32 @!p1 $0xFFFFFC00, s2;
	s2 =	sand.u32 @!p1 $0x380, s2;
	s4 =	sadd.s32 @!p1 $0xFFFFD970, s0  }
0x59: {  	s0 =	ssub.s32 @!p1 $0x2710, s0;
	p2 =	sgt.s32 @!p1 s4, $0x7F;
	s4 =	ssub.s32 @!p1 $0x0, s14  }
0x5a: {  	s1 =	sadd.s32 @!p1 s1, s3;
	p2 =	por !p2, p1;
	s4 =	smin.u32 @!p1 s14, s4  }
0x5b: {  	s1 =	sor.u32 @!p1 s2, s1;
	s0 =	simm.s32 @!p2 $0x0;
	p2 =	sgt.s32 @!p1 s4, $0xF  }
0x5c: {  	s2 =	smov.u32 s13;
	s3 =	ssub.s32 @!p1 $0x10, s4;
	p2 =	por !p2, p1  }
0x5d: {  	s4 =	sshra.s32 @!p1 s12, $0x1F;
	s3 =	simm.s32 @!p2 $0x0;
	p2 =	sgt.s32 @!p1 s13, $0x17  }
0x5e: {  	s0 =	smul.u32 @!p1 s3, s0;
	p2 =	por !p2, p1;
	s3 =	sshra.s32 @!p1 s13, $0x1F  }
0x5f: {  	s2 =	simm.s32 @p2 $0x17;
	s3 =	sand.u32 @!p1 s3, s13;
	p2 =	sgt.s32 @!p1 s12, $0x78  }
0x60: {  	s2 =	ssub.s32 @!p1 s2, s3;
	p2 =	por !p2, p1;
	s3 =	smov.u32 s12  }
0x61: {  	s4 =	sand.u32 @!p1 s4, s12;
	s5 =	sadd.s32 @!p1 $0xFFFFFFE9, s2;
	s3 =	simm.s32 @p2 $0x78  }
0x62: {  	s1 =	sshrl.u32 @!p1 s1, $0x7;
	p2 =	sgt.s32 @!p1 s5, $0x0;
	s3 =	ssub.s32 @!p1 s3, s4  }
0x63: {  	s2 =	ssub.s32 @!p1 $0x18, s2;
	p2 =	por !p2, p1;
	s4 =	sadd.s32 @!p1 $0xFFFFFF88, s3  }
0x64: {  	s5 =	smulhi.u32 @!p1 $0xAAAAAAB, s1;
	s2 =	simm.s32 @!p2 $0x0;
	p2 =	sgt.s32 @!p1 s4, $0x7  }
0x65: {  	s0 =	smul.u32 @!p1 s2, s0;
	s2 =	ssub.s32 @!p1 $0x80, s3;
	p2 =	por !p2, p1  }
0x66: {  	s3 =	smul.u32 @!p1 $0x18, s5;
	s2 =	simm.s32 @!p2 $0x0  }
0x67: {  	s4 =	sxor.u32 @!p1 $0xFFFFFFFF, s16;
	s0 =	smul.u32 @!p1 s2, s0  }
0x68: {  	s6 =	rddreg [dreg:$0x4];
	s2 =	sshll.u32 @!p1 s4, $0xE;
	s4 =	smul.u32 @!p1 $0x1800, s15  }
0x69: {  	s5 =	sshrl.u32 @!p1 s12, $0x3;
	s1 =	ssub.s32 @!p1 s1, s3;
	s3 =	smul.u32 @!p1 $0x180, s14  }
0x6a: {  	s5 =	sand.u32 @!p1 $0xF, s5;
	s2 =	sand.u32 @!p1 $0x4000, s2;
	s4 =	sadd.s32 @!p1 s6, s4  }
0x6b: {  	s1 =	sshll.u32 @!p1 s1, $0x4;
	s3 =	sadd.s32 @!p1 s3, s4;
	s4 =	sand.u32 @!p1 $0x7, s12  }
0x6c: {  	s0 =	sand.u32 @!p1 $0x3FFFFFFF, s0;
	s3 =	sadd.s32 @!p1 s5, s3;
	s4 =	sshll.u32 @!p1 s4, $0x12  }
0x6d: {  	s1 =	sadd.s32 @!p1 s1, s3;
	s3 =	sor.u32 @!p1 $0x8, s4;
	s4 =	simm.s32 @!p1 $0xC00  }
0x6e: {  	[tilespmem:s2], [sflag:$0x1] =	stream.strided.gather @!p1 [hbm4b:s1+s3], s0, s4, s3, $0x38;
	[tilespmem:$0x10100] =	vst v63  }
0x6f: {  	p1 =	seq.s32 s16, $0x0  }
0x70: {  	p2 =	sge.u32 @!p1 s16, s7  }
0x71: {  	p1 =	por p1, p2  }
.Ltmp2:
0x72: {  	_ = 	snop;
	(pc) =	sbr.rel @p1 .LBB1_69-.Ltmp2, $1  }
0x73: {  	_ =	sdelay $0x3  }
0x74: {  	[dreg:$0x13] =	wrdreg s20  }
0x75: {  	[dreg:$0x12] =	wrdreg s19  }
0x76: {  	[dreg:$0x11] =	wrdreg s18  }
0x77: {  	[dreg:$0x10] =	wrdreg s17  }
0x78: {  	[dreg:$0xe] =	wrdreg s15  }
0x79: {  	[dreg:$0xd] =	wrdreg s14;
	s0 =	ssub.s32 $0x0, s11;
	s1 =	sshra.s32 s11, $0x1F  }
0x7a: {  	p1 =	sgt.s32 s11, $0x2690;
	s2 =	smov.u32 s11;
	s22 =	ssub.s32 $0x0, s10  }
0x7b: {  	s23 =	ssub.s32 $0x0, s9;
	s3 =	sshra.s32 s9, $0x1F;
	p2 =	sgt.s32 s9, $0x17  }
0x7c: {  	s4 =	smov.u32 s9;
	s25 =	ssub.s32 $0x0, s8;
	s26 =	sshra.s32 s8, $0x1F  }
0x7d: {  	s0 =	sand.u32 s0, s1;
	s2 =	simm.s32 @!p1 $0x2690;
	s1 =	smin.u32 s10, s22  }
0x7e: {  	s4 =	simm.s32 @!p2 $0x17;
	[dreg:$0x15] =	wrdreg s0;
	s0 =	sadd.s32 s0, s2  }
0x7f: {  	s2 =	sand.u32 s23, s3;
	p2 =	sgt.s32 s1, $0xF;
	s3 =	ssub.s32 $0x10, s1  }
0x80: {  	s21 =	sadd.s32 $0xFFFFD970, s0;
	s0 =	ssub.s32 $0x2710, s0;
	[dreg:$0x17] =	wrdreg s2  }
0x81: {  	s24 =	sadd.s32 s2, s4;
	s3 =	simm.s32 @p2 $0x0;
	p2 =	sgt.s32 s8, $0x78  }
0x82: {  	s4 =	smov.u32 s8;
	p1 =	sgt.s32 s21, $0x7F;
	s2 =	sadd.s32 $0xFFFFFFE9, s24  }
0x83: {  	s1 =	ssub.s32 $0x18, s24;
	s4 =	simm.s32 @!p2 $0x78;
	s0 =	simm.s32 @p1 $0x0  }
0x84: {  	p1 =	sgt.s32 s2, $0x0;
	s2 =	sand.u32 s25, s26;
	s0 =	smul.u32 s3, s0  }
0x85: {  	s1 =	simm.s32 @p1 $0x0;
	[dreg:$0x16] =	wrdreg s2;
	s2 =	sadd.s32 s2, s4  }
0x86: {  	[dreg:$0x14] =	wrdreg s3;
	s27 =	sadd.s32 $0xFFFFFF88, s2;
	s0 =	smul.u32 s1, s0  }
0x87: {  	p1 =	sgt.s32 s27, $0x7;
	s1 =	ssub.s32 $0x80, s2;
	s2 =	sadd.s32 $0x80, s11  }
0x88: {  	s3 =	sadd.s32 $0x10, s10;
	s1 =	simm.s32 @p1 $0x0;
	p1 =	slt.s32 s2, $0x2710  }
0x89: {  	[dreg:$0xc] =	wrdreg s13;
	s2 =	simm.s32 @!p1 $0x2710;
	p1 =	slt.s32 s3, $0x10  }
0x8a: {  	[dreg:$0xb] =	wrdreg s12;
	s29 =	ssub.s32 s2, s11;
	s3 =	simm.s32 @!p1 $0x10  }
0x8b: {  	[dreg:$0x8] =	wrdreg s9;
	s28 =	ssub.s32 s3, s10;
	p1 =	slt.s32 s29, $0x1  }
0x8c: {  	[dreg:$0x7] =	wrdreg s8;
	p2 =	slt.s32 @!p1 s28, $0x1  }
0x8d: {  	[dreg:$0xa] =	wrdreg s11;
	s0 =	smul.u32 s1, s0;
	p1 =	por p1, p2  }
.Ltmp3:
0x8e: {  	[dreg:$0x9] =	wrdreg s10;
	(pc) =	sbr.rel @p1 .LBB1_68-.Ltmp3, $4  }
0x8f: {  	s30 =	simm.s32 $0x1;
	s0 =	sand.u32 $0x3FFFFFFF, s0;
	[dreg:$0x19] =	wrdreg s29  }
0x90: {  	s31 =	sand.u32 $0x1, s16;
	_ =	swait.ge [sflag:s30], s0  }
0x91: {  	s0 =	ssub.s32 $0x0, s0;
	[dreg:$0xf] =	wrdreg s16;
	[sflag:s30] =	ssyncset.done $0x0  }
0x92: {  	[dreg:$0x18] =	wrdreg s31;
	[sflag:s30] =	ssyncadd.s32 s0  }
0x93: {  	s4 =	rddreg [dreg:$0x8];
	s2 =	simm.s32 $0x1  }
0x94: {  	s3 =	rddreg [dreg:$0x7];
	s2 =	simm.s32 @!p0 $0x0  }
0x95: {  	s6 =	rddreg [dreg:$0x18];
	s2 =	smul.u32 $0x10200, s2  }
0x96: {  	s0 =	sadd.s32 $0x1, s4;
	s1 =	sadd.s32 $0x8, s3;
	s6 =	sshll.u32 s6, $0xE  }
0x97: {  	p1 =	slt.s32 s0, $0x14;
	p2 =	slt.s32 s1, $0x14;
	s10 =	sshrl.u32 s2, $0x2  }
0x98: {  	[dreg:$0x1a] =	wrdreg s6;
	s0 =	simm.s32 @!p1 $0x14;
	s11 =	sadd.s32 $0x80F00, s10  }
0x99: {  	s1 =	simm.s32 @!p2 $0x14;
	s13 =	sadd.s32 $0x84F80, s10;
	[dreg:$0x1b] =	wrdreg s11  }
0x9a: {  	s29 =	ssub.s32 s0, s4;
	s15 =	sadd.s32 $0x89000, s10;
	[dreg:$0x1d] =	wrdreg s13  }
0x9b: {  	s7 =	ssub.s32 s1, s3;
	s17 =	sadd.s32 $0x8D080, s10;
	[dreg:$0x1f] =	wrdreg s15  }
0x9c: {  	s0 =	sadd.s32 $0xF, s7;
	s19 =	sadd.s32 $0x91100, s10;
	[smem:$0x7F2] =	sst s17  }
0x9d: {  	s8 =	sshra.s32 s29, $0x1F;
	s21 =	sadd.s32 $0x95180, s10;
	[smem:$0x7F4] =	sst s19  }
0x9e: {  	s23 =	sadd.s32 $0x99200, s10;
	s9 =	sshrl.u32 s0, $0x8;
	[smem:$0x7F6] =	sst s21  }
0x9f: {  	s4 =	sadd.s32 $0x9D280, s10;
	[smem:$0x7F8] =	sst s23;
	s3 =	smul.u32 $0x204000, s9  }
0xa0: {  	s1 =	sshrl.u32 s8, $0x1D;
	s30 =	sand.u32 $0xFFFFFFF0, s0;
	[smem:$0x7FA] =	sst s4  }
0xa1: {  	p2 =	slt.s32 s0, $0x100;
	s1 =	sadd.s32 s1, s29;
	s5 =	sadd.s32 s2, s3  }
0xa2: {  	s4 =	simm.s32 $0x0;
	s31 =	sand.u32 $0xFFFFFFF8, s1;
	s5 =	sshra.s32 s5, $0x2  }
0xa3: {  	s1 =	sand.u32 $0xFFFFFF00, s0;
	s20 =	smul.u32 $0x10200, s31;
	s12 =	sadd.s32 $0x8000, s5  }
0xa4: {  	p1 =	slt.s32 s31, $0x1;
	s14 =	sadd.s32 $0xC080, s5;
	[dreg:$0x1c] =	wrdreg s12  }
0xa5: {  	p3 =	sge.s32 s1, s30;
	s16 =	sadd.s32 $0x10100, s5;
	[dreg:$0x1e] =	wrdreg s14  }
0xa6: {  	s18 =	sadd.s32 $0x14180, s5;
	s7 =	sadd.s32 $0x18200, s5;
	[smem:$0x7F1] =	sst s16  }
0xa7: {  	s22 =	sadd.s32 $0x1C280, s5;
	s24 =	sadd.s32 $0x20300, s5;
	[smem:$0x7F3] =	sst s18  }
0xa8: {  	s3 =	sadd.s32 s20, s3;
	s25 =	sadd.s32 s2, s20;
	[smem:$0x7F5] =	sst s7  }
.Ltmp4:
0xa9: {  	s26 =	sadd.s32 $0x24380, s5;
	[smem:$0x7F7] =	sst s22;
	(pc) =	sbr.rel .LBB1_4-.Ltmp4, $4  }
0xaa: {  	[smem:$0x7F9] =	sst s24;
	s2 =	sadd.s32 s2, s3;
	s27 =	sshra.s32 s25, $0x2  }
0xab: {  	[smem:$0x7FB] =	sst s26;
	s2 =	sshra.s32 s2, $0x2;
	s3 =	sadd.s32 $0x80F00, s27  }
0xac: {  	p4 =	sge.s32 s31, s29;
	[smem:$0x7FC] =	sst s3;
	s2 =	sadd.s32 $0x8000, s2  }
0xad: {  	s3 =	simm.s32 $0x0;
	[smem:$0x7FD] =	sst s2;
	s2 =	simm.s32 $0x0  }
.LBB1_67:
0xae: {  	s4 =	sld [smem:$0x7DC];
	_ =	sdelay $0x2  }
0xaf: {  	s0 =	rddreg [dreg:$0x19];
	s4 =	sadd.s32 $0x1, s4  }
0xb0: {  	p5 =	sne.s32 s4, s0  }
.Ltmp5:
0xb1: {  	s2 =	sld [smem:$0x7DD];
	(pc) =	sbr.rel @!p5 .LBB1_68-.Ltmp5, $2  }
0xb2: {  	s3 =	sld [smem:$0x7DE];
	_ =	sdelay $0x2  }
0xb3: {  	s2 =	sadd.s32 $0x1, s2;
	s3 =	sadd.s32 $0x8, s3  }
.LBB1_4:
0xb4: {  	[smem:$0x7DC] =	sst s4  }
0xb5: {  	[smem:$0x7DD] =	sst s2  }
0xb6: {  	[smem:$0x7DE] =	sst s3  }
0xb7: {  	s7 =	rddreg [dreg:$0x1a]  }
0xb8: {  	s8 =	rddreg [dreg:$0x1b]  }
0xb9: {  	s9 =	rddreg [dreg:$0x1c]  }
0xba: {  	s10 =	rddreg [dreg:$0x1d]  }
0xbb: {  	s11 =	rddreg [dreg:$0x1e]  }
0xbc: {  	s13 =	rddreg [dreg:$0x1f]  }
0xbd: {  	s14 =	sld [smem:$0x7F1]  }
0xbe: {  	s15 =	sld [smem:$0x7F2]  }
0xbf: {  	s16 =	sld [smem:$0x7F3]  }
0xc0: {  	s18 =	sld [smem:$0x7F4]  }
0xc1: {  	s19 =	sld [smem:$0x7F5]  }
0xc2: {  	s20 =	sld [smem:$0x7F6]  }
0xc3: {  	s21 =	sld [smem:$0x7F7]  }
0xc4: {  	s22 =	sld [smem:$0x7F8]  }
0xc5: {  	s23 =	sld [smem:$0x7F9]  }
0xc6: {  	s24 =	sld [smem:$0x7FA]  }
0xc7: {  	s0 =	sshll.u32 s4, $0x9;
	s25 =	sld [smem:$0x7FB]  }
0xc8: {  	s6 =	sand.u32 $0x7F, s2;
	s26 =	sld [smem:$0x7FC];
	s0 =	sshra.s32 s0, $0x2  }
0xc9: {  	s27 =	sld [smem:$0x7FD];
	s17 =	sadd.s32 s0, s7;
	s0 =	sadd.s32 s6, s8  }
0xca: {  	[smem:$0x7DF] =	sst s0;
	s0 =	sadd.s32 s6, s9  }
0xcb: {  	[smem:$0x7E0] =	sst s0;
	s0 =	sadd.s32 s6, s10  }
0xcc: {  	[smem:$0x7E1] =	sst s0;
	s0 =	sadd.s32 s6, s11  }
0xcd: {  	[smem:$0x7E2] =	sst s0;
	s0 =	sadd.s32 s6, s13  }
0xce: {  	[smem:$0x7E3] =	sst s0;
	s0 =	sadd.s32 s6, s14  }
0xcf: {  	[smem:$0x7E4] =	sst s0;
	s0 =	sadd.s32 s6, s15  }
0xd0: {  	[smem:$0x7E5] =	sst s0;
	s0 =	sadd.s32 s6, s16  }
0xd1: {  	[smem:$0x7E6] =	sst s0;
	s0 =	sadd.s32 s6, s18  }
0xd2: {  	[smem:$0x7E7] =	sst s0;
	s0 =	sadd.s32 s6, s19  }
0xd3: {  	[smem:$0x7E8] =	sst s0;
	s0 =	sadd.s32 s6, s20  }
0xd4: {  	[smem:$0x7E9] =	sst s0;
	s0 =	sadd.s32 s6, s21  }
0xd5: {  	[smem:$0x7EA] =	sst s0;
	s0 =	sadd.s32 s6, s22  }
0xd6: {  	[smem:$0x7EB] =	sst s0;
	s0 =	sadd.s32 s6, s23  }
.Ltmp6:
0xd7: {  	[smem:$0x7EC] =	sst s0;
	s0 =	sadd.s32 s6, s24;
	(pc) =	sbr.rel .LBB1_5-.Ltmp6, $4  }
0xd8: {  	[smem:$0x7ED] =	sst s0;
	s0 =	sadd.s32 s6, s25  }
0xd9: {  	[smem:$0x7EE] =	sst s0;
	s0 =	sadd.s32 s6, s26  }
0xda: {  	s12 =	sand.u32 $0x400, s3;
	[smem:$0x7EF] =	sst s0;
	s0 =	sadd.s32 s6, s27  }
0xdb: {  	s11 =	simm.s32 $0x0;
	s21 =	simm.s32 $0x0;
	[smem:$0x7F0] =	sst s0  }
.LBB1_66:
0xdc: {  	s11 =	sadd.s32 $0x1, s11  }
0xdd: {  	p5 =	sne.s32 s11, s28  }
.Ltmp7:
0xde: {  	_ = 	snop;
	(pc) =	sbr.rel @!p5 .LBB1_67-.Ltmp7, $2  }
0xdf: {  	_ =	sdelay $0x2  }
0xe0: {  	s21 =	sadd.s32 $0x80, s21  }
.LBB1_5:
0xe1: {  	s0 =	sand.u32 $0x400, s21  }
0xe2: {  	s2 =	sand.u32 $0x380, s21;
	s0 =	sadd.s32 s0, s12  }
0xe3: {  	s0 =	sadd.s32 s2, s0  }
.Ltmp8:
0xe4: {  	s0 =	sshrl.u32 s0, $0x7;
	(pc) =	sbr.rel @p1 .LBB1_56-.Ltmp8, $3  }
0xe5: {  	s0 =	sand.u32 $0xF, s0  }
0xe6: {  	s0 =	smul.u32 $0x204, s0;
	_ =	sdelay $0x1  }
0xe7: {  	s27 =	sshll.u32 s11, $0x5;
	s15 =	sshrl.u32 s0, $0x2  }
0xe8: {  	s0 =	sld [smem:$0x7EE]  }
0xe9: {  	s6 =	sld [smem:$0x7ED]  }
0xea: {  	s7 =	sld [smem:$0x7EC]  }
0xeb: {  	s8 =	sld [smem:$0x7EB]  }
0xec: {  	s13 =	sld [smem:$0x7EA]  }
0xed: {  	s16 =	sld [smem:$0x7E9]  }
0xee: {  	s18 =	sld [smem:$0x7E8]  }
0xef: {  	s22 =	sld [smem:$0x7E7]  }
0xf0: {  	s2 =	sld [smem:$0x7E6]  }
0xf1: {  	s23 =	sld [smem:$0x7E5]  }
0xf2: {  	s4 =	sld [smem:$0x7E4]  }
0xf3: {  	s24 =	sshra.s32 s27, $0x2;
	s5 =	sld [smem:$0x7E3]  }
0xf4: {  	s25 =	sld [smem:$0x7E2];
	s9 =	sadd.s32 s15, s0;
	s10 =	sadd.s32 s15, s6  }
0xf5: {  	s14 =	sadd.s32 s15, s7;
	s19 =	sadd.s32 s15, s8;
	s20 =	sadd.s32 s15, s13  }
0xf6: {  	s16 =	sadd.s32 s15, s16;
	s13 =	sadd.s32 s15, s18;
	s0 =	sadd.s32 s15, s22  }
0xf7: {  	s3 =	sadd.s32 s15, s2;
	s6 =	sadd.s32 s24, s17;
	s18 =	sld [smem:$0x7E1]  }
0xf8: {  	s8 =	sadd.s32 s15, s23;
	s2 =	sadd.s32 s15, s25;
	s25 =	sadd.s32 $0x30, s6  }
.Ltmp9:
0xf9: {  	s7 =	sadd.s32 $0x10, s6;
	v6 =	vmov s25;
	s25 =	sld [smem:$0x7DF];
	(pc) =	sbr.rel .LBB1_7-.Ltmp9, $4  }
0xfa: {  	s4 =	sadd.s32 s15, s4;
	v2 =	vmov s7;
	s7 =	sadd.s32 s15, s18;
	s18 =	sld [smem:$0x7E0]  }
0xfb: {  	s5 =	sadd.s32 s15, s5;
	s22 =	sadd.s32 $0x8, s6;
	s23 =	sadd.s32 $0x20, s6  }
0xfc: {  	s24 =	sadd.s32 $0x18, s6;
	s26 =	sadd.s32 $0x28, s6;
	v8 =	vmov s6;
	v1 =	vmov s22;
	v4 =	vmov s23;
	s23 =	sadd.s32 $0x38, s6  }
0xfd: {  	v3 =	vmov s24;
	v5 =	vmov s26;
	s24 =	simm.s32 $0x0;
	v7 =	vmov s23;
	s25 =	sadd.s32 s15, s25;
	s26 =	sadd.s32 s15, s18  }
.LBB1_55:
0xfe: {  	s24 =	sadd.s32 $0x8, s24  }
0xff: {  	s25 =	sadd.s32 $0x20400, s25;
	s26 =	sadd.s32 $0x20400, s26;
	p5 =	slt.s32 s24, s31  }
.Ltmp10:
0x100: {  	s7 =	sadd.s32 $0x20400, s7;
	s2 =	sadd.s32 $0x20400, s2;
	(pc) =	sbr.rel @!p5 .LBB1_56-.Ltmp10, $4  }
0x101: {  	s5 =	sadd.s32 $0x20400, s5;
	s4 =	sadd.s32 $0x20400, s4;
	s8 =	sadd.s32 $0x20400, s8  }
0x102: {  	s3 =	sadd.s32 $0x20400, s3;
	s0 =	sadd.s32 $0x20400, s0;
	s13 =	sadd.s32 $0x20400, s13  }
0x103: {  	s16 =	sadd.s32 $0x20400, s16;
	s20 =	sadd.s32 $0x20400, s20;
	s19 =	sadd.s32 $0x20400, s19  }
0x104: {  	s14 =	sadd.s32 $0x20400, s14;
	s10 =	sadd.s32 $0x20400, s10;
	s9 =	sadd.s32 $0x20400, s9  }
.LBB1_7:
.Ltmp11:
0x105: {  	(pc) =	sbr.rel @p2 .LBB1_11-.Ltmp11, $1  }
0x106: {  	_ =	sdelay $0x3  }
0x107: {  	s22 =	simm.s32 $0x0;
	v12 =	vld.msk [tilespmem:s6+$0x10], vm0  }
0x108: {  	v10 =	vld.msk [tilespmem:s6+$0x30], vm0;
	v9 =	vor.u32 s22, v0  }
0x109: {  	v11 =	vld.msk [tilespmem:s6+$0x40], vm0;
	vm1 =	vlt.u32 v9, $0x8  }
0x10a: {  	v13 =	vld.msk [tilespmem:s6+$0x0], vm1  }
0x10b: {  	v14 =	vld.msk [tilespmem:s6+$0x60], vm0  }
0x10c: {  	v15 =	vld.msk [tilespmem:s6+$0x70], vm0;
	[tilespmem:s25+$0xFFF8F200 ss:$0x810] =	vst.msk vm0, v12  }
0x10d: {  	v16 =	vld.msk [tilespmem:s6+$0x0], vm0;
	[tilespmem:s25+$0xFFF9F400 ss:$0x810] =	vst.msk vm0, v10  }
0x10e: {  	v9 =	vld.msk [tilespmem:s6+$0x20], vm0;
	[tilespmem:s25+$0xFFFA7500 ss:$0x810] =	vst.msk vm0, v11  }
0x10f: {  	p5 =	sgt.s32 s1, $0x100;
	[tilespmem:s25+$0xFFF87100 ss:$0x810] =	vst.msk vm1, v13;
	v13 =	vld.msk [tilespmem:s6+$0x50], vm0  }
.Ltmp12:
0x110: {  	[tilespmem:s25+$0xFFFB7700 ss:$0x810] =	vst.msk vm0, v14;
	(pc) =	sbr.rel @!p5 .LBB1_10-.Ltmp12, $4  }
0x111: {  	[tilespmem:s25+$0xFFFBF800 ss:$0x810] =	vst.msk vm0, v15  }
0x112: {  	[tilespmem:s25+$0xFFFC7900 ss:$0x810] =	vst.msk vm0, v16  }
0x113: {  	[tilespmem:s25+$0xFFF97300 ss:$0x810] =	vst.msk vm0, v9  }
0x114: {  	s23 =	smov.u32 s25;
	s22 =	simm.s32 $0x100;
	[tilespmem:s25+$0xFFFAF600 ss:$0x810] =	vst.msk vm0, v13  }
.LBB1_9:
0x115: {  	v16 =	vor.u32 s22, v0;
	s22 =	sadd.s32 $0x100, s22;
	[tilespmem:s23+$0xFFFCFA00 ss:$0x810] =	vst.msk vm0, v12  }
0x116: {  	vm1 =	vlt.u32 v16, $0x8;
	p5 =	slt.s32 s22, s1;
	[tilespmem:s23+$0xFFFD7B00 ss:$0x810] =	vst.msk vm0, v9  }
0x117: {  	v16 =	vld.msk [tilespmem:s6+$0x0], vm1;
	[tilespmem:s23+$0xFFFDFC00 ss:$0x810] =	vst.msk vm0, v10  }
0x118: {  	v12 =	vld.msk [tilespmem:s6+$0x10], vm0;
	[tilespmem:s23+$0xFFFE7D00 ss:$0x810] =	vst.msk vm0, v11  }
0x119: {  	v9 =	vld.msk [tilespmem:s6+$0x20], vm0;
	[tilespmem:s23+$0xFFFEFE00 ss:$0x810] =	vst.msk vm0, v13  }
0x11a: {  	v10 =	vld.msk [tilespmem:s6+$0x30], vm0;
	[tilespmem:s23+$0xFFFF7F00 ss:$0x810] =	vst.msk vm0, v14  }
0x11b: {  	v11 =	vld.msk [tilespmem:s6+$0x40], vm0;
	[tilespmem:s23+$0x0 ss:$0x810] =	vst.msk vm0, v15;
	s23 =	sadd.s32 $0x81000, s23  }
0x11c: {  	[tilespmem:s23+$0xFFF87100 ss:$0x810] =	vst.msk vm1, v16;
	v13 =	vld.msk [tilespmem:s6+$0x50], vm0  }
0x11d: {  	[tilespmem:s23+$0xFFF8F200 ss:$0x810] =	vst.msk vm0, v12;
	v14 =	vld.msk [tilespmem:s6+$0x60], vm0  }
0x11e: {  	[tilespmem:s23+$0xFFF97300 ss:$0x810] =	vst.msk vm0, v9;
	v15 =	vld.msk [tilespmem:s6+$0x70], vm0  }
0x11f: {  	[tilespmem:s23+$0xFFF9F400 ss:$0x810] =	vst.msk vm0, v10;
	v16 =	vld.msk [tilespmem:s6+$0x0], vm0  }
.Ltmp13:
0x120: {  	[tilespmem:s23+$0xFFFA7500 ss:$0x810] =	vst.msk vm0, v11;
	(pc) =	sbr.rel @p5 .LBB1_9-.Ltmp13, $4  }
0x121: {  	[tilespmem:s23+$0xFFFAF600 ss:$0x810] =	vst.msk vm0, v13  }
0x122: {  	[tilespmem:s23+$0xFFFB7700 ss:$0x810] =	vst.msk vm0, v14  }
0x123: {  	[tilespmem:s23+$0xFFFBF800 ss:$0x810] =	vst.msk vm0, v15  }
0x124: {  	[tilespmem:s23+$0xFFFC7900 ss:$0x810] =	vst.msk vm0, v16  }
.LBB1_10:
0x125: {  	_ =	sdelay $0x4  }
0x126: {  	[tilespmem:s23+$0xFFFCFA00 ss:$0x810] =	vst.msk vm0, v12  }
0x127: {  	[tilespmem:s23+$0xFFFD7B00 ss:$0x810] =	vst.msk vm0, v9  }
0x128: {  	[tilespmem:s23+$0xFFFDFC00 ss:$0x810] =	vst.msk vm0, v10  }
0x129: {  	[tilespmem:s23+$0xFFFE7D00 ss:$0x810] =	vst.msk vm0, v11  }
0x12a: {  	[tilespmem:s23+$0xFFFEFE00 ss:$0x810] =	vst.msk vm0, v13  }
0x12b: {  	[tilespmem:s23+$0xFFFF7F00 ss:$0x810] =	vst.msk vm0, v14  }
0x12c: {  	[tilespmem:s23+$0x0 ss:$0x810] =	vst.msk vm0, v15  }
.LBB1_11:
.Ltmp14:
0x12d: {  	(pc) =	sbr.rel @p3 .LBB1_13-.Ltmp14, $2  }
0x12e: {  	_ =	sdelay $0x2  }
0x12f: {  	s22 =	smov.u32 s26;
	s23 =	smov.u32 s1  }
.LBB1_12:
0x130: {  	v9 =	vor.u32 s23, v0  }
0x131: {  	vm1 =	vlt.u32 v9, $0x8;
	_ =	sdelay $0x4  }
0x132: {  	s18 =	sand.u32 $0x70, s23;
	s23 =	sadd.s32 $0x10, s23  }
0x133: {  	p5 =	slt.s32 s23, s30;
	v9 =	vld.idx.msk [tilespmem:v8+s18+$0x0 ss:$0x1], vm1  }
.Ltmp15:
0x134: {  	_ = 	snop;
	(pc) =	sbr.rel @p5 .LBB1_12-.Ltmp15, $2  }
0x135: {  	_ =	sdelay $0x2  }
0x136: {  	[tilespmem:s22+$0x0 ss:$0x810] =	vst.msk vm1, v9;
	s22 =	sadd.s32 $0x8100, s22  }
.LBB1_13:
.Ltmp16:
0x137: {  	(pc) =	sbr.rel @p2 .LBB1_17-.Ltmp16, $1  }
0x138: {  	_ =	sdelay $0x3  }
0x139: {  	s22 =	simm.s32 $0x0;
	v12 =	vld.msk [tilespmem:s6+$0x18], vm0  }
0x13a: {  	v10 =	vld.msk [tilespmem:s6+$0x38], vm0;
	v9 =	vor.u32 s22, v0  }
0x13b: {  	v11 =	vld.msk [tilespmem:s6+$0x48], vm0;
	vm1 =	vlt.u32 v9, $0x8  }
0x13c: {  	v13 =	vld.msk [tilespmem:s6+$0x8], vm1  }
0x13d: {  	v14 =	vld.msk [tilespmem:s6+$0x68], vm0  }
0x13e: {  	v15 =	vld.msk [tilespmem:s6+$0x78], vm0;
	[tilespmem:s7+$0xFFF8F200 ss:$0x810] =	vst.msk vm0, v12  }
0x13f: {  	v16 =	vld.msk [tilespmem:s6+$0x8], vm0;
	[tilespmem:s7+$0xFFF9F400 ss:$0x810] =	vst.msk vm0, v10  }
0x140: {  	v9 =	vld.msk [tilespmem:s6+$0x28], vm0;
	[tilespmem:s7+$0xFFFA7500 ss:$0x810] =	vst.msk vm0, v11  }
0x141: {  	p5 =	sgt.s32 s1, $0x100;
	[tilespmem:s7+$0xFFF87100 ss:$0x810] =	vst.msk vm1, v13;
	v13 =	vld.msk [tilespmem:s6+$0x58], vm0  }
.Ltmp17:
0x142: {  	[tilespmem:s7+$0xFFFB7700 ss:$0x810] =	vst.msk vm0, v14;
	(pc) =	sbr.rel @!p5 .LBB1_16-.Ltmp17, $4  }
0x143: {  	[tilespmem:s7+$0xFFFBF800 ss:$0x810] =	vst.msk vm0, v15  }
0x144: {  	[tilespmem:s7+$0xFFFC7900 ss:$0x810] =	vst.msk vm0, v16  }
0x145: {  	[tilespmem:s7+$0xFFF97300 ss:$0x810] =	vst.msk vm0, v9  }
0x146: {  	s23 =	smov.u32 s7;
	s22 =	simm.s32 $0x100;
	[tilespmem:s7+$0xFFFAF600 ss:$0x810] =	vst.msk vm0, v13  }
.LBB1_15:
0x147: {  	v16 =	vor.u32 s22, v0;
	s22 =	sadd.s32 $0x100, s22;
	[tilespmem:s23+$0xFFFCFA00 ss:$0x810] =	vst.msk vm0, v12  }
0x148: {  	vm1 =	vlt.u32 v16, $0x8;
	p5 =	slt.s32 s22, s1;
	[tilespmem:s23+$0xFFFD7B00 ss:$0x810] =	vst.msk vm0, v9  }
0x149: {  	v16 =	vld.msk [tilespmem:s6+$0x8], vm1;
	[tilespmem:s23+$0xFFFDFC00 ss:$0x810] =	vst.msk vm0, v10  }
0x14a: {  	v12 =	vld.msk [tilespmem:s6+$0x18], vm0;
	[tilespmem:s23+$0xFFFE7D00 ss:$0x810] =	vst.msk vm0, v11  }
0x14b: {  	v9 =	vld.msk [tilespmem:s6+$0x28], vm0;
	[tilespmem:s23+$0xFFFEFE00 ss:$0x810] =	vst.msk vm0, v13  }
0x14c: {  	v10 =	vld.msk [tilespmem:s6+$0x38], vm0;
	[tilespmem:s23+$0xFFFF7F00 ss:$0x810] =	vst.msk vm0, v14  }
0x14d: {  	v11 =	vld.msk [tilespmem:s6+$0x48], vm0;
	[tilespmem:s23+$0x0 ss:$0x810] =	vst.msk vm0, v15;
	s23 =	sadd.s32 $0x81000, s23  }
0x14e: {  	[tilespmem:s23+$0xFFF87100 ss:$0x810] =	vst.msk vm1, v16;
	v13 =	vld.msk [tilespmem:s6+$0x58], vm0  }
0x14f: {  	[tilespmem:s23+$0xFFF8F200 ss:$0x810] =	vst.msk vm0, v12;
	v14 =	vld.msk [tilespmem:s6+$0x68], vm0  }
0x150: {  	[tilespmem:s23+$0xFFF97300 ss:$0x810] =	vst.msk vm0, v9;
	v15 =	vld.msk [tilespmem:s6+$0x78], vm0  }
0x151: {  	[tilespmem:s23+$0xFFF9F400 ss:$0x810] =	vst.msk vm0, v10;
	v16 =	vld.msk [tilespmem:s6+$0x8], vm0  }
.Ltmp18:
0x152: {  	[tilespmem:s23+$0xFFFA7500 ss:$0x810] =	vst.msk vm0, v11;
	(pc) =	sbr.rel @p5 .LBB1_15-.Ltmp18, $4  }
0x153: {  	[tilespmem:s23+$0xFFFAF600 ss:$0x810] =	vst.msk vm0, v13  }
0x154: {  	[tilespmem:s23+$0xFFFB7700 ss:$0x810] =	vst.msk vm0, v14  }
0x155: {  	[tilespmem:s23+$0xFFFBF800 ss:$0x810] =	vst.msk vm0, v15  }
0x156: {  	[tilespmem:s23+$0xFFFC7900 ss:$0x810] =	vst.msk vm0, v16  }
.LBB1_16:
0x157: {  	_ =	sdelay $0x4  }
0x158: {  	[tilespmem:s23+$0xFFFCFA00 ss:$0x810] =	vst.msk vm0, v12  }
0x159: {  	[tilespmem:s23+$0xFFFD7B00 ss:$0x810] =	vst.msk vm0, v9  }
0x15a: {  	[tilespmem:s23+$0xFFFDFC00 ss:$0x810] =	vst.msk vm0, v10  }
0x15b: {  	[tilespmem:s23+$0xFFFE7D00 ss:$0x810] =	vst.msk vm0, v11  }
0x15c: {  	[tilespmem:s23+$0xFFFEFE00 ss:$0x810] =	vst.msk vm0, v13  }
0x15d: {  	[tilespmem:s23+$0xFFFF7F00 ss:$0x810] =	vst.msk vm0, v14  }
0x15e: {  	[tilespmem:s23+$0x0 ss:$0x810] =	vst.msk vm0, v15  }
.LBB1_17:
.Ltmp19:
0x15f: {  	(pc) =	sbr.rel @p3 .LBB1_19-.Ltmp19, $2  }
0x160: {  	_ =	sdelay $0x2  }
0x161: {  	s22 =	smov.u32 s2;
	s23 =	smov.u32 s1  }
.LBB1_18:
0x162: {  	v9 =	vor.u32 s23, v0  }
0x163: {  	vm1 =	vlt.u32 v9, $0x8;
	_ =	sdelay $0x4  }
0x164: {  	s18 =	sand.u32 $0x70, s23;
	s23 =	sadd.s32 $0x10, s23  }
0x165: {  	p5 =	slt.s32 s23, s30;
	v9 =	vld.idx.msk [tilespmem:v1+s18+$0x0 ss:$0x1], vm1  }
.Ltmp20:
0x166: {  	_ = 	snop;
	(pc) =	sbr.rel @p5 .LBB1_18-.Ltmp20, $2  }
0x167: {  	_ =	sdelay $0x2  }
0x168: {  	[tilespmem:s22+$0x0 ss:$0x810] =	vst.msk vm1, v9;
	s22 =	sadd.s32 $0x8100, s22  }
.LBB1_19:
.Ltmp21:
0x169: {  	(pc) =	sbr.rel @p2 .LBB1_23-.Ltmp21, $1  }
0x16a: {  	_ =	sdelay $0x3  }
0x16b: {  	s22 =	simm.s32 $0x0;
	v12 =	vld.msk [tilespmem:s6+$0x20], vm0  }
0x16c: {  	v10 =	vld.msk [tilespmem:s6+$0x40], vm0;
	v9 =	vor.u32 s22, v0  }
0x16d: {  	v11 =	vld.msk [tilespmem:s6+$0x50], vm0;
	vm1 =	vlt.u32 v9, $0x8  }
0x16e: {  	v13 =	vld.msk [tilespmem:s6+$0x10], vm1  }
0x16f: {  	v14 =	vld.msk [tilespmem:s6+$0x70], vm0  }
0x170: {  	v15 =	vld.msk [tilespmem:s6+$0x80], vm0;
	[tilespmem:s5+$0xFFF8F200 ss:$0x810] =	vst.msk vm0, v12  }
0x171: {  	v16 =	vld.msk [tilespmem:s6+$0x10], vm0;
	[tilespmem:s5+$0xFFF9F400 ss:$0x810] =	vst.msk vm0, v10  }
0x172: {  	v9 =	vld.msk [tilespmem:s6+$0x30], vm0;
	[tilespmem:s5+$0xFFFA7500 ss:$0x810] =	vst.msk vm0, v11  }
0x173: {  	p5 =	sgt.s32 s1, $0x100;
	[tilespmem:s5+$0xFFF87100 ss:$0x810] =	vst.msk vm1, v13;
	v13 =	vld.msk [tilespmem:s6+$0x60], vm0  }
.Ltmp22:
0x174: {  	[tilespmem:s5+$0xFFFB7700 ss:$0x810] =	vst.msk vm0, v14;
	(pc) =	sbr.rel @!p5 .LBB1_22-.Ltmp22, $4  }
0x175: {  	[tilespmem:s5+$0xFFFBF800 ss:$0x810] =	vst.msk vm0, v15  }
0x176: {  	[tilespmem:s5+$0xFFFC7900 ss:$0x810] =	vst.msk vm0, v16  }
0x177: {  	[tilespmem:s5+$0xFFF97300 ss:$0x810] =	vst.msk vm0, v9  }
0x178: {  	s23 =	smov.u32 s5;
	s22 =	simm.s32 $0x100;
	[tilespmem:s5+$0xFFFAF600 ss:$0x810] =	vst.msk vm0, v13  }
.LBB1_21:
0x179: {  	v16 =	vor.u32 s22, v0;
	s22 =	sadd.s32 $0x100, s22;
	[tilespmem:s23+$0xFFFCFA00 ss:$0x810] =	vst.msk vm0, v12  }
0x17a: {  	vm1 =	vlt.u32 v16, $0x8;
	p5 =	slt.s32 s22, s1;
	[tilespmem:s23+$0xFFFD7B00 ss:$0x810] =	vst.msk vm0, v9  }
0x17b: {  	v16 =	vld.msk [tilespmem:s6+$0x10], vm1;
	[tilespmem:s23+$0xFFFDFC00 ss:$0x810] =	vst.msk vm0, v10  }
0x17c: {  	v12 =	vld.msk [tilespmem:s6+$0x20], vm0;
	[tilespmem:s23+$0xFFFE7D00 ss:$0x810] =	vst.msk vm0, v11  }
0x17d: {  	v9 =	vld.msk [tilespmem:s6+$0x30], vm0;
	[tilespmem:s23+$0xFFFEFE00 ss:$0x810] =	vst.msk vm0, v13  }
0x17e: {  	v10 =	vld.msk [tilespmem:s6+$0x40], vm0;
	[tilespmem:s23+$0xFFFF7F00 ss:$0x810] =	vst.msk vm0, v14  }
0x17f: {  	v11 =	vld.msk [tilespmem:s6+$0x50], vm0;
	[tilespmem:s23+$0x0 ss:$0x810] =	vst.msk vm0, v15;
	s23 =	sadd.s32 $0x81000, s23  }
0x180: {  	[tilespmem:s23+$0xFFF87100 ss:$0x810] =	vst.msk vm1, v16;
	v13 =	vld.msk [tilespmem:s6+$0x60], vm0  }
0x181: {  	[tilespmem:s23+$0xFFF8F200 ss:$0x810] =	vst.msk vm0, v12;
	v14 =	vld.msk [tilespmem:s6+$0x70], vm0  }
0x182: {  	[tilespmem:s23+$0xFFF97300 ss:$0x810] =	vst.msk vm0, v9;
	v15 =	vld.msk [tilespmem:s6+$0x80], vm0  }
0x183: {  	[tilespmem:s23+$0xFFF9F400 ss:$0x810] =	vst.msk vm0, v10;
	v16 =	vld.msk [tilespmem:s6+$0x10], vm0  }
.Ltmp23:
0x184: {  	[tilespmem:s23+$0xFFFA7500 ss:$0x810] =	vst.msk vm0, v11;
	(pc) =	sbr.rel @p5 .LBB1_21-.Ltmp23, $4  }
0x185: {  	[tilespmem:s23+$0xFFFAF600 ss:$0x810] =	vst.msk vm0, v13  }
0x186: {  	[tilespmem:s23+$0xFFFB7700 ss:$0x810] =	vst.msk vm0, v14  }
0x187: {  	[tilespmem:s23+$0xFFFBF800 ss:$0x810] =	vst.msk vm0, v15  }
0x188: {  	[tilespmem:s23+$0xFFFC7900 ss:$0x810] =	vst.msk vm0, v16  }
.LBB1_22:
0x189: {  	_ =	sdelay $0x4  }
0x18a: {  	[tilespmem:s23+$0xFFFCFA00 ss:$0x810] =	vst.msk vm0, v12  }
0x18b: {  	[tilespmem:s23+$0xFFFD7B00 ss:$0x810] =	vst.msk vm0, v9  }
0x18c: {  	[tilespmem:s23+$0xFFFDFC00 ss:$0x810] =	vst.msk vm0, v10  }
0x18d: {  	[tilespmem:s23+$0xFFFE7D00 ss:$0x810] =	vst.msk vm0, v11  }
0x18e: {  	[tilespmem:s23+$0xFFFEFE00 ss:$0x810] =	vst.msk vm0, v13  }
0x18f: {  	[tilespmem:s23+$0xFFFF7F00 ss:$0x810] =	vst.msk vm0, v14  }
0x190: {  	[tilespmem:s23+$0x0 ss:$0x810] =	vst.msk vm0, v15  }
.LBB1_23:
.Ltmp24:
0x191: {  	(pc) =	sbr.rel @p3 .LBB1_25-.Ltmp24, $2  }
0x192: {  	_ =	sdelay $0x2  }
0x193: {  	s22 =	smov.u32 s4;
	s23 =	smov.u32 s1  }
.LBB1_24:
0x194: {  	v9 =	vor.u32 s23, v0  }
0x195: {  	vm1 =	vlt.u32 v9, $0x8;
	_ =	sdelay $0x4  }
0x196: {  	s18 =	sand.u32 $0x70, s23;
	s23 =	sadd.s32 $0x10, s23  }
0x197: {  	p5 =	slt.s32 s23, s30;
	v9 =	vld.idx.msk [tilespmem:v2+s18+$0x0 ss:$0x1], vm1  }
.Ltmp25:
0x198: {  	_ = 	snop;
	(pc) =	sbr.rel @p5 .LBB1_24-.Ltmp25, $2  }
0x199: {  	_ =	sdelay $0x2  }
0x19a: {  	[tilespmem:s22+$0x0 ss:$0x810] =	vst.msk vm1, v9;
	s22 =	sadd.s32 $0x8100, s22  }
.LBB1_25:
.Ltmp26:
0x19b: {  	(pc) =	sbr.rel @p2 .LBB1_29-.Ltmp26, $1  }
0x19c: {  	_ =	sdelay $0x3  }
0x19d: {  	s22 =	simm.s32 $0x0;
	v12 =	vld.msk [tilespmem:s6+$0x28], vm0  }
0x19e: {  	v10 =	vld.msk [tilespmem:s6+$0x48], vm0;
	v9 =	vor.u32 s22, v0  }
0x19f: {  	v11 =	vld.msk [tilespmem:s6+$0x58], vm0;
	vm1 =	vlt.u32 v9, $0x8  }
0x1a0: {  	v13 =	vld.msk [tilespmem:s6+$0x18], vm1  }
0x1a1: {  	v14 =	vld.msk [tilespmem:s6+$0x78], vm0  }
0x1a2: {  	v15 =	vld.msk [tilespmem:s6+$0x88], vm0;
	[tilespmem:s8+$0xFFF8F200 ss:$0x810] =	vst.msk vm0, v12  }
0x1a3: {  	v16 =	vld.msk [tilespmem:s6+$0x18], vm0;
	[tilespmem:s8+$0xFFF9F400 ss:$0x810] =	vst.msk vm0, v10  }
0x1a4: {  	v9 =	vld.msk [tilespmem:s6+$0x38], vm0;
	[tilespmem:s8+$0xFFFA7500 ss:$0x810] =	vst.msk vm0, v11  }
0x1a5: {  	p5 =	sgt.s32 s1, $0x100;
	[tilespmem:s8+$0xFFF87100 ss:$0x810] =	vst.msk vm1, v13;
	v13 =	vld.msk [tilespmem:s6+$0x68], vm0  }
.Ltmp27:
0x1a6: {  	[tilespmem:s8+$0xFFFB7700 ss:$0x810] =	vst.msk vm0, v14;
	(pc) =	sbr.rel @!p5 .LBB1_28-.Ltmp27, $4  }
0x1a7: {  	[tilespmem:s8+$0xFFFBF800 ss:$0x810] =	vst.msk vm0, v15  }
0x1a8: {  	[tilespmem:s8+$0xFFFC7900 ss:$0x810] =	vst.msk vm0, v16  }
0x1a9: {  	[tilespmem:s8+$0xFFF97300 ss:$0x810] =	vst.msk vm0, v9  }
0x1aa: {  	s23 =	smov.u32 s8;
	s22 =	simm.s32 $0x100;
	[tilespmem:s8+$0xFFFAF600 ss:$0x810] =	vst.msk vm0, v13  }
.LBB1_27:
0x1ab: {  	v16 =	vor.u32 s22, v0;
	s22 =	sadd.s32 $0x100, s22;
	[tilespmem:s23+$0xFFFCFA00 ss:$0x810] =	vst.msk vm0, v12  }
0x1ac: {  	vm1 =	vlt.u32 v16, $0x8;
	p5 =	slt.s32 s22, s1;
	[tilespmem:s23+$0xFFFD7B00 ss:$0x810] =	vst.msk vm0, v9  }
0x1ad: {  	v16 =	vld.msk [tilespmem:s6+$0x18], vm1;
	[tilespmem:s23+$0xFFFDFC00 ss:$0x810] =	vst.msk vm0, v10  }
0x1ae: {  	v12 =	vld.msk [tilespmem:s6+$0x28], vm0;
	[tilespmem:s23+$0xFFFE7D00 ss:$0x810] =	vst.msk vm0, v11  }
0x1af: {  	v9 =	vld.msk [tilespmem:s6+$0x38], vm0;
	[tilespmem:s23+$0xFFFEFE00 ss:$0x810] =	vst.msk vm0, v13  }
0x1b0: {  	v10 =	vld.msk [tilespmem:s6+$0x48], vm0;
	[tilespmem:s23+$0xFFFF7F00 ss:$0x810] =	vst.msk vm0, v14  }
0x1b1: {  	v11 =	vld.msk [tilespmem:s6+$0x58], vm0;
	[tilespmem:s23+$0x0 ss:$0x810] =	vst.msk vm0, v15;
	s23 =	sadd.s32 $0x81000, s23  }
0x1b2: {  	[tilespmem:s23+$0xFFF87100 ss:$0x810] =	vst.msk vm1, v16;
	v13 =	vld.msk [tilespmem:s6+$0x68], vm0  }
0x1b3: {  	[tilespmem:s23+$0xFFF8F200 ss:$0x810] =	vst.msk vm0, v12;
	v14 =	vld.msk [tilespmem:s6+$0x78], vm0  }
0x1b4: {  	[tilespmem:s23+$0xFFF97300 ss:$0x810] =	vst.msk vm0, v9;
	v15 =	vld.msk [tilespmem:s6+$0x88], vm0  }
0x1b5: {  	[tilespmem:s23+$0xFFF9F400 ss:$0x810] =	vst.msk vm0, v10;
	v16 =	vld.msk [tilespmem:s6+$0x18], vm0  }
.Ltmp28:
0x1b6: {  	[tilespmem:s23+$0xFFFA7500 ss:$0x810] =	vst.msk vm0, v11;
	(pc) =	sbr.rel @p5 .LBB1_27-.Ltmp28, $4  }
0x1b7: {  	[tilespmem:s23+$0xFFFAF600 ss:$0x810] =	vst.msk vm0, v13  }
0x1b8: {  	[tilespmem:s23+$0xFFFB7700 ss:$0x810] =	vst.msk vm0, v14  }
0x1b9: {  	[tilespmem:s23+$0xFFFBF800 ss:$0x810] =	vst.msk vm0, v15  }
0x1ba: {  	[tilespmem:s23+$0xFFFC7900 ss:$0x810] =	vst.msk vm0, v16  }
.LBB1_28:
0x1bb: {  	_ =	sdelay $0x4  }
0x1bc: {  	[tilespmem:s23+$0xFFFCFA00 ss:$0x810] =	vst.msk vm0, v12  }
0x1bd: {  	[tilespmem:s23+$0xFFFD7B00 ss:$0x810] =	vst.msk vm0, v9  }
0x1be: {  	[tilespmem:s23+$0xFFFDFC00 ss:$0x810] =	vst.msk vm0, v10  }
0x1bf: {  	[tilespmem:s23+$0xFFFE7D00 ss:$0x810] =	vst.msk vm0, v11  }
0x1c0: {  	[tilespmem:s23+$0xFFFEFE00 ss:$0x810] =	vst.msk vm0, v13  }
0x1c1: {  	[tilespmem:s23+$0xFFFF7F00 ss:$0x810] =	vst.msk vm0, v14  }
0x1c2: {  	[tilespmem:s23+$0x0 ss:$0x810] =	vst.msk vm0, v15  }
.LBB1_29:
.Ltmp29:
0x1c3: {  	(pc) =	sbr.rel @p3 .LBB1_31-.Ltmp29, $2  }
0x1c4: {  	_ =	sdelay $0x2  }
0x1c5: {  	s22 =	smov.u32 s3;
	s23 =	smov.u32 s1  }
.LBB1_30:
0x1c6: {  	v9 =	vor.u32 s23, v0  }
0x1c7: {  	vm1 =	vlt.u32 v9, $0x8;
	_ =	sdelay $0x4  }
0x1c8: {  	s18 =	sand.u32 $0x70, s23;
	s23 =	sadd.s32 $0x10, s23  }
0x1c9: {  	p5 =	slt.s32 s23, s30;
	v9 =	vld.idx.msk [tilespmem:v3+s18+$0x0 ss:$0x1], vm1  }
.Ltmp30:
0x1ca: {  	_ = 	snop;
	(pc) =	sbr.rel @p5 .LBB1_30-.Ltmp30, $2  }
0x1cb: {  	_ =	sdelay $0x2  }
0x1cc: {  	[tilespmem:s22+$0x0 ss:$0x810] =	vst.msk vm1, v9;
	s22 =	sadd.s32 $0x8100, s22  }
.LBB1_31:
.Ltmp31:
0x1cd: {  	(pc) =	sbr.rel @p2 .LBB1_35-.Ltmp31, $1  }
0x1ce: {  	_ =	sdelay $0x3  }
0x1cf: {  	s22 =	simm.s32 $0x0;
	v12 =	vld.msk [tilespmem:s6+$0x30], vm0  }
0x1d0: {  	v10 =	vld.msk [tilespmem:s6+$0x50], vm0;
	v9 =	vor.u32 s22, v0  }
0x1d1: {  	v11 =	vld.msk [tilespmem:s6+$0x60], vm0;
	vm1 =	vlt.u32 v9, $0x8  }
0x1d2: {  	v13 =	vld.msk [tilespmem:s6+$0x20], vm1  }
0x1d3: {  	v14 =	vld.msk [tilespmem:s6+$0x80], vm0  }
0x1d4: {  	v15 =	vld.msk [tilespmem:s6+$0x90], vm0;
	[tilespmem:s0+$0xFFF8F200 ss:$0x810] =	vst.msk vm0, v12  }
0x1d5: {  	v16 =	vld.msk [tilespmem:s6+$0x20], vm0;
	[tilespmem:s0+$0xFFF9F400 ss:$0x810] =	vst.msk vm0, v10  }
0x1d6: {  	v9 =	vld.msk [tilespmem:s6+$0x40], vm0;
	[tilespmem:s0+$0xFFFA7500 ss:$0x810] =	vst.msk vm0, v11  }
0x1d7: {  	p5 =	sgt.s32 s1, $0x100;
	[tilespmem:s0+$0xFFF87100 ss:$0x810] =	vst.msk vm1, v13;
	v13 =	vld.msk [tilespmem:s6+$0x70], vm0  }
.Ltmp32:
0x1d8: {  	[tilespmem:s0+$0xFFFB7700 ss:$0x810] =	vst.msk vm0, v14;
	(pc) =	sbr.rel @!p5 .LBB1_34-.Ltmp32, $4  }
0x1d9: {  	[tilespmem:s0+$0xFFFBF800 ss:$0x810] =	vst.msk vm0, v15  }
0x1da: {  	[tilespmem:s0+$0xFFFC7900 ss:$0x810] =	vst.msk vm0, v16  }
0x1db: {  	[tilespmem:s0+$0xFFF97300 ss:$0x810] =	vst.msk vm0, v9  }
0x1dc: {  	s23 =	smov.u32 s0;
	s22 =	simm.s32 $0x100;
	[tilespmem:s0+$0xFFFAF600 ss:$0x810] =	vst.msk vm0, v13  }
.LBB1_33:
0x1dd: {  	v16 =	vor.u32 s22, v0;
	s22 =	sadd.s32 $0x100, s22;
	[tilespmem:s23+$0xFFFCFA00 ss:$0x810] =	vst.msk vm0, v12  }
0x1de: {  	vm1 =	vlt.u32 v16, $0x8;
	p5 =	slt.s32 s22, s1;
	[tilespmem:s23+$0xFFFD7B00 ss:$0x810] =	vst.msk vm0, v9  }
0x1df: {  	v16 =	vld.msk [tilespmem:s6+$0x20], vm1;
	[tilespmem:s23+$0xFFFDFC00 ss:$0x810] =	vst.msk vm0, v10  }
0x1e0: {  	v12 =	vld.msk [tilespmem:s6+$0x30], vm0;
	[tilespmem:s23+$0xFFFE7D00 ss:$0x810] =	vst.msk vm0, v11  }
0x1e1: {  	v9 =	vld.msk [tilespmem:s6+$0x40], vm0;
	[tilespmem:s23+$0xFFFEFE00 ss:$0x810] =	vst.msk vm0, v13  }
0x1e2: {  	v10 =	vld.msk [tilespmem:s6+$0x50], vm0;
	[tilespmem:s23+$0xFFFF7F00 ss:$0x810] =	vst.msk vm0, v14  }
0x1e3: {  	v11 =	vld.msk [tilespmem:s6+$0x60], vm0;
	[tilespmem:s23+$0x0 ss:$0x810] =	vst.msk vm0, v15;
	s23 =	sadd.s32 $0x81000, s23  }
0x1e4: {  	[tilespmem:s23+$0xFFF87100 ss:$0x810] =	vst.msk vm1, v16;
	v13 =	vld.msk [tilespmem:s6+$0x70], vm0  }
0x1e5: {  	[tilespmem:s23+$0xFFF8F200 ss:$0x810] =	vst.msk vm0, v12;
	v14 =	vld.msk [tilespmem:s6+$0x80], vm0  }
0x1e6: {  	[tilespmem:s23+$0xFFF97300 ss:$0x810] =	vst.msk vm0, v9;
	v15 =	vld.msk [tilespmem:s6+$0x90], vm0  }
0x1e7: {  	[tilespmem:s23+$0xFFF9F400 ss:$0x810] =	vst.msk vm0, v10;
	v16 =	vld.msk [tilespmem:s6+$0x20], vm0  }
.Ltmp33:
0x1e8: {  	[tilespmem:s23+$0xFFFA7500 ss:$0x810] =	vst.msk vm0, v11;
	(pc) =	sbr.rel @p5 .LBB1_33-.Ltmp33, $4  }
0x1e9: {  	[tilespmem:s23+$0xFFFAF600 ss:$0x810] =	vst.msk vm0, v13  }
0x1ea: {  	[tilespmem:s23+$0xFFFB7700 ss:$0x810] =	vst.msk vm0, v14  }
0x1eb: {  	[tilespmem:s23+$0xFFFBF800 ss:$0x810] =	vst.msk vm0, v15  }
0x1ec: {  	[tilespmem:s23+$0xFFFC7900 ss:$0x810] =	vst.msk vm0, v16  }
.LBB1_34:
0x1ed: {  	_ =	sdelay $0x4  }
0x1ee: {  	[tilespmem:s23+$0xFFFCFA00 ss:$0x810] =	vst.msk vm0, v12  }
0x1ef: {  	[tilespmem:s23+$0xFFFD7B00 ss:$0x810] =	vst.msk vm0, v9  }
0x1f0: {  	[tilespmem:s23+$0xFFFDFC00 ss:$0x810] =	vst.msk vm0, v10  }
0x1f1: {  	[tilespmem:s23+$0xFFFE7D00 ss:$0x810] =	vst.msk vm0, v11  }
0x1f2: {  	[tilespmem:s23+$0xFFFEFE00 ss:$0x810] =	vst.msk vm0, v13  }
0x1f3: {  	[tilespmem:s23+$0xFFFF7F00 ss:$0x810] =	vst.msk vm0, v14  }
0x1f4: {  	[tilespmem:s23+$0x0 ss:$0x810] =	vst.msk vm0, v15  }
.LBB1_35:
.Ltmp34:
0x1f5: {  	(pc) =	sbr.rel @p3 .LBB1_37-.Ltmp34, $2  }
0x1f6: {  	_ =	sdelay $0x2  }
0x1f7: {  	s22 =	smov.u32 s13;
	s23 =	smov.u32 s1  }
.LBB1_36:
0x1f8: {  	v9 =	vor.u32 s23, v0  }
0x1f9: {  	vm1 =	vlt.u32 v9, $0x8;
	_ =	sdelay $0x4  }
0x1fa: {  	s18 =	sand.u32 $0x70, s23;
	s23 =	sadd.s32 $0x10, s23  }
0x1fb: {  	p5 =	slt.s32 s23, s30;
	v9 =	vld.idx.msk [tilespmem:v4+s18+$0x0 ss:$0x1], vm1  }
.Ltmp35:
0x1fc: {  	_ = 	snop;
	(pc) =	sbr.rel @p5 .LBB1_36-.Ltmp35, $2  }
0x1fd: {  	_ =	sdelay $0x2  }
0x1fe: {  	[tilespmem:s22+$0x0 ss:$0x810] =	vst.msk vm1, v9;
	s22 =	sadd.s32 $0x8100, s22  }
.LBB1_37:
.Ltmp36:
0x1ff: {  	(pc) =	sbr.rel @p2 .LBB1_41-.Ltmp36, $1  }
0x200: {  	_ =	sdelay $0x3  }
0x201: {  	s22 =	simm.s32 $0x0;
	v12 =	vld.msk [tilespmem:s6+$0x38], vm0  }
0x202: {  	v10 =	vld.msk [tilespmem:s6+$0x58], vm0;
	v9 =	vor.u32 s22, v0  }
0x203: {  	v11 =	vld.msk [tilespmem:s6+$0x68], vm0;
	vm1 =	vlt.u32 v9, $0x8  }
0x204: {  	v13 =	vld.msk [tilespmem:s6+$0x28], vm1  }
0x205: {  	v14 =	vld.msk [tilespmem:s6+$0x88], vm0  }
0x206: {  	v15 =	vld.msk [tilespmem:s6+$0x98], vm0;
	[tilespmem:s16+$0xFFF8F200 ss:$0x810] =	vst.msk vm0, v12  }
0x207: {  	v16 =	vld.msk [tilespmem:s6+$0x28], vm0;
	[tilespmem:s16+$0xFFF9F400 ss:$0x810] =	vst.msk vm0, v10  }
0x208: {  	v9 =	vld.msk [tilespmem:s6+$0x48], vm0;
	[tilespmem:s16+$0xFFFA7500 ss:$0x810] =	vst.msk vm0, v11  }
0x209: {  	p5 =	sgt.s32 s1, $0x100;
	[tilespmem:s16+$0xFFF87100 ss:$0x810] =	vst.msk vm1, v13;
	v13 =	vld.msk [tilespmem:s6+$0x78], vm0  }
.Ltmp37:
0x20a: {  	[tilespmem:s16+$0xFFFB7700 ss:$0x810] =	vst.msk vm0, v14;
	(pc) =	sbr.rel @!p5 .LBB1_40-.Ltmp37, $4  }
0x20b: {  	[tilespmem:s16+$0xFFFBF800 ss:$0x810] =	vst.msk vm0, v15  }
0x20c: {  	[tilespmem:s16+$0xFFFC7900 ss:$0x810] =	vst.msk vm0, v16  }
0x20d: {  	[tilespmem:s16+$0xFFF97300 ss:$0x810] =	vst.msk vm0, v9  }
0x20e: {  	s23 =	smov.u32 s16;
	s22 =	simm.s32 $0x100;
	[tilespmem:s16+$0xFFFAF600 ss:$0x810] =	vst.msk vm0, v13  }
.LBB1_39:
0x20f: {  	v16 =	vor.u32 s22, v0;
	s22 =	sadd.s32 $0x100, s22;
	[tilespmem:s23+$0xFFFCFA00 ss:$0x810] =	vst.msk vm0, v12  }
0x210: {  	vm1 =	vlt.u32 v16, $0x8;
	p5 =	slt.s32 s22, s1;
	[tilespmem:s23+$0xFFFD7B00 ss:$0x810] =	vst.msk vm0, v9  }
0x211: {  	v16 =	vld.msk [tilespmem:s6+$0x28], vm1;
	[tilespmem:s23+$0xFFFDFC00 ss:$0x810] =	vst.msk vm0, v10  }
0x212: {  	v12 =	vld.msk [tilespmem:s6+$0x38], vm0;
	[tilespmem:s23+$0xFFFE7D00 ss:$0x810] =	vst.msk vm0, v11  }
0x213: {  	v9 =	vld.msk [tilespmem:s6+$0x48], vm0;
	[tilespmem:s23+$0xFFFEFE00 ss:$0x810] =	vst.msk vm0, v13  }
0x214: {  	v10 =	vld.msk [tilespmem:s6+$0x58], vm0;
	[tilespmem:s23+$0xFFFF7F00 ss:$0x810] =	vst.msk vm0, v14  }
0x215: {  	v11 =	vld.msk [tilespmem:s6+$0x68], vm0;
	[tilespmem:s23+$0x0 ss:$0x810] =	vst.msk vm0, v15;
	s23 =	sadd.s32 $0x81000, s23  }
0x216: {  	[tilespmem:s23+$0xFFF87100 ss:$0x810] =	vst.msk vm1, v16;
	v13 =	vld.msk [tilespmem:s6+$0x78], vm0  }
0x217: {  	[tilespmem:s23+$0xFFF8F200 ss:$0x810] =	vst.msk vm0, v12;
	v14 =	vld.msk [tilespmem:s6+$0x88], vm0  }
0x218: {  	[tilespmem:s23+$0xFFF97300 ss:$0x810] =	vst.msk vm0, v9;
	v15 =	vld.msk [tilespmem:s6+$0x98], vm0  }
0x219: {  	[tilespmem:s23+$0xFFF9F400 ss:$0x810] =	vst.msk vm0, v10;
	v16 =	vld.msk [tilespmem:s6+$0x28], vm0  }
.Ltmp38:
0x21a: {  	[tilespmem:s23+$0xFFFA7500 ss:$0x810] =	vst.msk vm0, v11;
	(pc) =	sbr.rel @p5 .LBB1_39-.Ltmp38, $4  }
0x21b: {  	[tilespmem:s23+$0xFFFAF600 ss:$0x810] =	vst.msk vm0, v13  }
0x21c: {  	[tilespmem:s23+$0xFFFB7700 ss:$0x810] =	vst.msk vm0, v14  }
0x21d: {  	[tilespmem:s23+$0xFFFBF800 ss:$0x810] =	vst.msk vm0, v15  }
0x21e: {  	[tilespmem:s23+$0xFFFC7900 ss:$0x810] =	vst.msk vm0, v16  }
.LBB1_40:
0x21f: {  	_ =	sdelay $0x4  }
0x220: {  	[tilespmem:s23+$0xFFFCFA00 ss:$0x810] =	vst.msk vm0, v12  }
0x221: {  	[tilespmem:s23+$0xFFFD7B00 ss:$0x810] =	vst.msk vm0, v9  }
0x222: {  	[tilespmem:s23+$0xFFFDFC00 ss:$0x810] =	vst.msk vm0, v10  }
0x223: {  	[tilespmem:s23+$0xFFFE7D00 ss:$0x810] =	vst.msk vm0, v11  }
0x224: {  	[tilespmem:s23+$0xFFFEFE00 ss:$0x810] =	vst.msk vm0, v13  }
0x225: {  	[tilespmem:s23+$0xFFFF7F00 ss:$0x810] =	vst.msk vm0, v14  }
0x226: {  	[tilespmem:s23+$0x0 ss:$0x810] =	vst.msk vm0, v15  }
.LBB1_41:
.Ltmp39:
0x227: {  	(pc) =	sbr.rel @p3 .LBB1_43-.Ltmp39, $2  }
0x228: {  	_ =	sdelay $0x2  }
0x229: {  	s22 =	smov.u32 s20;
	s23 =	smov.u32 s1  }
.LBB1_42:
0x22a: {  	v9 =	vor.u32 s23, v0  }
0x22b: {  	vm1 =	vlt.u32 v9, $0x8;
	_ =	sdelay $0x4  }
0x22c: {  	s18 =	sand.u32 $0x70, s23;
	s23 =	sadd.s32 $0x10, s23  }
0x22d: {  	p5 =	slt.s32 s23, s30;
	v9 =	vld.idx.msk [tilespmem:v5+s18+$0x0 ss:$0x1], vm1  }
.Ltmp40:
0x22e: {  	_ = 	snop;
	(pc) =	sbr.rel @p5 .LBB1_42-.Ltmp40, $2  }
0x22f: {  	_ =	sdelay $0x2  }
0x230: {  	[tilespmem:s22+$0x0 ss:$0x810] =	vst.msk vm1, v9;
	s22 =	sadd.s32 $0x8100, s22  }
.LBB1_43:
.Ltmp41:
0x231: {  	(pc) =	sbr.rel @p2 .LBB1_47-.Ltmp41, $1  }
0x232: {  	_ =	sdelay $0x3  }
0x233: {  	s22 =	simm.s32 $0x0;
	v12 =	vld.msk [tilespmem:s6+$0x40], vm0  }
0x234: {  	v10 =	vld.msk [tilespmem:s6+$0x60], vm0;
	v9 =	vor.u32 s22, v0  }
0x235: {  	v11 =	vld.msk [tilespmem:s6+$0x70], vm0;
	vm1 =	vlt.u32 v9, $0x8  }
0x236: {  	v13 =	vld.msk [tilespmem:s6+$0x30], vm1  }
0x237: {  	v14 =	vld.msk [tilespmem:s6+$0x90], vm0  }
0x238: {  	v15 =	vld.msk [tilespmem:s6+$0xA0], vm0;
	[tilespmem:s19+$0xFFF8F200 ss:$0x810] =	vst.msk vm0, v12  }
0x239: {  	v16 =	vld.msk [tilespmem:s6+$0x30], vm0;
	[tilespmem:s19+$0xFFF9F400 ss:$0x810] =	vst.msk vm0, v10  }
0x23a: {  	v9 =	vld.msk [tilespmem:s6+$0x50], vm0;
	[tilespmem:s19+$0xFFFA7500 ss:$0x810] =	vst.msk vm0, v11  }
0x23b: {  	p5 =	sgt.s32 s1, $0x100;
	[tilespmem:s19+$0xFFF87100 ss:$0x810] =	vst.msk vm1, v13;
	v13 =	vld.msk [tilespmem:s6+$0x80], vm0  }
.Ltmp42:
0x23c: {  	[tilespmem:s19+$0xFFFB7700 ss:$0x810] =	vst.msk vm0, v14;
	(pc) =	sbr.rel @!p5 .LBB1_46-.Ltmp42, $4  }
0x23d: {  	[tilespmem:s19+$0xFFFBF800 ss:$0x810] =	vst.msk vm0, v15  }
0x23e: {  	[tilespmem:s19+$0xFFFC7900 ss:$0x810] =	vst.msk vm0, v16  }
0x23f: {  	[tilespmem:s19+$0xFFF97300 ss:$0x810] =	vst.msk vm0, v9  }
0x240: {  	s23 =	smov.u32 s19;
	s22 =	simm.s32 $0x100;
	[tilespmem:s19+$0xFFFAF600 ss:$0x810] =	vst.msk vm0, v13  }
.LBB1_45:
0x241: {  	v16 =	vor.u32 s22, v0;
	s22 =	sadd.s32 $0x100, s22;
	[tilespmem:s23+$0xFFFCFA00 ss:$0x810] =	vst.msk vm0, v12  }
0x242: {  	vm1 =	vlt.u32 v16, $0x8;
	p5 =	slt.s32 s22, s1;
	[tilespmem:s23+$0xFFFD7B00 ss:$0x810] =	vst.msk vm0, v9  }
0x243: {  	v16 =	vld.msk [tilespmem:s6+$0x30], vm1;
	[tilespmem:s23+$0xFFFDFC00 ss:$0x810] =	vst.msk vm0, v10  }
0x244: {  	v12 =	vld.msk [tilespmem:s6+$0x40], vm0;
	[tilespmem:s23+$0xFFFE7D00 ss:$0x810] =	vst.msk vm0, v11  }
0x245: {  	v9 =	vld.msk [tilespmem:s6+$0x50], vm0;
	[tilespmem:s23+$0xFFFEFE00 ss:$0x810] =	vst.msk vm0, v13  }
0x246: {  	v10 =	vld.msk [tilespmem:s6+$0x60], vm0;
	[tilespmem:s23+$0xFFFF7F00 ss:$0x810] =	vst.msk vm0, v14  }
0x247: {  	v11 =	vld.msk [tilespmem:s6+$0x70], vm0;
	[tilespmem:s23+$0x0 ss:$0x810] =	vst.msk vm0, v15;
	s23 =	sadd.s32 $0x81000, s23  }
0x248: {  	[tilespmem:s23+$0xFFF87100 ss:$0x810] =	vst.msk vm1, v16;
	v13 =	vld.msk [tilespmem:s6+$0x80], vm0  }
0x249: {  	[tilespmem:s23+$0xFFF8F200 ss:$0x810] =	vst.msk vm0, v12;
	v14 =	vld.msk [tilespmem:s6+$0x90], vm0  }
0x24a: {  	[tilespmem:s23+$0xFFF97300 ss:$0x810] =	vst.msk vm0, v9;
	v15 =	vld.msk [tilespmem:s6+$0xA0], vm0  }
0x24b: {  	[tilespmem:s23+$0xFFF9F400 ss:$0x810] =	vst.msk vm0, v10;
	v16 =	vld.msk [tilespmem:s6+$0x30], vm0  }
.Ltmp43:
0x24c: {  	[tilespmem:s23+$0xFFFA7500 ss:$0x810] =	vst.msk vm0, v11;
	(pc) =	sbr.rel @p5 .LBB1_45-.Ltmp43, $4  }
0x24d: {  	[tilespmem:s23+$0xFFFAF600 ss:$0x810] =	vst.msk vm0, v13  }
0x24e: {  	[tilespmem:s23+$0xFFFB7700 ss:$0x810] =	vst.msk vm0, v14  }
0x24f: {  	[tilespmem:s23+$0xFFFBF800 ss:$0x810] =	vst.msk vm0, v15  }
0x250: {  	[tilespmem:s23+$0xFFFC7900 ss:$0x810] =	vst.msk vm0, v16  }
.LBB1_46:
0x251: {  	_ =	sdelay $0x4  }
0x252: {  	[tilespmem:s23+$0xFFFCFA00 ss:$0x810] =	vst.msk vm0, v12  }
0x253: {  	[tilespmem:s23+$0xFFFD7B00 ss:$0x810] =	vst.msk vm0, v9  }
0x254: {  	[tilespmem:s23+$0xFFFDFC00 ss:$0x810] =	vst.msk vm0, v10  }
0x255: {  	[tilespmem:s23+$0xFFFE7D00 ss:$0x810] =	vst.msk vm0, v11  }
0x256: {  	[tilespmem:s23+$0xFFFEFE00 ss:$0x810] =	vst.msk vm0, v13  }
0x257: {  	[tilespmem:s23+$0xFFFF7F00 ss:$0x810] =	vst.msk vm0, v14  }
0x258: {  	[tilespmem:s23+$0x0 ss:$0x810] =	vst.msk vm0, v15  }
.LBB1_47:
.Ltmp44:
0x259: {  	(pc) =	sbr.rel @p3 .LBB1_49-.Ltmp44, $2  }
0x25a: {  	_ =	sdelay $0x2  }
0x25b: {  	s22 =	smov.u32 s14;
	s23 =	smov.u32 s1  }
.LBB1_48:
0x25c: {  	v9 =	vor.u32 s23, v0  }
0x25d: {  	vm1 =	vlt.u32 v9, $0x8;
	_ =	sdelay $0x4  }
0x25e: {  	s18 =	sand.u32 $0x70, s23;
	s23 =	sadd.s32 $0x10, s23  }
0x25f: {  	p5 =	slt.s32 s23, s30;
	v9 =	vld.idx.msk [tilespmem:v6+s18+$0x0 ss:$0x1], vm1  }
.Ltmp45:
0x260: {  	_ = 	snop;
	(pc) =	sbr.rel @p5 .LBB1_48-.Ltmp45, $2  }
0x261: {  	_ =	sdelay $0x2  }
0x262: {  	[tilespmem:s22+$0x0 ss:$0x810] =	vst.msk vm1, v9;
	s22 =	sadd.s32 $0x8100, s22  }
.LBB1_49:
.Ltmp46:
0x263: {  	(pc) =	sbr.rel @p2 .LBB1_53-.Ltmp46, $1  }
0x264: {  	_ =	sdelay $0x3  }
0x265: {  	s22 =	simm.s32 $0x0;
	v12 =	vld.msk [tilespmem:s6+$0x48], vm0  }
0x266: {  	v10 =	vld.msk [tilespmem:s6+$0x68], vm0;
	v9 =	vor.u32 s22, v0  }
0x267: {  	v11 =	vld.msk [tilespmem:s6+$0x78], vm0;
	vm1 =	vlt.u32 v9, $0x8  }
0x268: {  	v13 =	vld.msk [tilespmem:s6+$0x38], vm1  }
0x269: {  	v14 =	vld.msk [tilespmem:s6+$0x98], vm0  }
0x26a: {  	v15 =	vld.msk [tilespmem:s6+$0xA8], vm0;
	[tilespmem:s10+$0xFFF8F200 ss:$0x810] =	vst.msk vm0, v12  }
0x26b: {  	v16 =	vld.msk [tilespmem:s6+$0x38], vm0;
	[tilespmem:s10+$0xFFF9F400 ss:$0x810] =	vst.msk vm0, v10  }
0x26c: {  	v9 =	vld.msk [tilespmem:s6+$0x58], vm0;
	[tilespmem:s10+$0xFFFA7500 ss:$0x810] =	vst.msk vm0, v11  }
0x26d: {  	p5 =	sgt.s32 s1, $0x100;
	[tilespmem:s10+$0xFFF87100 ss:$0x810] =	vst.msk vm1, v13;
	v13 =	vld.msk [tilespmem:s6+$0x88], vm0  }
.Ltmp47:
0x26e: {  	[tilespmem:s10+$0xFFFB7700 ss:$0x810] =	vst.msk vm0, v14;
	(pc) =	sbr.rel @!p5 .LBB1_52-.Ltmp47, $4  }
0x26f: {  	[tilespmem:s10+$0xFFFBF800 ss:$0x810] =	vst.msk vm0, v15  }
0x270: {  	[tilespmem:s10+$0xFFFC7900 ss:$0x810] =	vst.msk vm0, v16  }
0x271: {  	[tilespmem:s10+$0xFFF97300 ss:$0x810] =	vst.msk vm0, v9  }
0x272: {  	s23 =	smov.u32 s10;
	s22 =	simm.s32 $0x100;
	[tilespmem:s10+$0xFFFAF600 ss:$0x810] =	vst.msk vm0, v13  }
.LBB1_51:
0x273: {  	v16 =	vor.u32 s22, v0;
	s22 =	sadd.s32 $0x100, s22;
	[tilespmem:s23+$0xFFFCFA00 ss:$0x810] =	vst.msk vm0, v12  }
0x274: {  	vm1 =	vlt.u32 v16, $0x8;
	p5 =	slt.s32 s22, s1;
	[tilespmem:s23+$0xFFFD7B00 ss:$0x810] =	vst.msk vm0, v9  }
0x275: {  	v16 =	vld.msk [tilespmem:s6+$0x38], vm1;
	[tilespmem:s23+$0xFFFDFC00 ss:$0x810] =	vst.msk vm0, v10  }
0x276: {  	v12 =	vld.msk [tilespmem:s6+$0x48], vm0;
	[tilespmem:s23+$0xFFFE7D00 ss:$0x810] =	vst.msk vm0, v11  }
0x277: {  	v9 =	vld.msk [tilespmem:s6+$0x58], vm0;
	[tilespmem:s23+$0xFFFEFE00 ss:$0x810] =	vst.msk vm0, v13  }
0x278: {  	v10 =	vld.msk [tilespmem:s6+$0x68], vm0;
	[tilespmem:s23+$0xFFFF7F00 ss:$0x810] =	vst.msk vm0, v14  }
0x279: {  	v11 =	vld.msk [tilespmem:s6+$0x78], vm0;
	[tilespmem:s23+$0x0 ss:$0x810] =	vst.msk vm0, v15;
	s23 =	sadd.s32 $0x81000, s23  }
0x27a: {  	[tilespmem:s23+$0xFFF87100 ss:$0x810] =	vst.msk vm1, v16;
	v13 =	vld.msk [tilespmem:s6+$0x88], vm0  }
0x27b: {  	[tilespmem:s23+$0xFFF8F200 ss:$0x810] =	vst.msk vm0, v12;
	v14 =	vld.msk [tilespmem:s6+$0x98], vm0  }
0x27c: {  	[tilespmem:s23+$0xFFF97300 ss:$0x810] =	vst.msk vm0, v9;
	v15 =	vld.msk [tilespmem:s6+$0xA8], vm0  }
0x27d: {  	[tilespmem:s23+$0xFFF9F400 ss:$0x810] =	vst.msk vm0, v10;
	v16 =	vld.msk [tilespmem:s6+$0x38], vm0  }
.Ltmp48:
0x27e: {  	[tilespmem:s23+$0xFFFA7500 ss:$0x810] =	vst.msk vm0, v11;
	(pc) =	sbr.rel @p5 .LBB1_51-.Ltmp48, $4  }
0x27f: {  	[tilespmem:s23+$0xFFFAF600 ss:$0x810] =	vst.msk vm0, v13  }
0x280: {  	[tilespmem:s23+$0xFFFB7700 ss:$0x810] =	vst.msk vm0, v14  }
0x281: {  	[tilespmem:s23+$0xFFFBF800 ss:$0x810] =	vst.msk vm0, v15  }
0x282: {  	[tilespmem:s23+$0xFFFC7900 ss:$0x810] =	vst.msk vm0, v16  }
.LBB1_52:
0x283: {  	_ =	sdelay $0x4  }
0x284: {  	[tilespmem:s23+$0xFFFCFA00 ss:$0x810] =	vst.msk vm0, v12  }
0x285: {  	[tilespmem:s23+$0xFFFD7B00 ss:$0x810] =	vst.msk vm0, v9  }
0x286: {  	[tilespmem:s23+$0xFFFDFC00 ss:$0x810] =	vst.msk vm0, v10  }
0x287: {  	[tilespmem:s23+$0xFFFE7D00 ss:$0x810] =	vst.msk vm0, v11  }
0x288: {  	[tilespmem:s23+$0xFFFEFE00 ss:$0x810] =	vst.msk vm0, v13  }
0x289: {  	[tilespmem:s23+$0xFFFF7F00 ss:$0x810] =	vst.msk vm0, v14  }
0x28a: {  	[tilespmem:s23+$0x0 ss:$0x810] =	vst.msk vm0, v15  }
.LBB1_53:
.Ltmp49:
0x28b: {  	(pc) =	sbr.rel @p3 .LBB1_55-.Ltmp49, $2  }
0x28c: {  	_ =	sdelay $0x2  }
0x28d: {  	s22 =	smov.u32 s9;
	s23 =	smov.u32 s1  }
.LBB1_54:
0x28e: {  	v9 =	vor.u32 s23, v0  }
0x28f: {  	vm1 =	vlt.u32 v9, $0x8;
	_ =	sdelay $0x4  }
0x290: {  	s18 =	sand.u32 $0x70, s23;
	s23 =	sadd.s32 $0x10, s23  }
0x291: {  	p5 =	slt.s32 s23, s30;
	v9 =	vld.idx.msk [tilespmem:v7+s18+$0x0 ss:$0x1], vm1  }
.Ltmp50:
0x292: {  	_ = 	snop;
	(pc) =	sbr.rel @p5 .LBB1_54-.Ltmp50, $2  }
0x293: {  	_ =	sdelay $0x2  }
0x294: {  	[tilespmem:s22+$0x0 ss:$0x810] =	vst.msk vm1, v9;
	s22 =	sadd.s32 $0x8100, s22  }
.Ltmp51:
0x295: {  	_ = 	snop;
	(pc) =	sbr.rel .LBB1_55-.Ltmp51, $1  }
0x296: {  	_ =	sdelay $0x3  }
.LBB1_56:
.Ltmp52:
0x297: {  	(pc) =	sbr.rel @p4 .LBB1_66-.Ltmp52, $1  }
0x298: {  	_ =	sdelay $0x3  }
.Ltmp53:
0x299: {  	s0 =	sld [smem:$0x7F0];
	(pc) =	sbr.rel .LBB1_58-.Ltmp53, $3  }
0x29a: {  	s2 =	sld [smem:$0x7EF];
	_ =	sdelay $0x1  }
0x29b: {  	s3 =	sshra.s32 s27, $0x2;
	s4 =	smov.u32 s31  }
0x29c: {  	s3 =	sadd.s32 s3, s17;
	s0 =	sadd.s32 s15, s0;
	s2 =	sadd.s32 s15, s2  }
.LBB1_65:
0x29d: {  	s4 =	sadd.s32 $0x1, s4  }
0x29e: {  	p5 =	sne.s32 s4, s29  }
.Ltmp54:
0x29f: {  	_ = 	snop;
	(pc) =	sbr.rel @!p5 .LBB1_66-.Ltmp54, $2  }
0x2a0: {  	_ =	sdelay $0x2  }
0x2a1: {  	s2 =	sadd.s32 $0x4080, s2;
	s0 =	sadd.s32 $0x4080, s0  }
.LBB1_58:
.Ltmp55:
0x2a2: {  	(pc) =	sbr.rel @p2 .LBB1_62-.Ltmp55, $2  }
0x2a3: {  	_ =	sdelay $0x2  }
0x2a4: {  	s5 =	sshll.u32 s4, $0x3  }
0x2a5: {  	s6 =	sand.u32 $0x38, s5  }
0x2a6: {  	s7 =	simm.s32 $0x0;
	s6 =	sadd.s32 s6, s3  }
0x2a7: {  	v1 =	vor.u32 s7, v0;
	v4 =	vld.msk [tilespmem:s6+$0x10], vm0  }
0x2a8: {  	vm1 =	vlt.u32 v1, $0x8;
	v1 =	vld.msk [tilespmem:s6+$0x20], vm0  }
0x2a9: {  	v2 =	vld.msk [tilespmem:s6+$0x30], vm0  }
0x2aa: {  	v5 =	vld.msk [tilespmem:s6+$0x0], vm1  }
0x2ab: {  	v3 =	vld.msk [tilespmem:s6+$0x40], vm0  }
0x2ac: {  	v6 =	vld.msk [tilespmem:s6+$0x60], vm0;
	[tilespmem:s2+$0xFFF8F200 ss:$0x810] =	vst.msk vm0, v4  }
0x2ad: {  	v7 =	vld.msk [tilespmem:s6+$0x70], vm0;
	[tilespmem:s2+$0xFFF97300 ss:$0x810] =	vst.msk vm0, v1  }
0x2ae: {  	v8 =	vld.msk [tilespmem:s6+$0x0], vm0;
	[tilespmem:s2+$0xFFF9F400 ss:$0x810] =	vst.msk vm0, v2  }
0x2af: {  	p5 =	sgt.s32 s1, $0x100;
	[tilespmem:s2+$0xFFF87100 ss:$0x810] =	vst.msk vm1, v5;
	v5 =	vld.msk [tilespmem:s6+$0x50], vm0  }
.Ltmp56:
0x2b0: {  	[tilespmem:s2+$0xFFFA7500 ss:$0x810] =	vst.msk vm0, v3;
	(pc) =	sbr.rel @!p5 .LBB1_61-.Ltmp56, $4  }
0x2b1: {  	[tilespmem:s2+$0xFFFB7700 ss:$0x810] =	vst.msk vm0, v6  }
0x2b2: {  	[tilespmem:s2+$0xFFFBF800 ss:$0x810] =	vst.msk vm0, v7  }
0x2b3: {  	[tilespmem:s2+$0xFFFC7900 ss:$0x810] =	vst.msk vm0, v8  }
0x2b4: {  	s8 =	simm.s32 $0x100;
	s7 =	smov.u32 s2;
	[tilespmem:s2+$0xFFFAF600 ss:$0x810] =	vst.msk vm0, v5  }
.LBB1_60:
0x2b5: {  	v8 =	vor.u32 s8, v0;
	s8 =	sadd.s32 $0x100, s8;
	[tilespmem:s7+$0xFFFCFA00 ss:$0x810] =	vst.msk vm0, v4  }
0x2b6: {  	vm1 =	vlt.u32 v8, $0x8;
	p5 =	slt.s32 s8, s1;
	[tilespmem:s7+$0xFFFD7B00 ss:$0x810] =	vst.msk vm0, v1  }
0x2b7: {  	v8 =	vld.msk [tilespmem:s6+$0x0], vm1;
	[tilespmem:s7+$0xFFFDFC00 ss:$0x810] =	vst.msk vm0, v2  }
0x2b8: {  	v4 =	vld.msk [tilespmem:s6+$0x10], vm0;
	[tilespmem:s7+$0xFFFE7D00 ss:$0x810] =	vst.msk vm0, v3  }
0x2b9: {  	v1 =	vld.msk [tilespmem:s6+$0x20], vm0;
	[tilespmem:s7+$0xFFFEFE00 ss:$0x810] =	vst.msk vm0, v5  }
0x2ba: {  	v2 =	vld.msk [tilespmem:s6+$0x30], vm0;
	[tilespmem:s7+$0xFFFF7F00 ss:$0x810] =	vst.msk vm0, v6  }
0x2bb: {  	v3 =	vld.msk [tilespmem:s6+$0x40], vm0;
	[tilespmem:s7+$0x0 ss:$0x810] =	vst.msk vm0, v7;
	s7 =	sadd.s32 $0x81000, s7  }
0x2bc: {  	[tilespmem:s7+$0xFFF87100 ss:$0x810] =	vst.msk vm1, v8;
	v5 =	vld.msk [tilespmem:s6+$0x50], vm0  }
0x2bd: {  	[tilespmem:s7+$0xFFF8F200 ss:$0x810] =	vst.msk vm0, v4;
	v6 =	vld.msk [tilespmem:s6+$0x60], vm0  }
0x2be: {  	[tilespmem:s7+$0xFFF97300 ss:$0x810] =	vst.msk vm0, v1;
	v7 =	vld.msk [tilespmem:s6+$0x70], vm0  }
0x2bf: {  	[tilespmem:s7+$0xFFF9F400 ss:$0x810] =	vst.msk vm0, v2;
	v8 =	vld.msk [tilespmem:s6+$0x0], vm0  }
.Ltmp57:
0x2c0: {  	[tilespmem:s7+$0xFFFA7500 ss:$0x810] =	vst.msk vm0, v3;
	(pc) =	sbr.rel @p5 .LBB1_60-.Ltmp57, $4  }
0x2c1: {  	[tilespmem:s7+$0xFFFAF600 ss:$0x810] =	vst.msk vm0, v5  }
0x2c2: {  	[tilespmem:s7+$0xFFFB7700 ss:$0x810] =	vst.msk vm0, v6  }
0x2c3: {  	[tilespmem:s7+$0xFFFBF800 ss:$0x810] =	vst.msk vm0, v7  }
0x2c4: {  	[tilespmem:s7+$0xFFFC7900 ss:$0x810] =	vst.msk vm0, v8  }
.LBB1_61:
0x2c5: {  	_ =	sdelay $0x4  }
0x2c6: {  	[tilespmem:s7+$0xFFFCFA00 ss:$0x810] =	vst.msk vm0, v4  }
0x2c7: {  	[tilespmem:s7+$0xFFFD7B00 ss:$0x810] =	vst.msk vm0, v1  }
0x2c8: {  	[tilespmem:s7+$0xFFFDFC00 ss:$0x810] =	vst.msk vm0, v2  }
0x2c9: {  	[tilespmem:s7+$0xFFFE7D00 ss:$0x810] =	vst.msk vm0, v3  }
0x2ca: {  	[tilespmem:s7+$0xFFFEFE00 ss:$0x810] =	vst.msk vm0, v5  }
0x2cb: {  	[tilespmem:s7+$0xFFFF7F00 ss:$0x810] =	vst.msk vm0, v6  }
0x2cc: {  	[tilespmem:s7+$0x0 ss:$0x810] =	vst.msk vm0, v7  }
.LBB1_62:
.Ltmp58:
0x2cd: {  	(pc) =	sbr.rel @p3 .LBB1_65-.Ltmp58, $1  }
0x2ce: {  	_ =	sdelay $0x3  }
0x2cf: {  	s5 =	sand.u32 $0x38, s5  }
0x2d0: {  	s5 =	sadd.s32 s5, s3  }
0x2d1: {  	s6 =	smov.u32 s1;
	v1 =	vmov s5;
	s5 =	smov.u32 s0  }
.LBB1_64:
0x2d2: {  	v2 =	vor.u32 s6, v0  }
0x2d3: {  	vm1 =	vlt.u32 v2, $0x8;
	_ =	sdelay $0x4  }
0x2d4: {  	s7 =	sand.u32 $0x70, s6;
	s6 =	sadd.s32 $0x10, s6  }
0x2d5: {  	p5 =	slt.s32 s6, s30;
	v2 =	vld.idx.msk [tilespmem:v1+s7+$0x0 ss:$0x1], vm1  }
.Ltmp59:
0x2d6: {  	_ = 	snop;
	(pc) =	sbr.rel @p5 .LBB1_64-.Ltmp59, $2  }
0x2d7: {  	_ =	sdelay $0x2  }
0x2d8: {  	[tilespmem:s5+$0x0 ss:$0x810] =	vst.msk vm1, v2;
	s5 =	sadd.s32 $0x8100, s5  }
.Ltmp60:
0x2d9: {  	_ = 	snop;
	(pc) =	sbr.rel .LBB1_65-.Ltmp60, $1  }
0x2da: {  	_ =	sdelay $0x3  }
.LBB1_70:
0x2db: {  	_ =	sfence.sel $0x180000  }
0x2dc: {  	s0 =	simm.s32 $0x1;
	[bflag:$0x0] =	sbarrier.arrive $0xFFFF  }
0x2dd: {  	s30 =	simm.s32 $0x2;
	[sflag:s0] =	ssyncpa.u1 $0x1  }
0x2de: {  	[sflag:s30] =	ssyncpa.u1 $0x1  }
0x2df: {  	_ =	strace $0x9000004A  }
0x2e0: {  	s31 =	stileid.u32;
	[bflag:$0x2] =	sbarrier.arrive $0xFFFF  }
0x2e1: {  	p0 =	sne.s32 s31, $0x0;
	s0 =	rddreg [dreg:$0x2]  }
0x2e2: {  	s0 =	sadd.s32 @!p0 $0x100000, s0  }
0x2e3: {  	[sflag:s0] =	ssyncadd.tile.s32 @!p0 $0x1;
	_ =	shalt  }
.Lfunc_end1:
_tile_overlayer_lowered:
.L_overlay_start_2:
0x2e4: {  	(tag) =	ssettag $0x2  }
0x2e5: {  	s0 =	rddreg [dreg:$0x0];
	s2 =	stileid.u32  }
0x2e6: {  	s1 =	rddreg [dreg:$0x1];
	p0 =	sne.s32 s2, $0x0  }
0x2e7: {  	s3 =	rddreg [dreg:$0x2];
	[bflag:$0x3] =	sbarrier.arrive $0xFFFF;
	s2 =	simm.s32 @!p0 $0x1C01  }
0x2e8: {  	[timem:s3], [sflag:s2] =	dma.local @!p0 [hbm:s0], s1  }
0x2e9: {  	s0 =	simm.s32 @!p0 $0x1  }
0x2ea: {  	_ =	swait.ge @!p0 [sflag:s0], s1  }
0x2eb: {  	s1 =	ssub.s32 @!p0 $0x0, s1;
	[sflag:s0] =	ssyncset.done @!p0 $0x0  }
0x2ec: {  	[sflag:s0] =	ssyncadd.s32 @!p0 s1  }
0x2ed: {  	[bflag:$0x3] =	sbarrier.arrive $0xFFFF  }
0x2ee: {  	_ =	shalt  }

</sc_bundles>
